<compile_context>
chip_gen: v7x
topology: tpu7x:2x2x1
jax: 0.10.2.dev20260603
libtpu: 0.0.44.dev20260713+nightly
codegen_flags: <defaults>
</compile_context>

<pallas_src>
import functools

import jax
import jax.numpy as jnp
from jax import lax
from jax.experimental import pallas as pl
from jax.experimental.pallas import tpu as pltpu
from jax.experimental.pallas import tpu_sc as plsc

N = 10000
E = 320000
F_IN = 128
HID = 32
HEADS = 4
ALPHA = 0.2

FEAT = HEADS * HID
ROW = FEAT + 16

_GATHER_DNUMS = lax.GatherDimensionNumbers(
    offset_dims=(), collapsed_slice_dims=(0,), start_index_map=(0,))


def _splat(vec, idx):
    return lax.gather(vec, idx[:, None], _GATHER_DNUMS, (1,),
                      mode=lax.GatherScatterMode.PROMISE_IN_BOUNDS)
CHUNK = 128
NC, NS = 2, 16
NW = NC * NS
TOTAL_CHUNKS = E // CHUNK
MAX_CHUNKS_PER_W = -(-TOTAL_CHUNKS // NW)
ROWS_PER_TILE = N // NS


def _prep_body(x_ref, wcat_ref, a1_ref, a2_ref, tbl_ref, s1n_ref):
    h = jnp.dot(x_ref[...], wcat_ref[...],
                preferred_element_type=jnp.float32,
                precision=lax.Precision.HIGHEST)
    s2 = jnp.dot(h, a2_ref[...],
                 preferred_element_type=jnp.float32,
                 precision=lax.Precision.HIGHEST)
    pad = jnp.zeros((h.shape[0], ROW - FEAT - HEADS), jnp.float32)
    tbl_ref[...] = jnp.concatenate([h, s2, pad], axis=1)
    s1 = jnp.dot(h, a1_ref[...],
                 preferred_element_type=jnp.float32,
                 precision=lax.Precision.HIGHEST)
    pad1 = jnp.zeros((h.shape[0], 8 - HEADS), jnp.float32)
    s1n_ref[...] = jnp.concatenate([s1, pad1], axis=1)


def _edge_body(tbl_hbm, s1_hbm, ei_hbm, out_hbm,
               acc_sh, s1b0, s1b1, gbuf0, gbuf1,
               srcb0, srcb1, dstb0, dstb1, ebuf,
               semg0, semg1, sems0, sems1):
    cid = lax.axis_index("c")
    sid = lax.axis_index("s")
    wid = sid * NC + cid
    s1bs = (s1b0, s1b1)
    gbufs = (gbuf0, gbuf1)
    srcbs = (srcb0, srcb1)
    dstbs = (dstb0, dstb1)
    semgs = (semg0, semg1)
    semss = (sems0, sems1)

    zero16 = jnp.zeros((16,), jnp.float32)

    @pl.loop(0, CHUNK)
    def _(r):
        @pl.loop(0, ROW, step=16)
        def _(c):
            gbuf0[r, pl.ds(c, 16)] = zero16

    row0 = sid * ROWS_PER_TILE
    nfull = ROWS_PER_TILE // CHUNK
    rem = ROWS_PER_TILE - nfull * CHUNK

    @pl.loop(0, nfull)
    def _(i):
        pltpu.sync_copy(gbuf0, acc_sh.at[pl.ds(row0 + i * CHUNK, CHUNK)])

    pltpu.sync_copy(gbuf0.at[pl.ds(0, rem)],
                    acc_sh.at[pl.ds(row0 + nfull * CHUNK, rem)])
    plsc.subcore_barrier()

    lanes = lax.iota(jnp.int32, 16)
    lanes_c = jnp.minimum(lanes, HEADS - 1)
    tailmask = lanes < HEADS

    def issue(t, b):
        @pl.when(t * NW + wid < TOTAL_CHUNKS)
        def _():
            ebase = (t * NW + wid) * CHUNK
            pltpu.sync_copy(ei_hbm.at[0, pl.ds(ebase, CHUNK)], srcbs[b])
            pltpu.sync_copy(ei_hbm.at[1, pl.ds(ebase, CHUNK)], dstbs[b])
            pltpu.async_copy(tbl_hbm.at[dstbs[b]], gbufs[b], semgs[b])
            pltpu.async_copy(s1_hbm.at[srcbs[b]], s1bs[b], semss[b])

    def wait(t, b):
        @pl.when(t * NW + wid < TOTAL_CHUNKS)
        def _():
            pltpu.make_async_copy(
                tbl_hbm.at[dstbs[b]], gbufs[b], semgs[b]).wait()
            pltpu.make_async_copy(
                s1_hbm.at[srcbs[b]], s1bs[b], semss[b]).wait()

    def compute(t, b):
        @pl.when(t * NW + wid < TOTAL_CHUNKS)
        def _():
            gbuf = gbufs[b]
            s1b = s1bs[b]

            @pl.loop(0, CHUNK, step=16)
            def _(g):
                rowids = g + lanes
                for h in range(HEADS):
                    s1v = plsc.load_gather(
                        s1b, [rowids, jnp.full((16,), h, jnp.int32)])
                    s2v = plsc.load_gather(
                        gbuf, [rowids, jnp.full((16,), FEAT + h, jnp.int32)])
                    z = s1v + s2v
                    ebuf[h, :] = jnp.exp(-jnp.maximum(z, ALPHA * z))
                for li in range(16):
                    i = g + li
                    tail = plsc.load_gather(
                        ebuf, [lanes_c, jnp.full((16,), li, jnp.int32)])
                    gbuf[i, pl.ds(FEAT, 16)] = tail
                    for h in range(HEADS):
                        evv = _splat(tail, jnp.full((16,), h, jnp.int32))
                        for k in range(HID // 16):
                            c0 = h * HID + k * 16
                            gbuf[i, pl.ds(c0, 16)] = (
                                gbuf[i, pl.ds(c0, 16)] * evv)

            pltpu.sync_copy(gbuf, acc_sh.at[srcbs[b]], add=True)

    issue(0, 0)
    npair = (MAX_CHUNKS_PER_W + 1) // 2

    @pl.loop(0, npair)
    def _(p):
        t0 = 2 * p
        wait(t0, 0)
        issue(t0 + 1, 1)
        compute(t0, 0)
        wait(t0 + 1, 1)
        issue(t0 + 2, 0)
        compute(t0 + 1, 1)

    plsc.subcore_barrier()

    @pl.loop(0, nfull)
    def _(i):
        pltpu.sync_copy(acc_sh.at[pl.ds(row0 + i * CHUNK, CHUNK)],
                        out_hbm.at[cid, pl.ds(row0 + i * CHUNK, CHUNK)])

    pltpu.sync_copy(acc_sh.at[pl.ds(row0 + nfull * CHUNK, rem)],
                    out_hbm.at[cid, pl.ds(row0 + nfull * CHUNK, rem)])


def _fin_body(acc_ref, out_ref):
    a = acc_ref[0] + acc_ref[1]
    feats = a[:, :FEAT]
    rows = a[:, FEAT:FEAT + HEADS]
    denom = jnp.concatenate(
        [jnp.broadcast_to(rows[:, h:h + 1], (a.shape[0], HID))
         for h in range(HEADS)], axis=1)
    hp = jnp.where(denom > 0.0, feats / denom, 0.0)

    def elu(v):
        return jnp.where(v > 0.0, v, jnp.exp(jnp.minimum(v, 0.0)) - 1.0)

    out_ref[...] = elu(elu(hp))


@jax.jit
def kernel(x, edge_index, W, a):
    wcat = W.transpose(1, 0, 2).reshape(F_IN, FEAT)
    a1 = a[:, 0, :HID]
    a2 = a[:, 0, HID:]
    eyeh = jnp.eye(HEADS, dtype=jnp.float32)
    A1 = (a1[:, :, None] * eyeh[:, None, :]).reshape(FEAT, HEADS)
    A2 = (a2[:, :, None] * eyeh[:, None, :]).reshape(FEAT, HEADS)

    tbl, s1n = pl.pallas_call(
        _prep_body,
        out_shape=(
            jax.ShapeDtypeStruct((N, ROW), jnp.float32),
            jax.ShapeDtypeStruct((N, 8), jnp.float32),
        ),
    )(x, wcat, A1, A2)

    mesh = plsc.VectorSubcoreMesh(core_axis_name="c", subcore_axis_name="s")
    edge_kernel = functools.partial(
        pl.kernel,
        out_type=jax.ShapeDtypeStruct((NC, N, ROW), jnp.float32),
        mesh=mesh,
        scratch_types=[
            pltpu.VMEM_SHARED((N, ROW), jnp.float32),
            pltpu.VMEM((CHUNK, 8), jnp.float32),
            pltpu.VMEM((CHUNK, 8), jnp.float32),
            pltpu.VMEM((CHUNK, ROW), jnp.float32),
            pltpu.VMEM((CHUNK, ROW), jnp.float32),
            pltpu.VMEM((CHUNK,), jnp.int32),
            pltpu.VMEM((CHUNK,), jnp.int32),
            pltpu.VMEM((CHUNK,), jnp.int32),
            pltpu.VMEM((CHUNK,), jnp.int32),
            pltpu.VMEM((HEADS, 16), jnp.float32),
            pltpu.SemaphoreType.DMA,
            pltpu.SemaphoreType.DMA,
            pltpu.SemaphoreType.DMA,
            pltpu.SemaphoreType.DMA,
        ],
        compiler_params=pltpu.CompilerParams(
            use_tc_tiling_on_sc=False, needs_layout_passes=False),
    )(_edge_body)
    acc = edge_kernel(tbl, s1n, edge_index)

    out = pl.pallas_call(
        _fin_body,
        out_shape=jax.ShapeDtypeStruct((N, FEAT), jnp.float32),
    )(acc)
    return out

# --- scband reference (transcript-rebuilt; emitter-appended) ---
"""Pipeline reference for scband-mul-gat-17609365914383 (READ-ONLY COPY).

The authoritative reference and input builder live on the scoring server;
editing this copy changes nothing except your own understanding.
"""

import jax, jax.numpy as jnp
import numpy as np

N = 10000
E = 320000
F_IN = 128
HID = 32
HEADS = 4
ALPHA = 0.2


def setup_inputs(seed: int = 0) -> dict:
    key = jax.random.key(seed)
    k1, k2, k3, k4 = jax.random.split(key, 4)
    x = jax.random.normal(k1, (N, F_IN), dtype=jnp.float32)
    edge_index = jax.random.randint(k2, (2, E), 0, N, dtype=jnp.int32)
    # per-head parameters, xavier-like init
    W = jax.random.normal(k3, (HEADS, F_IN, HID), dtype=jnp.float32) * (1.414 * np.sqrt(2.0 / (F_IN + HID)))
    a = jax.random.normal(k4, (HEADS, 1, 2 * HID), dtype=jnp.float32) * (1.414 * np.sqrt(2.0 / (1 + 2 * HID)))
    return {"x": x, "edge_index": edge_index, "W": W, "a": a}


def _head_forward(x, edge_index, W_h, a_h):
    src = edge_index[0]
    dst = edge_index[1]
    h = x @ W_h  # [N, HID]
    h = jnp.where(jnp.isnan(h), 0.0, h)
    # edge_h = cat(h[src], h[dst]) -> [E, 2*HID]
    edge_h = jnp.concatenate([jnp.take(h, src, axis=0), jnp.take(h, dst, axis=0)], axis=1)
    logits = (edge_h @ a_h.T)[:, 0]  # [E]
    edge_e = jnp.exp(-jax.nn.leaky_relu(logits, negative_slope=ALPHA))
    edge_e = jnp.where(jnp.isnan(edge_e), 0.0, edge_e)
    # e_rowsum = sparse(A) @ ones -> scatter-add of edge_e over src rows
    e_rowsum = jax.ops.segment_sum(edge_e, src, num_segments=N)[:, None]  # [N, 1]
    # h_prime = sparse(A) @ h -> scatter-add of edge_e * h[dst] over src rows
    h_prime = jax.ops.segment_sum(edge_e[:, None] * jnp.take(h, dst, axis=0), src, num_segments=N)
    h_prime = jnp.where(jnp.isnan(h_prime), 0.0, h_prime)
    h_prime = h_prime / e_rowsum
    h_prime = jnp.where(jnp.isnan(h_prime), 0.0, h_prime)
    return jax.nn.elu(h_prime)  # concat=True -> ELU per head


def reference(x, edge_index, W, a):
    # dropout is a no-op in eval mode (p applied only in training)
    outs = [_head_forward(x, edge_index, W[i], a[i]) for i in range(HEADS)]
    out = jnp.concatenate(outs, axis=1)  # [N, HEADS*HID]
    return jax.nn.elu(out)

if __name__ == "__main__":
    import jax
    _d = setup_inputs()
    print(jax.jit(kernel)(*tuple(_d.values())))

</pallas_src>

<mosaic_0001>
#map = affine_map<(d0, d1) -> (0, 0)>
#map1 = affine_map<(d0, d1) -> (0, 0, 0)>
module attributes {stable_mosaic.version = 14 : i64} {
  func.func @_edge_body(%arg0: i32, %arg1: i32, %arg2: memref<10000x144xf32, #tpu.memory_space<hbm>>, %arg3: memref<10000x8xf32, #tpu.memory_space<hbm>>, %arg4: memref<2x320000xi32, #tpu.memory_space<hbm>>, %arg5: memref<2x10000x144xf32, #tpu.memory_space<hbm>>, %arg6: memref<10000x144xf32, #tpu.memory_space<vmem_shared>>, %arg7: memref<128x8xf32, #tpu.memory_space<vmem>>, %arg8: memref<128x8xf32, #tpu.memory_space<vmem>>, %arg9: memref<128x144xf32, #tpu.memory_space<vmem>>, %arg10: memref<128x144xf32, #tpu.memory_space<vmem>>, %arg11: memref<128xi32, #tpu.memory_space<vmem>>, %arg12: memref<128xi32, #tpu.memory_space<vmem>>, %arg13: memref<128xi32, #tpu.memory_space<vmem>>, %arg14: memref<128xi32, #tpu.memory_space<vmem>>, %arg15: memref<4x16xf32, #tpu.memory_space<vmem>>, %arg16: memref<!tpu.dma_semaphore, #tpu.memory_space<semaphore_mem>>, %arg17: memref<!tpu.dma_semaphore, #tpu.memory_space<semaphore_mem>>, %arg18: memref<!tpu.dma_semaphore, #tpu.memory_space<semaphore_mem>>, %arg19: memref<!tpu.dma_semaphore, #tpu.memory_space<semaphore_mem>>) attributes {dimension_semantics = [#tpu.dimension_semantics<core_parallel>, #tpu.dimension_semantics<subcore_parallel>], iteration_bounds = array<i64: 2, 16>, scalar_prefetch = 0 : i64, scratch_operands = 14 : i64, tpu.core_type = #tpu.core_type<sc_vector_subcore>, window_params = [{transform_indices = #map}, {transform_indices = #map}, {transform_indices = #map}, {transform_indices = #map1}]} {
    %mul3A = arith.constant 2 : i32
    %mul3A_0 = arith.muli %arg1, %mul3A : i32
    %add3A = arith.addi %mul3A_0, %arg0 : i32
    %broadcast_in_dim3A = arith.constant 0.000000e+00 : f32
    %broadcast_in_dim3A_1 = vector.broadcast %broadcast_in_dim3A : f32 to vector<16xf32>
    %scan3A = arith.constant 0 : i32
    %scan3A_2 = arith.constant 128 : i32
    %scan3A_3 = arith.addi %scan3A, %scan3A_2 : i32
    %scan3A_4 = arith.constant 1 : i32
    scf.for %scan3A_39 = %scan3A to %scan3A_3 step %scan3A_4  : i32 {
      %mul3A_40 = arith.constant 1 : i32
      %mul3A_41 = arith.muli %scan3A_39, %mul3A_40 : i32
      %add3A_42 = arith.constant 0 : i32
      %add3A_43 = arith.addi %add3A_42, %mul3A_41 : i32
      %scan3A_44 = arith.constant 0 : i32
      %scan3A_45 = arith.constant 9 : i32
      %scan3A_46 = arith.addi %scan3A_44, %scan3A_45 : i32
      %scan3A_47 = arith.constant 1 : i32
      scf.for %scan3A_49 = %scan3A_44 to %scan3A_46 step %scan3A_47  : i32 {
        %mul3A_50 = arith.constant 16 : i32
        %mul3A_51 = arith.muli %scan3A_49, %mul3A_50 : i32
        %add3A_52 = arith.constant 0 : i32
        %add3A_53 = arith.addi %add3A_52, %mul3A_51 : i32
        %swap3A = arith.index_cast %add3A_43 : i32 to index
        %swap3A_54 = arith.index_cast %add3A_53 : i32 to index
        %swap3A_55 = tpu.vector_load %arg9[%swap3A, %swap3A_54] {strides = array<i32>} : memref<128x144xf32, #tpu.memory_space<vmem>>, vector<16xf32>,
        tpu.vector_store %arg9[%swap3A, %swap3A_54], %broadcast_in_dim3A_1 {strides = array<i32>} : memref<128x144xf32, #tpu.memory_space<vmem>>, vector<16xf32>,
      }
      %scan3A_48 = arith.constant 9 : i32
    }
    %scan3A_5 = arith.constant 128 : i32
    %mul3A_6 = arith.constant 625 : i32
    %mul3A_7 = arith.muli %arg1, %mul3A_6 : i32
    %scan3A_8 = arith.constant 0 : i32
    %scan3A_9 = arith.constant 4 : i32
    %scan3A_10 = arith.addi %scan3A_8, %scan3A_9 : i32
    %scan3A_11 = arith.constant 1 : i32
    scf.for %scan3A_39 = %scan3A_8 to %scan3A_10 step %scan3A_11  : i32 {
      %mul3A_40 = arith.constant 1 : i32
      %mul3A_41 = arith.muli %scan3A_39, %mul3A_40 : i32
      %add3A_42 = arith.constant 0 : i32
      %add3A_43 = arith.addi %add3A_42, %mul3A_41 : i32
      %mul3A_44 = arith.constant 128 : i32
      %mul3A_45 = arith.muli %add3A_43, %mul3A_44 : i32
      %add3A_46 = arith.addi %mul3A_7, %mul3A_45 : i32
      "tpu.region"() ({
        %run_scoped3A = tpu.sem_alloc : memref<!tpu.dma_semaphore, #tpu.memory_space<semaphore_mem>>
        %dma_start3A = arith.constant 0 : i32
        %dma_start3A_47 = tpu.memref_slice %arg6[%add3A_46, %dma_start3A] : memref<10000x144xf32, #tpu.memory_space<vmem_shared>> -> memref<128x144xf32, #tpu.memory_space<vmem_shared>>
        %dma_start3A_48 = arith.constant 0 : i32
        %dma_start3A_49 = tpu.memref_slice %arg6[%add3A_46, %dma_start3A_48] : memref<10000x144xf32, #tpu.memory_space<vmem_shared>> -> memref<128x144xf32, #tpu.memory_space<vmem_shared>>
        tpu.enqueue_dma source(%arg9 : memref<128x144xf32, #tpu.memory_space<vmem>>) target(%dma_start3A_49 : memref<128x144xf32, #tpu.memory_space<vmem_shared>>) target_semaphore(%run_scoped3A : memref<!tpu.dma_semaphore, #tpu.memory_space<semaphore_mem>>)
        %dma_wait3A = arith.constant 0 : i32
        %dma_wait3A_50 = tpu.memref_slice %arg6[%add3A_46, %dma_wait3A] : memref<10000x144xf32, #tpu.memory_space<vmem_shared>> -> memref<128x144xf32, #tpu.memory_space<vmem_shared>>
        %dma_wait3A_51 = arith.constant 0 : i32
        %dma_wait3A_52 = tpu.memref_slice %arg6[%add3A_46, %dma_wait3A_51] : memref<10000x144xf32, #tpu.memory_space<vmem_shared>> -> memref<128x144xf32, #tpu.memory_space<vmem_shared>>
        tpu.wait_dma2 semaphore(%run_scoped3A : memref<!tpu.dma_semaphore, #tpu.memory_space<semaphore_mem>>) src(%arg9 : memref<128x144xf32, #tpu.memory_space<vmem>>) dst(%dma_wait3A_52 : memref<128x144xf32, #tpu.memory_space<vmem_shared>>)
        tpu.yield
      }) : () -> ()
    }
    %scan3A_12 = arith.constant 4 : i32
    %add3A_13 = arith.constant 512 : i32
    %add3A_14 = arith.addi %mul3A_7, %add3A_13 : i32
    "tpu.region"() ({
      %run_scoped3A = tpu.sem_alloc : memref<!tpu.dma_semaphore, #tpu.memory_space<semaphore_mem>>
      %dma_start3A = arith.constant 0 : i32
      %dma_start3A_39 = arith.constant 0 : i32
      %dma_start3A_40 = tpu.memref_slice %arg9[%dma_start3A, %dma_start3A_39] : memref<128x144xf32, #tpu.memory_space<vmem>> -> memref<113x144xf32, #tpu.memory_space<vmem>>
      %dma_start3A_41 = arith.constant 0 : i32
      %dma_start3A_42 = tpu.memref_slice %arg6[%add3A_14, %dma_start3A_41] : memref<10000x144xf32, #tpu.memory_space<vmem_shared>> -> memref<113x144xf32, #tpu.memory_space<vmem_shared>>
      %dma_start3A_43 = arith.constant 0 : i32
      %dma_start3A_44 = tpu.memref_slice %arg6[%add3A_14, %dma_start3A_43] : memref<10000x144xf32, #tpu.memory_space<vmem_shared>> -> memref<113x144xf32, #tpu.memory_space<vmem_shared>>
      %dma_start3A_45 = arith.constant 0 : i32
      %dma_start3A_46 = arith.constant 0 : i32
      %dma_start3A_47 = tpu.memref_slice %arg9[%dma_start3A_45, %dma_start3A_46] : memref<128x144xf32, #tpu.memory_space<vmem>> -> memref<113x144xf32, #tpu.memory_space<vmem>>
      tpu.enqueue_dma source(%dma_start3A_47 : memref<113x144xf32, #tpu.memory_space<vmem>>) target(%dma_start3A_44 : memref<113x144xf32, #tpu.memory_space<vmem_shared>>) target_semaphore(%run_scoped3A : memref<!tpu.dma_semaphore, #tpu.memory_space<semaphore_mem>>)
      %dma_wait3A = arith.constant 0 : i32
      %dma_wait3A_48 = arith.constant 0 : i32
      %dma_wait3A_49 = tpu.memref_slice %arg9[%dma_wait3A, %dma_wait3A_48] : memref<128x144xf32, #tpu.memory_space<vmem>> -> memref<113x144xf32, #tpu.memory_space<vmem>>
      %dma_wait3A_50 = arith.constant 0 : i32
      %dma_wait3A_51 = tpu.memref_slice %arg6[%add3A_14, %dma_wait3A_50] : memref<10000x144xf32, #tpu.memory_space<vmem_shared>> -> memref<113x144xf32, #tpu.memory_space<vmem_shared>>
      %dma_wait3A_52 = arith.constant 0 : i32
      %dma_wait3A_53 = tpu.memref_slice %arg6[%add3A_14, %dma_wait3A_52] : memref<10000x144xf32, #tpu.memory_space<vmem_shared>> -> memref<113x144xf32, #tpu.memory_space<vmem_shared>>
      %dma_wait3A_54 = arith.constant 0 : i32
      %dma_wait3A_55 = arith.constant 0 : i32
      %dma_wait3A_56 = tpu.memref_slice %arg9[%dma_wait3A_54, %dma_wait3A_55] : memref<128x144xf32, #tpu.memory_space<vmem>> -> memref<113x144xf32, #tpu.memory_space<vmem>>
      tpu.wait_dma2 semaphore(%run_scoped3A : memref<!tpu.dma_semaphore, #tpu.memory_space<semaphore_mem>>) src(%dma_wait3A_56 : memref<113x144xf32, #tpu.memory_space<vmem>>) dst(%dma_wait3A_53 : memref<113x144xf32, #tpu.memory_space<vmem_shared>>)
      tpu.yield
    }) : () -> ()
    %barrier3A = arith.constant 0 : index
    tpu.barrier barrier_id(%barrier3A)
    %iota3A = tpu.iota {dimensions = array<i32: 0>} : vector<16xi32>
    %min3A = arith.constant 3 : i32
    %min3A_15 = vector.broadcast %min3A : i32 to vector<16xi32>
    %min3A_16 = arith.minsi %iota3A, %min3A_15 : vector<16xi32>
    %lt3A = arith.constant 4 : i32
    %lt3A_17 = vector.broadcast %lt3A : i32 to vector<16xi32>
    %lt3A_18 = arith.cmpi slt, %iota3A, %lt3A_17 : vector<16xi32>
    %add3A_19 = arith.constant 0 : i32
    %add3A_20 = arith.addi %add3A_19, %add3A : i32
    %lt3A_21 = arith.constant 2500 : i32
    %lt3A_22 = arith.cmpi slt, %add3A_20, %lt3A_21 : i32
    %convert_element_type3A = arith.extui %lt3A_22 : i1 to i32
    %cond3A = arith.constant 0 : i32
    %cond3A_23 = arith.cmpi ne, %convert_element_type3A, %cond3A : i32
    scf.if %cond3A_23 {
      %add3A_39 = arith.constant 0 : i32
      %add3A_40 = arith.addi %add3A_39, %add3A : i32
      %mul3A_41 = arith.constant 128 : i32
      %mul3A_42 = arith.muli %add3A_40, %mul3A_41 : i32
      %run_scoped3A = arith.constant 0 : i32
      "tpu.region"() ({
        %run_scoped3A_49 = tpu.sem_alloc : memref<!tpu.dma_semaphore, #tpu.memory_space<semaphore_mem>>
        %dma_start3A_50 = tpu.memref_slice %arg4[%run_scoped3A, %mul3A_42] : memref<2x320000xi32, #tpu.memory_space<hbm>> -> memref<1x128xi32, #tpu.memory_space<hbm>>
        %dma_start3A_51 = tpu.memref_squeeze %dma_start3A_50 : memref<1x128xi32, #tpu.memory_space<hbm>> -> memref<128xi32, #tpu.memory_space<hbm>>
        %dma_start3A_52 = tpu.memref_slice %arg4[%run_scoped3A, %mul3A_42] : memref<2x320000xi32, #tpu.memory_space<hbm>> -> memref<1x128xi32, #tpu.memory_space<hbm>>
        %dma_start3A_53 = tpu.memref_squeeze %dma_start3A_52 : memref<1x128xi32, #tpu.memory_space<hbm>> -> memref<128xi32, #tpu.memory_space<hbm>>
        tpu.enqueue_dma source(%dma_start3A_53 : memref<128xi32, #tpu.memory_space<hbm>>) target(%arg11 : memref<128xi32, #tpu.memory_space<vmem>>) target_semaphore(%run_scoped3A_49 : memref<!tpu.dma_semaphore, #tpu.memory_space<semaphore_mem>>)
        %dma_wait3A = tpu.memref_slice %arg4[%run_scoped3A, %mul3A_42] : memref<2x320000xi32, #tpu.memory_space<hbm>> -> memref<1x128xi32, #tpu.memory_space<hbm>>
        %dma_wait3A_54 = tpu.memref_squeeze %dma_wait3A : memref<1x128xi32, #tpu.memory_space<hbm>> -> memref<128xi32, #tpu.memory_space<hbm>>
        %dma_wait3A_55 = tpu.memref_slice %arg4[%run_scoped3A, %mul3A_42] : memref<2x320000xi32, #tpu.memory_space<hbm>> -> memref<1x128xi32, #tpu.memory_space<hbm>>
        %dma_wait3A_56 = tpu.memref_squeeze %dma_wait3A_55 : memref<1x128xi32, #tpu.memory_space<hbm>> -> memref<128xi32, #tpu.memory_space<hbm>>
        tpu.wait_dma2 semaphore(%run_scoped3A_49 : memref<!tpu.dma_semaphore, #tpu.memory_space<semaphore_mem>>) src(%dma_wait3A_56 : memref<128xi32, #tpu.memory_space<hbm>>) dst(%arg11 : memref<128xi32, #tpu.memory_space<vmem>>)
        tpu.yield
      }) : () -> ()
      %run_scoped3A_43 = arith.constant 1 : i32
      "tpu.region"() ({
        %run_scoped3A_49 = tpu.sem_alloc : memref<!tpu.dma_semaphore, #tpu.memory_space<semaphore_mem>>
        %dma_start3A_50 = tpu.memref_slice %arg4[%run_scoped3A_43, %mul3A_42] : memref<2x320000xi32, #tpu.memory_space<hbm>> -> memref<1x128xi32, #tpu.memory_space<hbm>>
        %dma_start3A_51 = tpu.memref_squeeze %dma_start3A_50 : memref<1x128xi32, #tpu.memory_space<hbm>> -> memref<128xi32, #tpu.memory_space<hbm>>
        %dma_start3A_52 = tpu.memref_slice %arg4[%run_scoped3A_43, %mul3A_42] : memref<2x320000xi32, #tpu.memory_space<hbm>> -> memref<1x128xi32, #tpu.memory_space<hbm>>
        %dma_start3A_53 = tpu.memref_squeeze %dma_start3A_52 : memref<1x128xi32, #tpu.memory_space<hbm>> -> memref<128xi32, #tpu.memory_space<hbm>>
        tpu.enqueue_dma source(%dma_start3A_53 : memref<128xi32, #tpu.memory_space<hbm>>) target(%arg13 : memref<128xi32, #tpu.memory_space<vmem>>) target_semaphore(%run_scoped3A_49 : memref<!tpu.dma_semaphore, #tpu.memory_space<semaphore_mem>>)
        %dma_wait3A = tpu.memref_slice %arg4[%run_scoped3A_43, %mul3A_42] : memref<2x320000xi32, #tpu.memory_space<hbm>> -> memref<1x128xi32, #tpu.memory_space<hbm>>
        %dma_wait3A_54 = tpu.memref_squeeze %dma_wait3A : memref<1x128xi32, #tpu.memory_space<hbm>> -> memref<128xi32, #tpu.memory_space<hbm>>
        %dma_wait3A_55 = tpu.memref_slice %arg4[%run_scoped3A_43, %mul3A_42] : memref<2x320000xi32, #tpu.memory_space<hbm>> -> memref<1x128xi32, #tpu.memory_space<hbm>>
        %dma_wait3A_56 = tpu.memref_squeeze %dma_wait3A_55 : memref<1x128xi32, #tpu.memory_space<hbm>> -> memref<128xi32, #tpu.memory_space<hbm>>
        tpu.wait_dma2 semaphore(%run_scoped3A_49 : memref<!tpu.dma_semaphore, #tpu.memory_space<semaphore_mem>>) src(%dma_wait3A_56 : memref<128xi32, #tpu.memory_space<hbm>>) dst(%arg13 : memref<128xi32, #tpu.memory_space<vmem>>)
        tpu.yield
      }) : () -> ()
      %dma_start3A = arith.constant 0 : i32
      %dma_start3A_44 = arith.constant 0 : i32
      %dma_start3A_45 = tpu.memref_slice %arg2[%dma_start3A, %dma_start3A_44] : memref<10000x144xf32, #tpu.memory_space<hbm>> -> memref<10000x144xf32, #tpu.memory_space<hbm>>
      tpu.enqueue_indirect_dma source(%dma_start3A_45 : memref<10000x144xf32, #tpu.memory_space<hbm>>) target(%arg9 : memref<128x144xf32, #tpu.memory_space<vmem>>) offsets(%arg13 : memref<128xi32, #tpu.memory_space<vmem>>) semaphore(%arg16 : memref<!tpu.dma_semaphore, #tpu.memory_space<semaphore_mem>>)
      %dma_start3A_46 = arith.constant 0 : i32
      %dma_start3A_47 = arith.constant 0 : i32
      %dma_start3A_48 = tpu.memref_slice %arg3[%dma_start3A_46, %dma_start3A_47] : memref<10000x8xf32, #tpu.memory_space<hbm>> -> memref<10000x8xf32, #tpu.memory_space<hbm>>
      tpu.enqueue_indirect_dma source(%dma_start3A_48 : memref<10000x8xf32, #tpu.memory_space<hbm>>) target(%arg7 : memref<128x8xf32, #tpu.memory_space<vmem>>) offsets(%arg11 : memref<128xi32, #tpu.memory_space<vmem>>) semaphore(%arg18 : memref<!tpu.dma_semaphore, #tpu.memory_space<semaphore_mem>>)
    } else {
    }
    %scan3A_24 = arith.constant 0 : i32
    %scan3A_25 = arith.constant 40 : i32
    %scan3A_26 = arith.addi %scan3A_24, %scan3A_25 : i32
    %scan3A_27 = arith.constant 1 : i32
    scf.for %scan3A_39 = %scan3A_24 to %scan3A_26 step %scan3A_27  : i32 {
      %mul3A_40 = arith.constant 1 : i32
      %mul3A_41 = arith.muli %scan3A_39, %mul3A_40 : i32
      %add3A_42 = arith.constant 0 : i32
      %add3A_43 = arith.addi %add3A_42, %mul3A_41 : i32
      %mul3A_44 = arith.constant 2 : i32
      %mul3A_45 = arith.muli %mul3A_44, %add3A_43 : i32
      %mul3A_46 = arith.constant 32 : i32
      %mul3A_47 = arith.muli %mul3A_45, %mul3A_46 : i32
      %add3A_48 = arith.addi %mul3A_47, %add3A : i32
      %lt3A_49 = arith.constant 2500 : i32
      %lt3A_50 = arith.cmpi slt, %add3A_48, %lt3A_49 : i32
      %convert_element_type3A_51 = arith.extui %lt3A_50 : i1 to i32
      %cond3A_52 = arith.constant 0 : i32
      %cond3A_53 = arith.cmpi ne, %convert_element_type3A_51, %cond3A_52 : i32
      scf.if %cond3A_53 {
        %dma_wait3A = arith.constant 0 : i32
        %dma_wait3A_102 = arith.constant 0 : i32
        %dma_wait3A_103 = tpu.memref_slice %arg2[%dma_wait3A, %dma_wait3A_102] : memref<10000x144xf32, #tpu.memory_space<hbm>> -> memref<10000x144xf32, #tpu.memory_space<hbm>>
        tpu.wait_indirect_dma semaphore(%arg16 : memref<!tpu.dma_semaphore, #tpu.memory_space<semaphore_mem>>) src(%dma_wait3A_103 : memref<10000x144xf32, #tpu.memory_space<hbm>>) dst(%arg9 : memref<128x144xf32, #tpu.memory_space<vmem>>)
        %dma_wait3A_104 = arith.constant 0 : i32
        %dma_wait3A_105 = arith.constant 0 : i32
        %dma_wait3A_106 = tpu.memref_slice %arg3[%dma_wait3A_104, %dma_wait3A_105] : memref<10000x8xf32, #tpu.memory_space<hbm>> -> memref<10000x8xf32, #tpu.memory_space<hbm>>
        tpu.wait_indirect_dma semaphore(%arg18 : memref<!tpu.dma_semaphore, #tpu.memory_space<semaphore_mem>>) src(%dma_wait3A_106 : memref<10000x8xf32, #tpu.memory_space<hbm>>) dst(%arg7 : memref<128x8xf32, #tpu.memory_space<vmem>>)
      } else {
      }
      %add3A_54 = arith.constant 1 : i32
      %add3A_55 = arith.addi %mul3A_45, %add3A_54 : i32
      %mul3A_56 = arith.constant 32 : i32
      %mul3A_57 = arith.muli %add3A_55, %mul3A_56 : i32
      %add3A_58 = arith.addi %mul3A_57, %add3A : i32
      %lt3A_59 = arith.constant 2500 : i32
      %lt3A_60 = arith.cmpi slt, %add3A_58, %lt3A_59 : i32
      %convert_element_type3A_61 = arith.extui %lt3A_60 : i1 to i32
      %cond3A_62 = arith.constant 0 : i32
      %cond3A_63 = arith.cmpi ne, %convert_element_type3A_61, %cond3A_62 : i32
      scf.if %cond3A_63 {
        %mul3A_102 = arith.constant 32 : i32
        %mul3A_103 = arith.muli %add3A_55, %mul3A_102 : i32
        %add3A_104 = arith.addi %mul3A_103, %add3A : i32
        %mul3A_105 = arith.constant 128 : i32
        %mul3A_106 = arith.muli %add3A_104, %mul3A_105 : i32
        %run_scoped3A = arith.constant 0 : i32
        "tpu.region"() ({
          %run_scoped3A_113 = tpu.sem_alloc : memref<!tpu.dma_semaphore, #tpu.memory_space<semaphore_mem>>
          %dma_start3A_114 = tpu.memref_slice %arg4[%run_scoped3A, %mul3A_106] : memref<2x320000xi32, #tpu.memory_space<hbm>> -> memref<1x128xi32, #tpu.memory_space<hbm>>
          %dma_start3A_115 = tpu.memref_squeeze %dma_start3A_114 : memref<1x128xi32, #tpu.memory_space<hbm>> -> memref<128xi32, #tpu.memory_space<hbm>>
          %dma_start3A_116 = tpu.memref_slice %arg4[%run_scoped3A, %mul3A_106] : memref<2x320000xi32, #tpu.memory_space<hbm>> -> memref<1x128xi32, #tpu.memory_space<hbm>>
          %dma_start3A_117 = tpu.memref_squeeze %dma_start3A_116 : memref<1x128xi32, #tpu.memory_space<hbm>> -> memref<128xi32, #tpu.memory_space<hbm>>
          tpu.enqueue_dma source(%dma_start3A_117 : memref<128xi32, #tpu.memory_space<hbm>>) target(%arg12 : memref<128xi32, #tpu.memory_space<vmem>>) target_semaphore(%run_scoped3A_113 : memref<!tpu.dma_semaphore, #tpu.memory_space<semaphore_mem>>)
          %dma_wait3A = tpu.memref_slice %arg4[%run_scoped3A, %mul3A_106] : memref<2x320000xi32, #tpu.memory_space<hbm>> -> memref<1x128xi32, #tpu.memory_space<hbm>>
          %dma_wait3A_118 = tpu.memref_squeeze %dma_wait3A : memref<1x128xi32, #tpu.memory_space<hbm>> -> memref<128xi32, #tpu.memory_space<hbm>>
          %dma_wait3A_119 = tpu.memref_slice %arg4[%run_scoped3A, %mul3A_106] : memref<2x320000xi32, #tpu.memory_space<hbm>> -> memref<1x128xi32, #tpu.memory_space<hbm>>
          %dma_wait3A_120 = tpu.memref_squeeze %dma_wait3A_119 : memref<1x128xi32, #tpu.memory_space<hbm>> -> memref<128xi32, #tpu.memory_space<hbm>>
          tpu.wait_dma2 semaphore(%run_scoped3A_113 : memref<!tpu.dma_semaphore, #tpu.memory_space<semaphore_mem>>) src(%dma_wait3A_120 : memref<128xi32, #tpu.memory_space<hbm>>) dst(%arg12 : memref<128xi32, #tpu.memory_space<vmem>>)
          tpu.yield
        }) : () -> ()
        %run_scoped3A_107 = arith.constant 1 : i32
        "tpu.region"() ({
          %run_scoped3A_113 = tpu.sem_alloc : memref<!tpu.dma_semaphore, #tpu.memory_space<semaphore_mem>>
          %dma_start3A_114 = tpu.memref_slice %arg4[%run_scoped3A_107, %mul3A_106] : memref<2x320000xi32, #tpu.memory_space<hbm>> -> memref<1x128xi32, #tpu.memory_space<hbm>>
          %dma_start3A_115 = tpu.memref_squeeze %dma_start3A_114 : memref<1x128xi32, #tpu.memory_space<hbm>> -> memref<128xi32, #tpu.memory_space<hbm>>
          %dma_start3A_116 = tpu.memref_slice %arg4[%run_scoped3A_107, %mul3A_106] : memref<2x320000xi32, #tpu.memory_space<hbm>> -> memref<1x128xi32, #tpu.memory_space<hbm>>
          %dma_start3A_117 = tpu.memref_squeeze %dma_start3A_116 : memref<1x128xi32, #tpu.memory_space<hbm>> -> memref<128xi32, #tpu.memory_space<hbm>>
          tpu.enqueue_dma source(%dma_start3A_117 : memref<128xi32, #tpu.memory_space<hbm>>) target(%arg14 : memref<128xi32, #tpu.memory_space<vmem>>) target_semaphore(%run_scoped3A_113 : memref<!tpu.dma_semaphore, #tpu.memory_space<semaphore_mem>>)
          %dma_wait3A = tpu.memref_slice %arg4[%run_scoped3A_107, %mul3A_106] : memref<2x320000xi32, #tpu.memory_space<hbm>> -> memref<1x128xi32, #tpu.memory_space<hbm>>
          %dma_wait3A_118 = tpu.memref_squeeze %dma_wait3A : memref<1x128xi32, #tpu.memory_space<hbm>> -> memref<128xi32, #tpu.memory_space<hbm>>
          %dma_wait3A_119 = tpu.memref_slice %arg4[%run_scoped3A_107, %mul3A_106] : memref<2x320000xi32, #tpu.memory_space<hbm>> -> memref<1x128xi32, #tpu.memory_space<hbm>>
          %dma_wait3A_120 = tpu.memref_squeeze %dma_wait3A_119 : memref<1x128xi32, #tpu.memory_space<hbm>> -> memref<128xi32, #tpu.memory_space<hbm>>
          tpu.wait_dma2 semaphore(%run_scoped3A_113 : memref<!tpu.dma_semaphore, #tpu.memory_space<semaphore_mem>>) src(%dma_wait3A_120 : memref<128xi32, #tpu.memory_space<hbm>>) dst(%arg14 : memref<128xi32, #tpu.memory_space<vmem>>)
          tpu.yield
        }) : () -> ()
        %dma_start3A = arith.constant 0 : i32
        %dma_start3A_108 = arith.constant 0 : i32
        %dma_start3A_109 = tpu.memref_slice %arg2[%dma_start3A, %dma_start3A_108] : memref<10000x144xf32, #tpu.memory_space<hbm>> -> memref<10000x144xf32, #tpu.memory_space<hbm>>
        tpu.enqueue_indirect_dma source(%dma_start3A_109 : memref<10000x144xf32, #tpu.memory_space<hbm>>) target(%arg10 : memref<128x144xf32, #tpu.memory_space<vmem>>) offsets(%arg14 : memref<128xi32, #tpu.memory_space<vmem>>) semaphore(%arg17 : memref<!tpu.dma_semaphore, #tpu.memory_space<semaphore_mem>>)
        %dma_start3A_110 = arith.constant 0 : i32
        %dma_start3A_111 = arith.constant 0 : i32
        %dma_start3A_112 = tpu.memref_slice %arg3[%dma_start3A_110, %dma_start3A_111] : memref<10000x8xf32, #tpu.memory_space<hbm>> -> memref<10000x8xf32, #tpu.memory_space<hbm>>
        tpu.enqueue_indirect_dma source(%dma_start3A_112 : memref<10000x8xf32, #tpu.memory_space<hbm>>) target(%arg8 : memref<128x8xf32, #tpu.memory_space<vmem>>) offsets(%arg12 : memref<128xi32, #tpu.memory_space<vmem>>) semaphore(%arg19 : memref<!tpu.dma_semaphore, #tpu.memory_space<semaphore_mem>>)
      } else {
      }
      %mul3A_64 = arith.constant 32 : i32
      %mul3A_65 = arith.muli %mul3A_45, %mul3A_64 : i32
      %add3A_66 = arith.addi %mul3A_65, %add3A : i32
      %lt3A_67 = arith.constant 2500 : i32
      %lt3A_68 = arith.cmpi slt, %add3A_66, %lt3A_67 : i32
      %convert_element_type3A_69 = arith.extui %lt3A_68 : i1 to i32
      %cond3A_70 = arith.constant 0 : i32
      %cond3A_71 = arith.cmpi ne, %convert_element_type3A_69, %cond3A_70 : i32
      scf.if %cond3A_71 {
        %scan3A_102 = arith.constant 0 : i32
        %scan3A_103 = arith.constant 8 : i32
        %scan3A_104 = arith.addi %scan3A_102, %scan3A_103 : i32
        %scan3A_105 = arith.constant 1 : i32
        scf.for %scan3A_107 = %scan3A_102 to %scan3A_104 step %scan3A_105  : i32 {
          %mul3A_108 = arith.constant 16 : i32
          %mul3A_109 = arith.muli %scan3A_107, %mul3A_108 : i32
          %add3A_110 = arith.constant 0 : i32
          %add3A_111 = arith.addi %add3A_110, %mul3A_109 : i32
          %add3A_112 = vector.broadcast %add3A_111 : i32 to vector<16xi32>
          %add3A_113 = arith.addi %add3A_112, %iota3A : vector<16xi32>
          %broadcast_in_dim3A_114 = arith.constant 0 : i32
          %broadcast_in_dim3A_115 = vector.broadcast %broadcast_in_dim3A_114 : i32 to vector<16xi32>
          %gather3A = tpu.vector_load_idx %arg7[%add3A_113, %broadcast_in_dim3A_115] : memref<128x8xf32, #tpu.memory_space<vmem>>[vector<16xi32>, vector<16xi32>], vector<16xf32>,
          %broadcast_in_dim3A_116 = arith.constant 128 : i32
          %broadcast_in_dim3A_117 = vector.broadcast %broadcast_in_dim3A_116 : i32 to vector<16xi32>
          %gather3A_118 = tpu.vector_load_idx %arg9[%add3A_113, %broadcast_in_dim3A_117] : memref<128x144xf32, #tpu.memory_space<vmem>>[vector<16xi32>, vector<16xi32>], vector<16xf32>,
          %add3A_119 = arith.addf %gather3A, %gather3A_118 : vector<16xf32>
          %mul3A_120 = arith.constant 2.000000e-01 : f32
          %mul3A_121 = vector.broadcast %mul3A_120 : f32 to vector<16xf32>
          %mul3A_122 = arith.mulf %mul3A_121, %add3A_119 : vector<16xf32>
          %max3A = arith.maximumf %add3A_119, %mul3A_122 : vector<16xf32>
          %neg3A = arith.constant 0.000000e+00 : f32
          %neg3A_123 = vector.broadcast %neg3A : f32 to vector<16xf32>
          %neg3A_124 = arith.subf %neg3A_123, %max3A : vector<16xf32>
          %exp3A = math.exp %neg3A_124 : vector<16xf32>
          %swap3A = arith.constant 0 : i32
          %swap3A_125 = arith.index_cast %swap3A : i32 to index
          %swap3A_126 = arith.constant 0 : index
          %swap3A_127 = tpu.vector_load %arg15[%swap3A_125, %swap3A_126] {strides = array<i32>} : memref<4x16xf32, #tpu.memory_space<vmem>>, vector<16xf32>,
          tpu.vector_store %arg15[%swap3A_125, %swap3A_126], %exp3A {strides = array<i32>} : memref<4x16xf32, #tpu.memory_space<vmem>>, vector<16xf32>,
          %broadcast_in_dim3A_128 = arith.constant 1 : i32
          %broadcast_in_dim3A_129 = vector.broadcast %broadcast_in_dim3A_128 : i32 to vector<16xi32>
          %gather3A_130 = tpu.vector_load_idx %arg7[%add3A_113, %broadcast_in_dim3A_129] : memref<128x8xf32, #tpu.memory_space<vmem>>[vector<16xi32>, vector<16xi32>], vector<16xf32>,
          %broadcast_in_dim3A_131 = arith.constant 129 : i32
          %broadcast_in_dim3A_132 = vector.broadcast %broadcast_in_dim3A_131 : i32 to vector<16xi32>
          %gather3A_133 = tpu.vector_load_idx %arg9[%add3A_113, %broadcast_in_dim3A_132] : memref<128x144xf32, #tpu.memory_space<vmem>>[vector<16xi32>, vector<16xi32>], vector<16xf32>,
          %add3A_134 = arith.addf %gather3A_130, %gather3A_133 : vector<16xf32>
          %mul3A_135 = arith.constant 2.000000e-01 : f32
          %mul3A_136 = vector.broadcast %mul3A_135 : f32 to vector<16xf32>
          %mul3A_137 = arith.mulf %mul3A_136, %add3A_134 : vector<16xf32>
          %max3A_138 = arith.maximumf %add3A_134, %mul3A_137 : vector<16xf32>
          %neg3A_139 = arith.constant 0.000000e+00 : f32
          %neg3A_140 = vector.broadcast %neg3A_139 : f32 to vector<16xf32>
          %neg3A_141 = arith.subf %neg3A_140, %max3A_138 : vector<16xf32>
          %exp3A_142 = math.exp %neg3A_141 : vector<16xf32>
          %swap3A_143 = arith.constant 1 : i32
          %swap3A_144 = arith.index_cast %swap3A_143 : i32 to index
          %swap3A_145 = arith.constant 0 : index
          %swap3A_146 = tpu.vector_load %arg15[%swap3A_144, %swap3A_145] {strides = array<i32>} : memref<4x16xf32, #tpu.memory_space<vmem>>, vector<16xf32>,
          tpu.vector_store %arg15[%swap3A_144, %swap3A_145], %exp3A_142 {strides = array<i32>} : memref<4x16xf32, #tpu.memory_space<vmem>>, vector<16xf32>,
          %broadcast_in_dim3A_147 = arith.constant 2 : i32
          %broadcast_in_dim3A_148 = vector.broadcast %broadcast_in_dim3A_147 : i32 to vector<16xi32>
          %gather3A_149 = tpu.vector_load_idx %arg7[%add3A_113, %broadcast_in_dim3A_148] : memref<128x8xf32, #tpu.memory_space<vmem>>[vector<16xi32>, vector<16xi32>], vector<16xf32>,
          %broadcast_in_dim3A_150 = arith.constant 130 : i32
          %broadcast_in_dim3A_151 = vector.broadcast %broadcast_in_dim3A_150 : i32 to vector<16xi32>
          %gather3A_152 = tpu.vector_load_idx %arg9[%add3A_113, %broadcast_in_dim3A_151] : memref<128x144xf32, #tpu.memory_space<vmem>>[vector<16xi32>, vector<16xi32>], vector<16xf32>,
          %add3A_153 = arith.addf %gather3A_149, %gather3A_152 : vector<16xf32>
          %mul3A_154 = arith.constant 2.000000e-01 : f32
          %mul3A_155 = vector.broadcast %mul3A_154 : f32 to vector<16xf32>
          %mul3A_156 = arith.mulf %mul3A_155, %add3A_153 : vector<16xf32>
          %max3A_157 = arith.maximumf %add3A_153, %mul3A_156 : vector<16xf32>
          %neg3A_158 = arith.constant 0.000000e+00 : f32
          %neg3A_159 = vector.broadcast %neg3A_158 : f32 to vector<16xf32>
          %neg3A_160 = arith.subf %neg3A_159, %max3A_157 : vector<16xf32>
          %exp3A_161 = math.exp %neg3A_160 : vector<16xf32>
          %swap3A_162 = arith.constant 2 : i32
          %swap3A_163 = arith.index_cast %swap3A_162 : i32 to index
          %swap3A_164 = arith.constant 0 : index
          %swap3A_165 = tpu.vector_load %arg15[%swap3A_163, %swap3A_164] {strides = array<i32>} : memref<4x16xf32, #tpu.memory_space<vmem>>, vector<16xf32>,
          tpu.vector_store %arg15[%swap3A_163, %swap3A_164], %exp3A_161 {strides = array<i32>} : memref<4x16xf32, #tpu.memory_space<vmem>>, vector<16xf32>,
          %broadcast_in_dim3A_166 = arith.constant 3 : i32
          %broadcast_in_dim3A_167 = vector.broadcast %broadcast_in_dim3A_166 : i32 to vector<16xi32>
          %gather3A_168 = tpu.vector_load_idx %arg7[%add3A_113, %broadcast_in_dim3A_167] : memref<128x8xf32, #tpu.memory_space<vmem>>[vector<16xi32>, vector<16xi32>], vector<16xf32>,
          %broadcast_in_dim3A_169 = arith.constant 131 : i32
          %broadcast_in_dim3A_170 = vector.broadcast %broadcast_in_dim3A_169 : i32 to vector<16xi32>
          %gather3A_171 = tpu.vector_load_idx %arg9[%add3A_113, %broadcast_in_dim3A_170] : memref<128x144xf32, #tpu.memory_space<vmem>>[vector<16xi32>, vector<16xi32>], vector<16xf32>,
          %add3A_172 = arith.addf %gather3A_168, %gather3A_171 : vector<16xf32>
          %mul3A_173 = arith.constant 2.000000e-01 : f32
          %mul3A_174 = vector.broadcast %mul3A_173 : f32 to vector<16xf32>
          %mul3A_175 = arith.mulf %mul3A_174, %add3A_172 : vector<16xf32>
          %max3A_176 = arith.maximumf %add3A_172, %mul3A_175 : vector<16xf32>
          %neg3A_177 = arith.constant 0.000000e+00 : f32
          %neg3A_178 = vector.broadcast %neg3A_177 : f32 to vector<16xf32>
          %neg3A_179 = arith.subf %neg3A_178, %max3A_176 : vector<16xf32>
          %exp3A_180 = math.exp %neg3A_179 : vector<16xf32>
          %swap3A_181 = arith.constant 3 : i32
          %swap3A_182 = arith.index_cast %swap3A_181 : i32 to index
          %swap3A_183 = arith.constant 0 : index
          %swap3A_184 = tpu.vector_load %arg15[%swap3A_182, %swap3A_183] {strides = array<i32>} : memref<4x16xf32, #tpu.memory_space<vmem>>, vector<16xf32>,
          tpu.vector_store %arg15[%swap3A_182, %swap3A_183], %exp3A_180 {strides = array<i32>} : memref<4x16xf32, #tpu.memory_space<vmem>>, vector<16xf32>,
          %add3A_185 = arith.constant 0 : i32
          %add3A_186 = arith.addi %add3A_111, %add3A_185 : i32
          %broadcast_in_dim3A_187 = arith.constant 0 : i32
          %broadcast_in_dim3A_188 = vector.broadcast %broadcast_in_dim3A_187 : i32 to vector<16xi32>
          %gather3A_189 = tpu.vector_load_idx %arg15[%min3A_16, %broadcast_in_dim3A_188] : memref<4x16xf32, #tpu.memory_space<vmem>>[vector<16xi32>, vector<16xi32>], vector<16xf32>,
          %swap3A_190 = arith.index_cast %add3A_186 : i32 to index
          %swap3A_191 = arith.constant 128 : index
          %swap3A_192 = tpu.vector_load %arg9[%swap3A_190, %swap3A_191] {strides = array<i32>} : memref<128x144xf32, #tpu.memory_space<vmem>>, vector<16xf32>,
          tpu.vector_store %arg9[%swap3A_190, %swap3A_191], %gather3A_189 {strides = array<i32>} : memref<128x144xf32, #tpu.memory_space<vmem>>, vector<16xf32>,
          %broadcast_in_dim3A_193 = arith.constant 0 : i32
          %broadcast_in_dim3A_194 = vector.broadcast %broadcast_in_dim3A_193 : i32 to vector<16xi32>
          %broadcast_in_dim3A_195 = vector.shape_cast %broadcast_in_dim3A_194 : vector<16xi32> to vector<16x1xi32>
          %gather3A_196 = vector.shape_cast %broadcast_in_dim3A_195 : vector<16x1xi32> to vector<16xi32>
          %gather3A_197 = tpu.dynamic_gather %gather3A_189[%gather3A_196] in [0] : vector<16xf32>, vector<16xi32> -> vector<16xf32>
          %get3A = arith.index_cast %add3A_186 : i32 to index
          %get3A_198 = arith.constant 0 : index
          %get3A_199 = tpu.vector_load %arg9[%get3A, %get3A_198] {strides = array<i32>} : memref<128x144xf32, #tpu.memory_space<vmem>>, vector<16xf32>,
          %mul3A_200 = arith.mulf %get3A_199, %gather3A_197 : vector<16xf32>
          %swap3A_201 = arith.index_cast %add3A_186 : i32 to index
          %swap3A_202 = arith.constant 0 : index
          %swap3A_203 = tpu.vector_load %arg9[%swap3A_201, %swap3A_202] {strides = array<i32>} : memref<128x144xf32, #tpu.memory_space<vmem>>, vector<16xf32>,
          tpu.vector_store %arg9[%swap3A_201, %swap3A_202], %mul3A_200 {strides = array<i32>} : memref<128x144xf32, #tpu.memory_space<vmem>>, vector<16xf32>,
          %get3A_204 = arith.index_cast %add3A_186 : i32 to index
          %get3A_205 = arith.constant 16 : index
          %get3A_206 = tpu.vector_load %arg9[%get3A_204, %get3A_205] {strides = array<i32>} : memref<128x144xf32, #tpu.memory_space<vmem>>, vector<16xf32>,
          %mul3A_207 = arith.mulf %get3A_206, %gather3A_197 : vector<16xf32>
          %swap3A_208 = arith.index_cast %add3A_186 : i32 to index
          %swap3A_209 = arith.constant 16 : index
          %swap3A_210 = tpu.vector_load %arg9[%swap3A_208, %swap3A_209] {strides = array<i32>} : memref<128x144xf32, #tpu.memory_space<vmem>>, vector<16xf32>,
          tpu.vector_store %arg9[%swap3A_208, %swap3A_209], %mul3A_207 {strides = array<i32>} : memref<128x144xf32, #tpu.memory_space<vmem>>, vector<16xf32>,
          %broadcast_in_dim3A_211 = arith.constant 1 : i32
          %broadcast_in_dim3A_212 = vector.broadcast %broadcast_in_dim3A_211 : i32 to vector<16xi32>
          %broadcast_in_dim3A_213 = vector.shape_cast %broadcast_in_dim3A_212 : vector<16xi32> to vector<16x1xi32>
          %gather3A_214 = vector.shape_cast %broadcast_in_dim3A_213 : vector<16x1xi32> to vector<16xi32>
          %gather3A_215 = tpu.dynamic_gather %gather3A_189[%gather3A_214] in [0] : vector<16xf32>, vector<16xi32> -> vector<16xf32>
          %get3A_216 = arith.index_cast %add3A_186 : i32 to index
          %get3A_217 = arith.constant 32 : index
          %get3A_218 = tpu.vector_load %arg9[%get3A_216, %get3A_217] {strides = array<i32>} : memref<128x144xf32, #tpu.memory_space<vmem>>, vector<16xf32>,
          %mul3A_219 = arith.mulf %get3A_218, %gather3A_215 : vector<16xf32>
          %swap3A_220 = arith.index_cast %add3A_186 : i32 to index
          %swap3A_221 = arith.constant 32 : index
          %swap3A_222 = tpu.vector_load %arg9[%swap3A_220, %swap3A_221] {strides = array<i32>} : memref<128x144xf32, #tpu.memory_space<vmem>>, vector<16xf32>,
          tpu.vector_store %arg9[%swap3A_220, %swap3A_221], %mul3A_219 {strides = array<i32>} : memref<128x144xf32, #tpu.memory_space<vmem>>, vector<16xf32>,
          %get3A_223 = arith.index_cast %add3A_186 : i32 to index
          %get3A_224 = arith.constant 48 : index
          %get3A_225 = tpu.vector_load %arg9[%get3A_223, %get3A_224] {strides = array<i32>} : memref<128x144xf32, #tpu.memory_space<vmem>>, vector<16xf32>,
          %mul3A_226 = arith.mulf %get3A_225, %gather3A_215 : vector<16xf32>
          %swap3A_227 = arith.index_cast %add3A_186 : i32 to index
          %swap3A_228 = arith.constant 48 : index
          %swap3A_229 = tpu.vector_load %arg9[%swap3A_227, %swap3A_228] {strides = array<i32>} : memref<128x144xf32, #tpu.memory_space<vmem>>, vector<16xf32>,
          tpu.vector_store %arg9[%swap3A_227, %swap3A_228], %mul3A_226 {strides = array<i32>} : memref<128x144xf32, #tpu.memory_space<vmem>>, vector<16xf32>,
          %broadcast_in_dim3A_230 = arith.constant 2 : i32
          %broadcast_in_dim3A_231 = vector.broadcast %broadcast_in_dim3A_230 : i32 to vector<16xi32>
          %broadcast_in_dim3A_232 = vector.shape_cast %broadcast_in_dim3A_231 : vector<16xi32> to vector<16x1xi32>
          %gather3A_233 = vector.shape_cast %broadcast_in_dim3A_232 : vector<16x1xi32> to vector<16xi32>
          %gather3A_234 = tpu.dynamic_gather %gather3A_189[%gather3A_233] in [0] : vector<16xf32>, vector<16xi32> -> vector<16xf32>
          %get3A_235 = arith.index_cast %add3A_186 : i32 to index
          %get3A_236 = arith.constant 64 : index
          %get3A_237 = tpu.vector_load %arg9[%get3A_235, %get3A_236] {strides = array<i32>} : memref<128x144xf32, #tpu.memory_space<vmem>>, vector<16xf32>,
          %mul3A_238 = arith.mulf %get3A_237, %gather3A_234 : vector<16xf32>
          %swap3A_239 = arith.index_cast %add3A_186 : i32 to index
          %swap3A_240 = arith.constant 64 : index
          %swap3A_241 = tpu.vector_load %arg9[%swap3A_239, %swap3A_240] {strides = array<i32>} : memref<128x144xf32, #tpu.memory_space<vmem>>, vector<16xf32>,
          tpu.vector_store %arg9[%swap3A_239, %swap3A_240], %mul3A_238 {strides = array<i32>} : memref<128x144xf32, #tpu.memory_space<vmem>>, vector<16xf32>,
          %get3A_242 = arith.index_cast %add3A_186 : i32 to index
          %get3A_243 = arith.constant 80 : index
          %get3A_244 = tpu.vector_load %arg9[%get3A_242, %get3A_243] {strides = array<i32>} : memref<128x144xf32, #tpu.memory_space<vmem>>, vector<16xf32>,
          %mul3A_245 = arith.mulf %get3A_244, %gather3A_234 : vector<16xf32>
          %swap3A_246 = arith.index_cast %add3A_186 : i32 to index
          %swap3A_247 = arith.constant 80 : index
          %swap3A_248 = tpu.vector_load %arg9[%swap3A_246, %swap3A_247] {strides = array<i32>} : memref<128x144xf32, #tpu.memory_space<vmem>>, vector<16xf32>,
          tpu.vector_store %arg9[%swap3A_246, %swap3A_247], %mul3A_245 {strides = array<i32>} : memref<128x144xf32, #tpu.memory_space<vmem>>, vector<16xf32>,
          %broadcast_in_dim3A_249 = arith.constant 3 : i32
          %broadcast_in_dim3A_250 = vector.broadcast %broadcast_in_dim3A_249 : i32 to vector<16xi32>
          %broadcast_in_dim3A_251 = vector.shape_cast %broadcast_in_dim3A_250 : vector<16xi32> to vector<16x1xi32>
          %gather3A_252 = vector.shape_cast %broadcast_in_dim3A_251 : vector<16x1xi32> to vector<16xi32>
          %gather3A_253 = tpu.dynamic_gather %gather3A_189[%gather3A_252] in [0] : vector<16xf32>, vector<16xi32> -> vector<16xf32>
          %get3A_254 = arith.index_cast %add3A_186 : i32 to index
          %get3A_255 = arith.constant 96 : index
          %get3A_256 = tpu.vector_load %arg9[%get3A_254, %get3A_255] {strides = array<i32>} : memref<128x144xf32, #tpu.memory_space<vmem>>, vector<16xf32>,
          %mul3A_257 = arith.mulf %get3A_256, %gather3A_253 : vector<16xf32>
          %swap3A_258 = arith.index_cast %add3A_186 : i32 to index
          %swap3A_259 = arith.constant 96 : index
          %swap3A_260 = tpu.vector_load %arg9[%swap3A_258, %swap3A_259] {strides = array<i32>} : memref<128x144xf32, #tpu.memory_space<vmem>>, vector<16xf32>,
          tpu.vector_store %arg9[%swap3A_258, %swap3A_259], %mul3A_257 {strides = array<i32>} : memref<128x144xf32, #tpu.memory_space<vmem>>, vector<16xf32>,
          %get3A_261 = arith.index_cast %add3A_186 : i32 to index
          %get3A_262 = arith.constant 112 : index
          %get3A_263 = tpu.vector_load %arg9[%get3A_261, %get3A_262] {strides = array<i32>} : memref<128x144xf32, #tpu.memory_space<vmem>>, vector<16xf32>,
          %mul3A_264 = arith.mulf %get3A_263, %gather3A_253 : vector<16xf32>
          %swap3A_265 = arith.index_cast %add3A_186 : i32 to index
          %swap3A_266 = arith.constant 112 : index
          %swap3A_267 = tpu.vector_load %arg9[%swap3A_265, %swap3A_266] {strides = array<i32>} : memref<128x144xf32, #tpu.memory_space<vmem>>, vector<16xf32>,
          tpu.vector_store %arg9[%swap3A_265, %swap3A_266], %mul3A_264 {strides = array<i32>} : memref<128x144xf32, #tpu.memory_space<vmem>>, vector<16xf32>,
          %add3A_268 = arith.constant 1 : i32
          %add3A_269 = arith.addi %add3A_111, %add3A_268 : i32
          %broadcast_in_dim3A_270 = arith.constant 1 : i32
          %broadcast_in_dim3A_271 = vector.broadcast %broadcast_in_dim3A_270 : i32 to vector<16xi32>
          %gather3A_272 = tpu.vector_load_idx %arg15[%min3A_16, %broadcast_in_dim3A_271] : memref<4x16xf32, #tpu.memory_space<vmem>>[vector<16xi32>, vector<16xi32>], vector<16xf32>,
          %swap3A_273 = arith.index_cast %add3A_269 : i32 to index
          %swap3A_274 = arith.constant 128 : index
          %swap3A_275 = tpu.vector_load %arg9[%swap3A_273, %swap3A_274] {strides = array<i32>} : memref<128x144xf32, #tpu.memory_space<vmem>>, vector<16xf32>,
          tpu.vector_store %arg9[%swap3A_273, %swap3A_274], %gather3A_272 {strides = array<i32>} : memref<128x144xf32, #tpu.memory_space<vmem>>, vector<16xf32>,
          %broadcast_in_dim3A_276 = arith.constant 0 : i32
          %broadcast_in_dim3A_277 = vector.broadcast %broadcast_in_dim3A_276 : i32 to vector<16xi32>
          %broadcast_in_dim3A_278 = vector.shape_cast %broadcast_in_dim3A_277 : vector<16xi32> to vector<16x1xi32>
          %gather3A_279 = vector.shape_cast %broadcast_in_dim3A_278 : vector<16x1xi32> to vector<16xi32>
          %gather3A_280 = tpu.dynamic_gather %gather3A_272[%gather3A_279] in [0] : vector<16xf32>, vector<16xi32> -> vector<16xf32>
          %get3A_281 = arith.index_cast %add3A_269 : i32 to index
          %get3A_282 = arith.constant 0 : index
          %get3A_283 = tpu.vector_load %arg9[%get3A_281, %get3A_282] {strides = array<i32>} : memref<128x144xf32, #tpu.memory_space<vmem>>, vector<16xf32>,
          %mul3A_284 = arith.mulf %get3A_283, %gather3A_280 : vector<16xf32>
          %swap3A_285 = arith.index_cast %add3A_269 : i32 to index
          %swap3A_286 = arith.constant 0 : index
          %swap3A_287 = tpu.vector_load %arg9[%swap3A_285, %swap3A_286] {strides = array<i32>} : memref<128x144xf32, #tpu.memory_space<vmem>>, vector<16xf32>,
          tpu.vector_store %arg9[%swap3A_285, %swap3A_286], %mul3A_284 {strides = array<i32>} : memref<128x144xf32, #tpu.memory_space<vmem>>, vector<16xf32>,
          %get3A_288 = arith.index_cast %add3A_269 : i32 to index
          %get3A_289 = arith.constant 16 : index
          %get3A_290 = tpu.vector_load %arg9[%get3A_288, %get3A_289] {strides = array<i32>} : memref<128x144xf32, #tpu.memory_space<vmem>>, vector<16xf32>,
          %mul3A_291 = arith.mulf %get3A_290, %gather3A_280 : vector<16xf32>
          %swap3A_292 = arith.index_cast %add3A_269 : i32 to index
          %swap3A_293 = arith.constant 16 : index
          %swap3A_294 = tpu.vector_load %arg9[%swap3A_292, %swap3A_293] {strides = array<i32>} : memref<128x144xf32, #tpu.memory_space<vmem>>, vector<16xf32>,
          tpu.vector_store %arg9[%swap3A_292, %swap3A_293], %mul3A_291 {strides = array<i32>} : memref<128x144xf32, #tpu.memory_space<vmem>>, vector<16xf32>,
          %broadcast_in_dim3A_295 = arith.constant 1 : i32
          %broadcast_in_dim3A_296 = vector.broadcast %broadcast_in_dim3A_295 : i32 to vector<16xi32>
          %broadcast_in_dim3A_297 = vector.shape_cast %broadcast_in_dim3A_296 : vector<16xi32> to vector<16x1xi32>
          %gather3A_298 = vector.shape_cast %broadcast_in_dim3A_297 : vector<16x1xi32> to vector<16xi32>
          %gather3A_299 = tpu.dynamic_gather %gather3A_272[%gather3A_298] in [0] : vector<16xf32>, vector<16xi32> -> vector<16xf32>
          %get3A_300 = arith.index_cast %add3A_269 : i32 to index
          %get3A_301 = arith.constant 32 : index
          %get3A_302 = tpu.vector_load %arg9[%get3A_300, %get3A_301] {strides = array<i32>} : memref<128x144xf32, #tpu.memory_space<vmem>>, vector<16xf32>,
          %mul3A_303 = arith.mulf %get3A_302, %gather3A_299 : vector<16xf32>
          %swap3A_304 = arith.index_cast %add3A_269 : i32 to index
          %swap3A_305 = arith.constant 32 : index
          %swap3A_306 = tpu.vector_load %arg9[%swap3A_304, %swap3A_305] {strides = array<i32>} : memref<128x144xf32, #tpu.memory_space<vmem>>, vector<16xf32>,
          tpu.vector_store %arg9[%swap3A_304, %swap3A_305], %mul3A_303 {strides = array<i32>} : memref<128x144xf32, #tpu.memory_space<vmem>>, vector<16xf32>,
          %get3A_307 = arith.index_cast %add3A_269 : i32 to index
          %get3A_308 = arith.constant 48 : index
          %get3A_309 = tpu.vector_load %arg9[%get3A_307, %get3A_308] {strides = array<i32>} : memref<128x144xf32, #tpu.memory_space<vmem>>, vector<16xf32>,
          %mul3A_310 = arith.mulf %get3A_309, %gather3A_299 : vector<16xf32>
          %swap3A_311 = arith.index_cast %add3A_269 : i32 to index
          %swap3A_312 = arith.constant 48 : index
          %swap3A_313 = tpu.vector_load %arg9[%swap3A_311, %swap3A_312] {strides = array<i32>} : memref<128x144xf32, #tpu.memory_space<vmem>>, vector<16xf32>,
          tpu.vector_store %arg9[%swap3A_311, %swap3A_312], %mul3A_310 {strides = array<i32>} : memref<128x144xf32, #tpu.memory_space<vmem>>, vector<16xf32>,
          %broadcast_in_dim3A_314 = arith.constant 2 : i32
          %broadcast_in_dim3A_315 = vector.broadcast %broadcast_in_dim3A_314 : i32 to vector<16xi32>
          %broadcast_in_dim3A_316 = vector.shape_cast %broadcast_in_dim3A_315 : vector<16xi32> to vector<16x1xi32>
          %gather3A_317 = vector.shape_cast %broadcast_in_dim3A_316 : vector<16x1xi32> to vector<16xi32>
          %gather3A_318 = tpu.dynamic_gather %gather3A_272[%gather3A_317] in [0] : vector<16xf32>, vector<16xi32> -> vector<16xf32>
          %get3A_319 = arith.index_cast %add3A_269 : i32 to index
          %get3A_320 = arith.constant 64 : index
          %get3A_321 = tpu.vector_load %arg9[%get3A_319, %get3A_320] {strides = array<i32>} : memref<128x144xf32, #tpu.memory_space<vmem>>, vector<16xf32>,
          %mul3A_322 = arith.mulf %get3A_321, %gather3A_318 : vector<16xf32>
          %swap3A_323 = arith.index_cast %add3A_269 : i32 to index
          %swap3A_324 = arith.constant 64 : index
          %swap3A_325 = tpu.vector_load %arg9[%swap3A_323, %swap3A_324] {strides = array<i32>} : memref<128x144xf32, #tpu.memory_space<vmem>>, vector<16xf32>,
          tpu.vector_store %arg9[%swap3A_323, %swap3A_324], %mul3A_322 {strides = array<i32>} : memref<128x144xf32, #tpu.memory_space<vmem>>, vector<16xf32>,
          %get3A_326 = arith.index_cast %add3A_269 : i32 to index
          %get3A_327 = arith.constant 80 : index
          %get3A_328 = tpu.vector_load %arg9[%get3A_326, %get3A_327] {strides = array<i32>} : memref<128x144xf32, #tpu.memory_space<vmem>>, vector<16xf32>,
          %mul3A_329 = arith.mulf %get3A_328, %gather3A_318 : vector<16xf32>
          %swap3A_330 = arith.index_cast %add3A_269 : i32 to index
          %swap3A_331 = arith.constant 80 : index
          %swap3A_332 = tpu.vector_load %arg9[%swap3A_330, %swap3A_331] {strides = array<i32>} : memref<128x144xf32, #tpu.memory_space<vmem>>, vector<16xf32>,
          tpu.vector_store %arg9[%swap3A_330, %swap3A_331], %mul3A_329 {strides = array<i32>} : memref<128x144xf32, #tpu.memory_space<vmem>>, vector<16xf32>,
          %broadcast_in_dim3A_333 = arith.constant 3 : i32
          %broadcast_in_dim3A_334 = vector.broadcast %broadcast_in_dim3A_333 : i32 to vector<16xi32>
          %broadcast_in_dim3A_335 = vector.shape_cast %broadcast_in_dim3A_334 : vector<16xi32> to vector<16x1xi32>
          %gather3A_336 = vector.shape_cast %broadcast_in_dim3A_335 : vector<16x1xi32> to vector<16xi32>
          %gather3A_337 = tpu.dynamic_gather %gather3A_272[%gather3A_336] in [0] : vector<16xf32>, vector<16xi32> -> vector<16xf32>
          %get3A_338 = arith.index_cast %add3A_269 : i32 to index
          %get3A_339 = arith.constant 96 : index
          %get3A_340 = tpu.vector_load %arg9[%get3A_338, %get3A_339] {strides = array<i32>} : memref<128x144xf32, #tpu.memory_space<vmem>>, vector<16xf32>,
          %mul3A_341 = arith.mulf %get3A_340, %gather3A_337 : vector<16xf32>
          %swap3A_342 = arith.index_cast %add3A_269 : i32 to index
          %swap3A_343 = arith.constant 96 : index
          %swap3A_344 = tpu.vector_load %arg9[%swap3A_342, %swap3A_343] {strides = array<i32>} : memref<128x144xf32, #tpu.memory_space<vmem>>, vector<16xf32>,
          tpu.vector_store %arg9[%swap3A_342, %swap3A_343], %mul3A_341 {strides = array<i32>} : memref<128x144xf32, #tpu.memory_space<vmem>>, vector<16xf32>,
          %get3A_345 = arith.index_cast %add3A_269 : i32 to index
          %get3A_346 = arith.constant 112 : index
          %get3A_347 = tpu.vector_load %arg9[%get3A_345, %get3A_346] {strides = array<i32>} : memref<128x144xf32, #tpu.memory_space<vmem>>, vector<16xf32>,
          %mul3A_348 = arith.mulf %get3A_347, %gather3A_337 : vector<16xf32>
          %swap3A_349 = arith.index_cast %add3A_269 : i32 to index
          %swap3A_350 = arith.constant 112 : index
          %swap3A_351 = tpu.vector_load %arg9[%swap3A_349, %swap3A_350] {strides = array<i32>} : memref<128x144xf32, #tpu.memory_space<vmem>>, vector<16xf32>,
          tpu.vector_store %arg9[%swap3A_349, %swap3A_350], %mul3A_348 {strides = array<i32>} : memref<128x144xf32, #tpu.memory_space<vmem>>, vector<16xf32>,
          %add3A_352 = arith.constant 2 : i32
          %add3A_353 = arith.addi %add3A_111, %add3A_352 : i32
          %broadcast_in_dim3A_354 = arith.constant 2 : i32
          %broadcast_in_dim3A_355 = vector.broadcast %broadcast_in_dim3A_354 : i32 to vector<16xi32>
          %gather3A_356 = tpu.vector_load_idx %arg15[%min3A_16, %broadcast_in_dim3A_355] : memref<4x16xf32, #tpu.memory_space<vmem>>[vector<16xi32>, vector<16xi32>], vector<16xf32>,
          %swap3A_357 = arith.index_cast %add3A_353 : i32 to index
          %swap3A_358 = arith.constant 128 : index
          %swap3A_359 = tpu.vector_load %arg9[%swap3A_357, %swap3A_358] {strides = array<i32>} : memref<128x144xf32, #tpu.memory_space<vmem>>, vector<16xf32>,
          tpu.vector_store %arg9[%swap3A_357, %swap3A_358], %gather3A_356 {strides = array<i32>} : memref<128x144xf32, #tpu.memory_space<vmem>>, vector<16xf32>,
          %broadcast_in_dim3A_360 = arith.constant 0 : i32
          %broadcast_in_dim3A_361 = vector.broadcast %broadcast_in_dim3A_360 : i32 to vector<16xi32>
          %broadcast_in_dim3A_362 = vector.shape_cast %broadcast_in_dim3A_361 : vector<16xi32> to vector<16x1xi32>
          %gather3A_363 = vector.shape_cast %broadcast_in_dim3A_362 : vector<16x1xi32> to vector<16xi32>
          %gather3A_364 = tpu.dynamic_gather %gather3A_356[%gather3A_363] in [0] : vector<16xf32>, vector<16xi32> -> vector<16xf32>
          %get3A_365 = arith.index_cast %add3A_353 : i32 to index
          %get3A_366 = arith.constant 0 : index
          %get3A_367 = tpu.vector_load %arg9[%get3A_365, %get3A_366] {strides = array<i32>} : memref<128x144xf32, #tpu.memory_space<vmem>>, vector<16xf32>,
          %mul3A_368 = arith.mulf %get3A_367, %gather3A_364 : vector<16xf32>
          %swap3A_369 = arith.index_cast %add3A_353 : i32 to index
          %swap3A_370 = arith.constant 0 : index
          %swap3A_371 = tpu.vector_load %arg9[%swap3A_369, %swap3A_370] {strides = array<i32>} : memref<128x144xf32, #tpu.memory_space<vmem>>, vector<16xf32>,
          tpu.vector_store %arg9[%swap3A_369, %swap3A_370], %mul3A_368 {strides = array<i32>} : memref<128x144xf32, #tpu.memory_space<vmem>>, vector<16xf32>,
          %get3A_372 = arith.index_cast %add3A_353 : i32 to index
          %get3A_373 = arith.constant 16 : index
          %get3A_374 = tpu.vector_load %arg9[%get3A_372, %get3A_373] {strides = array<i32>} : memref<128x144xf32, #tpu.memory_space<vmem>>, vector<16xf32>,
          %mul3A_375 = arith.mulf %get3A_374, %gather3A_364 : vector<16xf32>
          %swap3A_376 = arith.index_cast %add3A_353 : i32 to index
          %swap3A_377 = arith.constant 16 : index
          %swap3A_378 = tpu.vector_load %arg9[%swap3A_376, %swap3A_377] {strides = array<i32>} : memref<128x144xf32, #tpu.memory_space<vmem>>, vector<16xf32>,
          tpu.vector_store %arg9[%swap3A_376, %swap3A_377], %mul3A_375 {strides = array<i32>} : memref<128x144xf32, #tpu.memory_space<vmem>>, vector<16xf32>,
          %broadcast_in_dim3A_379 = arith.constant 1 : i32
          %broadcast_in_dim3A_380 = vector.broadcast %broadcast_in_dim3A_379 : i32 to vector<16xi32>
          %broadcast_in_dim3A_381 = vector.shape_cast %broadcast_in_dim3A_380 : vector<16xi32> to vector<16x1xi32>
          %gather3A_382 = vector.shape_cast %broadcast_in_dim3A_381 : vector<16x1xi32> to vector<16xi32>
          %gather3A_383 = tpu.dynamic_gather %gather3A_356[%gather3A_382] in [0] : vector<16xf32>, vector<16xi32> -> vector<16xf32>
          %get3A_384 = arith.index_cast %add3A_353 : i32 to index
          %get3A_385 = arith.constant 32 : index
          %get3A_386 = tpu.vector_load %arg9[%get3A_384, %get3A_385] {strides = array<i32>} : memref<128x144xf32, #tpu.memory_space<vmem>>, vector<16xf32>,
          %mul3A_387 = arith.mulf %get3A_386, %gather3A_383 : vector<16xf32>
          %swap3A_388 = arith.index_cast %add3A_353 : i32 to index
          %swap3A_389 = arith.constant 32 : index
          %swap3A_390 = tpu.vector_load %arg9[%swap3A_388, %swap3A_389] {strides = array<i32>} : memref<128x144xf32, #tpu.memory_space<vmem>>, vector<16xf32>,
          tpu.vector_store %arg9[%swap3A_388, %swap3A_389], %mul3A_387 {strides = array<i32>} : memref<128x144xf32, #tpu.memory_space<vmem>>, vector<16xf32>,
          %get3A_391 = arith.index_cast %add3A_353 : i32 to index
          %get3A_392 = arith.constant 48 : index
          %get3A_393 = tpu.vector_load %arg9[%get3A_391, %get3A_392] {strides = array<i32>} : memref<128x144xf32, #tpu.memory_space<vmem>>, vector<16xf32>,
          %mul3A_394 = arith.mulf %get3A_393, %gather3A_383 : vector<16xf32>
          %swap3A_395 = arith.index_cast %add3A_353 : i32 to index
          %swap3A_396 = arith.constant 48 : index
          %swap3A_397 = tpu.vector_load %arg9[%swap3A_395, %swap3A_396] {strides = array<i32>} : memref<128x144xf32, #tpu.memory_space<vmem>>, vector<16xf32>,
          tpu.vector_store %arg9[%swap3A_395, %swap3A_396], %mul3A_394 {strides = array<i32>} : memref<128x144xf32, #tpu.memory_space<vmem>>, vector<16xf32>,
          %broadcast_in_dim3A_398 = arith.constant 2 : i32
          %broadcast_in_dim3A_399 = vector.broadcast %broadcast_in_dim3A_398 : i32 to vector<16xi32>
          %broadcast_in_dim3A_400 = vector.shape_cast %broadcast_in_dim3A_399 : vector<16xi32> to vector<16x1xi32>
          %gather3A_401 = vector.shape_cast %broadcast_in_dim3A_400 : vector<16x1xi32> to vector<16xi32>
          %gather3A_402 = tpu.dynamic_gather %gather3A_356[%gather3A_401] in [0] : vector<16xf32>, vector<16xi32> -> vector<16xf32>
          %get3A_403 = arith.index_cast %add3A_353 : i32 to index
          %get3A_404 = arith.constant 64 : index
          %get3A_405 = tpu.vector_load %arg9[%get3A_403, %get3A_404] {strides = array<i32>} : memref<128x144xf32, #tpu.memory_space<vmem>>, vector<16xf32>,
          %mul3A_406 = arith.mulf %get3A_405, %gather3A_402 : vector<16xf32>
          %swap3A_407 = arith.index_cast %add3A_353 : i32 to index
          %swap3A_408 = arith.constant 64 : index
          %swap3A_409 = tpu.vector_load %arg9[%swap3A_407, %swap3A_408] {strides = array<i32>} : memref<128x144xf32, #tpu.memory_space<vmem>>, vector<16xf32>,
          tpu.vector_store %arg9[%swap3A_407, %swap3A_408], %mul3A_406 {strides = array<i32>} : memref<128x144xf32, #tpu.memory_space<vmem>>, vector<16xf32>,
          %get3A_410 = arith.index_cast %add3A_353 : i32 to index
          %get3A_411 = arith.constant 80 : index
          %get3A_412 = tpu.vector_load %arg9[%get3A_410, %get3A_411] {strides = array<i32>} : memref<128x144xf32, #tpu.memory_space<vmem>>, vector<16xf32>,
          %mul3A_413 = arith.mulf %get3A_412, %gather3A_402 : vector<16xf32>
          %swap3A_414 = arith.index_cast %add3A_353 : i32 to index
          %swap3A_415 = arith.constant 80 : index
          %swap3A_416 = tpu.vector_load %arg9[%swap3A_414, %swap3A_415] {strides = array<i32>} : memref<128x144xf32, #tpu.memory_space<vmem>>, vector<16xf32>,
          tpu.vector_store %arg9[%swap3A_414, %swap3A_415], %mul3A_413 {strides = array<i32>} : memref<128x144xf32, #tpu.memory_space<vmem>>, vector<16xf32>,
          %broadcast_in_dim3A_417 = arith.constant 3 : i32
          %broadcast_in_dim3A_418 = vector.broadcast %broadcast_in_dim3A_417 : i32 to vector<16xi32>
          %broadcast_in_dim3A_419 = vector.shape_cast %broadcast_in_dim3A_418 : vector<16xi32> to vector<16x1xi32>
          %gather3A_420 = vector.shape_cast %broadcast_in_dim3A_419 : vector<16x1xi32> to vector<16xi32>
          %gather3A_421 = tpu.dynamic_gather %gather3A_356[%gather3A_420] in [0] : vector<16xf32>, vector<16xi32> -> vector<16xf32>
          %get3A_422 = arith.index_cast %add3A_353 : i32 to index
          %get3A_423 = arith.constant 96 : index
          %get3A_424 = tpu.vector_load %arg9[%get3A_422, %get3A_423] {strides = array<i32>} : memref<128x144xf32, #tpu.memory_space<vmem>>, vector<16xf32>,
          %mul3A_425 = arith.mulf %get3A_424, %gather3A_421 : vector<16xf32>
          %swap3A_426 = arith.index_cast %add3A_353 : i32 to index
          %swap3A_427 = arith.constant 96 : index
          %swap3A_428 = tpu.vector_load %arg9[%swap3A_426, %swap3A_427] {strides = array<i32>} : memref<128x144xf32, #tpu.memory_space<vmem>>, vector<16xf32>,
          tpu.vector_store %arg9[%swap3A_426, %swap3A_427], %mul3A_425 {strides = array<i32>} : memref<128x144xf32, #tpu.memory_space<vmem>>, vector<16xf32>,
          %get3A_429 = arith.index_cast %add3A_353 : i32 to index
          %get3A_430 = arith.constant 112 : index
          %get3A_431 = tpu.vector_load %arg9[%get3A_429, %get3A_430] {strides = array<i32>} : memref<128x144xf32, #tpu.memory_space<vmem>>, vector<16xf32>,
          %mul3A_432 = arith.mulf %get3A_431, %gather3A_421 : vector<16xf32>
          %swap3A_433 = arith.index_cast %add3A_353 : i32 to index
          %swap3A_434 = arith.constant 112 : index
          %swap3A_435 = tpu.vector_load %arg9[%swap3A_433, %swap3A_434] {strides = array<i32>} : memref<128x144xf32, #tpu.memory_space<vmem>>, vector<16xf32>,
          tpu.vector_store %arg9[%swap3A_433, %swap3A_434], %mul3A_432 {strides = array<i32>} : memref<128x144xf32, #tpu.memory_space<vmem>>, vector<16xf32>,
          %add3A_436 = arith.constant 3 : i32
          %add3A_437 = arith.addi %add3A_111, %add3A_436 : i32
          %broadcast_in_dim3A_438 = arith.constant 3 : i32
          %broadcast_in_dim3A_439 = vector.broadcast %broadcast_in_dim3A_438 : i32 to vector<16xi32>
          %gather3A_440 = tpu.vector_load_idx %arg15[%min3A_16, %broadcast_in_dim3A_439] : memref<4x16xf32, #tpu.memory_space<vmem>>[vector<16xi32>, vector<16xi32>], vector<16xf32>,
          %swap3A_441 = arith.index_cast %add3A_437 : i32 to index
          %swap3A_442 = arith.constant 128 : index
          %swap3A_443 = tpu.vector_load %arg9[%swap3A_441, %swap3A_442] {strides = array<i32>} : memref<128x144xf32, #tpu.memory_space<vmem>>, vector<16xf32>,
          tpu.vector_store %arg9[%swap3A_441, %swap3A_442], %gather3A_440 {strides = array<i32>} : memref<128x144xf32, #tpu.memory_space<vmem>>, vector<16xf32>,
          %broadcast_in_dim3A_444 = arith.constant 0 : i32
          %broadcast_in_dim3A_445 = vector.broadcast %broadcast_in_dim3A_444 : i32 to vector<16xi32>
          %broadcast_in_dim3A_446 = vector.shape_cast %broadcast_in_dim3A_445 : vector<16xi32> to vector<16x1xi32>
          %gather3A_447 = vector.shape_cast %broadcast_in_dim3A_446 : vector<16x1xi32> to vector<16xi32>
          %gather3A_448 = tpu.dynamic_gather %gather3A_440[%gather3A_447] in [0] : vector<16xf32>, vector<16xi32> -> vector<16xf32>
          %get3A_449 = arith.index_cast %add3A_437 : i32 to index
          %get3A_450 = arith.constant 0 : index
          %get3A_451 = tpu.vector_load %arg9[%get3A_449, %get3A_450] {strides = array<i32>} : memref<128x144xf32, #tpu.memory_space<vmem>>, vector<16xf32>,
          %mul3A_452 = arith.mulf %get3A_451, %gather3A_448 : vector<16xf32>
          %swap3A_453 = arith.index_cast %add3A_437 : i32 to index
          %swap3A_454 = arith.constant 0 : index
          %swap3A_455 = tpu.vector_load %arg9[%swap3A_453, %swap3A_454] {strides = array<i32>} : memref<128x144xf32, #tpu.memory_space<vmem>>, vector<16xf32>,
          tpu.vector_store %arg9[%swap3A_453, %swap3A_454], %mul3A_452 {strides = array<i32>} : memref<128x144xf32, #tpu.memory_space<vmem>>, vector<16xf32>,
          %get3A_456 = arith.index_cast %add3A_437 : i32 to index
          %get3A_457 = arith.constant 16 : index
          %get3A_458 = tpu.vector_load %arg9[%get3A_456, %get3A_457] {strides = array<i32>} : memref<128x144xf32, #tpu.memory_space<vmem>>, vector<16xf32>,
          %mul3A_459 = arith.mulf %get3A_458, %gather3A_448 : vector<16xf32>
          %swap3A_460 = arith.index_cast %add3A_437 : i32 to index
          %swap3A_461 = arith.constant 16 : index
          %swap3A_462 = tpu.vector_load %arg9[%swap3A_460, %swap3A_461] {strides = array<i32>} : memref<128x144xf32, #tpu.memory_space<vmem>>, vector<16xf32>,
          tpu.vector_store %arg9[%swap3A_460, %swap3A_461], %mul3A_459 {strides = array<i32>} : memref<128x144xf32, #tpu.memory_space<vmem>>, vector<16xf32>,
          %broadcast_in_dim3A_463 = arith.constant 1 : i32
          %broadcast_in_dim3A_464 = vector.broadcast %broadcast_in_dim3A_463 : i32 to vector<16xi32>
          %broadcast_in_dim3A_465 = vector.shape_cast %broadcast_in_dim3A_464 : vector<16xi32> to vector<16x1xi32>
          %gather3A_466 = vector.shape_cast %broadcast_in_dim3A_465 : vector<16x1xi32> to vector<16xi32>
          %gather3A_467 = tpu.dynamic_gather %gather3A_440[%gather3A_466] in [0] : vector<16xf32>, vector<16xi32> -> vector<16xf32>
          %get3A_468 = arith.index_cast %add3A_437 : i32 to index
          %get3A_469 = arith.constant 32 : index
          %get3A_470 = tpu.vector_load %arg9[%get3A_468, %get3A_469] {strides = array<i32>} : memref<128x144xf32, #tpu.memory_space<vmem>>, vector<16xf32>,
          %mul3A_471 = arith.mulf %get3A_470, %gather3A_467 : vector<16xf32>
          %swap3A_472 = arith.index_cast %add3A_437 : i32 to index
          %swap3A_473 = arith.constant 32 : index
          %swap3A_474 = tpu.vector_load %arg9[%swap3A_472, %swap3A_473] {strides = array<i32>} : memref<128x144xf32, #tpu.memory_space<vmem>>, vector<16xf32>,
          tpu.vector_store %arg9[%swap3A_472, %swap3A_473], %mul3A_471 {strides = array<i32>} : memref<128x144xf32, #tpu.memory_space<vmem>>, vector<16xf32>,
          %get3A_475 = arith.index_cast %add3A_437 : i32 to index
          %get3A_476 = arith.constant 48 : index
          %get3A_477 = tpu.vector_load %arg9[%get3A_475, %get3A_476] {strides = array<i32>} : memref<128x144xf32, #tpu.memory_space<vmem>>, vector<16xf32>,
          %mul3A_478 = arith.mulf %get3A_477, %gather3A_467 : vector<16xf32>
          %swap3A_479 = arith.index_cast %add3A_437 : i32 to index
          %swap3A_480 = arith.constant 48 : index
          %swap3A_481 = tpu.vector_load %arg9[%swap3A_479, %swap3A_480] {strides = array<i32>} : memref<128x144xf32, #tpu.memory_space<vmem>>, vector<16xf32>,
          tpu.vector_store %arg9[%swap3A_479, %swap3A_480], %mul3A_478 {strides = array<i32>} : memref<128x144xf32, #tpu.memory_space<vmem>>, vector<16xf32>,
          %broadcast_in_dim3A_482 = arith.constant 2 : i32
          %broadcast_in_dim3A_483 = vector.broadcast %broadcast_in_dim3A_482 : i32 to vector<16xi32>
          %broadcast_in_dim3A_484 = vector.shape_cast %broadcast_in_dim3A_483 : vector<16xi32> to vector<16x1xi32>
          %gather3A_485 = vector.shape_cast %broadcast_in_dim3A_484 : vector<16x1xi32> to vector<16xi32>
          %gather3A_486 = tpu.dynamic_gather %gather3A_440[%gather3A_485] in [0] : vector<16xf32>, vector<16xi32> -> vector<16xf32>
          %get3A_487 = arith.index_cast %add3A_437 : i32 to index
          %get3A_488 = arith.constant 64 : index
          %get3A_489 = tpu.vector_load %arg9[%get3A_487, %get3A_488] {strides = array<i32>} : memref<128x144xf32, #tpu.memory_space<vmem>>, vector<16xf32>,
          %mul3A_490 = arith.mulf %get3A_489, %gather3A_486 : vector<16xf32>
          %swap3A_491 = arith.index_cast %add3A_437 : i32 to index
          %swap3A_492 = arith.constant 64 : index
          %swap3A_493 = tpu.vector_load %arg9[%swap3A_491, %swap3A_492] {strides = array<i32>} : memref<128x144xf32, #tpu.memory_space<vmem>>, vector<16xf32>,
          tpu.vector_store %arg9[%swap3A_491, %swap3A_492], %mul3A_490 {strides = array<i32>} : memref<128x144xf32, #tpu.memory_space<vmem>>, vector<16xf32>,
          %get3A_494 = arith.index_cast %add3A_437 : i32 to index
          %get3A_495 = arith.constant 80 : index
          %get3A_496 = tpu.vector_load %arg9[%get3A_494, %get3A_495] {strides = array<i32>} : memref<128x144xf32, #tpu.memory_space<vmem>>, vector<16xf32>,
          %mul3A_497 = arith.mulf %get3A_496, %gather3A_486 : vector<16xf32>
          %swap3A_498 = arith.index_cast %add3A_437 : i32 to index
          %swap3A_499 = arith.constant 80 : index
          %swap3A_500 = tpu.vector_load %arg9[%swap3A_498, %swap3A_499] {strides = array<i32>} : memref<128x144xf32, #tpu.memory_space<vmem>>, vector<16xf32>,
          tpu.vector_store %arg9[%swap3A_498, %swap3A_499], %mul3A_497 {strides = array<i32>} : memref<128x144xf32, #tpu.memory_space<vmem>>, vector<16xf32>,
          %broadcast_in_dim3A_501 = arith.constant 3 : i32
          %broadcast_in_dim3A_502 = vector.broadcast %broadcast_in_dim3A_501 : i32 to vector<16xi32>
          %broadcast_in_dim3A_503 = vector.shape_cast %broadcast_in_dim3A_502 : vector<16xi32> to vector<16x1xi32>
          %gather3A_504 = vector.shape_cast %broadcast_in_dim3A_503 : vector<16x1xi32> to vector<16xi32>
          %gather3A_505 = tpu.dynamic_gather %gather3A_440[%gather3A_504] in [0] : vector<16xf32>, vector<16xi32> -> vector<16xf32>
          %get3A_506 = arith.index_cast %add3A_437 : i32 to index
          %get3A_507 = arith.constant 96 : index
          %get3A_508 = tpu.vector_load %arg9[%get3A_506, %get3A_507] {strides = array<i32>} : memref<128x144xf32, #tpu.memory_space<vmem>>, vector<16xf32>,
          %mul3A_509 = arith.mulf %get3A_508, %gather3A_505 : vector<16xf32>
          %swap3A_510 = arith.index_cast %add3A_437 : i32 to index
          %swap3A_511 = arith.constant 96 : index
          %swap3A_512 = tpu.vector_load %arg9[%swap3A_510, %swap3A_511] {strides = array<i32>} : memref<128x144xf32, #tpu.memory_space<vmem>>, vector<16xf32>,
          tpu.vector_store %arg9[%swap3A_510, %swap3A_511], %mul3A_509 {strides = array<i32>} : memref<128x144xf32, #tpu.memory_space<vmem>>, vector<16xf32>,
          %get3A_513 = arith.index_cast %add3A_437 : i32 to index
          %get3A_514 = arith.constant 112 : index
          %get3A_515 = tpu.vector_load %arg9[%get3A_513, %get3A_514] {strides = array<i32>} : memref<128x144xf32, #tpu.memory_space<vmem>>, vector<16xf32>,
          %mul3A_516 = arith.mulf %get3A_515, %gather3A_505 : vector<16xf32>
          %swap3A_517 = arith.index_cast %add3A_437 : i32 to index
          %swap3A_518 = arith.constant 112 : index
          %swap3A_519 = tpu.vector_load %arg9[%swap3A_517, %swap3A_518] {strides = array<i32>} : memref<128x144xf32, #tpu.memory_space<vmem>>, vector<16xf32>,
          tpu.vector_store %arg9[%swap3A_517, %swap3A_518], %mul3A_516 {strides = array<i32>} : memref<128x144xf32, #tpu.memory_space<vmem>>, vector<16xf32>,
          %add3A_520 = arith.constant 4 : i32
          %add3A_521 = arith.addi %add3A_111, %add3A_520 : i32
          %broadcast_in_dim3A_522 = arith.constant 4 : i32
          %broadcast_in_dim3A_523 = vector.broadcast %broadcast_in_dim3A_522 : i32 to vector<16xi32>
          %gather3A_524 = tpu.vector_load_idx %arg15[%min3A_16, %broadcast_in_dim3A_523] : memref<4x16xf32, #tpu.memory_space<vmem>>[vector<16xi32>, vector<16xi32>], vector<16xf32>,
          %swap3A_525 = arith.index_cast %add3A_521 : i32 to index
          %swap3A_526 = arith.constant 128 : index
          %swap3A_527 = tpu.vector_load %arg9[%swap3A_525, %swap3A_526] {strides = array<i32>} : memref<128x144xf32, #tpu.memory_space<vmem>>, vector<16xf32>,
          tpu.vector_store %arg9[%swap3A_525, %swap3A_526], %gather3A_524 {strides = array<i32>} : memref<128x144xf32, #tpu.memory_space<vmem>>, vector<16xf32>,
          %broadcast_in_dim3A_528 = arith.constant 0 : i32
          %broadcast_in_dim3A_529 = vector.broadcast %broadcast_in_dim3A_528 : i32 to vector<16xi32>
          %broadcast_in_dim3A_530 = vector.shape_cast %broadcast_in_dim3A_529 : vector<16xi32> to vector<16x1xi32>
          %gather3A_531 = vector.shape_cast %broadcast_in_dim3A_530 : vector<16x1xi32> to vector<16xi32>
          %gather3A_532 = tpu.dynamic_gather %gather3A_524[%gather3A_531] in [0] : vector<16xf32>, vector<16xi32> -> vector<16xf32>
          %get3A_533 = arith.index_cast %add3A_521 : i32 to index
          %get3A_534 = arith.constant 0 : index
          %get3A_535 = tpu.vector_load %arg9[%get3A_533, %get3A_534] {strides = array<i32>} : memref<128x144xf32, #tpu.memory_space<vmem>>, vector<16xf32>,
          %mul3A_536 = arith.mulf %get3A_535, %gather3A_532 : vector<16xf32>
          %swap3A_537 = arith.index_cast %add3A_521 : i32 to index
          %swap3A_538 = arith.constant 0 : index
          %swap3A_539 = tpu.vector_load %arg9[%swap3A_537, %swap3A_538] {strides = array<i32>} : memref<128x144xf32, #tpu.memory_space<vmem>>, vector<16xf32>,
          tpu.vector_store %arg9[%swap3A_537, %swap3A_538], %mul3A_536 {strides = array<i32>} : memref<128x144xf32, #tpu.memory_space<vmem>>, vector<16xf32>,
          %get3A_540 = arith.index_cast %add3A_521 : i32 to index
          %get3A_541 = arith.constant 16 : index
          %get3A_542 = tpu.vector_load %arg9[%get3A_540, %get3A_541] {strides = array<i32>} : memref<128x144xf32, #tpu.memory_space<vmem>>, vector<16xf32>,
          %mul3A_543 = arith.mulf %get3A_542, %gather3A_532 : vector<16xf32>
          %swap3A_544 = arith.index_cast %add3A_521 : i32 to index
          %swap3A_545 = arith.constant 16 : index
          %swap3A_546 = tpu.vector_load %arg9[%swap3A_544, %swap3A_545] {strides = array<i32>} : memref<128x144xf32, #tpu.memory_space<vmem>>, vector<16xf32>,
          tpu.vector_store %arg9[%swap3A_544, %swap3A_545], %mul3A_543 {strides = array<i32>} : memref<128x144xf32, #tpu.memory_space<vmem>>, vector<16xf32>,
          %broadcast_in_dim3A_547 = arith.constant 1 : i32
          %broadcast_in_dim3A_548 = vector.broadcast %broadcast_in_dim3A_547 : i32 to vector<16xi32>
          %broadcast_in_dim3A_549 = vector.shape_cast %broadcast_in_dim3A_548 : vector<16xi32> to vector<16x1xi32>
          %gather3A_550 = vector.shape_cast %broadcast_in_dim3A_549 : vector<16x1xi32> to vector<16xi32>
          %gather3A_551 = tpu.dynamic_gather %gather3A_524[%gather3A_550] in [0] : vector<16xf32>, vector<16xi32> -> vector<16xf32>
          %get3A_552 = arith.index_cast %add3A_521 : i32 to index
          %get3A_553 = arith.constant 32 : index
          %get3A_554 = tpu.vector_load %arg9[%get3A_552, %get3A_553] {strides = array<i32>} : memref<128x144xf32, #tpu.memory_space<vmem>>, vector<16xf32>,
          %mul3A_555 = arith.mulf %get3A_554, %gather3A_551 : vector<16xf32>
          %swap3A_556 = arith.index_cast %add3A_521 : i32 to index
          %swap3A_557 = arith.constant 32 : index
          %swap3A_558 = tpu.vector_load %arg9[%swap3A_556, %swap3A_557] {strides = array<i32>} : memref<128x144xf32, #tpu.memory_space<vmem>>, vector<16xf32>,
          tpu.vector_store %arg9[%swap3A_556, %swap3A_557], %mul3A_555 {strides = array<i32>} : memref<128x144xf32, #tpu.memory_space<vmem>>, vector<16xf32>,
          %get3A_559 = arith.index_cast %add3A_521 : i32 to index
          %get3A_560 = arith.constant 48 : index
          %get3A_561 = tpu.vector_load %arg9[%get3A_559, %get3A_560] {strides = array<i32>} : memref<128x144xf32, #tpu.memory_space<vmem>>, vector<16xf32>,
          %mul3A_562 = arith.mulf %get3A_561, %gather3A_551 : vector<16xf32>
          %swap3A_563 = arith.index_cast %add3A_521 : i32 to index
          %swap3A_564 = arith.constant 48 : index
          %swap3A_565 = tpu.vector_load %arg9[%swap3A_563, %swap3A_564] {strides = array<i32>} : memref<128x144xf32, #tpu.memory_space<vmem>>, vector<16xf32>,
          tpu.vector_store %arg9[%swap3A_563, %swap3A_564], %mul3A_562 {strides = array<i32>} : memref<128x144xf32, #tpu.memory_space<vmem>>, vector<16xf32>,
          %broadcast_in_dim3A_566 = arith.constant 2 : i32
          %broadcast_in_dim3A_567 = vector.broadcast %broadcast_in_dim3A_566 : i32 to vector<16xi32>
          %broadcast_in_dim3A_568 = vector.shape_cast %broadcast_in_dim3A_567 : vector<16xi32> to vector<16x1xi32>
          %gather3A_569 = vector.shape_cast %broadcast_in_dim3A_568 : vector<16x1xi32> to vector<16xi32>
          %gather3A_570 = tpu.dynamic_gather %gather3A_524[%gather3A_569] in [0] : vector<16xf32>, vector<16xi32> -> vector<16xf32>
          %get3A_571 = arith.index_cast %add3A_521 : i32 to index
          %get3A_572 = arith.constant 64 : index
          %get3A_573 = tpu.vector_load %arg9[%get3A_571, %get3A_572] {strides = array<i32>} : memref<128x144xf32, #tpu.memory_space<vmem>>, vector<16xf32>,
          %mul3A_574 = arith.mulf %get3A_573, %gather3A_570 : vector<16xf32>
          %swap3A_575 = arith.index_cast %add3A_521 : i32 to index
          %swap3A_576 = arith.constant 64 : index
          %swap3A_577 = tpu.vector_load %arg9[%swap3A_575, %swap3A_576] {strides = array<i32>} : memref<128x144xf32, #tpu.memory_space<vmem>>, vector<16xf32>,
          tpu.vector_store %arg9[%swap3A_575, %swap3A_576], %mul3A_574 {strides = array<i32>} : memref<128x144xf32, #tpu.memory_space<vmem>>, vector<16xf32>,
          %get3A_578 = arith.index_cast %add3A_521 : i32 to index
          %get3A_579 = arith.constant 80 : index
          %get3A_580 = tpu.vector_load %arg9[%get3A_578, %get3A_579] {strides = array<i32>} : memref<128x144xf32, #tpu.memory_space<vmem>>, vector<16xf32>,
          %mul3A_581 = arith.mulf %get3A_580, %gather3A_570 : vector<16xf32>
          %swap3A_582 = arith.index_cast %add3A_521 : i32 to index
          %swap3A_583 = arith.constant 80 : index
          %swap3A_584 = tpu.vector_load %arg9[%swap3A_582, %swap3A_583] {strides = array<i32>} : memref<128x144xf32, #tpu.memory_space<vmem>>, vector<16xf32>,
          tpu.vector_store %arg9[%swap3A_582, %swap3A_583], %mul3A_581 {strides = array<i32>} : memref<128x144xf32, #tpu.memory_space<vmem>>, vector<16xf32>,
          %broadcast_in_dim3A_585 = arith.constant 3 : i32
          %broadcast_in_dim3A_586 = vector.broadcast %broadcast_in_dim3A_585 : i32 to vector<16xi32>
          %broadcast_in_dim3A_587 = vector.shape_cast %broadcast_in_dim3A_586 : vector<16xi32> to vector<16x1xi32>
          %gather3A_588 = vector.shape_cast %broadcast_in_dim3A_587 : vector<16x1xi32> to vector<16xi32>
          %gather3A_589 = tpu.dynamic_gather %gather3A_524[%gather3A_588] in [0] : vector<16xf32>, vector<16xi32> -> vector<16xf32>
          %get3A_590 = arith.index_cast %add3A_521 : i32 to index
          %get3A_591 = arith.constant 96 : index
          %get3A_592 = tpu.vector_load %arg9[%get3A_590, %get3A_591] {strides = array<i32>} : memref<128x144xf32, #tpu.memory_space<vmem>>, vector<16xf32>,
          %mul3A_593 = arith.mulf %get3A_592, %gather3A_589 : vector<16xf32>
          %swap3A_594 = arith.index_cast %add3A_521 : i32 to index
          %swap3A_595 = arith.constant 96 : index
          %swap3A_596 = tpu.vector_load %arg9[%swap3A_594, %swap3A_595] {strides = array<i32>} : memref<128x144xf32, #tpu.memory_space<vmem>>, vector<16xf32>,
          tpu.vector_store %arg9[%swap3A_594, %swap3A_595], %mul3A_593 {strides = array<i32>} : memref<128x144xf32, #tpu.memory_space<vmem>>, vector<16xf32>,
          %get3A_597 = arith.index_cast %add3A_521 : i32 to index
          %get3A_598 = arith.constant 112 : index
          %get3A_599 = tpu.vector_load %arg9[%get3A_597, %get3A_598] {strides = array<i32>} : memref<128x144xf32, #tpu.memory_space<vmem>>, vector<16xf32>,
          %mul3A_600 = arith.mulf %get3A_599, %gather3A_589 : vector<16xf32>
          %swap3A_601 = arith.index_cast %add3A_521 : i32 to index
          %swap3A_602 = arith.constant 112 : index
          %swap3A_603 = tpu.vector_load %arg9[%swap3A_601, %swap3A_602] {strides = array<i32>} : memref<128x144xf32, #tpu.memory_space<vmem>>, vector<16xf32>,
          tpu.vector_store %arg9[%swap3A_601, %swap3A_602], %mul3A_600 {strides = array<i32>} : memref<128x144xf32, #tpu.memory_space<vmem>>, vector<16xf32>,
          %add3A_604 = arith.constant 5 : i32
          %add3A_605 = arith.addi %add3A_111, %add3A_604 : i32
          %broadcast_in_dim3A_606 = arith.constant 5 : i32
          %broadcast_in_dim3A_607 = vector.broadcast %broadcast_in_dim3A_606 : i32 to vector<16xi32>
          %gather3A_608 = tpu.vector_load_idx %arg15[%min3A_16, %broadcast_in_dim3A_607] : memref<4x16xf32, #tpu.memory_space<vmem>>[vector<16xi32>, vector<16xi32>], vector<16xf32>,
          %swap3A_609 = arith.index_cast %add3A_605 : i32 to index
          %swap3A_610 = arith.constant 128 : index
          %swap3A_611 = tpu.vector_load %arg9[%swap3A_609, %swap3A_610] {strides = array<i32>} : memref<128x144xf32, #tpu.memory_space<vmem>>, vector<16xf32>,
          tpu.vector_store %arg9[%swap3A_609, %swap3A_610], %gather3A_608 {strides = array<i32>} : memref<128x144xf32, #tpu.memory_space<vmem>>, vector<16xf32>,
          %broadcast_in_dim3A_612 = arith.constant 0 : i32
          %broadcast_in_dim3A_613 = vector.broadcast %broadcast_in_dim3A_612 : i32 to vector<16xi32>
          %broadcast_in_dim3A_614 = vector.shape_cast %broadcast_in_dim3A_613 : vector<16xi32> to vector<16x1xi32>
          %gather3A_615 = vector.shape_cast %broadcast_in_dim3A_614 : vector<16x1xi32> to vector<16xi32>
          %gather3A_616 = tpu.dynamic_gather %gather3A_608[%gather3A_615] in [0] : vector<16xf32>, vector<16xi32> -> vector<16xf32>
          %get3A_617 = arith.index_cast %add3A_605 : i32 to index
          %get3A_618 = arith.constant 0 : index
          %get3A_619 = tpu.vector_load %arg9[%get3A_617, %get3A_618] {strides = array<i32>} : memref<128x144xf32, #tpu.memory_space<vmem>>, vector<16xf32>,
          %mul3A_620 = arith.mulf %get3A_619, %gather3A_616 : vector<16xf32>
          %swap3A_621 = arith.index_cast %add3A_605 : i32 to index
          %swap3A_622 = arith.constant 0 : index
          %swap3A_623 = tpu.vector_load %arg9[%swap3A_621, %swap3A_622] {strides = array<i32>} : memref<128x144xf32, #tpu.memory_space<vmem>>, vector<16xf32>,
          tpu.vector_store %arg9[%swap3A_621, %swap3A_622], %mul3A_620 {strides = array<i32>} : memref<128x144xf32, #tpu.memory_space<vmem>>, vector<16xf32>,
          %get3A_624 = arith.index_cast %add3A_605 : i32 to index
          %get3A_625 = arith.constant 16 : index
          %get3A_626 = tpu.vector_load %arg9[%get3A_624, %get3A_625] {strides = array<i32>} : memref<128x144xf32, #tpu.memory_space<vmem>>, vector<16xf32>,
          %mul3A_627 = arith.mulf %get3A_626, %gather3A_616 : vector<16xf32>
          %swap3A_628 = arith.index_cast %add3A_605 : i32 to index
          %swap3A_629 = arith.constant 16 : index
          %swap3A_630 = tpu.vector_load %arg9[%swap3A_628, %swap3A_629] {strides = array<i32>} : memref<128x144xf32, #tpu.memory_space<vmem>>, vector<16xf32>,
          tpu.vector_store %arg9[%swap3A_628, %swap3A_629], %mul3A_627 {strides = array<i32>} : memref<128x144xf32, #tpu.memory_space<vmem>>, vector<16xf32>,
          %broadcast_in_dim3A_631 = arith.constant 1 : i32
          %broadcast_in_dim3A_632 = vector.broadcast %broadcast_in_dim3A_631 : i32 to vector<16xi32>
          %broadcast_in_dim3A_633 = vector.shape_cast %broadcast_in_dim3A_632 : vector<16xi32> to vector<16x1xi32>
          %gather3A_634 = vector.shape_cast %broadcast_in_dim3A_633 : vector<16x1xi32> to vector<16xi32>
          %gather3A_635 = tpu.dynamic_gather %gather3A_608[%gather3A_634] in [0] : vector<16xf32>, vector<16xi32> -> vector<16xf32>
          %get3A_636 = arith.index_cast %add3A_605 : i32 to index
          %get3A_637 = arith.constant 32 : index
          %get3A_638 = tpu.vector_load %arg9[%get3A_636, %get3A_637] {strides = array<i32>} : memref<128x144xf32, #tpu.memory_space<vmem>>, vector<16xf32>,
          %mul3A_639 = arith.mulf %get3A_638, %gather3A_635 : vector<16xf32>
          %swap3A_640 = arith.index_cast %add3A_605 : i32 to index
          %swap3A_641 = arith.constant 32 : index
          %swap3A_642 = tpu.vector_load %arg9[%swap3A_640, %swap3A_641] {strides = array<i32>} : memref<128x144xf32, #tpu.memory_space<vmem>>, vector<16xf32>,
          tpu.vector_store %arg9[%swap3A_640, %swap3A_641], %mul3A_639 {strides = array<i32>} : memref<128x144xf32, #tpu.memory_space<vmem>>, vector<16xf32>,
          %get3A_643 = arith.index_cast %add3A_605 : i32 to index
          %get3A_644 = arith.constant 48 : index
          %get3A_645 = tpu.vector_load %arg9[%get3A_643, %get3A_644] {strides = array<i32>} : memref<128x144xf32, #tpu.memory_space<vmem>>, vector<16xf32>,
          %mul3A_646 = arith.mulf %get3A_645, %gather3A_635 : vector<16xf32>
          %swap3A_647 = arith.index_cast %add3A_605 : i32 to index
          %swap3A_648 = arith.constant 48 : index
          %swap3A_649 = tpu.vector_load %arg9[%swap3A_647, %swap3A_648] {strides = array<i32>} : memref<128x144xf32, #tpu.memory_space<vmem>>, vector<16xf32>,
          tpu.vector_store %arg9[%swap3A_647, %swap3A_648], %mul3A_646 {strides = array<i32>} : memref<128x144xf32, #tpu.memory_space<vmem>>, vector<16xf32>,
          %broadcast_in_dim3A_650 = arith.constant 2 : i32
          %broadcast_in_dim3A_651 = vector.broadcast %broadcast_in_dim3A_650 : i32 to vector<16xi32>
          %broadcast_in_dim3A_652 = vector.shape_cast %broadcast_in_dim3A_651 : vector<16xi32> to vector<16x1xi32>
          %gather3A_653 = vector.shape_cast %broadcast_in_dim3A_652 : vector<16x1xi32> to vector<16xi32>
          %gather3A_654 = tpu.dynamic_gather %gather3A_608[%gather3A_653] in [0] : vector<16xf32>, vector<16xi32> -> vector<16xf32>
          %get3A_655 = arith.index_cast %add3A_605 : i32 to index
          %get3A_656 = arith.constant 64 : index
          %get3A_657 = tpu.vector_load %arg9[%get3A_655, %get3A_656] {strides = array<i32>} : memref<128x144xf32, #tpu.memory_space<vmem>>, vector<16xf32>,
          %mul3A_658 = arith.mulf %get3A_657, %gather3A_654 : vector<16xf32>
          %swap3A_659 = arith.index_cast %add3A_605 : i32 to index
          %swap3A_660 = arith.constant 64 : index
          %swap3A_661 = tpu.vector_load %arg9[%swap3A_659, %swap3A_660] {strides = array<i32>} : memref<128x144xf32, #tpu.memory_space<vmem>>, vector<16xf32>,
          tpu.vector_store %arg9[%swap3A_659, %swap3A_660], %mul3A_658 {strides = array<i32>} : memref<128x144xf32, #tpu.memory_space<vmem>>, vector<16xf32>,
          %get3A_662 = arith.index_cast %add3A_605 : i32 to index
          %get3A_663 = arith.constant 80 : index
          %get3A_664 = tpu.vector_load %arg9[%get3A_662, %get3A_663] {strides = array<i32>} : memref<128x144xf32, #tpu.memory_space<vmem>>, vector<16xf32>,
          %mul3A_665 = arith.mulf %get3A_664, %gather3A_654 : vector<16xf32>
          %swap3A_666 = arith.index_cast %add3A_605 : i32 to index
          %swap3A_667 = arith.constant 80 : index
          %swap3A_668 = tpu.vector_load %arg9[%swap3A_666, %swap3A_667] {strides = array<i32>} : memref<128x144xf32, #tpu.memory_space<vmem>>, vector<16xf32>,
          tpu.vector_store %arg9[%swap3A_666, %swap3A_667], %mul3A_665 {strides = array<i32>} : memref<128x144xf32, #tpu.memory_space<vmem>>, vector<16xf32>,
          %broadcast_in_dim3A_669 = arith.constant 3 : i32
          %broadcast_in_dim3A_670 = vector.broadcast %broadcast_in_dim3A_669 : i32 to vector<16xi32>
          %broadcast_in_dim3A_671 = vector.shape_cast %broadcast_in_dim3A_670 : vector<16xi32> to vector<16x1xi32>
          %gather3A_672 = vector.shape_cast %broadcast_in_dim3A_671 : vector<16x1xi32> to vector<16xi32>
          %gather3A_673 = tpu.dynamic_gather %gather3A_608[%gather3A_672] in [0] : vector<16xf32>, vector<16xi32> -> vector<16xf32>
          %get3A_674 = arith.index_cast %add3A_605 : i32 to index
          %get3A_675 = arith.constant 96 : index
          %get3A_676 = tpu.vector_load %arg9[%get3A_674, %get3A_675] {strides = array<i32>} : memref<128x144xf32, #tpu.memory_space<vmem>>, vector<16xf32>,
          %mul3A_677 = arith.mulf %get3A_676, %gather3A_673 : vector<16xf32>
          %swap3A_678 = arith.index_cast %add3A_605 : i32 to index
          %swap3A_679 = arith.constant 96 : index
          %swap3A_680 = tpu.vector_load %arg9[%swap3A_678, %swap3A_679] {strides = array<i32>} : memref<128x144xf32, #tpu.memory_space<vmem>>, vector<16xf32>,
          tpu.vector_store %arg9[%swap3A_678, %swap3A_679], %mul3A_677 {strides = array<i32>} : memref<128x144xf32, #tpu.memory_space<vmem>>, vector<16xf32>,
          %get3A_681 = arith.index_cast %add3A_605 : i32 to index
          %get3A_682 = arith.constant 112 : index
          %get3A_683 = tpu.vector_load %arg9[%get3A_681, %get3A_682] {strides = array<i32>} : memref<128x144xf32, #tpu.memory_space<vmem>>, vector<16xf32>,
          %mul3A_684 = arith.mulf %get3A_683, %gather3A_673 : vector<16xf32>
          %swap3A_685 = arith.index_cast %add3A_605 : i32 to index
          %swap3A_686 = arith.constant 112 : index
          %swap3A_687 = tpu.vector_load %arg9[%swap3A_685, %swap3A_686] {strides = array<i32>} : memref<128x144xf32, #tpu.memory_space<vmem>>, vector<16xf32>,
          tpu.vector_store %arg9[%swap3A_685, %swap3A_686], %mul3A_684 {strides = array<i32>} : memref<128x144xf32, #tpu.memory_space<vmem>>, vector<16xf32>,
          %add3A_688 = arith.constant 6 : i32
          %add3A_689 = arith.addi %add3A_111, %add3A_688 : i32
          %broadcast_in_dim3A_690 = arith.constant 6 : i32
          %broadcast_in_dim3A_691 = vector.broadcast %broadcast_in_dim3A_690 : i32 to vector<16xi32>
          %gather3A_692 = tpu.vector_load_idx %arg15[%min3A_16, %broadcast_in_dim3A_691] : memref<4x16xf32, #tpu.memory_space<vmem>>[vector<16xi32>, vector<16xi32>], vector<16xf32>,
          %swap3A_693 = arith.index_cast %add3A_689 : i32 to index
          %swap3A_694 = arith.constant 128 : index
          %swap3A_695 = tpu.vector_load %arg9[%swap3A_693, %swap3A_694] {strides = array<i32>} : memref<128x144xf32, #tpu.memory_space<vmem>>, vector<16xf32>,
          tpu.vector_store %arg9[%swap3A_693, %swap3A_694], %gather3A_692 {strides = array<i32>} : memref<128x144xf32, #tpu.memory_space<vmem>>, vector<16xf32>,
          %broadcast_in_dim3A_696 = arith.constant 0 : i32
          %broadcast_in_dim3A_697 = vector.broadcast %broadcast_in_dim3A_696 : i32 to vector<16xi32>
          %broadcast_in_dim3A_698 = vector.shape_cast %broadcast_in_dim3A_697 : vector<16xi32> to vector<16x1xi32>
          %gather3A_699 = vector.shape_cast %broadcast_in_dim3A_698 : vector<16x1xi32> to vector<16xi32>
          %gather3A_700 = tpu.dynamic_gather %gather3A_692[%gather3A_699] in [0] : vector<16xf32>, vector<16xi32> -> vector<16xf32>
          %get3A_701 = arith.index_cast %add3A_689 : i32 to index
          %get3A_702 = arith.constant 0 : index
          %get3A_703 = tpu.vector_load %arg9[%get3A_701, %get3A_702] {strides = array<i32>} : memref<128x144xf32, #tpu.memory_space<vmem>>, vector<16xf32>,
          %mul3A_704 = arith.mulf %get3A_703, %gather3A_700 : vector<16xf32>
          %swap3A_705 = arith.index_cast %add3A_689 : i32 to index
          %swap3A_706 = arith.constant 0 : index
          %swap3A_707 = tpu.vector_load %arg9[%swap3A_705, %swap3A_706] {strides = array<i32>} : memref<128x144xf32, #tpu.memory_space<vmem>>, vector<16xf32>,
          tpu.vector_store %arg9[%swap3A_705, %swap3A_706], %mul3A_704 {strides = array<i32>} : memref<128x144xf32, #tpu.memory_space<vmem>>, vector<16xf32>,
          %get3A_708 = arith.index_cast %add3A_689 : i32 to index
          %get3A_709 = arith.constant 16 : index
          %get3A_710 = tpu.vector_load %arg9[%get3A_708, %get3A_709] {strides = array<i32>} : memref<128x144xf32, #tpu.memory_space<vmem>>, vector<16xf32>,
          %mul3A_711 = arith.mulf %get3A_710, %gather3A_700 : vector<16xf32>
          %swap3A_712 = arith.index_cast %add3A_689 : i32 to index
          %swap3A_713 = arith.constant 16 : index
          %swap3A_714 = tpu.vector_load %arg9[%swap3A_712, %swap3A_713] {strides = array<i32>} : memref<128x144xf32, #tpu.memory_space<vmem>>, vector<16xf32>,
          tpu.vector_store %arg9[%swap3A_712, %swap3A_713], %mul3A_711 {strides = array<i32>} : memref<128x144xf32, #tpu.memory_space<vmem>>, vector<16xf32>,
          %broadcast_in_dim3A_715 = arith.constant 1 : i32
          %broadcast_in_dim3A_716 = vector.broadcast %broadcast_in_dim3A_715 : i32 to vector<16xi32>
          %broadcast_in_dim3A_717 = vector.shape_cast %broadcast_in_dim3A_716 : vector<16xi32> to vector<16x1xi32>
          %gather3A_718 = vector.shape_cast %broadcast_in_dim3A_717 : vector<16x1xi32> to vector<16xi32>
          %gather3A_719 = tpu.dynamic_gather %gather3A_692[%gather3A_718] in [0] : vector<16xf32>, vector<16xi32> -> vector<16xf32>
          %get3A_720 = arith.index_cast %add3A_689 : i32 to index
          %get3A_721 = arith.constant 32 : index
          %get3A_722 = tpu.vector_load %arg9[%get3A_720, %get3A_721] {strides = array<i32>} : memref<128x144xf32, #tpu.memory_space<vmem>>, vector<16xf32>,
          %mul3A_723 = arith.mulf %get3A_722, %gather3A_719 : vector<16xf32>
          %swap3A_724 = arith.index_cast %add3A_689 : i32 to index
          %swap3A_725 = arith.constant 32 : index
          %swap3A_726 = tpu.vector_load %arg9[%swap3A_724, %swap3A_725] {strides = array<i32>} : memref<128x144xf32, #tpu.memory_space<vmem>>, vector<16xf32>,
          tpu.vector_store %arg9[%swap3A_724, %swap3A_725], %mul3A_723 {strides = array<i32>} : memref<128x144xf32, #tpu.memory_space<vmem>>, vector<16xf32>,
          %get3A_727 = arith.index_cast %add3A_689 : i32 to index
          %get3A_728 = arith.constant 48 : index
          %get3A_729 = tpu.vector_load %arg9[%get3A_727, %get3A_728] {strides = array<i32>} : memref<128x144xf32, #tpu.memory_space<vmem>>, vector<16xf32>,
          %mul3A_730 = arith.mulf %get3A_729, %gather3A_719 : vector<16xf32>
          %swap3A_731 = arith.index_cast %add3A_689 : i32 to index
          %swap3A_732 = arith.constant 48 : index
          %swap3A_733 = tpu.vector_load %arg9[%swap3A_731, %swap3A_732] {strides = array<i32>} : memref<128x144xf32, #tpu.memory_space<vmem>>, vector<16xf32>,
          tpu.vector_store %arg9[%swap3A_731, %swap3A_732], %mul3A_730 {strides = array<i32>} : memref<128x144xf32, #tpu.memory_space<vmem>>, vector<16xf32>,
          %broadcast_in_dim3A_734 = arith.constant 2 : i32
          %broadcast_in_dim3A_735 = vector.broadcast %broadcast_in_dim3A_734 : i32 to vector<16xi32>
          %broadcast_in_dim3A_736 = vector.shape_cast %broadcast_in_dim3A_735 : vector<16xi32> to vector<16x1xi32>
          %gather3A_737 = vector.shape_cast %broadcast_in_dim3A_736 : vector<16x1xi32> to vector<16xi32>
          %gather3A_738 = tpu.dynamic_gather %gather3A_692[%gather3A_737] in [0] : vector<16xf32>, vector<16xi32> -> vector<16xf32>
          %get3A_739 = arith.index_cast %add3A_689 : i32 to index
          %get3A_740 = arith.constant 64 : index
          %get3A_741 = tpu.vector_load %arg9[%get3A_739, %get3A_740] {strides = array<i32>} : memref<128x144xf32, #tpu.memory_space<vmem>>, vector<16xf32>,
          %mul3A_742 = arith.mulf %get3A_741, %gather3A_738 : vector<16xf32>
          %swap3A_743 = arith.index_cast %add3A_689 : i32 to index
          %swap3A_744 = arith.constant 64 : index
          %swap3A_745 = tpu.vector_load %arg9[%swap3A_743, %swap3A_744] {strides = array<i32>} : memref<128x144xf32, #tpu.memory_space<vmem>>, vector<16xf32>,
          tpu.vector_store %arg9[%swap3A_743, %swap3A_744], %mul3A_742 {strides = array<i32>} : memref<128x144xf32, #tpu.memory_space<vmem>>, vector<16xf32>,
          %get3A_746 = arith.index_cast %add3A_689 : i32 to index
          %get3A_747 = arith.constant 80 : index
          %get3A_748 = tpu.vector_load %arg9[%get3A_746, %get3A_747] {strides = array<i32>} : memref<128x144xf32, #tpu.memory_space<vmem>>, vector<16xf32>,
          %mul3A_749 = arith.mulf %get3A_748, %gather3A_738 : vector<16xf32>
          %swap3A_750 = arith.index_cast %add3A_689 : i32 to index
          %swap3A_751 = arith.constant 80 : index
          %swap3A_752 = tpu.vector_load %arg9[%swap3A_750, %swap3A_751] {strides = array<i32>} : memref<128x144xf32, #tpu.memory_space<vmem>>, vector<16xf32>,
          tpu.vector_store %arg9[%swap3A_750, %swap3A_751], %mul3A_749 {strides = array<i32>} : memref<128x144xf32, #tpu.memory_space<vmem>>, vector<16xf32>,
          %broadcast_in_dim3A_753 = arith.constant 3 : i32
          %broadcast_in_dim3A_754 = vector.broadcast %broadcast_in_dim3A_753 : i32 to vector<16xi32>
          %broadcast_in_dim3A_755 = vector.shape_cast %broadcast_in_dim3A_754 : vector<16xi32> to vector<16x1xi32>
          %gather3A_756 = vector.shape_cast %broadcast_in_dim3A_755 : vector<16x1xi32> to vector<16xi32>
          %gather3A_757 = tpu.dynamic_gather %gather3A_692[%gather3A_756] in [0] : vector<16xf32>, vector<16xi32> -> vector<16xf32>
          %get3A_758 = arith.index_cast %add3A_689 : i32 to index
          %get3A_759 = arith.constant 96 : index
          %get3A_760 = tpu.vector_load %arg9[%get3A_758, %get3A_759] {strides = array<i32>} : memref<128x144xf32, #tpu.memory_space<vmem>>, vector<16xf32>,
          %mul3A_761 = arith.mulf %get3A_760, %gather3A_757 : vector<16xf32>
          %swap3A_762 = arith.index_cast %add3A_689 : i32 to index
          %swap3A_763 = arith.constant 96 : index
          %swap3A_764 = tpu.vector_load %arg9[%swap3A_762, %swap3A_763] {strides = array<i32>} : memref<128x144xf32, #tpu.memory_space<vmem>>, vector<16xf32>,
          tpu.vector_store %arg9[%swap3A_762, %swap3A_763], %mul3A_761 {strides = array<i32>} : memref<128x144xf32, #tpu.memory_space<vmem>>, vector<16xf32>,
          %get3A_765 = arith.index_cast %add3A_689 : i32 to index
          %get3A_766 = arith.constant 112 : index
          %get3A_767 = tpu.vector_load %arg9[%get3A_765, %get3A_766] {strides = array<i32>} : memref<128x144xf32, #tpu.memory_space<vmem>>, vector<16xf32>,
          %mul3A_768 = arith.mulf %get3A_767, %gather3A_757 : vector<16xf32>
          %swap3A_769 = arith.index_cast %add3A_689 : i32 to index
          %swap3A_770 = arith.constant 112 : index
          %swap3A_771 = tpu.vector_load %arg9[%swap3A_769, %swap3A_770] {strides = array<i32>} : memref<128x144xf32, #tpu.memory_space<vmem>>, vector<16xf32>,
          tpu.vector_store %arg9[%swap3A_769, %swap3A_770], %mul3A_768 {strides = array<i32>} : memref<128x144xf32, #tpu.memory_space<vmem>>, vector<16xf32>,
          %add3A_772 = arith.constant 7 : i32
          %add3A_773 = arith.addi %add3A_111, %add3A_772 : i32
          %broadcast_in_dim3A_774 = arith.constant 7 : i32
          %broadcast_in_dim3A_775 = vector.broadcast %broadcast_in_dim3A_774 : i32 to vector<16xi32>
          %gather3A_776 = tpu.vector_load_idx %arg15[%min3A_16, %broadcast_in_dim3A_775] : memref<4x16xf32, #tpu.memory_space<vmem>>[vector<16xi32>, vector<16xi32>], vector<16xf32>,
          %swap3A_777 = arith.index_cast %add3A_773 : i32 to index
          %swap3A_778 = arith.constant 128 : index
          %swap3A_779 = tpu.vector_load %arg9[%swap3A_777, %swap3A_778] {strides = array<i32>} : memref<128x144xf32, #tpu.memory_space<vmem>>, vector<16xf32>,
          tpu.vector_store %arg9[%swap3A_777, %swap3A_778], %gather3A_776 {strides = array<i32>} : memref<128x144xf32, #tpu.memory_space<vmem>>, vector<16xf32>,
          %broadcast_in_dim3A_780 = arith.constant 0 : i32
          %broadcast_in_dim3A_781 = vector.broadcast %broadcast_in_dim3A_780 : i32 to vector<16xi32>
          %broadcast_in_dim3A_782 = vector.shape_cast %broadcast_in_dim3A_781 : vector<16xi32> to vector<16x1xi32>
          %gather3A_783 = vector.shape_cast %broadcast_in_dim3A_782 : vector<16x1xi32> to vector<16xi32>
          %gather3A_784 = tpu.dynamic_gather %gather3A_776[%gather3A_783] in [0] : vector<16xf32>, vector<16xi32> -> vector<16xf32>
          %get3A_785 = arith.index_cast %add3A_773 : i32 to index
          %get3A_786 = arith.constant 0 : index
          %get3A_787 = tpu.vector_load %arg9[%get3A_785, %get3A_786] {strides = array<i32>} : memref<128x144xf32, #tpu.memory_space<vmem>>, vector<16xf32>,
          %mul3A_788 = arith.mulf %get3A_787, %gather3A_784 : vector<16xf32>
          %swap3A_789 = arith.index_cast %add3A_773 : i32 to index
          %swap3A_790 = arith.constant 0 : index
          %swap3A_791 = tpu.vector_load %arg9[%swap3A_789, %swap3A_790] {strides = array<i32>} : memref<128x144xf32, #tpu.memory_space<vmem>>, vector<16xf32>,
          tpu.vector_store %arg9[%swap3A_789, %swap3A_790], %mul3A_788 {strides = array<i32>} : memref<128x144xf32, #tpu.memory_space<vmem>>, vector<16xf32>,
          %get3A_792 = arith.index_cast %add3A_773 : i32 to index
          %get3A_793 = arith.constant 16 : index
          %get3A_794 = tpu.vector_load %arg9[%get3A_792, %get3A_793] {strides = array<i32>} : memref<128x144xf32, #tpu.memory_space<vmem>>, vector<16xf32>,
          %mul3A_795 = arith.mulf %get3A_794, %gather3A_784 : vector<16xf32>
          %swap3A_796 = arith.index_cast %add3A_773 : i32 to index
          %swap3A_797 = arith.constant 16 : index
          %swap3A_798 = tpu.vector_load %arg9[%swap3A_796, %swap3A_797] {strides = array<i32>} : memref<128x144xf32, #tpu.memory_space<vmem>>, vector<16xf32>,
          tpu.vector_store %arg9[%swap3A_796, %swap3A_797], %mul3A_795 {strides = array<i32>} : memref<128x144xf32, #tpu.memory_space<vmem>>, vector<16xf32>,
          %broadcast_in_dim3A_799 = arith.constant 1 : i32
          %broadcast_in_dim3A_800 = vector.broadcast %broadcast_in_dim3A_799 : i32 to vector<16xi32>
          %broadcast_in_dim3A_801 = vector.shape_cast %broadcast_in_dim3A_800 : vector<16xi32> to vector<16x1xi32>
          %gather3A_802 = vector.shape_cast %broadcast_in_dim3A_801 : vector<16x1xi32> to vector<16xi32>
          %gather3A_803 = tpu.dynamic_gather %gather3A_776[%gather3A_802] in [0] : vector<16xf32>, vector<16xi32> -> vector<16xf32>
          %get3A_804 = arith.index_cast %add3A_773 : i32 to index
          %get3A_805 = arith.constant 32 : index
          %get3A_806 = tpu.vector_load %arg9[%get3A_804, %get3A_805] {strides = array<i32>} : memref<128x144xf32, #tpu.memory_space<vmem>>, vector<16xf32>,
          %mul3A_807 = arith.mulf %get3A_806, %gather3A_803 : vector<16xf32>
          %swap3A_808 = arith.index_cast %add3A_773 : i32 to index
          %swap3A_809 = arith.constant 32 : index
          %swap3A_810 = tpu.vector_load %arg9[%swap3A_808, %swap3A_809] {strides = array<i32>} : memref<128x144xf32, #tpu.memory_space<vmem>>, vector<16xf32>,
          tpu.vector_store %arg9[%swap3A_808, %swap3A_809], %mul3A_807 {strides = array<i32>} : memref<128x144xf32, #tpu.memory_space<vmem>>, vector<16xf32>,
          %get3A_811 = arith.index_cast %add3A_773 : i32 to index
          %get3A_812 = arith.constant 48 : index
          %get3A_813 = tpu.vector_load %arg9[%get3A_811, %get3A_812] {strides = array<i32>} : memref<128x144xf32, #tpu.memory_space<vmem>>, vector<16xf32>,
          %mul3A_814 = arith.mulf %get3A_813, %gather3A_803 : vector<16xf32>
          %swap3A_815 = arith.index_cast %add3A_773 : i32 to index
          %swap3A_816 = arith.constant 48 : index
          %swap3A_817 = tpu.vector_load %arg9[%swap3A_815, %swap3A_816] {strides = array<i32>} : memref<128x144xf32, #tpu.memory_space<vmem>>, vector<16xf32>,
          tpu.vector_store %arg9[%swap3A_815, %swap3A_816], %mul3A_814 {strides = array<i32>} : memref<128x144xf32, #tpu.memory_space<vmem>>, vector<16xf32>,
          %broadcast_in_dim3A_818 = arith.constant 2 : i32
          %broadcast_in_dim3A_819 = vector.broadcast %broadcast_in_dim3A_818 : i32 to vector<16xi32>
          %broadcast_in_dim3A_820 = vector.shape_cast %broadcast_in_dim3A_819 : vector<16xi32> to vector<16x1xi32>
          %gather3A_821 = vector.shape_cast %broadcast_in_dim3A_820 : vector<16x1xi32> to vector<16xi32>
          %gather3A_822 = tpu.dynamic_gather %gather3A_776[%gather3A_821] in [0] : vector<16xf32>, vector<16xi32> -> vector<16xf32>
          %get3A_823 = arith.index_cast %add3A_773 : i32 to index
          %get3A_824 = arith.constant 64 : index
          %get3A_825 = tpu.vector_load %arg9[%get3A_823, %get3A_824] {strides = array<i32>} : memref<128x144xf32, #tpu.memory_space<vmem>>, vector<16xf32>,
          %mul3A_826 = arith.mulf %get3A_825, %gather3A_822 : vector<16xf32>
          %swap3A_827 = arith.index_cast %add3A_773 : i32 to index
          %swap3A_828 = arith.constant 64 : index
          %swap3A_829 = tpu.vector_load %arg9[%swap3A_827, %swap3A_828] {strides = array<i32>} : memref<128x144xf32, #tpu.memory_space<vmem>>, vector<16xf32>,
          tpu.vector_store %arg9[%swap3A_827, %swap3A_828], %mul3A_826 {strides = array<i32>} : memref<128x144xf32, #tpu.memory_space<vmem>>, vector<16xf32>,
          %get3A_830 = arith.index_cast %add3A_773 : i32 to index
          %get3A_831 = arith.constant 80 : index
          %get3A_832 = tpu.vector_load %arg9[%get3A_830, %get3A_831] {strides = array<i32>} : memref<128x144xf32, #tpu.memory_space<vmem>>, vector<16xf32>,
          %mul3A_833 = arith.mulf %get3A_832, %gather3A_822 : vector<16xf32>
          %swap3A_834 = arith.index_cast %add3A_773 : i32 to index
          %swap3A_835 = arith.constant 80 : index
          %swap3A_836 = tpu.vector_load %arg9[%swap3A_834, %swap3A_835] {strides = array<i32>} : memref<128x144xf32, #tpu.memory_space<vmem>>, vector<16xf32>,
          tpu.vector_store %arg9[%swap3A_834, %swap3A_835], %mul3A_833 {strides = array<i32>} : memref<128x144xf32, #tpu.memory_space<vmem>>, vector<16xf32>,
          %broadcast_in_dim3A_837 = arith.constant 3 : i32
          %broadcast_in_dim3A_838 = vector.broadcast %broadcast_in_dim3A_837 : i32 to vector<16xi32>
          %broadcast_in_dim3A_839 = vector.shape_cast %broadcast_in_dim3A_838 : vector<16xi32> to vector<16x1xi32>
          %gather3A_840 = vector.shape_cast %broadcast_in_dim3A_839 : vector<16x1xi32> to vector<16xi32>
          %gather3A_841 = tpu.dynamic_gather %gather3A_776[%gather3A_840] in [0] : vector<16xf32>, vector<16xi32> -> vector<16xf32>
          %get3A_842 = arith.index_cast %add3A_773 : i32 to index
          %get3A_843 = arith.constant 96 : index
          %get3A_844 = tpu.vector_load %arg9[%get3A_842, %get3A_843] {strides = array<i32>} : memref<128x144xf32, #tpu.memory_space<vmem>>, vector<16xf32>,
          %mul3A_845 = arith.mulf %get3A_844, %gather3A_841 : vector<16xf32>
          %swap3A_846 = arith.index_cast %add3A_773 : i32 to index
          %swap3A_847 = arith.constant 96 : index
          %swap3A_848 = tpu.vector_load %arg9[%swap3A_846, %swap3A_847] {strides = array<i32>} : memref<128x144xf32, #tpu.memory_space<vmem>>, vector<16xf32>,
          tpu.vector_store %arg9[%swap3A_846, %swap3A_847], %mul3A_845 {strides = array<i32>} : memref<128x144xf32, #tpu.memory_space<vmem>>, vector<16xf32>,
          %get3A_849 = arith.index_cast %add3A_773 : i32 to index
          %get3A_850 = arith.constant 112 : index
          %get3A_851 = tpu.vector_load %arg9[%get3A_849, %get3A_850] {strides = array<i32>} : memref<128x144xf32, #tpu.memory_space<vmem>>, vector<16xf32>,
          %mul3A_852 = arith.mulf %get3A_851, %gather3A_841 : vector<16xf32>
          %swap3A_853 = arith.index_cast %add3A_773 : i32 to index
          %swap3A_854 = arith.constant 112 : index
          %swap3A_855 = tpu.vector_load %arg9[%swap3A_853, %swap3A_854] {strides = array<i32>} : memref<128x144xf32, #tpu.memory_space<vmem>>, vector<16xf32>,
          tpu.vector_store %arg9[%swap3A_853, %swap3A_854], %mul3A_852 {strides = array<i32>} : memref<128x144xf32, #tpu.memory_space<vmem>>, vector<16xf32>,
          %add3A_856 = arith.constant 8 : i32
          %add3A_857 = arith.addi %add3A_111, %add3A_856 : i32
          %broadcast_in_dim3A_858 = arith.constant 8 : i32
          %broadcast_in_dim3A_859 = vector.broadcast %broadcast_in_dim3A_858 : i32 to vector<16xi32>
          %gather3A_860 = tpu.vector_load_idx %arg15[%min3A_16, %broadcast_in_dim3A_859] : memref<4x16xf32, #tpu.memory_space<vmem>>[vector<16xi32>, vector<16xi32>], vector<16xf32>,
          %swap3A_861 = arith.index_cast %add3A_857 : i32 to index
          %swap3A_862 = arith.constant 128 : index
          %swap3A_863 = tpu.vector_load %arg9[%swap3A_861, %swap3A_862] {strides = array<i32>} : memref<128x144xf32, #tpu.memory_space<vmem>>, vector<16xf32>,
          tpu.vector_store %arg9[%swap3A_861, %swap3A_862], %gather3A_860 {strides = array<i32>} : memref<128x144xf32, #tpu.memory_space<vmem>>, vector<16xf32>,
          %broadcast_in_dim3A_864 = arith.constant 0 : i32
          %broadcast_in_dim3A_865 = vector.broadcast %broadcast_in_dim3A_864 : i32 to vector<16xi32>
          %broadcast_in_dim3A_866 = vector.shape_cast %broadcast_in_dim3A_865 : vector<16xi32> to vector<16x1xi32>
          %gather3A_867 = vector.shape_cast %broadcast_in_dim3A_866 : vector<16x1xi32> to vector<16xi32>
          %gather3A_868 = tpu.dynamic_gather %gather3A_860[%gather3A_867] in [0] : vector<16xf32>, vector<16xi32> -> vector<16xf32>
          %get3A_869 = arith.index_cast %add3A_857 : i32 to index
          %get3A_870 = arith.constant 0 : index
          %get3A_871 = tpu.vector_load %arg9[%get3A_869, %get3A_870] {strides = array<i32>} : memref<128x144xf32, #tpu.memory_space<vmem>>, vector<16xf32>,
          %mul3A_872 = arith.mulf %get3A_871, %gather3A_868 : vector<16xf32>
          %swap3A_873 = arith.index_cast %add3A_857 : i32 to index
          %swap3A_874 = arith.constant 0 : index
          %swap3A_875 = tpu.vector_load %arg9[%swap3A_873, %swap3A_874] {strides = array<i32>} : memref<128x144xf32, #tpu.memory_space<vmem>>, vector<16xf32>,
          tpu.vector_store %arg9[%swap3A_873, %swap3A_874], %mul3A_872 {strides = array<i32>} : memref<128x144xf32, #tpu.memory_space<vmem>>, vector<16xf32>,
          %get3A_876 = arith.index_cast %add3A_857 : i32 to index
          %get3A_877 = arith.constant 16 : index
          %get3A_878 = tpu.vector_load %arg9[%get3A_876, %get3A_877] {strides = array<i32>} : memref<128x144xf32, #tpu.memory_space<vmem>>, vector<16xf32>,
          %mul3A_879 = arith.mulf %get3A_878, %gather3A_868 : vector<16xf32>
          %swap3A_880 = arith.index_cast %add3A_857 : i32 to index
          %swap3A_881 = arith.constant 16 : index
          %swap3A_882 = tpu.vector_load %arg9[%swap3A_880, %swap3A_881] {strides = array<i32>} : memref<128x144xf32, #tpu.memory_space<vmem>>, vector<16xf32>,
          tpu.vector_store %arg9[%swap3A_880, %swap3A_881], %mul3A_879 {strides = array<i32>} : memref<128x144xf32, #tpu.memory_space<vmem>>, vector<16xf32>,
          %broadcast_in_dim3A_883 = arith.constant 1 : i32
          %broadcast_in_dim3A_884 = vector.broadcast %broadcast_in_dim3A_883 : i32 to vector<16xi32>
          %broadcast_in_dim3A_885 = vector.shape_cast %broadcast_in_dim3A_884 : vector<16xi32> to vector<16x1xi32>
          %gather3A_886 = vector.shape_cast %broadcast_in_dim3A_885 : vector<16x1xi32> to vector<16xi32>
          %gather3A_887 = tpu.dynamic_gather %gather3A_860[%gather3A_886] in [0] : vector<16xf32>, vector<16xi32> -> vector<16xf32>
          %get3A_888 = arith.index_cast %add3A_857 : i32 to index
          %get3A_889 = arith.constant 32 : index
          %get3A_890 = tpu.vector_load %arg9[%get3A_888, %get3A_889] {strides = array<i32>} : memref<128x144xf32, #tpu.memory_space<vmem>>, vector<16xf32>,
          %mul3A_891 = arith.mulf %get3A_890, %gather3A_887 : vector<16xf32>
          %swap3A_892 = arith.index_cast %add3A_857 : i32 to index
          %swap3A_893 = arith.constant 32 : index
          %swap3A_894 = tpu.vector_load %arg9[%swap3A_892, %swap3A_893] {strides = array<i32>} : memref<128x144xf32, #tpu.memory_space<vmem>>, vector<16xf32>,
          tpu.vector_store %arg9[%swap3A_892, %swap3A_893], %mul3A_891 {strides = array<i32>} : memref<128x144xf32, #tpu.memory_space<vmem>>, vector<16xf32>,
          %get3A_895 = arith.index_cast %add3A_857 : i32 to index
          %get3A_896 = arith.constant 48 : index
          %get3A_897 = tpu.vector_load %arg9[%get3A_895, %get3A_896] {strides = array<i32>} : memref<128x144xf32, #tpu.memory_space<vmem>>, vector<16xf32>,
          %mul3A_898 = arith.mulf %get3A_897, %gather3A_887 : vector<16xf32>
          %swap3A_899 = arith.index_cast %add3A_857 : i32 to index
          %swap3A_900 = arith.constant 48 : index
          %swap3A_901 = tpu.vector_load %arg9[%swap3A_899, %swap3A_900] {strides = array<i32>} : memref<128x144xf32, #tpu.memory_space<vmem>>, vector<16xf32>,
          tpu.vector_store %arg9[%swap3A_899, %swap3A_900], %mul3A_898 {strides = array<i32>} : memref<128x144xf32, #tpu.memory_space<vmem>>, vector<16xf32>,
          %broadcast_in_dim3A_902 = arith.constant 2 : i32
          %broadcast_in_dim3A_903 = vector.broadcast %broadcast_in_dim3A_902 : i32 to vector<16xi32>
          %broadcast_in_dim3A_904 = vector.shape_cast %broadcast_in_dim3A_903 : vector<16xi32> to vector<16x1xi32>
          %gather3A_905 = vector.shape_cast %broadcast_in_dim3A_904 : vector<16x1xi32> to vector<16xi32>
          %gather3A_906 = tpu.dynamic_gather %gather3A_860[%gather3A_905] in [0] : vector<16xf32>, vector<16xi32> -> vector<16xf32>
          %get3A_907 = arith.index_cast %add3A_857 : i32 to index
          %get3A_908 = arith.constant 64 : index
          %get3A_909 = tpu.vector_load %arg9[%get3A_907, %get3A_908] {strides = array<i32>} : memref<128x144xf32, #tpu.memory_space<vmem>>, vector<16xf32>,
          %mul3A_910 = arith.mulf %get3A_909, %gather3A_906 : vector<16xf32>
          %swap3A_911 = arith.index_cast %add3A_857 : i32 to index
          %swap3A_912 = arith.constant 64 : index
          %swap3A_913 = tpu.vector_load %arg9[%swap3A_911, %swap3A_912] {strides = array<i32>} : memref<128x144xf32, #tpu.memory_space<vmem>>, vector<16xf32>,
          tpu.vector_store %arg9[%swap3A_911, %swap3A_912], %mul3A_910 {strides = array<i32>} : memref<128x144xf32, #tpu.memory_space<vmem>>, vector<16xf32>,
          %get3A_914 = arith.index_cast %add3A_857 : i32 to index
          %get3A_915 = arith.constant 80 : index
          %get3A_916 = tpu.vector_load %arg9[%get3A_914, %get3A_915] {strides = array<i32>} : memref<128x144xf32, #tpu.memory_space<vmem>>, vector<16xf32>,
          %mul3A_917 = arith.mulf %get3A_916, %gather3A_906 : vector<16xf32>
          %swap3A_918 = arith.index_cast %add3A_857 : i32 to index
          %swap3A_919 = arith.constant 80 : index
          %swap3A_920 = tpu.vector_load %arg9[%swap3A_918, %swap3A_919] {strides = array<i32>} : memref<128x144xf32, #tpu.memory_space<vmem>>, vector<16xf32>,
          tpu.vector_store %arg9[%swap3A_918, %swap3A_919], %mul3A_917 {strides = array<i32>} : memref<128x144xf32, #tpu.memory_space<vmem>>, vector<16xf32>,
          %broadcast_in_dim3A_921 = arith.constant 3 : i32
          %broadcast_in_dim3A_922 = vector.broadcast %broadcast_in_dim3A_921 : i32 to vector<16xi32>
          %broadcast_in_dim3A_923 = vector.shape_cast %broadcast_in_dim3A_922 : vector<16xi32> to vector<16x1xi32>
          %gather3A_924 = vector.shape_cast %broadcast_in_dim3A_923 : vector<16x1xi32> to vector<16xi32>
          %gather3A_925 = tpu.dynamic_gather %gather3A_860[%gather3A_924] in [0] : vector<16xf32>, vector<16xi32> -> vector<16xf32>
          %get3A_926 = arith.index_cast %add3A_857 : i32 to index
          %get3A_927 = arith.constant 96 : index
          %get3A_928 = tpu.vector_load %arg9[%get3A_926, %get3A_927] {strides = array<i32>} : memref<128x144xf32, #tpu.memory_space<vmem>>, vector<16xf32>,
          %mul3A_929 = arith.mulf %get3A_928, %gather3A_925 : vector<16xf32>
          %swap3A_930 = arith.index_cast %add3A_857 : i32 to index
          %swap3A_931 = arith.constant 96 : index
          %swap3A_932 = tpu.vector_load %arg9[%swap3A_930, %swap3A_931] {strides = array<i32>} : memref<128x144xf32, #tpu.memory_space<vmem>>, vector<16xf32>,
          tpu.vector_store %arg9[%swap3A_930, %swap3A_931], %mul3A_929 {strides = array<i32>} : memref<128x144xf32, #tpu.memory_space<vmem>>, vector<16xf32>,
          %get3A_933 = arith.index_cast %add3A_857 : i32 to index
          %get3A_934 = arith.constant 112 : index
          %get3A_935 = tpu.vector_load %arg9[%get3A_933, %get3A_934] {strides = array<i32>} : memref<128x144xf32, #tpu.memory_space<vmem>>, vector<16xf32>,
          %mul3A_936 = arith.mulf %get3A_935, %gather3A_925 : vector<16xf32>
          %swap3A_937 = arith.index_cast %add3A_857 : i32 to index
          %swap3A_938 = arith.constant 112 : index
          %swap3A_939 = tpu.vector_load %arg9[%swap3A_937, %swap3A_938] {strides = array<i32>} : memref<128x144xf32, #tpu.memory_space<vmem>>, vector<16xf32>,
          tpu.vector_store %arg9[%swap3A_937, %swap3A_938], %mul3A_936 {strides = array<i32>} : memref<128x144xf32, #tpu.memory_space<vmem>>, vector<16xf32>,
          %add3A_940 = arith.constant 9 : i32
          %add3A_941 = arith.addi %add3A_111, %add3A_940 : i32
          %broadcast_in_dim3A_942 = arith.constant 9 : i32
          %broadcast_in_dim3A_943 = vector.broadcast %broadcast_in_dim3A_942 : i32 to vector<16xi32>
          %gather3A_944 = tpu.vector_load_idx %arg15[%min3A_16, %broadcast_in_dim3A_943] : memref<4x16xf32, #tpu.memory_space<vmem>>[vector<16xi32>, vector<16xi32>], vector<16xf32>,
          %swap3A_945 = arith.index_cast %add3A_941 : i32 to index
          %swap3A_946 = arith.constant 128 : index
          %swap3A_947 = tpu.vector_load %arg9[%swap3A_945, %swap3A_946] {strides = array<i32>} : memref<128x144xf32, #tpu.memory_space<vmem>>, vector<16xf32>,
          tpu.vector_store %arg9[%swap3A_945, %swap3A_946], %gather3A_944 {strides = array<i32>} : memref<128x144xf32, #tpu.memory_space<vmem>>, vector<16xf32>,
          %broadcast_in_dim3A_948 = arith.constant 0 : i32
          %broadcast_in_dim3A_949 = vector.broadcast %broadcast_in_dim3A_948 : i32 to vector<16xi32>
          %broadcast_in_dim3A_950 = vector.shape_cast %broadcast_in_dim3A_949 : vector<16xi32> to vector<16x1xi32>
          %gather3A_951 = vector.shape_cast %broadcast_in_dim3A_950 : vector<16x1xi32> to vector<16xi32>
          %gather3A_952 = tpu.dynamic_gather %gather3A_944[%gather3A_951] in [0] : vector<16xf32>, vector<16xi32> -> vector<16xf32>
          %get3A_953 = arith.index_cast %add3A_941 : i32 to index
          %get3A_954 = arith.constant 0 : index
          %get3A_955 = tpu.vector_load %arg9[%get3A_953, %get3A_954] {strides = array<i32>} : memref<128x144xf32, #tpu.memory_space<vmem>>, vector<16xf32>,
          %mul3A_956 = arith.mulf %get3A_955, %gather3A_952 : vector<16xf32>
          %swap3A_957 = arith.index_cast %add3A_941 : i32 to index
          %swap3A_958 = arith.constant 0 : index
          %swap3A_959 = tpu.vector_load %arg9[%swap3A_957, %swap3A_958] {strides = array<i32>} : memref<128x144xf32, #tpu.memory_space<vmem>>, vector<16xf32>,
          tpu.vector_store %arg9[%swap3A_957, %swap3A_958], %mul3A_956 {strides = array<i32>} : memref<128x144xf32, #tpu.memory_space<vmem>>, vector<16xf32>,
          %get3A_960 = arith.index_cast %add3A_941 : i32 to index
          %get3A_961 = arith.constant 16 : index
          %get3A_962 = tpu.vector_load %arg9[%get3A_960, %get3A_961] {strides = array<i32>} : memref<128x144xf32, #tpu.memory_space<vmem>>, vector<16xf32>,
          %mul3A_963 = arith.mulf %get3A_962, %gather3A_952 : vector<16xf32>
          %swap3A_964 = arith.index_cast %add3A_941 : i32 to index
          %swap3A_965 = arith.constant 16 : index
          %swap3A_966 = tpu.vector_load %arg9[%swap3A_964, %swap3A_965] {strides = array<i32>} : memref<128x144xf32, #tpu.memory_space<vmem>>, vector<16xf32>,
          tpu.vector_store %arg9[%swap3A_964, %swap3A_965], %mul3A_963 {strides = array<i32>} : memref<128x144xf32, #tpu.memory_space<vmem>>, vector<16xf32>,
          %broadcast_in_dim3A_967 = arith.constant 1 : i32
          %broadcast_in_dim3A_968 = vector.broadcast %broadcast_in_dim3A_967 : i32 to vector<16xi32>
          %broadcast_in_dim3A_969 = vector.shape_cast %broadcast_in_dim3A_968 : vector<16xi32> to vector<16x1xi32>
          %gather3A_970 = vector.shape_cast %broadcast_in_dim3A_969 : vector<16x1xi32> to vector<16xi32>
          %gather3A_971 = tpu.dynamic_gather %gather3A_944[%gather3A_970] in [0] : vector<16xf32>, vector<16xi32> -> vector<16xf32>
          %get3A_972 = arith.index_cast %add3A_941 : i32 to index
          %get3A_973 = arith.constant 32 : index
          %get3A_974 = tpu.vector_load %arg9[%get3A_972, %get3A_973] {strides = array<i32>} : memref<128x144xf32, #tpu.memory_space<vmem>>, vector<16xf32>,
          %mul3A_975 = arith.mulf %get3A_974, %gather3A_971 : vector<16xf32>
          %swap3A_976 = arith.index_cast %add3A_941 : i32 to index
          %swap3A_977 = arith.constant 32 : index
          %swap3A_978 = tpu.vector_load %arg9[%swap3A_976, %swap3A_977] {strides = array<i32>} : memref<128x144xf32, #tpu.memory_space<vmem>>, vector<16xf32>,
          tpu.vector_store %arg9[%swap3A_976, %swap3A_977], %mul3A_975 {strides = array<i32>} : memref<128x144xf32, #tpu.memory_space<vmem>>, vector<16xf32>,
          %get3A_979 = arith.index_cast %add3A_941 : i32 to index
          %get3A_980 = arith.constant 48 : index
          %get3A_981 = tpu.vector_load %arg9[%get3A_979, %get3A_980] {strides = array<i32>} : memref<128x144xf32, #tpu.memory_space<vmem>>, vector<16xf32>,
          %mul3A_982 = arith.mulf %get3A_981, %gather3A_971 : vector<16xf32>
          %swap3A_983 = arith.index_cast %add3A_941 : i32 to index
          %swap3A_984 = arith.constant 48 : index
          %swap3A_985 = tpu.vector_load %arg9[%swap3A_983, %swap3A_984] {strides = array<i32>} : memref<128x144xf32, #tpu.memory_space<vmem>>, vector<16xf32>,
          tpu.vector_store %arg9[%swap3A_983, %swap3A_984], %mul3A_982 {strides = array<i32>} : memref<128x144xf32, #tpu.memory_space<vmem>>, vector<16xf32>,
          %broadcast_in_dim3A_986 = arith.constant 2 : i32
          %broadcast_in_dim3A_987 = vector.broadcast %broadcast_in_dim3A_986 : i32 to vector<16xi32>
          %broadcast_in_dim3A_988 = vector.shape_cast %broadcast_in_dim3A_987 : vector<16xi32> to vector<16x1xi32>
          %gather3A_989 = vector.shape_cast %broadcast_in_dim3A_988 : vector<16x1xi32> to vector<16xi32>
          %gather3A_990 = tpu.dynamic_gather %gather3A_944[%gather3A_989] in [0] : vector<16xf32>, vector<16xi32> -> vector<16xf32>
          %get3A_991 = arith.index_cast %add3A_941 : i32 to index
          %get3A_992 = arith.constant 64 : index
          %get3A_993 = tpu.vector_load %arg9[%get3A_991, %get3A_992] {strides = array<i32>} : memref<128x144xf32, #tpu.memory_space<vmem>>, vector<16xf32>,
          %mul3A_994 = arith.mulf %get3A_993, %gather3A_990 : vector<16xf32>
          %swap3A_995 = arith.index_cast %add3A_941 : i32 to index
          %swap3A_996 = arith.constant 64 : index
          %swap3A_997 = tpu.vector_load %arg9[%swap3A_995, %swap3A_996] {strides = array<i32>} : memref<128x144xf32, #tpu.memory_space<vmem>>, vector<16xf32>,
          tpu.vector_store %arg9[%swap3A_995, %swap3A_996], %mul3A_994 {strides = array<i32>} : memref<128x144xf32, #tpu.memory_space<vmem>>, vector<16xf32>,
          %get3A_998 = arith.index_cast %add3A_941 : i32 to index
          %get3A_999 = arith.constant 80 : index
          %get3A_1000 = tpu.vector_load %arg9[%get3A_998, %get3A_999] {strides = array<i32>} : memref<128x144xf32, #tpu.memory_space<vmem>>, vector<16xf32>,
          %mul3A_1001 = arith.mulf %get3A_1000, %gather3A_990 : vector<16xf32>
          %swap3A_1002 = arith.index_cast %add3A_941 : i32 to index
          %swap3A_1003 = arith.constant 80 : index
          %swap3A_1004 = tpu.vector_load %arg9[%swap3A_1002, %swap3A_1003] {strides = array<i32>} : memref<128x144xf32, #tpu.memory_space<vmem>>, vector<16xf32>,
          tpu.vector_store %arg9[%swap3A_1002, %swap3A_1003], %mul3A_1001 {strides = array<i32>} : memref<128x144xf32, #tpu.memory_space<vmem>>, vector<16xf32>,
          %broadcast_in_dim3A_1005 = arith.constant 3 : i32
          %broadcast_in_dim3A_1006 = vector.broadcast %broadcast_in_dim3A_1005 : i32 to vector<16xi32>
          %broadcast_in_dim3A_1007 = vector.shape_cast %broadcast_in_dim3A_1006 : vector<16xi32> to vector<16x1xi32>
          %gather3A_1008 = vector.shape_cast %broadcast_in_dim3A_1007 : vector<16x1xi32> to vector<16xi32>
          %gather3A_1009 = tpu.dynamic_gather %gather3A_944[%gather3A_1008] in [0] : vector<16xf32>, vector<16xi32> -> vector<16xf32>
          %get3A_1010 = arith.index_cast %add3A_941 : i32 to index
          %get3A_1011 = arith.constant 96 : index
          %get3A_1012 = tpu.vector_load %arg9[%get3A_1010, %get3A_1011] {strides = array<i32>} : memref<128x144xf32, #tpu.memory_space<vmem>>, vector<16xf32>,
          %mul3A_1013 = arith.mulf %get3A_1012, %gather3A_1009 : vector<16xf32>
          %swap3A_1014 = arith.index_cast %add3A_941 : i32 to index
          %swap3A_1015 = arith.constant 96 : index
          %swap3A_1016 = tpu.vector_load %arg9[%swap3A_1014, %swap3A_1015] {strides = array<i32>} : memref<128x144xf32, #tpu.memory_space<vmem>>, vector<16xf32>,
          tpu.vector_store %arg9[%swap3A_1014, %swap3A_1015], %mul3A_1013 {strides = array<i32>} : memref<128x144xf32, #tpu.memory_space<vmem>>, vector<16xf32>,
          %get3A_1017 = arith.index_cast %add3A_941 : i32 to index
          %get3A_1018 = arith.constant 112 : index
          %get3A_1019 = tpu.vector_load %arg9[%get3A_1017, %get3A_1018] {strides = array<i32>} : memref<128x144xf32, #tpu.memory_space<vmem>>, vector<16xf32>,
          %mul3A_1020 = arith.mulf %get3A_1019, %gather3A_1009 : vector<16xf32>
          %swap3A_1021 = arith.index_cast %add3A_941 : i32 to index
          %swap3A_1022 = arith.constant 112 : index
          %swap3A_1023 = tpu.vector_load %arg9[%swap3A_1021, %swap3A_1022] {strides = array<i32>} : memref<128x144xf32, #tpu.memory_space<vmem>>, vector<16xf32>,
          tpu.vector_store %arg9[%swap3A_1021, %swap3A_1022], %mul3A_1020 {strides = array<i32>} : memref<128x144xf32, #tpu.memory_space<vmem>>, vector<16xf32>,
          %add3A_1024 = arith.constant 10 : i32
          %add3A_1025 = arith.addi %add3A_111, %add3A_1024 : i32
          %broadcast_in_dim3A_1026 = arith.constant 10 : i32
          %broadcast_in_dim3A_1027 = vector.broadcast %broadcast_in_dim3A_1026 : i32 to vector<16xi32>
          %gather3A_1028 = tpu.vector_load_idx %arg15[%min3A_16, %broadcast_in_dim3A_1027] : memref<4x16xf32, #tpu.memory_space<vmem>>[vector<16xi32>, vector<16xi32>], vector<16xf32>,
          %swap3A_1029 = arith.index_cast %add3A_1025 : i32 to index
          %swap3A_1030 = arith.constant 128 : index
          %swap3A_1031 = tpu.vector_load %arg9[%swap3A_1029, %swap3A_1030] {strides = array<i32>} : memref<128x144xf32, #tpu.memory_space<vmem>>, vector<16xf32>,
          tpu.vector_store %arg9[%swap3A_1029, %swap3A_1030], %gather3A_1028 {strides = array<i32>} : memref<128x144xf32, #tpu.memory_space<vmem>>, vector<16xf32>,
          %broadcast_in_dim3A_1032 = arith.constant 0 : i32
          %broadcast_in_dim3A_1033 = vector.broadcast %broadcast_in_dim3A_1032 : i32 to vector<16xi32>
          %broadcast_in_dim3A_1034 = vector.shape_cast %broadcast_in_dim3A_1033 : vector<16xi32> to vector<16x1xi32>
          %gather3A_1035 = vector.shape_cast %broadcast_in_dim3A_1034 : vector<16x1xi32> to vector<16xi32>
          %gather3A_1036 = tpu.dynamic_gather %gather3A_1028[%gather3A_1035] in [0] : vector<16xf32>, vector<16xi32> -> vector<16xf32>
          %get3A_1037 = arith.index_cast %add3A_1025 : i32 to index
          %get3A_1038 = arith.constant 0 : index
          %get3A_1039 = tpu.vector_load %arg9[%get3A_1037, %get3A_1038] {strides = array<i32>} : memref<128x144xf32, #tpu.memory_space<vmem>>, vector<16xf32>,
          %mul3A_1040 = arith.mulf %get3A_1039, %gather3A_1036 : vector<16xf32>
          %swap3A_1041 = arith.index_cast %add3A_1025 : i32 to index
          %swap3A_1042 = arith.constant 0 : index
          %swap3A_1043 = tpu.vector_load %arg9[%swap3A_1041, %swap3A_1042] {strides = array<i32>} : memref<128x144xf32, #tpu.memory_space<vmem>>, vector<16xf32>,
          tpu.vector_store %arg9[%swap3A_1041, %swap3A_1042], %mul3A_1040 {strides = array<i32>} : memref<128x144xf32, #tpu.memory_space<vmem>>, vector<16xf32>,
          %get3A_1044 = arith.index_cast %add3A_1025 : i32 to index
          %get3A_1045 = arith.constant 16 : index
          %get3A_1046 = tpu.vector_load %arg9[%get3A_1044, %get3A_1045] {strides = array<i32>} : memref<128x144xf32, #tpu.memory_space<vmem>>, vector<16xf32>,
          %mul3A_1047 = arith.mulf %get3A_1046, %gather3A_1036 : vector<16xf32>
          %swap3A_1048 = arith.index_cast %add3A_1025 : i32 to index
          %swap3A_1049 = arith.constant 16 : index
          %swap3A_1050 = tpu.vector_load %arg9[%swap3A_1048, %swap3A_1049] {strides = array<i32>} : memref<128x144xf32, #tpu.memory_space<vmem>>, vector<16xf32>,
          tpu.vector_store %arg9[%swap3A_1048, %swap3A_1049], %mul3A_1047 {strides = array<i32>} : memref<128x144xf32, #tpu.memory_space<vmem>>, vector<16xf32>,
          %broadcast_in_dim3A_1051 = arith.constant 1 : i32
          %broadcast_in_dim3A_1052 = vector.broadcast %broadcast_in_dim3A_1051 : i32 to vector<16xi32>
          %broadcast_in_dim3A_1053 = vector.shape_cast %broadcast_in_dim3A_1052 : vector<16xi32> to vector<16x1xi32>
          %gather3A_1054 = vector.shape_cast %broadcast_in_dim3A_1053 : vector<16x1xi32> to vector<16xi32>
          %gather3A_1055 = tpu.dynamic_gather %gather3A_1028[%gather3A_1054] in [0] : vector<16xf32>, vector<16xi32> -> vector<16xf32>
          %get3A_1056 = arith.index_cast %add3A_1025 : i32 to index
          %get3A_1057 = arith.constant 32 : index
          %get3A_1058 = tpu.vector_load %arg9[%get3A_1056, %get3A_1057] {strides = array<i32>} : memref<128x144xf32, #tpu.memory_space<vmem>>, vector<16xf32>,
          %mul3A_1059 = arith.mulf %get3A_1058, %gather3A_1055 : vector<16xf32>
          %swap3A_1060 = arith.index_cast %add3A_1025 : i32 to index
          %swap3A_1061 = arith.constant 32 : index
          %swap3A_1062 = tpu.vector_load %arg9[%swap3A_1060, %swap3A_1061] {strides = array<i32>} : memref<128x144xf32, #tpu.memory_space<vmem>>, vector<16xf32>,
          tpu.vector_store %arg9[%swap3A_1060, %swap3A_1061], %mul3A_1059 {strides = array<i32>} : memref<128x144xf32, #tpu.memory_space<vmem>>, vector<16xf32>,
          %get3A_1063 = arith.index_cast %add3A_1025 : i32 to index
          %get3A_1064 = arith.constant 48 : index
          %get3A_1065 = tpu.vector_load %arg9[%get3A_1063, %get3A_1064] {strides = array<i32>} : memref<128x144xf32, #tpu.memory_space<vmem>>, vector<16xf32>,
          %mul3A_1066 = arith.mulf %get3A_1065, %gather3A_1055 : vector<16xf32>
          %swap3A_1067 = arith.index_cast %add3A_1025 : i32 to index
          %swap3A_1068 = arith.constant 48 : index
          %swap3A_1069 = tpu.vector_load %arg9[%swap3A_1067, %swap3A_1068] {strides = array<i32>} : memref<128x144xf32, #tpu.memory_space<vmem>>, vector<16xf32>,
          tpu.vector_store %arg9[%swap3A_1067, %swap3A_1068], %mul3A_1066 {strides = array<i32>} : memref<128x144xf32, #tpu.memory_space<vmem>>, vector<16xf32>,
          %broadcast_in_dim3A_1070 = arith.constant 2 : i32
          %broadcast_in_dim3A_1071 = vector.broadcast %broadcast_in_dim3A_1070 : i32 to vector<16xi32>
          %broadcast_in_dim3A_1072 = vector.shape_cast %broadcast_in_dim3A_1071 : vector<16xi32> to vector<16x1xi32>
          %gather3A_1073 = vector.shape_cast %broadcast_in_dim3A_1072 : vector<16x1xi32> to vector<16xi32>
          %gather3A_1074 = tpu.dynamic_gather %gather3A_1028[%gather3A_1073] in [0] : vector<16xf32>, vector<16xi32> -> vector<16xf32>
          %get3A_1075 = arith.index_cast %add3A_1025 : i32 to index
          %get3A_1076 = arith.constant 64 : index
          %get3A_1077 = tpu.vector_load %arg9[%get3A_1075, %get3A_1076] {strides = array<i32>} : memref<128x144xf32, #tpu.memory_space<vmem>>, vector<16xf32>,
          %mul3A_1078 = arith.mulf %get3A_1077, %gather3A_1074 : vector<16xf32>
          %swap3A_1079 = arith.index_cast %add3A_1025 : i32 to index
          %swap3A_1080 = arith.constant 64 : index
          %swap3A_1081 = tpu.vector_load %arg9[%swap3A_1079, %swap3A_1080] {strides = array<i32>} : memref<128x144xf32, #tpu.memory_space<vmem>>, vector<16xf32>,
          tpu.vector_store %arg9[%swap3A_1079, %swap3A_1080], %mul3A_1078 {strides = array<i32>} : memref<128x144xf32, #tpu.memory_space<vmem>>, vector<16xf32>,
          %get3A_1082 = arith.index_cast %add3A_1025 : i32 to index
          %get3A_1083 = arith.constant 80 : index
          %get3A_1084 = tpu.vector_load %arg9[%get3A_1082, %get3A_1083] {strides = array<i32>} : memref<128x144xf32, #tpu.memory_space<vmem>>, vector<16xf32>,
          %mul3A_1085 = arith.mulf %get3A_1084, %gather3A_1074 : vector<16xf32>
          %swap3A_1086 = arith.index_cast %add3A_1025 : i32 to index
          %swap3A_1087 = arith.constant 80 : index
          %swap3A_1088 = tpu.vector_load %arg9[%swap3A_1086, %swap3A_1087] {strides = array<i32>} : memref<128x144xf32, #tpu.memory_space<vmem>>, vector<16xf32>,
          tpu.vector_store %arg9[%swap3A_1086, %swap3A_1087], %mul3A_1085 {strides = array<i32>} : memref<128x144xf32, #tpu.memory_space<vmem>>, vector<16xf32>,
          %broadcast_in_dim3A_1089 = arith.constant 3 : i32
          %broadcast_in_dim3A_1090 = vector.broadcast %broadcast_in_dim3A_1089 : i32 to vector<16xi32>
          %broadcast_in_dim3A_1091 = vector.shape_cast %broadcast_in_dim3A_1090 : vector<16xi32> to vector<16x1xi32>
          %gather3A_1092 = vector.shape_cast %broadcast_in_dim3A_1091 : vector<16x1xi32> to vector<16xi32>
          %gather3A_1093 = tpu.dynamic_gather %gather3A_1028[%gather3A_1092] in [0] : vector<16xf32>, vector<16xi32> -> vector<16xf32>
          %get3A_1094 = arith.index_cast %add3A_1025 : i32 to index
          %get3A_1095 = arith.constant 96 : index
          %get3A_1096 = tpu.vector_load %arg9[%get3A_1094, %get3A_1095] {strides = array<i32>} : memref<128x144xf32, #tpu.memory_space<vmem>>, vector<16xf32>,
          %mul3A_1097 = arith.mulf %get3A_1096, %gather3A_1093 : vector<16xf32>
          %swap3A_1098 = arith.index_cast %add3A_1025 : i32 to index
          %swap3A_1099 = arith.constant 96 : index
          %swap3A_1100 = tpu.vector_load %arg9[%swap3A_1098, %swap3A_1099] {strides = array<i32>} : memref<128x144xf32, #tpu.memory_space<vmem>>, vector<16xf32>,
          tpu.vector_store %arg9[%swap3A_1098, %swap3A_1099], %mul3A_1097 {strides = array<i32>} : memref<128x144xf32, #tpu.memory_space<vmem>>, vector<16xf32>,
          %get3A_1101 = arith.index_cast %add3A_1025 : i32 to index
          %get3A_1102 = arith.constant 112 : index
          %get3A_1103 = tpu.vector_load %arg9[%get3A_1101, %get3A_1102] {strides = array<i32>} : memref<128x144xf32, #tpu.memory_space<vmem>>, vector<16xf32>,
          %mul3A_1104 = arith.mulf %get3A_1103, %gather3A_1093 : vector<16xf32>
          %swap3A_1105 = arith.index_cast %add3A_1025 : i32 to index
          %swap3A_1106 = arith.constant 112 : index
          %swap3A_1107 = tpu.vector_load %arg9[%swap3A_1105, %swap3A_1106] {strides = array<i32>} : memref<128x144xf32, #tpu.memory_space<vmem>>, vector<16xf32>,
          tpu.vector_store %arg9[%swap3A_1105, %swap3A_1106], %mul3A_1104 {strides = array<i32>} : memref<128x144xf32, #tpu.memory_space<vmem>>, vector<16xf32>,
          %add3A_1108 = arith.constant 11 : i32
          %add3A_1109 = arith.addi %add3A_111, %add3A_1108 : i32
          %broadcast_in_dim3A_1110 = arith.constant 11 : i32
          %broadcast_in_dim3A_1111 = vector.broadcast %broadcast_in_dim3A_1110 : i32 to vector<16xi32>
          %gather3A_1112 = tpu.vector_load_idx %arg15[%min3A_16, %broadcast_in_dim3A_1111] : memref<4x16xf32, #tpu.memory_space<vmem>>[vector<16xi32>, vector<16xi32>], vector<16xf32>,
          %swap3A_1113 = arith.index_cast %add3A_1109 : i32 to index
          %swap3A_1114 = arith.constant 128 : index
          %swap3A_1115 = tpu.vector_load %arg9[%swap3A_1113, %swap3A_1114] {strides = array<i32>} : memref<128x144xf32, #tpu.memory_space<vmem>>, vector<16xf32>,
          tpu.vector_store %arg9[%swap3A_1113, %swap3A_1114], %gather3A_1112 {strides = array<i32>} : memref<128x144xf32, #tpu.memory_space<vmem>>, vector<16xf32>,
          %broadcast_in_dim3A_1116 = arith.constant 0 : i32
          %broadcast_in_dim3A_1117 = vector.broadcast %broadcast_in_dim3A_1116 : i32 to vector<16xi32>
          %broadcast_in_dim3A_1118 = vector.shape_cast %broadcast_in_dim3A_1117 : vector<16xi32> to vector<16x1xi32>
          %gather3A_1119 = vector.shape_cast %broadcast_in_dim3A_1118 : vector<16x1xi32> to vector<16xi32>
          %gather3A_1120 = tpu.dynamic_gather %gather3A_1112[%gather3A_1119] in [0] : vector<16xf32>, vector<16xi32> -> vector<16xf32>
          %get3A_1121 = arith.index_cast %add3A_1109 : i32 to index
          %get3A_1122 = arith.constant 0 : index
          %get3A_1123 = tpu.vector_load %arg9[%get3A_1121, %get3A_1122] {strides = array<i32>} : memref<128x144xf32, #tpu.memory_space<vmem>>, vector<16xf32>,
          %mul3A_1124 = arith.mulf %get3A_1123, %gather3A_1120 : vector<16xf32>
          %swap3A_1125 = arith.index_cast %add3A_1109 : i32 to index
          %swap3A_1126 = arith.constant 0 : index
          %swap3A_1127 = tpu.vector_load %arg9[%swap3A_1125, %swap3A_1126] {strides = array<i32>} : memref<128x144xf32, #tpu.memory_space<vmem>>, vector<16xf32>,
          tpu.vector_store %arg9[%swap3A_1125, %swap3A_1126], %mul3A_1124 {strides = array<i32>} : memref<128x144xf32, #tpu.memory_space<vmem>>, vector<16xf32>,
          %get3A_1128 = arith.index_cast %add3A_1109 : i32 to index
          %get3A_1129 = arith.constant 16 : index
          %get3A_1130 = tpu.vector_load %arg9[%get3A_1128, %get3A_1129] {strides = array<i32>} : memref<128x144xf32, #tpu.memory_space<vmem>>, vector<16xf32>,
          %mul3A_1131 = arith.mulf %get3A_1130, %gather3A_1120 : vector<16xf32>
          %swap3A_1132 = arith.index_cast %add3A_1109 : i32 to index
          %swap3A_1133 = arith.constant 16 : index
          %swap3A_1134 = tpu.vector_load %arg9[%swap3A_1132, %swap3A_1133] {strides = array<i32>} : memref<128x144xf32, #tpu.memory_space<vmem>>, vector<16xf32>,
          tpu.vector_store %arg9[%swap3A_1132, %swap3A_1133], %mul3A_1131 {strides = array<i32>} : memref<128x144xf32, #tpu.memory_space<vmem>>, vector<16xf32>,
          %broadcast_in_dim3A_1135 = arith.constant 1 : i32
          %broadcast_in_dim3A_1136 = vector.broadcast %broadcast_in_dim3A_1135 : i32 to vector<16xi32>
          %broadcast_in_dim3A_1137 = vector.shape_cast %broadcast_in_dim3A_1136 : vector<16xi32> to vector<16x1xi32>
          %gather3A_1138 = vector.shape_cast %broadcast_in_dim3A_1137 : vector<16x1xi32> to vector<16xi32>
          %gather3A_1139 = tpu.dynamic_gather %gather3A_1112[%gather3A_1138] in [0] : vector<16xf32>, vector<16xi32> -> vector<16xf32>
          %get3A_1140 = arith.index_cast %add3A_1109 : i32 to index
          %get3A_1141 = arith.constant 32 : index
          %get3A_1142 = tpu.vector_load %arg9[%get3A_1140, %get3A_1141] {strides = array<i32>} : memref<128x144xf32, #tpu.memory_space<vmem>>, vector<16xf32>,
          %mul3A_1143 = arith.mulf %get3A_1142, %gather3A_1139 : vector<16xf32>
          %swap3A_1144 = arith.index_cast %add3A_1109 : i32 to index
          %swap3A_1145 = arith.constant 32 : index
          %swap3A_1146 = tpu.vector_load %arg9[%swap3A_1144, %swap3A_1145] {strides = array<i32>} : memref<128x144xf32, #tpu.memory_space<vmem>>, vector<16xf32>,
          tpu.vector_store %arg9[%swap3A_1144, %swap3A_1145], %mul3A_1143 {strides = array<i32>} : memref<128x144xf32, #tpu.memory_space<vmem>>, vector<16xf32>,
          %get3A_1147 = arith.index_cast %add3A_1109 : i32 to index
          %get3A_1148 = arith.constant 48 : index
          %get3A_1149 = tpu.vector_load %arg9[%get3A_1147, %get3A_1148] {strides = array<i32>} : memref<128x144xf32, #tpu.memory_space<vmem>>, vector<16xf32>,
          %mul3A_1150 = arith.mulf %get3A_1149, %gather3A_1139 : vector<16xf32>
          %swap3A_1151 = arith.index_cast %add3A_1109 : i32 to index
          %swap3A_1152 = arith.constant 48 : index
          %swap3A_1153 = tpu.vector_load %arg9[%swap3A_1151, %swap3A_1152] {strides = array<i32>} : memref<128x144xf32, #tpu.memory_space<vmem>>, vector<16xf32>,
          tpu.vector_store %arg9[%swap3A_1151, %swap3A_1152], %mul3A_1150 {strides = array<i32>} : memref<128x144xf32, #tpu.memory_space<vmem>>, vector<16xf32>,
          %broadcast_in_dim3A_1154 = arith.constant 2 : i32
          %broadcast_in_dim3A_1155 = vector.broadcast %broadcast_in_dim3A_1154 : i32 to vector<16xi32>
          %broadcast_in_dim3A_1156 = vector.shape_cast %broadcast_in_dim3A_1155 : vector<16xi32> to vector<16x1xi32>
          %gather3A_1157 = vector.shape_cast %broadcast_in_dim3A_1156 : vector<16x1xi32> to vector<16xi32>
          %gather3A_1158 = tpu.dynamic_gather %gather3A_1112[%gather3A_1157] in [0] : vector<16xf32>, vector<16xi32> -> vector<16xf32>
          %get3A_1159 = arith.index_cast %add3A_1109 : i32 to index
          %get3A_1160 = arith.constant 64 : index
          %get3A_1161 = tpu.vector_load %arg9[%get3A_1159, %get3A_1160] {strides = array<i32>} : memref<128x144xf32, #tpu.memory_space<vmem>>, vector<16xf32>,
          %mul3A_1162 = arith.mulf %get3A_1161, %gather3A_1158 : vector<16xf32>
          %swap3A_1163 = arith.index_cast %add3A_1109 : i32 to index
          %swap3A_1164 = arith.constant 64 : index
          %swap3A_1165 = tpu.vector_load %arg9[%swap3A_1163, %swap3A_1164] {strides = array<i32>} : memref<128x144xf32, #tpu.memory_space<vmem>>, vector<16xf32>,
          tpu.vector_store %arg9[%swap3A_1163, %swap3A_1164], %mul3A_1162 {strides = array<i32>} : memref<128x144xf32, #tpu.memory_space<vmem>>, vector<16xf32>,
          %get3A_1166 = arith.index_cast %add3A_1109 : i32 to index
          %get3A_1167 = arith.constant 80 : index
          %get3A_1168 = tpu.vector_load %arg9[%get3A_1166, %get3A_1167] {strides = array<i32>} : memref<128x144xf32, #tpu.memory_space<vmem>>, vector<16xf32>,
          %mul3A_1169 = arith.mulf %get3A_1168, %gather3A_1158 : vector<16xf32>
          %swap3A_1170 = arith.index_cast %add3A_1109 : i32 to index
          %swap3A_1171 = arith.constant 80 : index
          %swap3A_1172 = tpu.vector_load %arg9[%swap3A_1170, %swap3A_1171] {strides = array<i32>} : memref<128x144xf32, #tpu.memory_space<vmem>>, vector<16xf32>,
          tpu.vector_store %arg9[%swap3A_1170, %swap3A_1171], %mul3A_1169 {strides = array<i32>} : memref<128x144xf32, #tpu.memory_space<vmem>>, vector<16xf32>,
          %broadcast_in_dim3A_1173 = arith.constant 3 : i32
          %broadcast_in_dim3A_1174 = vector.broadcast %broadcast_in_dim3A_1173 : i32 to vector<16xi32>
          %broadcast_in_dim3A_1175 = vector.shape_cast %broadcast_in_dim3A_1174 : vector<16xi32> to vector<16x1xi32>
          %gather3A_1176 = vector.shape_cast %broadcast_in_dim3A_1175 : vector<16x1xi32> to vector<16xi32>
          %gather3A_1177 = tpu.dynamic_gather %gather3A_1112[%gather3A_1176] in [0] : vector<16xf32>, vector<16xi32> -> vector<16xf32>
          %get3A_1178 = arith.index_cast %add3A_1109 : i32 to index
          %get3A_1179 = arith.constant 96 : index
          %get3A_1180 = tpu.vector_load %arg9[%get3A_1178, %get3A_1179] {strides = array<i32>} : memref<128x144xf32, #tpu.memory_space<vmem>>, vector<16xf32>,
          %mul3A_1181 = arith.mulf %get3A_1180, %gather3A_1177 : vector<16xf32>
          %swap3A_1182 = arith.index_cast %add3A_1109 : i32 to index
          %swap3A_1183 = arith.constant 96 : index
          %swap3A_1184 = tpu.vector_load %arg9[%swap3A_1182, %swap3A_1183] {strides = array<i32>} : memref<128x144xf32, #tpu.memory_space<vmem>>, vector<16xf32>,
          tpu.vector_store %arg9[%swap3A_1182, %swap3A_1183], %mul3A_1181 {strides = array<i32>} : memref<128x144xf32, #tpu.memory_space<vmem>>, vector<16xf32>,
          %get3A_1185 = arith.index_cast %add3A_1109 : i32 to index
          %get3A_1186 = arith.constant 112 : index
          %get3A_1187 = tpu.vector_load %arg9[%get3A_1185, %get3A_1186] {strides = array<i32>} : memref<128x144xf32, #tpu.memory_space<vmem>>, vector<16xf32>,
          %mul3A_1188 = arith.mulf %get3A_1187, %gather3A_1177 : vector<16xf32>
          %swap3A_1189 = arith.index_cast %add3A_1109 : i32 to index
          %swap3A_1190 = arith.constant 112 : index
          %swap3A_1191 = tpu.vector_load %arg9[%swap3A_1189, %swap3A_1190] {strides = array<i32>} : memref<128x144xf32, #tpu.memory_space<vmem>>, vector<16xf32>,
          tpu.vector_store %arg9[%swap3A_1189, %swap3A_1190], %mul3A_1188 {strides = array<i32>} : memref<128x144xf32, #tpu.memory_space<vmem>>, vector<16xf32>,
          %add3A_1192 = arith.constant 12 : i32
          %add3A_1193 = arith.addi %add3A_111, %add3A_1192 : i32
          %broadcast_in_dim3A_1194 = arith.constant 12 : i32
          %broadcast_in_dim3A_1195 = vector.broadcast %broadcast_in_dim3A_1194 : i32 to vector<16xi32>
          %gather3A_1196 = tpu.vector_load_idx %arg15[%min3A_16, %broadcast_in_dim3A_1195] : memref<4x16xf32, #tpu.memory_space<vmem>>[vector<16xi32>, vector<16xi32>], vector<16xf32>,
          %swap3A_1197 = arith.index_cast %add3A_1193 : i32 to index
          %swap3A_1198 = arith.constant 128 : index
          %swap3A_1199 = tpu.vector_load %arg9[%swap3A_1197, %swap3A_1198] {strides = array<i32>} : memref<128x144xf32, #tpu.memory_space<vmem>>, vector<16xf32>,
          tpu.vector_store %arg9[%swap3A_1197, %swap3A_1198], %gather3A_1196 {strides = array<i32>} : memref<128x144xf32, #tpu.memory_space<vmem>>, vector<16xf32>,
          %broadcast_in_dim3A_1200 = arith.constant 0 : i32
          %broadcast_in_dim3A_1201 = vector.broadcast %broadcast_in_dim3A_1200 : i32 to vector<16xi32>
          %broadcast_in_dim3A_1202 = vector.shape_cast %broadcast_in_dim3A_1201 : vector<16xi32> to vector<16x1xi32>
          %gather3A_1203 = vector.shape_cast %broadcast_in_dim3A_1202 : vector<16x1xi32> to vector<16xi32>
          %gather3A_1204 = tpu.dynamic_gather %gather3A_1196[%gather3A_1203] in [0] : vector<16xf32>, vector<16xi32> -> vector<16xf32>
          %get3A_1205 = arith.index_cast %add3A_1193 : i32 to index
          %get3A_1206 = arith.constant 0 : index
          %get3A_1207 = tpu.vector_load %arg9[%get3A_1205, %get3A_1206] {strides = array<i32>} : memref<128x144xf32, #tpu.memory_space<vmem>>, vector<16xf32>,
          %mul3A_1208 = arith.mulf %get3A_1207, %gather3A_1204 : vector<16xf32>
          %swap3A_1209 = arith.index_cast %add3A_1193 : i32 to index
          %swap3A_1210 = arith.constant 0 : index
          %swap3A_1211 = tpu.vector_load %arg9[%swap3A_1209, %swap3A_1210] {strides = array<i32>} : memref<128x144xf32, #tpu.memory_space<vmem>>, vector<16xf32>,
          tpu.vector_store %arg9[%swap3A_1209, %swap3A_1210], %mul3A_1208 {strides = array<i32>} : memref<128x144xf32, #tpu.memory_space<vmem>>, vector<16xf32>,
          %get3A_1212 = arith.index_cast %add3A_1193 : i32 to index
          %get3A_1213 = arith.constant 16 : index
          %get3A_1214 = tpu.vector_load %arg9[%get3A_1212, %get3A_1213] {strides = array<i32>} : memref<128x144xf32, #tpu.memory_space<vmem>>, vector<16xf32>,
          %mul3A_1215 = arith.mulf %get3A_1214, %gather3A_1204 : vector<16xf32>
          %swap3A_1216 = arith.index_cast %add3A_1193 : i32 to index
          %swap3A_1217 = arith.constant 16 : index
          %swap3A_1218 = tpu.vector_load %arg9[%swap3A_1216, %swap3A_1217] {strides = array<i32>} : memref<128x144xf32, #tpu.memory_space<vmem>>, vector<16xf32>,
          tpu.vector_store %arg9[%swap3A_1216, %swap3A_1217], %mul3A_1215 {strides = array<i32>} : memref<128x144xf32, #tpu.memory_space<vmem>>, vector<16xf32>,
          %broadcast_in_dim3A_1219 = arith.constant 1 : i32
          %broadcast_in_dim3A_1220 = vector.broadcast %broadcast_in_dim3A_1219 : i32 to vector<16xi32>
          %broadcast_in_dim3A_1221 = vector.shape_cast %broadcast_in_dim3A_1220 : vector<16xi32> to vector<16x1xi32>
          %gather3A_1222 = vector.shape_cast %broadcast_in_dim3A_1221 : vector<16x1xi32> to vector<16xi32>
          %gather3A_1223 = tpu.dynamic_gather %gather3A_1196[%gather3A_1222] in [0] : vector<16xf32>, vector<16xi32> -> vector<16xf32>
          %get3A_1224 = arith.index_cast %add3A_1193 : i32 to index
          %get3A_1225 = arith.constant 32 : index
          %get3A_1226 = tpu.vector_load %arg9[%get3A_1224, %get3A_1225] {strides = array<i32>} : memref<128x144xf32, #tpu.memory_space<vmem>>, vector<16xf32>,
          %mul3A_1227 = arith.mulf %get3A_1226, %gather3A_1223 : vector<16xf32>
          %swap3A_1228 = arith.index_cast %add3A_1193 : i32 to index
          %swap3A_1229 = arith.constant 32 : index
          %swap3A_1230 = tpu.vector_load %arg9[%swap3A_1228, %swap3A_1229] {strides = array<i32>} : memref<128x144xf32, #tpu.memory_space<vmem>>, vector<16xf32>,
          tpu.vector_store %arg9[%swap3A_1228, %swap3A_1229], %mul3A_1227 {strides = array<i32>} : memref<128x144xf32, #tpu.memory_space<vmem>>, vector<16xf32>,
          %get3A_1231 = arith.index_cast %add3A_1193 : i32 to index
          %get3A_1232 = arith.constant 48 : index
          %get3A_1233 = tpu.vector_load %arg9[%get3A_1231, %get3A_1232] {strides = array<i32>} : memref<128x144xf32, #tpu.memory_space<vmem>>, vector<16xf32>,
          %mul3A_1234 = arith.mulf %get3A_1233, %gather3A_1223 : vector<16xf32>
          %swap3A_1235 = arith.index_cast %add3A_1193 : i32 to index
          %swap3A_1236 = arith.constant 48 : index
          %swap3A_1237 = tpu.vector_load %arg9[%swap3A_1235, %swap3A_1236] {strides = array<i32>} : memref<128x144xf32, #tpu.memory_space<vmem>>, vector<16xf32>,
          tpu.vector_store %arg9[%swap3A_1235, %swap3A_1236], %mul3A_1234 {strides = array<i32>} : memref<128x144xf32, #tpu.memory_space<vmem>>, vector<16xf32>,
          %broadcast_in_dim3A_1238 = arith.constant 2 : i32
          %broadcast_in_dim3A_1239 = vector.broadcast %broadcast_in_dim3A_1238 : i32 to vector<16xi32>
          %broadcast_in_dim3A_1240 = vector.shape_cast %broadcast_in_dim3A_1239 : vector<16xi32> to vector<16x1xi32>
          %gather3A_1241 = vector.shape_cast %broadcast_in_dim3A_1240 : vector<16x1xi32> to vector<16xi32>
          %gather3A_1242 = tpu.dynamic_gather %gather3A_1196[%gather3A_1241] in [0] : vector<16xf32>, vector<16xi32> -> vector<16xf32>
          %get3A_1243 = arith.index_cast %add3A_1193 : i32 to index
          %get3A_1244 = arith.constant 64 : index
          %get3A_1245 = tpu.vector_load %arg9[%get3A_1243, %get3A_1244] {strides = array<i32>} : memref<128x144xf32, #tpu.memory_space<vmem>>, vector<16xf32>,
          %mul3A_1246 = arith.mulf %get3A_1245, %gather3A_1242 : vector<16xf32>
          %swap3A_1247 = arith.index_cast %add3A_1193 : i32 to index
          %swap3A_1248 = arith.constant 64 : index
          %swap3A_1249 = tpu.vector_load %arg9[%swap3A_1247, %swap3A_1248] {strides = array<i32>} : memref<128x144xf32, #tpu.memory_space<vmem>>, vector<16xf32>,
          tpu.vector_store %arg9[%swap3A_1247, %swap3A_1248], %mul3A_1246 {strides = array<i32>} : memref<128x144xf32, #tpu.memory_space<vmem>>, vector<16xf32>,
          %get3A_1250 = arith.index_cast %add3A_1193 : i32 to index
          %get3A_1251 = arith.constant 80 : index
          %get3A_1252 = tpu.vector_load %arg9[%get3A_1250, %get3A_1251] {strides = array<i32>} : memref<128x144xf32, #tpu.memory_space<vmem>>, vector<16xf32>,
          %mul3A_1253 = arith.mulf %get3A_1252, %gather3A_1242 : vector<16xf32>
          %swap3A_1254 = arith.index_cast %add3A_1193 : i32 to index
          %swap3A_1255 = arith.constant 80 : index
          %swap3A_1256 = tpu.vector_load %arg9[%swap3A_1254, %swap3A_1255] {strides = array<i32>} : memref<128x144xf32, #tpu.memory_space<vmem>>, vector<16xf32>,
          tpu.vector_store %arg9[%swap3A_1254, %swap3A_1255], %mul3A_1253 {strides = array<i32>} : memref<128x144xf32, #tpu.memory_space<vmem>>, vector<16xf32>,
          %broadcast_in_dim3A_1257 = arith.constant 3 : i32
          %broadcast_in_dim3A_1258 = vector.broadcast %broadcast_in_dim3A_1257 : i32 to vector<16xi32>
          %broadcast_in_dim3A_1259 = vector.shape_cast %broadcast_in_dim3A_1258 : vector<16xi32> to vector<16x1xi32>
          %gather3A_1260 = vector.shape_cast %broadcast_in_dim3A_1259 : vector<16x1xi32> to vector<16xi32>
          %gather3A_1261 = tpu.dynamic_gather %gather3A_1196[%gather3A_1260] in [0] : vector<16xf32>, vector<16xi32> -> vector<16xf32>
          %get3A_1262 = arith.index_cast %add3A_1193 : i32 to index
          %get3A_1263 = arith.constant 96 : index
          %get3A_1264 = tpu.vector_load %arg9[%get3A_1262, %get3A_1263] {strides = array<i32>} : memref<128x144xf32, #tpu.memory_space<vmem>>, vector<16xf32>,
          %mul3A_1265 = arith.mulf %get3A_1264, %gather3A_1261 : vector<16xf32>
          %swap3A_1266 = arith.index_cast %add3A_1193 : i32 to index
          %swap3A_1267 = arith.constant 96 : index
          %swap3A_1268 = tpu.vector_load %arg9[%swap3A_1266, %swap3A_1267] {strides = array<i32>} : memref<128x144xf32, #tpu.memory_space<vmem>>, vector<16xf32>,
          tpu.vector_store %arg9[%swap3A_1266, %swap3A_1267], %mul3A_1265 {strides = array<i32>} : memref<128x144xf32, #tpu.memory_space<vmem>>, vector<16xf32>,
          %get3A_1269 = arith.index_cast %add3A_1193 : i32 to index
          %get3A_1270 = arith.constant 112 : index
          %get3A_1271 = tpu.vector_load %arg9[%get3A_1269, %get3A_1270] {strides = array<i32>} : memref<128x144xf32, #tpu.memory_space<vmem>>, vector<16xf32>,
          %mul3A_1272 = arith.mulf %get3A_1271, %gather3A_1261 : vector<16xf32>
          %swap3A_1273 = arith.index_cast %add3A_1193 : i32 to index
          %swap3A_1274 = arith.constant 112 : index
          %swap3A_1275 = tpu.vector_load %arg9[%swap3A_1273, %swap3A_1274] {strides = array<i32>} : memref<128x144xf32, #tpu.memory_space<vmem>>, vector<16xf32>,
          tpu.vector_store %arg9[%swap3A_1273, %swap3A_1274], %mul3A_1272 {strides = array<i32>} : memref<128x144xf32, #tpu.memory_space<vmem>>, vector<16xf32>,
          %add3A_1276 = arith.constant 13 : i32
          %add3A_1277 = arith.addi %add3A_111, %add3A_1276 : i32
          %broadcast_in_dim3A_1278 = arith.constant 13 : i32
          %broadcast_in_dim3A_1279 = vector.broadcast %broadcast_in_dim3A_1278 : i32 to vector<16xi32>
          %gather3A_1280 = tpu.vector_load_idx %arg15[%min3A_16, %broadcast_in_dim3A_1279] : memref<4x16xf32, #tpu.memory_space<vmem>>[vector<16xi32>, vector<16xi32>], vector<16xf32>,
          %swap3A_1281 = arith.index_cast %add3A_1277 : i32 to index
          %swap3A_1282 = arith.constant 128 : index
          %swap3A_1283 = tpu.vector_load %arg9[%swap3A_1281, %swap3A_1282] {strides = array<i32>} : memref<128x144xf32, #tpu.memory_space<vmem>>, vector<16xf32>,
          tpu.vector_store %arg9[%swap3A_1281, %swap3A_1282], %gather3A_1280 {strides = array<i32>} : memref<128x144xf32, #tpu.memory_space<vmem>>, vector<16xf32>,
          %broadcast_in_dim3A_1284 = arith.constant 0 : i32
          %broadcast_in_dim3A_1285 = vector.broadcast %broadcast_in_dim3A_1284 : i32 to vector<16xi32>
          %broadcast_in_dim3A_1286 = vector.shape_cast %broadcast_in_dim3A_1285 : vector<16xi32> to vector<16x1xi32>
          %gather3A_1287 = vector.shape_cast %broadcast_in_dim3A_1286 : vector<16x1xi32> to vector<16xi32>
          %gather3A_1288 = tpu.dynamic_gather %gather3A_1280[%gather3A_1287] in [0] : vector<16xf32>, vector<16xi32> -> vector<16xf32>
          %get3A_1289 = arith.index_cast %add3A_1277 : i32 to index
          %get3A_1290 = arith.constant 0 : index
          %get3A_1291 = tpu.vector_load %arg9[%get3A_1289, %get3A_1290] {strides = array<i32>} : memref<128x144xf32, #tpu.memory_space<vmem>>, vector<16xf32>,
          %mul3A_1292 = arith.mulf %get3A_1291, %gather3A_1288 : vector<16xf32>
          %swap3A_1293 = arith.index_cast %add3A_1277 : i32 to index
          %swap3A_1294 = arith.constant 0 : index
          %swap3A_1295 = tpu.vector_load %arg9[%swap3A_1293, %swap3A_1294] {strides = array<i32>} : memref<128x144xf32, #tpu.memory_space<vmem>>, vector<16xf32>,
          tpu.vector_store %arg9[%swap3A_1293, %swap3A_1294], %mul3A_1292 {strides = array<i32>} : memref<128x144xf32, #tpu.memory_space<vmem>>, vector<16xf32>,
          %get3A_1296 = arith.index_cast %add3A_1277 : i32 to index
          %get3A_1297 = arith.constant 16 : index
          %get3A_1298 = tpu.vector_load %arg9[%get3A_1296, %get3A_1297] {strides = array<i32>} : memref<128x144xf32, #tpu.memory_space<vmem>>, vector<16xf32>,
          %mul3A_1299 = arith.mulf %get3A_1298, %gather3A_1288 : vector<16xf32>
          %swap3A_1300 = arith.index_cast %add3A_1277 : i32 to index
          %swap3A_1301 = arith.constant 16 : index
          %swap3A_1302 = tpu.vector_load %arg9[%swap3A_1300, %swap3A_1301] {strides = array<i32>} : memref<128x144xf32, #tpu.memory_space<vmem>>, vector<16xf32>,
          tpu.vector_store %arg9[%swap3A_1300, %swap3A_1301], %mul3A_1299 {strides = array<i32>} : memref<128x144xf32, #tpu.memory_space<vmem>>, vector<16xf32>,
          %broadcast_in_dim3A_1303 = arith.constant 1 : i32
          %broadcast_in_dim3A_1304 = vector.broadcast %broadcast_in_dim3A_1303 : i32 to vector<16xi32>
          %broadcast_in_dim3A_1305 = vector.shape_cast %broadcast_in_dim3A_1304 : vector<16xi32> to vector<16x1xi32>
          %gather3A_1306 = vector.shape_cast %broadcast_in_dim3A_1305 : vector<16x1xi32> to vector<16xi32>
          %gather3A_1307 = tpu.dynamic_gather %gather3A_1280[%gather3A_1306] in [0] : vector<16xf32>, vector<16xi32> -> vector<16xf32>
          %get3A_1308 = arith.index_cast %add3A_1277 : i32 to index
          %get3A_1309 = arith.constant 32 : index
          %get3A_1310 = tpu.vector_load %arg9[%get3A_1308, %get3A_1309] {strides = array<i32>} : memref<128x144xf32, #tpu.memory_space<vmem>>, vector<16xf32>,
          %mul3A_1311 = arith.mulf %get3A_1310, %gather3A_1307 : vector<16xf32>
          %swap3A_1312 = arith.index_cast %add3A_1277 : i32 to index
          %swap3A_1313 = arith.constant 32 : index
          %swap3A_1314 = tpu.vector_load %arg9[%swap3A_1312, %swap3A_1313] {strides = array<i32>} : memref<128x144xf32, #tpu.memory_space<vmem>>, vector<16xf32>,
          tpu.vector_store %arg9[%swap3A_1312, %swap3A_1313], %mul3A_1311 {strides = array<i32>} : memref<128x144xf32, #tpu.memory_space<vmem>>, vector<16xf32>,
          %get3A_1315 = arith.index_cast %add3A_1277 : i32 to index
          %get3A_1316 = arith.constant 48 : index
          %get3A_1317 = tpu.vector_load %arg9[%get3A_1315, %get3A_1316] {strides = array<i32>} : memref<128x144xf32, #tpu.memory_space<vmem>>, vector<16xf32>,
          %mul3A_1318 = arith.mulf %get3A_1317, %gather3A_1307 : vector<16xf32>
          %swap3A_1319 = arith.index_cast %add3A_1277 : i32 to index
          %swap3A_1320 = arith.constant 48 : index
          %swap3A_1321 = tpu.vector_load %arg9[%swap3A_1319, %swap3A_1320] {strides = array<i32>} : memref<128x144xf32, #tpu.memory_space<vmem>>, vector<16xf32>,
          tpu.vector_store %arg9[%swap3A_1319, %swap3A_1320], %mul3A_1318 {strides = array<i32>} : memref<128x144xf32, #tpu.memory_space<vmem>>, vector<16xf32>,
          %broadcast_in_dim3A_1322 = arith.constant 2 : i32
          %broadcast_in_dim3A_1323 = vector.broadcast %broadcast_in_dim3A_1322 : i32 to vector<16xi32>
          %broadcast_in_dim3A_1324 = vector.shape_cast %broadcast_in_dim3A_1323 : vector<16xi32> to vector<16x1xi32>
          %gather3A_1325 = vector.shape_cast %broadcast_in_dim3A_1324 : vector<16x1xi32> to vector<16xi32>
          %gather3A_1326 = tpu.dynamic_gather %gather3A_1280[%gather3A_1325] in [0] : vector<16xf32>, vector<16xi32> -> vector<16xf32>
          %get3A_1327 = arith.index_cast %add3A_1277 : i32 to index
          %get3A_1328 = arith.constant 64 : index
          %get3A_1329 = tpu.vector_load %arg9[%get3A_1327, %get3A_1328] {strides = array<i32>} : memref<128x144xf32, #tpu.memory_space<vmem>>, vector<16xf32>,
          %mul3A_1330 = arith.mulf %get3A_1329, %gather3A_1326 : vector<16xf32>
          %swap3A_1331 = arith.index_cast %add3A_1277 : i32 to index
          %swap3A_1332 = arith.constant 64 : index
          %swap3A_1333 = tpu.vector_load %arg9[%swap3A_1331, %swap3A_1332] {strides = array<i32>} : memref<128x144xf32, #tpu.memory_space<vmem>>, vector<16xf32>,
          tpu.vector_store %arg9[%swap3A_1331, %swap3A_1332], %mul3A_1330 {strides = array<i32>} : memref<128x144xf32, #tpu.memory_space<vmem>>, vector<16xf32>,
          %get3A_1334 = arith.index_cast %add3A_1277 : i32 to index
          %get3A_1335 = arith.constant 80 : index
          %get3A_1336 = tpu.vector_load %arg9[%get3A_1334, %get3A_1335] {strides = array<i32>} : memref<128x144xf32, #tpu.memory_space<vmem>>, vector<16xf32>,
          %mul3A_1337 = arith.mulf %get3A_1336, %gather3A_1326 : vector<16xf32>
          %swap3A_1338 = arith.index_cast %add3A_1277 : i32 to index
          %swap3A_1339 = arith.constant 80 : index
          %swap3A_1340 = tpu.vector_load %arg9[%swap3A_1338, %swap3A_1339] {strides = array<i32>} : memref<128x144xf32, #tpu.memory_space<vmem>>, vector<16xf32>,
          tpu.vector_store %arg9[%swap3A_1338, %swap3A_1339], %mul3A_1337 {strides = array<i32>} : memref<128x144xf32, #tpu.memory_space<vmem>>, vector<16xf32>,
          %broadcast_in_dim3A_1341 = arith.constant 3 : i32
          %broadcast_in_dim3A_1342 = vector.broadcast %broadcast_in_dim3A_1341 : i32 to vector<16xi32>
          %broadcast_in_dim3A_1343 = vector.shape_cast %broadcast_in_dim3A_1342 : vector<16xi32> to vector<16x1xi32>
          %gather3A_1344 = vector.shape_cast %broadcast_in_dim3A_1343 : vector<16x1xi32> to vector<16xi32>
          %gather3A_1345 = tpu.dynamic_gather %gather3A_1280[%gather3A_1344] in [0] : vector<16xf32>, vector<16xi32> -> vector<16xf32>
          %get3A_1346 = arith.index_cast %add3A_1277 : i32 to index
          %get3A_1347 = arith.constant 96 : index
          %get3A_1348 = tpu.vector_load %arg9[%get3A_1346, %get3A_1347] {strides = array<i32>} : memref<128x144xf32, #tpu.memory_space<vmem>>, vector<16xf32>,
          %mul3A_1349 = arith.mulf %get3A_1348, %gather3A_1345 : vector<16xf32>
          %swap3A_1350 = arith.index_cast %add3A_1277 : i32 to index
          %swap3A_1351 = arith.constant 96 : index
          %swap3A_1352 = tpu.vector_load %arg9[%swap3A_1350, %swap3A_1351] {strides = array<i32>} : memref<128x144xf32, #tpu.memory_space<vmem>>, vector<16xf32>,
          tpu.vector_store %arg9[%swap3A_1350, %swap3A_1351], %mul3A_1349 {strides = array<i32>} : memref<128x144xf32, #tpu.memory_space<vmem>>, vector<16xf32>,
          %get3A_1353 = arith.index_cast %add3A_1277 : i32 to index
          %get3A_1354 = arith.constant 112 : index
          %get3A_1355 = tpu.vector_load %arg9[%get3A_1353, %get3A_1354] {strides = array<i32>} : memref<128x144xf32, #tpu.memory_space<vmem>>, vector<16xf32>,
          %mul3A_1356 = arith.mulf %get3A_1355, %gather3A_1345 : vector<16xf32>
          %swap3A_1357 = arith.index_cast %add3A_1277 : i32 to index
          %swap3A_1358 = arith.constant 112 : index
          %swap3A_1359 = tpu.vector_load %arg9[%swap3A_1357, %swap3A_1358] {strides = array<i32>} : memref<128x144xf32, #tpu.memory_space<vmem>>, vector<16xf32>,
          tpu.vector_store %arg9[%swap3A_1357, %swap3A_1358], %mul3A_1356 {strides = array<i32>} : memref<128x144xf32, #tpu.memory_space<vmem>>, vector<16xf32>,
          %add3A_1360 = arith.constant 14 : i32
          %add3A_1361 = arith.addi %add3A_111, %add3A_1360 : i32
          %broadcast_in_dim3A_1362 = arith.constant 14 : i32
          %broadcast_in_dim3A_1363 = vector.broadcast %broadcast_in_dim3A_1362 : i32 to vector<16xi32>
          %gather3A_1364 = tpu.vector_load_idx %arg15[%min3A_16, %broadcast_in_dim3A_1363] : memref<4x16xf32, #tpu.memory_space<vmem>>[vector<16xi32>, vector<16xi32>], vector<16xf32>,
          %swap3A_1365 = arith.index_cast %add3A_1361 : i32 to index
          %swap3A_1366 = arith.constant 128 : index
          %swap3A_1367 = tpu.vector_load %arg9[%swap3A_1365, %swap3A_1366] {strides = array<i32>} : memref<128x144xf32, #tpu.memory_space<vmem>>, vector<16xf32>,
          tpu.vector_store %arg9[%swap3A_1365, %swap3A_1366], %gather3A_1364 {strides = array<i32>} : memref<128x144xf32, #tpu.memory_space<vmem>>, vector<16xf32>,
          %broadcast_in_dim3A_1368 = arith.constant 0 : i32
          %broadcast_in_dim3A_1369 = vector.broadcast %broadcast_in_dim3A_1368 : i32 to vector<16xi32>
          %broadcast_in_dim3A_1370 = vector.shape_cast %broadcast_in_dim3A_1369 : vector<16xi32> to vector<16x1xi32>
          %gather3A_1371 = vector.shape_cast %broadcast_in_dim3A_1370 : vector<16x1xi32> to vector<16xi32>
          %gather3A_1372 = tpu.dynamic_gather %gather3A_1364[%gather3A_1371] in [0] : vector<16xf32>, vector<16xi32> -> vector<16xf32>
          %get3A_1373 = arith.index_cast %add3A_1361 : i32 to index
          %get3A_1374 = arith.constant 0 : index
          %get3A_1375 = tpu.vector_load %arg9[%get3A_1373, %get3A_1374] {strides = array<i32>} : memref<128x144xf32, #tpu.memory_space<vmem>>, vector<16xf32>,
          %mul3A_1376 = arith.mulf %get3A_1375, %gather3A_1372 : vector<16xf32>
          %swap3A_1377 = arith.index_cast %add3A_1361 : i32 to index
          %swap3A_1378 = arith.constant 0 : index
          %swap3A_1379 = tpu.vector_load %arg9[%swap3A_1377, %swap3A_1378] {strides = array<i32>} : memref<128x144xf32, #tpu.memory_space<vmem>>, vector<16xf32>,
          tpu.vector_store %arg9[%swap3A_1377, %swap3A_1378], %mul3A_1376 {strides = array<i32>} : memref<128x144xf32, #tpu.memory_space<vmem>>, vector<16xf32>,
          %get3A_1380 = arith.index_cast %add3A_1361 : i32 to index
          %get3A_1381 = arith.constant 16 : index
          %get3A_1382 = tpu.vector_load %arg9[%get3A_1380, %get3A_1381] {strides = array<i32>} : memref<128x144xf32, #tpu.memory_space<vmem>>, vector<16xf32>,
          %mul3A_1383 = arith.mulf %get3A_1382, %gather3A_1372 : vector<16xf32>
          %swap3A_1384 = arith.index_cast %add3A_1361 : i32 to index
          %swap3A_1385 = arith.constant 16 : index
          %swap3A_1386 = tpu.vector_load %arg9[%swap3A_1384, %swap3A_1385] {strides = array<i32>} : memref<128x144xf32, #tpu.memory_space<vmem>>, vector<16xf32>,
          tpu.vector_store %arg9[%swap3A_1384, %swap3A_1385], %mul3A_1383 {strides = array<i32>} : memref<128x144xf32, #tpu.memory_space<vmem>>, vector<16xf32>,
          %broadcast_in_dim3A_1387 = arith.constant 1 : i32
          %broadcast_in_dim3A_1388 = vector.broadcast %broadcast_in_dim3A_1387 : i32 to vector<16xi32>
          %broadcast_in_dim3A_1389 = vector.shape_cast %broadcast_in_dim3A_1388 : vector<16xi32> to vector<16x1xi32>
          %gather3A_1390 = vector.shape_cast %broadcast_in_dim3A_1389 : vector<16x1xi32> to vector<16xi32>
          %gather3A_1391 = tpu.dynamic_gather %gather3A_1364[%gather3A_1390] in [0] : vector<16xf32>, vector<16xi32> -> vector<16xf32>
          %get3A_1392 = arith.index_cast %add3A_1361 : i32 to index
          %get3A_1393 = arith.constant 32 : index
          %get3A_1394 = tpu.vector_load %arg9[%get3A_1392, %get3A_1393] {strides = array<i32>} : memref<128x144xf32, #tpu.memory_space<vmem>>, vector<16xf32>,
          %mul3A_1395 = arith.mulf %get3A_1394, %gather3A_1391 : vector<16xf32>
          %swap3A_1396 = arith.index_cast %add3A_1361 : i32 to index
          %swap3A_1397 = arith.constant 32 : index
          %swap3A_1398 = tpu.vector_load %arg9[%swap3A_1396, %swap3A_1397] {strides = array<i32>} : memref<128x144xf32, #tpu.memory_space<vmem>>, vector<16xf32>,
          tpu.vector_store %arg9[%swap3A_1396, %swap3A_1397], %mul3A_1395 {strides = array<i32>} : memref<128x144xf32, #tpu.memory_space<vmem>>, vector<16xf32>,
          %get3A_1399 = arith.index_cast %add3A_1361 : i32 to index
          %get3A_1400 = arith.constant 48 : index
          %get3A_1401 = tpu.vector_load %arg9[%get3A_1399, %get3A_1400] {strides = array<i32>} : memref<128x144xf32, #tpu.memory_space<vmem>>, vector<16xf32>,
          %mul3A_1402 = arith.mulf %get3A_1401, %gather3A_1391 : vector<16xf32>
          %swap3A_1403 = arith.index_cast %add3A_1361 : i32 to index
          %swap3A_1404 = arith.constant 48 : index
          %swap3A_1405 = tpu.vector_load %arg9[%swap3A_1403, %swap3A_1404] {strides = array<i32>} : memref<128x144xf32, #tpu.memory_space<vmem>>, vector<16xf32>,
          tpu.vector_store %arg9[%swap3A_1403, %swap3A_1404], %mul3A_1402 {strides = array<i32>} : memref<128x144xf32, #tpu.memory_space<vmem>>, vector<16xf32>,
          %broadcast_in_dim3A_1406 = arith.constant 2 : i32
          %broadcast_in_dim3A_1407 = vector.broadcast %broadcast_in_dim3A_1406 : i32 to vector<16xi32>
          %broadcast_in_dim3A_1408 = vector.shape_cast %broadcast_in_dim3A_1407 : vector<16xi32> to vector<16x1xi32>
          %gather3A_1409 = vector.shape_cast %broadcast_in_dim3A_1408 : vector<16x1xi32> to vector<16xi32>
          %gather3A_1410 = tpu.dynamic_gather %gather3A_1364[%gather3A_1409] in [0] : vector<16xf32>, vector<16xi32> -> vector<16xf32>
          %get3A_1411 = arith.index_cast %add3A_1361 : i32 to index
          %get3A_1412 = arith.constant 64 : index
          %get3A_1413 = tpu.vector_load %arg9[%get3A_1411, %get3A_1412] {strides = array<i32>} : memref<128x144xf32, #tpu.memory_space<vmem>>, vector<16xf32>,
          %mul3A_1414 = arith.mulf %get3A_1413, %gather3A_1410 : vector<16xf32>
          %swap3A_1415 = arith.index_cast %add3A_1361 : i32 to index
          %swap3A_1416 = arith.constant 64 : index
          %swap3A_1417 = tpu.vector_load %arg9[%swap3A_1415, %swap3A_1416] {strides = array<i32>} : memref<128x144xf32, #tpu.memory_space<vmem>>, vector<16xf32>,
          tpu.vector_store %arg9[%swap3A_1415, %swap3A_1416], %mul3A_1414 {strides = array<i32>} : memref<128x144xf32, #tpu.memory_space<vmem>>, vector<16xf32>,
          %get3A_1418 = arith.index_cast %add3A_1361 : i32 to index
          %get3A_1419 = arith.constant 80 : index
          %get3A_1420 = tpu.vector_load %arg9[%get3A_1418, %get3A_1419] {strides = array<i32>} : memref<128x144xf32, #tpu.memory_space<vmem>>, vector<16xf32>,
          %mul3A_1421 = arith.mulf %get3A_1420, %gather3A_1410 : vector<16xf32>
          %swap3A_1422 = arith.index_cast %add3A_1361 : i32 to index
          %swap3A_1423 = arith.constant 80 : index
          %swap3A_1424 = tpu.vector_load %arg9[%swap3A_1422, %swap3A_1423] {strides = array<i32>} : memref<128x144xf32, #tpu.memory_space<vmem>>, vector<16xf32>,
          tpu.vector_store %arg9[%swap3A_1422, %swap3A_1423], %mul3A_1421 {strides = array<i32>} : memref<128x144xf32, #tpu.memory_space<vmem>>, vector<16xf32>,
          %broadcast_in_dim3A_1425 = arith.constant 3 : i32
          %broadcast_in_dim3A_1426 = vector.broadcast %broadcast_in_dim3A_1425 : i32 to vector<16xi32>
          %broadcast_in_dim3A_1427 = vector.shape_cast %broadcast_in_dim3A_1426 : vector<16xi32> to vector<16x1xi32>
          %gather3A_1428 = vector.shape_cast %broadcast_in_dim3A_1427 : vector<16x1xi32> to vector<16xi32>
          %gather3A_1429 = tpu.dynamic_gather %gather3A_1364[%gather3A_1428] in [0] : vector<16xf32>, vector<16xi32> -> vector<16xf32>
          %get3A_1430 = arith.index_cast %add3A_1361 : i32 to index
          %get3A_1431 = arith.constant 96 : index
          %get3A_1432 = tpu.vector_load %arg9[%get3A_1430, %get3A_1431] {strides = array<i32>} : memref<128x144xf32, #tpu.memory_space<vmem>>, vector<16xf32>,
          %mul3A_1433 = arith.mulf %get3A_1432, %gather3A_1429 : vector<16xf32>
          %swap3A_1434 = arith.index_cast %add3A_1361 : i32 to index
          %swap3A_1435 = arith.constant 96 : index
          %swap3A_1436 = tpu.vector_load %arg9[%swap3A_1434, %swap3A_1435] {strides = array<i32>} : memref<128x144xf32, #tpu.memory_space<vmem>>, vector<16xf32>,
          tpu.vector_store %arg9[%swap3A_1434, %swap3A_1435], %mul3A_1433 {strides = array<i32>} : memref<128x144xf32, #tpu.memory_space<vmem>>, vector<16xf32>,
          %get3A_1437 = arith.index_cast %add3A_1361 : i32 to index
          %get3A_1438 = arith.constant 112 : index
          %get3A_1439 = tpu.vector_load %arg9[%get3A_1437, %get3A_1438] {strides = array<i32>} : memref<128x144xf32, #tpu.memory_space<vmem>>, vector<16xf32>,
          %mul3A_1440 = arith.mulf %get3A_1439, %gather3A_1429 : vector<16xf32>
          %swap3A_1441 = arith.index_cast %add3A_1361 : i32 to index
          %swap3A_1442 = arith.constant 112 : index
          %swap3A_1443 = tpu.vector_load %arg9[%swap3A_1441, %swap3A_1442] {strides = array<i32>} : memref<128x144xf32, #tpu.memory_space<vmem>>, vector<16xf32>,
          tpu.vector_store %arg9[%swap3A_1441, %swap3A_1442], %mul3A_1440 {strides = array<i32>} : memref<128x144xf32, #tpu.memory_space<vmem>>, vector<16xf32>,
          %add3A_1444 = arith.constant 15 : i32
          %add3A_1445 = arith.addi %add3A_111, %add3A_1444 : i32
          %broadcast_in_dim3A_1446 = arith.constant 15 : i32
          %broadcast_in_dim3A_1447 = vector.broadcast %broadcast_in_dim3A_1446 : i32 to vector<16xi32>
          %gather3A_1448 = tpu.vector_load_idx %arg15[%min3A_16, %broadcast_in_dim3A_1447] : memref<4x16xf32, #tpu.memory_space<vmem>>[vector<16xi32>, vector<16xi32>], vector<16xf32>,
          %swap3A_1449 = arith.index_cast %add3A_1445 : i32 to index
          %swap3A_1450 = arith.constant 128 : index
          %swap3A_1451 = tpu.vector_load %arg9[%swap3A_1449, %swap3A_1450] {strides = array<i32>} : memref<128x144xf32, #tpu.memory_space<vmem>>, vector<16xf32>,
          tpu.vector_store %arg9[%swap3A_1449, %swap3A_1450], %gather3A_1448 {strides = array<i32>} : memref<128x144xf32, #tpu.memory_space<vmem>>, vector<16xf32>,
          %broadcast_in_dim3A_1452 = arith.constant 0 : i32
          %broadcast_in_dim3A_1453 = vector.broadcast %broadcast_in_dim3A_1452 : i32 to vector<16xi32>
          %broadcast_in_dim3A_1454 = vector.shape_cast %broadcast_in_dim3A_1453 : vector<16xi32> to vector<16x1xi32>
          %gather3A_1455 = vector.shape_cast %broadcast_in_dim3A_1454 : vector<16x1xi32> to vector<16xi32>
          %gather3A_1456 = tpu.dynamic_gather %gather3A_1448[%gather3A_1455] in [0] : vector<16xf32>, vector<16xi32> -> vector<16xf32>
          %get3A_1457 = arith.index_cast %add3A_1445 : i32 to index
          %get3A_1458 = arith.constant 0 : index
          %get3A_1459 = tpu.vector_load %arg9[%get3A_1457, %get3A_1458] {strides = array<i32>} : memref<128x144xf32, #tpu.memory_space<vmem>>, vector<16xf32>,
          %mul3A_1460 = arith.mulf %get3A_1459, %gather3A_1456 : vector<16xf32>
          %swap3A_1461 = arith.index_cast %add3A_1445 : i32 to index
          %swap3A_1462 = arith.constant 0 : index
          %swap3A_1463 = tpu.vector_load %arg9[%swap3A_1461, %swap3A_1462] {strides = array<i32>} : memref<128x144xf32, #tpu.memory_space<vmem>>, vector<16xf32>,
          tpu.vector_store %arg9[%swap3A_1461, %swap3A_1462], %mul3A_1460 {strides = array<i32>} : memref<128x144xf32, #tpu.memory_space<vmem>>, vector<16xf32>,
          %get3A_1464 = arith.index_cast %add3A_1445 : i32 to index
          %get3A_1465 = arith.constant 16 : index
          %get3A_1466 = tpu.vector_load %arg9[%get3A_1464, %get3A_1465] {strides = array<i32>} : memref<128x144xf32, #tpu.memory_space<vmem>>, vector<16xf32>,
          %mul3A_1467 = arith.mulf %get3A_1466, %gather3A_1456 : vector<16xf32>
          %swap3A_1468 = arith.index_cast %add3A_1445 : i32 to index
          %swap3A_1469 = arith.constant 16 : index
          %swap3A_1470 = tpu.vector_load %arg9[%swap3A_1468, %swap3A_1469] {strides = array<i32>} : memref<128x144xf32, #tpu.memory_space<vmem>>, vector<16xf32>,
          tpu.vector_store %arg9[%swap3A_1468, %swap3A_1469], %mul3A_1467 {strides = array<i32>} : memref<128x144xf32, #tpu.memory_space<vmem>>, vector<16xf32>,
          %broadcast_in_dim3A_1471 = arith.constant 1 : i32
          %broadcast_in_dim3A_1472 = vector.broadcast %broadcast_in_dim3A_1471 : i32 to vector<16xi32>
          %broadcast_in_dim3A_1473 = vector.shape_cast %broadcast_in_dim3A_1472 : vector<16xi32> to vector<16x1xi32>
          %gather3A_1474 = vector.shape_cast %broadcast_in_dim3A_1473 : vector<16x1xi32> to vector<16xi32>
          %gather3A_1475 = tpu.dynamic_gather %gather3A_1448[%gather3A_1474] in [0] : vector<16xf32>, vector<16xi32> -> vector<16xf32>
          %get3A_1476 = arith.index_cast %add3A_1445 : i32 to index
          %get3A_1477 = arith.constant 32 : index
          %get3A_1478 = tpu.vector_load %arg9[%get3A_1476, %get3A_1477] {strides = array<i32>} : memref<128x144xf32, #tpu.memory_space<vmem>>, vector<16xf32>,
          %mul3A_1479 = arith.mulf %get3A_1478, %gather3A_1475 : vector<16xf32>
          %swap3A_1480 = arith.index_cast %add3A_1445 : i32 to index
          %swap3A_1481 = arith.constant 32 : index
          %swap3A_1482 = tpu.vector_load %arg9[%swap3A_1480, %swap3A_1481] {strides = array<i32>} : memref<128x144xf32, #tpu.memory_space<vmem>>, vector<16xf32>,
          tpu.vector_store %arg9[%swap3A_1480, %swap3A_1481], %mul3A_1479 {strides = array<i32>} : memref<128x144xf32, #tpu.memory_space<vmem>>, vector<16xf32>,
          %get3A_1483 = arith.index_cast %add3A_1445 : i32 to index
          %get3A_1484 = arith.constant 48 : index
          %get3A_1485 = tpu.vector_load %arg9[%get3A_1483, %get3A_1484] {strides = array<i32>} : memref<128x144xf32, #tpu.memory_space<vmem>>, vector<16xf32>,
          %mul3A_1486 = arith.mulf %get3A_1485, %gather3A_1475 : vector<16xf32>
          %swap3A_1487 = arith.index_cast %add3A_1445 : i32 to index
          %swap3A_1488 = arith.constant 48 : index
          %swap3A_1489 = tpu.vector_load %arg9[%swap3A_1487, %swap3A_1488] {strides = array<i32>} : memref<128x144xf32, #tpu.memory_space<vmem>>, vector<16xf32>,
          tpu.vector_store %arg9[%swap3A_1487, %swap3A_1488], %mul3A_1486 {strides = array<i32>} : memref<128x144xf32, #tpu.memory_space<vmem>>, vector<16xf32>,
          %broadcast_in_dim3A_1490 = arith.constant 2 : i32
          %broadcast_in_dim3A_1491 = vector.broadcast %broadcast_in_dim3A_1490 : i32 to vector<16xi32>
          %broadcast_in_dim3A_1492 = vector.shape_cast %broadcast_in_dim3A_1491 : vector<16xi32> to vector<16x1xi32>
          %gather3A_1493 = vector.shape_cast %broadcast_in_dim3A_1492 : vector<16x1xi32> to vector<16xi32>
          %gather3A_1494 = tpu.dynamic_gather %gather3A_1448[%gather3A_1493] in [0] : vector<16xf32>, vector<16xi32> -> vector<16xf32>
          %get3A_1495 = arith.index_cast %add3A_1445 : i32 to index
          %get3A_1496 = arith.constant 64 : index
          %get3A_1497 = tpu.vector_load %arg9[%get3A_1495, %get3A_1496] {strides = array<i32>} : memref<128x144xf32, #tpu.memory_space<vmem>>, vector<16xf32>,
          %mul3A_1498 = arith.mulf %get3A_1497, %gather3A_1494 : vector<16xf32>
          %swap3A_1499 = arith.index_cast %add3A_1445 : i32 to index
          %swap3A_1500 = arith.constant 64 : index
          %swap3A_1501 = tpu.vector_load %arg9[%swap3A_1499, %swap3A_1500] {strides = array<i32>} : memref<128x144xf32, #tpu.memory_space<vmem>>, vector<16xf32>,
          tpu.vector_store %arg9[%swap3A_1499, %swap3A_1500], %mul3A_1498 {strides = array<i32>} : memref<128x144xf32, #tpu.memory_space<vmem>>, vector<16xf32>,
          %get3A_1502 = arith.index_cast %add3A_1445 : i32 to index
          %get3A_1503 = arith.constant 80 : index
          %get3A_1504 = tpu.vector_load %arg9[%get3A_1502, %get3A_1503] {strides = array<i32>} : memref<128x144xf32, #tpu.memory_space<vmem>>, vector<16xf32>,
          %mul3A_1505 = arith.mulf %get3A_1504, %gather3A_1494 : vector<16xf32>
          %swap3A_1506 = arith.index_cast %add3A_1445 : i32 to index
          %swap3A_1507 = arith.constant 80 : index
          %swap3A_1508 = tpu.vector_load %arg9[%swap3A_1506, %swap3A_1507] {strides = array<i32>} : memref<128x144xf32, #tpu.memory_space<vmem>>, vector<16xf32>,
          tpu.vector_store %arg9[%swap3A_1506, %swap3A_1507], %mul3A_1505 {strides = array<i32>} : memref<128x144xf32, #tpu.memory_space<vmem>>, vector<16xf32>,
          %broadcast_in_dim3A_1509 = arith.constant 3 : i32
          %broadcast_in_dim3A_1510 = vector.broadcast %broadcast_in_dim3A_1509 : i32 to vector<16xi32>
          %broadcast_in_dim3A_1511 = vector.shape_cast %broadcast_in_dim3A_1510 : vector<16xi32> to vector<16x1xi32>
          %gather3A_1512 = vector.shape_cast %broadcast_in_dim3A_1511 : vector<16x1xi32> to vector<16xi32>
          %gather3A_1513 = tpu.dynamic_gather %gather3A_1448[%gather3A_1512] in [0] : vector<16xf32>, vector<16xi32> -> vector<16xf32>
          %get3A_1514 = arith.index_cast %add3A_1445 : i32 to index
          %get3A_1515 = arith.constant 96 : index
          %get3A_1516 = tpu.vector_load %arg9[%get3A_1514, %get3A_1515] {strides = array<i32>} : memref<128x144xf32, #tpu.memory_space<vmem>>, vector<16xf32>,
          %mul3A_1517 = arith.mulf %get3A_1516, %gather3A_1513 : vector<16xf32>
          %swap3A_1518 = arith.index_cast %add3A_1445 : i32 to index
          %swap3A_1519 = arith.constant 96 : index
          %swap3A_1520 = tpu.vector_load %arg9[%swap3A_1518, %swap3A_1519] {strides = array<i32>} : memref<128x144xf32, #tpu.memory_space<vmem>>, vector<16xf32>,
          tpu.vector_store %arg9[%swap3A_1518, %swap3A_1519], %mul3A_1517 {strides = array<i32>} : memref<128x144xf32, #tpu.memory_space<vmem>>, vector<16xf32>,
          %get3A_1521 = arith.index_cast %add3A_1445 : i32 to index
          %get3A_1522 = arith.constant 112 : index
          %get3A_1523 = tpu.vector_load %arg9[%get3A_1521, %get3A_1522] {strides = array<i32>} : memref<128x144xf32, #tpu.memory_space<vmem>>, vector<16xf32>,
          %mul3A_1524 = arith.mulf %get3A_1523, %gather3A_1513 : vector<16xf32>
          %swap3A_1525 = arith.index_cast %add3A_1445 : i32 to index
          %swap3A_1526 = arith.constant 112 : index
          %swap3A_1527 = tpu.vector_load %arg9[%swap3A_1525, %swap3A_1526] {strides = array<i32>} : memref<128x144xf32, #tpu.memory_space<vmem>>, vector<16xf32>,
          tpu.vector_store %arg9[%swap3A_1525, %swap3A_1526], %mul3A_1524 {strides = array<i32>} : memref<128x144xf32, #tpu.memory_space<vmem>>, vector<16xf32>,
        }
        %scan3A_106 = arith.constant 8 : i32
        "tpu.region"() ({
          %run_scoped3A = tpu.sem_alloc : memref<!tpu.dma_semaphore, #tpu.memory_space<semaphore_mem>>
          %dma_start3A = arith.constant 0 : i32
          %dma_start3A_107 = arith.constant 0 : i32
          %dma_start3A_108 = tpu.memref_slice %arg6[%dma_start3A, %dma_start3A_107] : memref<10000x144xf32, #tpu.memory_space<vmem_shared>> -> memref<10000x144xf32, #tpu.memory_space<vmem_shared>>
          tpu.enqueue_indirect_dma source(%arg9 : memref<128x144xf32, #tpu.memory_space<vmem>>) target(%dma_start3A_108 : memref<10000x144xf32, #tpu.memory_space<vmem_shared>>) offsets(%arg11 : memref<128xi32, #tpu.memory_space<vmem>>) semaphore(%run_scoped3A : memref<!tpu.dma_semaphore, #tpu.memory_space<semaphore_mem>>) {add = true}
          %dma_wait3A = arith.constant 0 : i32
          %dma_wait3A_109 = arith.constant 0 : i32
          %dma_wait3A_110 = tpu.memref_slice %arg6[%dma_wait3A, %dma_wait3A_109] : memref<10000x144xf32, #tpu.memory_space<vmem_shared>> -> memref<10000x144xf32, #tpu.memory_space<vmem_shared>>
          tpu.wait_indirect_dma semaphore(%run_scoped3A : memref<!tpu.dma_semaphore, #tpu.memory_space<semaphore_mem>>) src(%arg9 : memref<128x144xf32, #tpu.memory_space<vmem>>) dst(%dma_wait3A_110 : memref<10000x144xf32, #tpu.memory_space<vmem_shared>>)
          tpu.yield
        }) : () -> ()
      } else {
      }
      %add3A_72 = arith.constant 1 : i32
      %add3A_73 = arith.addi %mul3A_45, %add3A_72 : i32
      %mul3A_74 = arith.constant 32 : i32
      %mul3A_75 = arith.muli %add3A_73, %mul3A_74 : i32
      %add3A_76 = arith.addi %mul3A_75, %add3A : i32
      %lt3A_77 = arith.constant 2500 : i32
      %lt3A_78 = arith.cmpi slt, %add3A_76, %lt3A_77 : i32
      %convert_element_type3A_79 = arith.extui %lt3A_78 : i1 to i32
      %cond3A_80 = arith.constant 0 : i32
      %cond3A_81 = arith.cmpi ne, %convert_element_type3A_79, %cond3A_80 : i32
      scf.if %cond3A_81 {
        %dma_wait3A = arith.constant 0 : i32
        %dma_wait3A_102 = arith.constant 0 : i32
        %dma_wait3A_103 = tpu.memref_slice %arg2[%dma_wait3A, %dma_wait3A_102] : memref<10000x144xf32, #tpu.memory_space<hbm>> -> memref<10000x144xf32, #tpu.memory_space<hbm>>
        tpu.wait_indirect_dma semaphore(%arg17 : memref<!tpu.dma_semaphore, #tpu.memory_space<semaphore_mem>>) src(%dma_wait3A_103 : memref<10000x144xf32, #tpu.memory_space<hbm>>) dst(%arg10 : memref<128x144xf32, #tpu.memory_space<vmem>>)
        %dma_wait3A_104 = arith.constant 0 : i32
        %dma_wait3A_105 = arith.constant 0 : i32
        %dma_wait3A_106 = tpu.memref_slice %arg3[%dma_wait3A_104, %dma_wait3A_105] : memref<10000x8xf32, #tpu.memory_space<hbm>> -> memref<10000x8xf32, #tpu.memory_space<hbm>>
        tpu.wait_indirect_dma semaphore(%arg19 : memref<!tpu.dma_semaphore, #tpu.memory_space<semaphore_mem>>) src(%dma_wait3A_106 : memref<10000x8xf32, #tpu.memory_space<hbm>>) dst(%arg8 : memref<128x8xf32, #tpu.memory_space<vmem>>)
      } else {
      }
      %add3A_82 = arith.constant 2 : i32
      %add3A_83 = arith.addi %mul3A_45, %add3A_82 : i32
      %mul3A_84 = arith.constant 32 : i32
      %mul3A_85 = arith.muli %add3A_83, %mul3A_84 : i32
      %add3A_86 = arith.addi %mul3A_85, %add3A : i32
      %lt3A_87 = arith.constant 2500 : i32
      %lt3A_88 = arith.cmpi slt, %add3A_86, %lt3A_87 : i32
      %convert_element_type3A_89 = arith.extui %lt3A_88 : i1 to i32
      %cond3A_90 = arith.constant 0 : i32
      %cond3A_91 = arith.cmpi ne, %convert_element_type3A_89, %cond3A_90 : i32
      scf.if %cond3A_91 {
        %mul3A_102 = arith.constant 32 : i32
        %mul3A_103 = arith.muli %add3A_83, %mul3A_102 : i32
        %add3A_104 = arith.addi %mul3A_103, %add3A : i32
        %mul3A_105 = arith.constant 128 : i32
        %mul3A_106 = arith.muli %add3A_104, %mul3A_105 : i32
        %run_scoped3A = arith.constant 0 : i32
        "tpu.region"() ({
          %run_scoped3A_113 = tpu.sem_alloc : memref<!tpu.dma_semaphore, #tpu.memory_space<semaphore_mem>>
          %dma_start3A_114 = tpu.memref_slice %arg4[%run_scoped3A, %mul3A_106] : memref<2x320000xi32, #tpu.memory_space<hbm>> -> memref<1x128xi32, #tpu.memory_space<hbm>>
          %dma_start3A_115 = tpu.memref_squeeze %dma_start3A_114 : memref<1x128xi32, #tpu.memory_space<hbm>> -> memref<128xi32, #tpu.memory_space<hbm>>
          %dma_start3A_116 = tpu.memref_slice %arg4[%run_scoped3A, %mul3A_106] : memref<2x320000xi32, #tpu.memory_space<hbm>> -> memref<1x128xi32, #tpu.memory_space<hbm>>
          %dma_start3A_117 = tpu.memref_squeeze %dma_start3A_116 : memref<1x128xi32, #tpu.memory_space<hbm>> -> memref<128xi32, #tpu.memory_space<hbm>>
          tpu.enqueue_dma source(%dma_start3A_117 : memref<128xi32, #tpu.memory_space<hbm>>) target(%arg11 : memref<128xi32, #tpu.memory_space<vmem>>) target_semaphore(%run_scoped3A_113 : memref<!tpu.dma_semaphore, #tpu.memory_space<semaphore_mem>>)
          %dma_wait3A = tpu.memref_slice %arg4[%run_scoped3A, %mul3A_106] : memref<2x320000xi32, #tpu.memory_space<hbm>> -> memref<1x128xi32, #tpu.memory_space<hbm>>
          %dma_wait3A_118 = tpu.memref_squeeze %dma_wait3A : memref<1x128xi32, #tpu.memory_space<hbm>> -> memref<128xi32, #tpu.memory_space<hbm>>
          %dma_wait3A_119 = tpu.memref_slice %arg4[%run_scoped3A, %mul3A_106] : memref<2x320000xi32, #tpu.memory_space<hbm>> -> memref<1x128xi32, #tpu.memory_space<hbm>>
          %dma_wait3A_120 = tpu.memref_squeeze %dma_wait3A_119 : memref<1x128xi32, #tpu.memory_space<hbm>> -> memref<128xi32, #tpu.memory_space<hbm>>
          tpu.wait_dma2 semaphore(%run_scoped3A_113 : memref<!tpu.dma_semaphore, #tpu.memory_space<semaphore_mem>>) src(%dma_wait3A_120 : memref<128xi32, #tpu.memory_space<hbm>>) dst(%arg11 : memref<128xi32, #tpu.memory_space<vmem>>)
          tpu.yield
        }) : () -> ()
        %run_scoped3A_107 = arith.constant 1 : i32
        "tpu.region"() ({
          %run_scoped3A_113 = tpu.sem_alloc : memref<!tpu.dma_semaphore, #tpu.memory_space<semaphore_mem>>
          %dma_start3A_114 = tpu.memref_slice %arg4[%run_scoped3A_107, %mul3A_106] : memref<2x320000xi32, #tpu.memory_space<hbm>> -> memref<1x128xi32, #tpu.memory_space<hbm>>
          %dma_start3A_115 = tpu.memref_squeeze %dma_start3A_114 : memref<1x128xi32, #tpu.memory_space<hbm>> -> memref<128xi32, #tpu.memory_space<hbm>>
          %dma_start3A_116 = tpu.memref_slice %arg4[%run_scoped3A_107, %mul3A_106] : memref<2x320000xi32, #tpu.memory_space<hbm>> -> memref<1x128xi32, #tpu.memory_space<hbm>>
          %dma_start3A_117 = tpu.memref_squeeze %dma_start3A_116 : memref<1x128xi32, #tpu.memory_space<hbm>> -> memref<128xi32, #tpu.memory_space<hbm>>
          tpu.enqueue_dma source(%dma_start3A_117 : memref<128xi32, #tpu.memory_space<hbm>>) target(%arg13 : memref<128xi32, #tpu.memory_space<vmem>>) target_semaphore(%run_scoped3A_113 : memref<!tpu.dma_semaphore, #tpu.memory_space<semaphore_mem>>)
          %dma_wait3A = tpu.memref_slice %arg4[%run_scoped3A_107, %mul3A_106] : memref<2x320000xi32, #tpu.memory_space<hbm>> -> memref<1x128xi32, #tpu.memory_space<hbm>>
          %dma_wait3A_118 = tpu.memref_squeeze %dma_wait3A : memref<1x128xi32, #tpu.memory_space<hbm>> -> memref<128xi32, #tpu.memory_space<hbm>>
          %dma_wait3A_119 = tpu.memref_slice %arg4[%run_scoped3A_107, %mul3A_106] : memref<2x320000xi32, #tpu.memory_space<hbm>> -> memref<1x128xi32, #tpu.memory_space<hbm>>
          %dma_wait3A_120 = tpu.memref_squeeze %dma_wait3A_119 : memref<1x128xi32, #tpu.memory_space<hbm>> -> memref<128xi32, #tpu.memory_space<hbm>>
          tpu.wait_dma2 semaphore(%run_scoped3A_113 : memref<!tpu.dma_semaphore, #tpu.memory_space<semaphore_mem>>) src(%dma_wait3A_120 : memref<128xi32, #tpu.memory_space<hbm>>) dst(%arg13 : memref<128xi32, #tpu.memory_space<vmem>>)
          tpu.yield
        }) : () -> ()
        %dma_start3A = arith.constant 0 : i32
        %dma_start3A_108 = arith.constant 0 : i32
        %dma_start3A_109 = tpu.memref_slice %arg2[%dma_start3A, %dma_start3A_108] : memref<10000x144xf32, #tpu.memory_space<hbm>> -> memref<10000x144xf32, #tpu.memory_space<hbm>>
        tpu.enqueue_indirect_dma source(%dma_start3A_109 : memref<10000x144xf32, #tpu.memory_space<hbm>>) target(%arg9 : memref<128x144xf32, #tpu.memory_space<vmem>>) offsets(%arg13 : memref<128xi32, #tpu.memory_space<vmem>>) semaphore(%arg16 : memref<!tpu.dma_semaphore, #tpu.memory_space<semaphore_mem>>)
        %dma_start3A_110 = arith.constant 0 : i32
        %dma_start3A_111 = arith.constant 0 : i32
        %dma_start3A_112 = tpu.memref_slice %arg3[%dma_start3A_110, %dma_start3A_111] : memref<10000x8xf32, #tpu.memory_space<hbm>> -> memref<10000x8xf32, #tpu.memory_space<hbm>>
        tpu.enqueue_indirect_dma source(%dma_start3A_112 : memref<10000x8xf32, #tpu.memory_space<hbm>>) target(%arg7 : memref<128x8xf32, #tpu.memory_space<vmem>>) offsets(%arg11 : memref<128xi32, #tpu.memory_space<vmem>>) semaphore(%arg18 : memref<!tpu.dma_semaphore, #tpu.memory_space<semaphore_mem>>)
      } else {
      }
      %add3A_92 = arith.constant 1 : i32
      %add3A_93 = arith.addi %mul3A_45, %add3A_92 : i32
      %mul3A_94 = arith.constant 32 : i32
      %mul3A_95 = arith.muli %add3A_93, %mul3A_94 : i32
      %add3A_96 = arith.addi %mul3A_95, %add3A : i32
      %lt3A_97 = arith.constant 2500 : i32
      %lt3A_98 = arith.cmpi slt, %add3A_96, %lt3A_97 : i32
      %convert_element_type3A_99 = arith.extui %lt3A_98 : i1 to i32
      %cond3A_100 = arith.constant 0 : i32
      %cond3A_101 = arith.cmpi ne, %convert_element_type3A_99, %cond3A_100 : i32
      scf.if %cond3A_101 {
        %scan3A_102 = arith.constant 0 : i32
        %scan3A_103 = arith.constant 8 : i32
        %scan3A_104 = arith.addi %scan3A_102, %scan3A_103 : i32
        %scan3A_105 = arith.constant 1 : i32
        scf.for %scan3A_107 = %scan3A_102 to %scan3A_104 step %scan3A_105  : i32 {
          %mul3A_108 = arith.constant 16 : i32
          %mul3A_109 = arith.muli %scan3A_107, %mul3A_108 : i32
          %add3A_110 = arith.constant 0 : i32
          %add3A_111 = arith.addi %add3A_110, %mul3A_109 : i32
          %add3A_112 = vector.broadcast %add3A_111 : i32 to vector<16xi32>
          %add3A_113 = arith.addi %add3A_112, %iota3A : vector<16xi32>
          %broadcast_in_dim3A_114 = arith.constant 0 : i32
          %broadcast_in_dim3A_115 = vector.broadcast %broadcast_in_dim3A_114 : i32 to vector<16xi32>
          %gather3A = tpu.vector_load_idx %arg8[%add3A_113, %broadcast_in_dim3A_115] : memref<128x8xf32, #tpu.memory_space<vmem>>[vector<16xi32>, vector<16xi32>], vector<16xf32>,
          %broadcast_in_dim3A_116 = arith.constant 128 : i32
          %broadcast_in_dim3A_117 = vector.broadcast %broadcast_in_dim3A_116 : i32 to vector<16xi32>
          %gather3A_118 = tpu.vector_load_idx %arg10[%add3A_113, %broadcast_in_dim3A_117] : memref<128x144xf32, #tpu.memory_space<vmem>>[vector<16xi32>, vector<16xi32>], vector<16xf32>,
          %add3A_119 = arith.addf %gather3A, %gather3A_118 : vector<16xf32>
          %mul3A_120 = arith.constant 2.000000e-01 : f32
          %mul3A_121 = vector.broadcast %mul3A_120 : f32 to vector<16xf32>
          %mul3A_122 = arith.mulf %mul3A_121, %add3A_119 : vector<16xf32>
          %max3A = arith.maximumf %add3A_119, %mul3A_122 : vector<16xf32>
          %neg3A = arith.constant 0.000000e+00 : f32
          %neg3A_123 = vector.broadcast %neg3A : f32 to vector<16xf32>
          %neg3A_124 = arith.subf %neg3A_123, %max3A : vector<16xf32>
          %exp3A = math.exp %neg3A_124 : vector<16xf32>
          %swap3A = arith.constant 0 : i32
          %swap3A_125 = arith.index_cast %swap3A : i32 to index
          %swap3A_126 = arith.constant 0 : index
          %swap3A_127 = tpu.vector_load %arg15[%swap3A_125, %swap3A_126] {strides = array<i32>} : memref<4x16xf32, #tpu.memory_space<vmem>>, vector<16xf32>,
          tpu.vector_store %arg15[%swap3A_125, %swap3A_126], %exp3A {strides = array<i32>} : memref<4x16xf32, #tpu.memory_space<vmem>>, vector<16xf32>,
          %broadcast_in_dim3A_128 = arith.constant 1 : i32
          %broadcast_in_dim3A_129 = vector.broadcast %broadcast_in_dim3A_128 : i32 to vector<16xi32>
          %gather3A_130 = tpu.vector_load_idx %arg8[%add3A_113, %broadcast_in_dim3A_129] : memref<128x8xf32, #tpu.memory_space<vmem>>[vector<16xi32>, vector<16xi32>], vector<16xf32>,
          %broadcast_in_dim3A_131 = arith.constant 129 : i32
          %broadcast_in_dim3A_132 = vector.broadcast %broadcast_in_dim3A_131 : i32 to vector<16xi32>
          %gather3A_133 = tpu.vector_load_idx %arg10[%add3A_113, %broadcast_in_dim3A_132] : memref<128x144xf32, #tpu.memory_space<vmem>>[vector<16xi32>, vector<16xi32>], vector<16xf32>,
          %add3A_134 = arith.addf %gather3A_130, %gather3A_133 : vector<16xf32>
          %mul3A_135 = arith.constant 2.000000e-01 : f32
          %mul3A_136 = vector.broadcast %mul3A_135 : f32 to vector<16xf32>
          %mul3A_137 = arith.mulf %mul3A_136, %add3A_134 : vector<16xf32>
          %max3A_138 = arith.maximumf %add3A_134, %mul3A_137 : vector<16xf32>
          %neg3A_139 = arith.constant 0.000000e+00 : f32
          %neg3A_140 = vector.broadcast %neg3A_139 : f32 to vector<16xf32>
          %neg3A_141 = arith.subf %neg3A_140, %max3A_138 : vector<16xf32>
          %exp3A_142 = math.exp %neg3A_141 : vector<16xf32>
          %swap3A_143 = arith.constant 1 : i32
          %swap3A_144 = arith.index_cast %swap3A_143 : i32 to index
          %swap3A_145 = arith.constant 0 : index
          %swap3A_146 = tpu.vector_load %arg15[%swap3A_144, %swap3A_145] {strides = array<i32>} : memref<4x16xf32, #tpu.memory_space<vmem>>, vector<16xf32>,
          tpu.vector_store %arg15[%swap3A_144, %swap3A_145], %exp3A_142 {strides = array<i32>} : memref<4x16xf32, #tpu.memory_space<vmem>>, vector<16xf32>,
          %broadcast_in_dim3A_147 = arith.constant 2 : i32
          %broadcast_in_dim3A_148 = vector.broadcast %broadcast_in_dim3A_147 : i32 to vector<16xi32>
          %gather3A_149 = tpu.vector_load_idx %arg8[%add3A_113, %broadcast_in_dim3A_148] : memref<128x8xf32, #tpu.memory_space<vmem>>[vector<16xi32>, vector<16xi32>], vector<16xf32>,
          %broadcast_in_dim3A_150 = arith.constant 130 : i32
          %broadcast_in_dim3A_151 = vector.broadcast %broadcast_in_dim3A_150 : i32 to vector<16xi32>
          %gather3A_152 = tpu.vector_load_idx %arg10[%add3A_113, %broadcast_in_dim3A_151] : memref<128x144xf32, #tpu.memory_space<vmem>>[vector<16xi32>, vector<16xi32>], vector<16xf32>,
          %add3A_153 = arith.addf %gather3A_149, %gather3A_152 : vector<16xf32>
          %mul3A_154 = arith.constant 2.000000e-01 : f32
          %mul3A_155 = vector.broadcast %mul3A_154 : f32 to vector<16xf32>
          %mul3A_156 = arith.mulf %mul3A_155, %add3A_153 : vector<16xf32>
          %max3A_157 = arith.maximumf %add3A_153, %mul3A_156 : vector<16xf32>
          %neg3A_158 = arith.constant 0.000000e+00 : f32
          %neg3A_159 = vector.broadcast %neg3A_158 : f32 to vector<16xf32>
          %neg3A_160 = arith.subf %neg3A_159, %max3A_157 : vector<16xf32>
          %exp3A_161 = math.exp %neg3A_160 : vector<16xf32>
          %swap3A_162 = arith.constant 2 : i32
          %swap3A_163 = arith.index_cast %swap3A_162 : i32 to index
          %swap3A_164 = arith.constant 0 : index
          %swap3A_165 = tpu.vector_load %arg15[%swap3A_163, %swap3A_164] {strides = array<i32>} : memref<4x16xf32, #tpu.memory_space<vmem>>, vector<16xf32>,
          tpu.vector_store %arg15[%swap3A_163, %swap3A_164], %exp3A_161 {strides = array<i32>} : memref<4x16xf32, #tpu.memory_space<vmem>>, vector<16xf32>,
          %broadcast_in_dim3A_166 = arith.constant 3 : i32
          %broadcast_in_dim3A_167 = vector.broadcast %broadcast_in_dim3A_166 : i32 to vector<16xi32>
          %gather3A_168 = tpu.vector_load_idx %arg8[%add3A_113, %broadcast_in_dim3A_167] : memref<128x8xf32, #tpu.memory_space<vmem>>[vector<16xi32>, vector<16xi32>], vector<16xf32>,
          %broadcast_in_dim3A_169 = arith.constant 131 : i32
          %broadcast_in_dim3A_170 = vector.broadcast %broadcast_in_dim3A_169 : i32 to vector<16xi32>
          %gather3A_171 = tpu.vector_load_idx %arg10[%add3A_113, %broadcast_in_dim3A_170] : memref<128x144xf32, #tpu.memory_space<vmem>>[vector<16xi32>, vector<16xi32>], vector<16xf32>,
          %add3A_172 = arith.addf %gather3A_168, %gather3A_171 : vector<16xf32>
          %mul3A_173 = arith.constant 2.000000e-01 : f32
          %mul3A_174 = vector.broadcast %mul3A_173 : f32 to vector<16xf32>
          %mul3A_175 = arith.mulf %mul3A_174, %add3A_172 : vector<16xf32>
          %max3A_176 = arith.maximumf %add3A_172, %mul3A_175 : vector<16xf32>
          %neg3A_177 = arith.constant 0.000000e+00 : f32
          %neg3A_178 = vector.broadcast %neg3A_177 : f32 to vector<16xf32>
          %neg3A_179 = arith.subf %neg3A_178, %max3A_176 : vector<16xf32>
          %exp3A_180 = math.exp %neg3A_179 : vector<16xf32>
          %swap3A_181 = arith.constant 3 : i32
          %swap3A_182 = arith.index_cast %swap3A_181 : i32 to index
          %swap3A_183 = arith.constant 0 : index
          %swap3A_184 = tpu.vector_load %arg15[%swap3A_182, %swap3A_183] {strides = array<i32>} : memref<4x16xf32, #tpu.memory_space<vmem>>, vector<16xf32>,
          tpu.vector_store %arg15[%swap3A_182, %swap3A_183], %exp3A_180 {strides = array<i32>} : memref<4x16xf32, #tpu.memory_space<vmem>>, vector<16xf32>,
          %add3A_185 = arith.constant 0 : i32
          %add3A_186 = arith.addi %add3A_111, %add3A_185 : i32
          %broadcast_in_dim3A_187 = arith.constant 0 : i32
          %broadcast_in_dim3A_188 = vector.broadcast %broadcast_in_dim3A_187 : i32 to vector<16xi32>
          %gather3A_189 = tpu.vector_load_idx %arg15[%min3A_16, %broadcast_in_dim3A_188] : memref<4x16xf32, #tpu.memory_space<vmem>>[vector<16xi32>, vector<16xi32>], vector<16xf32>,
          %swap3A_190 = arith.index_cast %add3A_186 : i32 to index
          %swap3A_191 = arith.constant 128 : index
          %swap3A_192 = tpu.vector_load %arg10[%swap3A_190, %swap3A_191] {strides = array<i32>} : memref<128x144xf32, #tpu.memory_space<vmem>>, vector<16xf32>,
          tpu.vector_store %arg10[%swap3A_190, %swap3A_191], %gather3A_189 {strides = array<i32>} : memref<128x144xf32, #tpu.memory_space<vmem>>, vector<16xf32>,
          %broadcast_in_dim3A_193 = arith.constant 0 : i32
          %broadcast_in_dim3A_194 = vector.broadcast %broadcast_in_dim3A_193 : i32 to vector<16xi32>
          %broadcast_in_dim3A_195 = vector.shape_cast %broadcast_in_dim3A_194 : vector<16xi32> to vector<16x1xi32>
          %gather3A_196 = vector.shape_cast %broadcast_in_dim3A_195 : vector<16x1xi32> to vector<16xi32>
          %gather3A_197 = tpu.dynamic_gather %gather3A_189[%gather3A_196] in [0] : vector<16xf32>, vector<16xi32> -> vector<16xf32>
          %get3A = arith.index_cast %add3A_186 : i32 to index
          %get3A_198 = arith.constant 0 : index
          %get3A_199 = tpu.vector_load %arg10[%get3A, %get3A_198] {strides = array<i32>} : memref<128x144xf32, #tpu.memory_space<vmem>>, vector<16xf32>,
          %mul3A_200 = arith.mulf %get3A_199, %gather3A_197 : vector<16xf32>
          %swap3A_201 = arith.index_cast %add3A_186 : i32 to index
          %swap3A_202 = arith.constant 0 : index
          %swap3A_203 = tpu.vector_load %arg10[%swap3A_201, %swap3A_202] {strides = array<i32>} : memref<128x144xf32, #tpu.memory_space<vmem>>, vector<16xf32>,
          tpu.vector_store %arg10[%swap3A_201, %swap3A_202], %mul3A_200 {strides = array<i32>} : memref<128x144xf32, #tpu.memory_space<vmem>>, vector<16xf32>,
          %get3A_204 = arith.index_cast %add3A_186 : i32 to index
          %get3A_205 = arith.constant 16 : index
          %get3A_206 = tpu.vector_load %arg10[%get3A_204, %get3A_205] {strides = array<i32>} : memref<128x144xf32, #tpu.memory_space<vmem>>, vector<16xf32>,
          %mul3A_207 = arith.mulf %get3A_206, %gather3A_197 : vector<16xf32>
          %swap3A_208 = arith.index_cast %add3A_186 : i32 to index
          %swap3A_209 = arith.constant 16 : index
          %swap3A_210 = tpu.vector_load %arg10[%swap3A_208, %swap3A_209] {strides = array<i32>} : memref<128x144xf32, #tpu.memory_space<vmem>>, vector<16xf32>,
          tpu.vector_store %arg10[%swap3A_208, %swap3A_209], %mul3A_207 {strides = array<i32>} : memref<128x144xf32, #tpu.memory_space<vmem>>, vector<16xf32>,
          %broadcast_in_dim3A_211 = arith.constant 1 : i32
          %broadcast_in_dim3A_212 = vector.broadcast %broadcast_in_dim3A_211 : i32 to vector<16xi32>
          %broadcast_in_dim3A_213 = vector.shape_cast %broadcast_in_dim3A_212 : vector<16xi32> to vector<16x1xi32>
          %gather3A_214 = vector.shape_cast %broadcast_in_dim3A_213 : vector<16x1xi32> to vector<16xi32>
          %gather3A_215 = tpu.dynamic_gather %gather3A_189[%gather3A_214] in [0] : vector<16xf32>, vector<16xi32> -> vector<16xf32>
          %get3A_216 = arith.index_cast %add3A_186 : i32 to index
          %get3A_217 = arith.constant 32 : index
          %get3A_218 = tpu.vector_load %arg10[%get3A_216, %get3A_217] {strides = array<i32>} : memref<128x144xf32, #tpu.memory_space<vmem>>, vector<16xf32>,
          %mul3A_219 = arith.mulf %get3A_218, %gather3A_215 : vector<16xf32>
          %swap3A_220 = arith.index_cast %add3A_186 : i32 to index
          %swap3A_221 = arith.constant 32 : index
          %swap3A_222 = tpu.vector_load %arg10[%swap3A_220, %swap3A_221] {strides = array<i32>} : memref<128x144xf32, #tpu.memory_space<vmem>>, vector<16xf32>,
          tpu.vector_store %arg10[%swap3A_220, %swap3A_221], %mul3A_219 {strides = array<i32>} : memref<128x144xf32, #tpu.memory_space<vmem>>, vector<16xf32>,
          %get3A_223 = arith.index_cast %add3A_186 : i32 to index
          %get3A_224 = arith.constant 48 : index
          %get3A_225 = tpu.vector_load %arg10[%get3A_223, %get3A_224] {strides = array<i32>} : memref<128x144xf32, #tpu.memory_space<vmem>>, vector<16xf32>,
          %mul3A_226 = arith.mulf %get3A_225, %gather3A_215 : vector<16xf32>
          %swap3A_227 = arith.index_cast %add3A_186 : i32 to index
          %swap3A_228 = arith.constant 48 : index
          %swap3A_229 = tpu.vector_load %arg10[%swap3A_227, %swap3A_228] {strides = array<i32>} : memref<128x144xf32, #tpu.memory_space<vmem>>, vector<16xf32>,
          tpu.vector_store %arg10[%swap3A_227, %swap3A_228], %mul3A_226 {strides = array<i32>} : memref<128x144xf32, #tpu.memory_space<vmem>>, vector<16xf32>,
          %broadcast_in_dim3A_230 = arith.constant 2 : i32
          %broadcast_in_dim3A_231 = vector.broadcast %broadcast_in_dim3A_230 : i32 to vector<16xi32>
          %broadcast_in_dim3A_232 = vector.shape_cast %broadcast_in_dim3A_231 : vector<16xi32> to vector<16x1xi32>
          %gather3A_233 = vector.shape_cast %broadcast_in_dim3A_232 : vector<16x1xi32> to vector<16xi32>
          %gather3A_234 = tpu.dynamic_gather %gather3A_189[%gather3A_233] in [0] : vector<16xf32>, vector<16xi32> -> vector<16xf32>
          %get3A_235 = arith.index_cast %add3A_186 : i32 to index
          %get3A_236 = arith.constant 64 : index
          %get3A_237 = tpu.vector_load %arg10[%get3A_235, %get3A_236] {strides = array<i32>} : memref<128x144xf32, #tpu.memory_space<vmem>>, vector<16xf32>,
          %mul3A_238 = arith.mulf %get3A_237, %gather3A_234 : vector<16xf32>
          %swap3A_239 = arith.index_cast %add3A_186 : i32 to index
          %swap3A_240 = arith.constant 64 : index
          %swap3A_241 = tpu.vector_load %arg10[%swap3A_239, %swap3A_240] {strides = array<i32>} : memref<128x144xf32, #tpu.memory_space<vmem>>, vector<16xf32>,
          tpu.vector_store %arg10[%swap3A_239, %swap3A_240], %mul3A_238 {strides = array<i32>} : memref<128x144xf32, #tpu.memory_space<vmem>>, vector<16xf32>,
          %get3A_242 = arith.index_cast %add3A_186 : i32 to index
          %get3A_243 = arith.constant 80 : index
          %get3A_244 = tpu.vector_load %arg10[%get3A_242, %get3A_243] {strides = array<i32>} : memref<128x144xf32, #tpu.memory_space<vmem>>, vector<16xf32>,
          %mul3A_245 = arith.mulf %get3A_244, %gather3A_234 : vector<16xf32>
          %swap3A_246 = arith.index_cast %add3A_186 : i32 to index
          %swap3A_247 = arith.constant 80 : index
          %swap3A_248 = tpu.vector_load %arg10[%swap3A_246, %swap3A_247] {strides = array<i32>} : memref<128x144xf32, #tpu.memory_space<vmem>>, vector<16xf32>,
          tpu.vector_store %arg10[%swap3A_246, %swap3A_247], %mul3A_245 {strides = array<i32>} : memref<128x144xf32, #tpu.memory_space<vmem>>, vector<16xf32>,
          %broadcast_in_dim3A_249 = arith.constant 3 : i32
          %broadcast_in_dim3A_250 = vector.broadcast %broadcast_in_dim3A_249 : i32 to vector<16xi32>
          %broadcast_in_dim3A_251 = vector.shape_cast %broadcast_in_dim3A_250 : vector<16xi32> to vector<16x1xi32>
          %gather3A_252 = vector.shape_cast %broadcast_in_dim3A_251 : vector<16x1xi32> to vector<16xi32>
          %gather3A_253 = tpu.dynamic_gather %gather3A_189[%gather3A_252] in [0] : vector<16xf32>, vector<16xi32> -> vector<16xf32>
          %get3A_254 = arith.index_cast %add3A_186 : i32 to index
          %get3A_255 = arith.constant 96 : index
          %get3A_256 = tpu.vector_load %arg10[%get3A_254, %get3A_255] {strides = array<i32>} : memref<128x144xf32, #tpu.memory_space<vmem>>, vector<16xf32>,
          %mul3A_257 = arith.mulf %get3A_256, %gather3A_253 : vector<16xf32>
          %swap3A_258 = arith.index_cast %add3A_186 : i32 to index
          %swap3A_259 = arith.constant 96 : index
          %swap3A_260 = tpu.vector_load %arg10[%swap3A_258, %swap3A_259] {strides = array<i32>} : memref<128x144xf32, #tpu.memory_space<vmem>>, vector<16xf32>,
          tpu.vector_store %arg10[%swap3A_258, %swap3A_259], %mul3A_257 {strides = array<i32>} : memref<128x144xf32, #tpu.memory_space<vmem>>, vector<16xf32>,
          %get3A_261 = arith.index_cast %add3A_186 : i32 to index
          %get3A_262 = arith.constant 112 : index
          %get3A_263 = tpu.vector_load %arg10[%get3A_261, %get3A_262] {strides = array<i32>} : memref<128x144xf32, #tpu.memory_space<vmem>>, vector<16xf32>,
          %mul3A_264 = arith.mulf %get3A_263, %gather3A_253 : vector<16xf32>
          %swap3A_265 = arith.index_cast %add3A_186 : i32 to index
          %swap3A_266 = arith.constant 112 : index
          %swap3A_267 = tpu.vector_load %arg10[%swap3A_265, %swap3A_266] {strides = array<i32>} : memref<128x144xf32, #tpu.memory_space<vmem>>, vector<16xf32>,
          tpu.vector_store %arg10[%swap3A_265, %swap3A_266], %mul3A_264 {strides = array<i32>} : memref<128x144xf32, #tpu.memory_space<vmem>>, vector<16xf32>,
          %add3A_268 = arith.constant 1 : i32
          %add3A_269 = arith.addi %add3A_111, %add3A_268 : i32
          %broadcast_in_dim3A_270 = arith.constant 1 : i32
          %broadcast_in_dim3A_271 = vector.broadcast %broadcast_in_dim3A_270 : i32 to vector<16xi32>
          %gather3A_272 = tpu.vector_load_idx %arg15[%min3A_16, %broadcast_in_dim3A_271] : memref<4x16xf32, #tpu.memory_space<vmem>>[vector<16xi32>, vector<16xi32>], vector<16xf32>,
          %swap3A_273 = arith.index_cast %add3A_269 : i32 to index
          %swap3A_274 = arith.constant 128 : index
          %swap3A_275 = tpu.vector_load %arg10[%swap3A_273, %swap3A_274] {strides = array<i32>} : memref<128x144xf32, #tpu.memory_space<vmem>>, vector<16xf32>,
          tpu.vector_store %arg10[%swap3A_273, %swap3A_274], %gather3A_272 {strides = array<i32>} : memref<128x144xf32, #tpu.memory_space<vmem>>, vector<16xf32>,
          %broadcast_in_dim3A_276 = arith.constant 0 : i32
          %broadcast_in_dim3A_277 = vector.broadcast %broadcast_in_dim3A_276 : i32 to vector<16xi32>
          %broadcast_in_dim3A_278 = vector.shape_cast %broadcast_in_dim3A_277 : vector<16xi32> to vector<16x1xi32>
          %gather3A_279 = vector.shape_cast %broadcast_in_dim3A_278 : vector<16x1xi32> to vector<16xi32>
          %gather3A_280 = tpu.dynamic_gather %gather3A_272[%gather3A_279] in [0] : vector<16xf32>, vector<16xi32> -> vector<16xf32>
          %get3A_281 = arith.index_cast %add3A_269 : i32 to index
          %get3A_282 = arith.constant 0 : index
          %get3A_283 = tpu.vector_load %arg10[%get3A_281, %get3A_282] {strides = array<i32>} : memref<128x144xf32, #tpu.memory_space<vmem>>, vector<16xf32>,
          %mul3A_284 = arith.mulf %get3A_283, %gather3A_280 : vector<16xf32>
          %swap3A_285 = arith.index_cast %add3A_269 : i32 to index
          %swap3A_286 = arith.constant 0 : index
          %swap3A_287 = tpu.vector_load %arg10[%swap3A_285, %swap3A_286] {strides = array<i32>} : memref<128x144xf32, #tpu.memory_space<vmem>>, vector<16xf32>,
          tpu.vector_store %arg10[%swap3A_285, %swap3A_286], %mul3A_284 {strides = array<i32>} : memref<128x144xf32, #tpu.memory_space<vmem>>, vector<16xf32>,
          %get3A_288 = arith.index_cast %add3A_269 : i32 to index
          %get3A_289 = arith.constant 16 : index
          %get3A_290 = tpu.vector_load %arg10[%get3A_288, %get3A_289] {strides = array<i32>} : memref<128x144xf32, #tpu.memory_space<vmem>>, vector<16xf32>,
          %mul3A_291 = arith.mulf %get3A_290, %gather3A_280 : vector<16xf32>
          %swap3A_292 = arith.index_cast %add3A_269 : i32 to index
          %swap3A_293 = arith.constant 16 : index
          %swap3A_294 = tpu.vector_load %arg10[%swap3A_292, %swap3A_293] {strides = array<i32>} : memref<128x144xf32, #tpu.memory_space<vmem>>, vector<16xf32>,
          tpu.vector_store %arg10[%swap3A_292, %swap3A_293], %mul3A_291 {strides = array<i32>} : memref<128x144xf32, #tpu.memory_space<vmem>>, vector<16xf32>,
          %broadcast_in_dim3A_295 = arith.constant 1 : i32
          %broadcast_in_dim3A_296 = vector.broadcast %broadcast_in_dim3A_295 : i32 to vector<16xi32>
          %broadcast_in_dim3A_297 = vector.shape_cast %broadcast_in_dim3A_296 : vector<16xi32> to vector<16x1xi32>
          %gather3A_298 = vector.shape_cast %broadcast_in_dim3A_297 : vector<16x1xi32> to vector<16xi32>
          %gather3A_299 = tpu.dynamic_gather %gather3A_272[%gather3A_298] in [0] : vector<16xf32>, vector<16xi32> -> vector<16xf32>
          %get3A_300 = arith.index_cast %add3A_269 : i32 to index
          %get3A_301 = arith.constant 32 : index
          %get3A_302 = tpu.vector_load %arg10[%get3A_300, %get3A_301] {strides = array<i32>} : memref<128x144xf32, #tpu.memory_space<vmem>>, vector<16xf32>,
          %mul3A_303 = arith.mulf %get3A_302, %gather3A_299 : vector<16xf32>
          %swap3A_304 = arith.index_cast %add3A_269 : i32 to index
          %swap3A_305 = arith.constant 32 : index
          %swap3A_306 = tpu.vector_load %arg10[%swap3A_304, %swap3A_305] {strides = array<i32>} : memref<128x144xf32, #tpu.memory_space<vmem>>, vector<16xf32>,
          tpu.vector_store %arg10[%swap3A_304, %swap3A_305], %mul3A_303 {strides = array<i32>} : memref<128x144xf32, #tpu.memory_space<vmem>>, vector<16xf32>,
          %get3A_307 = arith.index_cast %add3A_269 : i32 to index
          %get3A_308 = arith.constant 48 : index
          %get3A_309 = tpu.vector_load %arg10[%get3A_307, %get3A_308] {strides = array<i32>} : memref<128x144xf32, #tpu.memory_space<vmem>>, vector<16xf32>,
          %mul3A_310 = arith.mulf %get3A_309, %gather3A_299 : vector<16xf32>
          %swap3A_311 = arith.index_cast %add3A_269 : i32 to index
          %swap3A_312 = arith.constant 48 : index
          %swap3A_313 = tpu.vector_load %arg10[%swap3A_311, %swap3A_312] {strides = array<i32>} : memref<128x144xf32, #tpu.memory_space<vmem>>, vector<16xf32>,
          tpu.vector_store %arg10[%swap3A_311, %swap3A_312], %mul3A_310 {strides = array<i32>} : memref<128x144xf32, #tpu.memory_space<vmem>>, vector<16xf32>,
          %broadcast_in_dim3A_314 = arith.constant 2 : i32
          %broadcast_in_dim3A_315 = vector.broadcast %broadcast_in_dim3A_314 : i32 to vector<16xi32>
          %broadcast_in_dim3A_316 = vector.shape_cast %broadcast_in_dim3A_315 : vector<16xi32> to vector<16x1xi32>
          %gather3A_317 = vector.shape_cast %broadcast_in_dim3A_316 : vector<16x1xi32> to vector<16xi32>
          %gather3A_318 = tpu.dynamic_gather %gather3A_272[%gather3A_317] in [0] : vector<16xf32>, vector<16xi32> -> vector<16xf32>
          %get3A_319 = arith.index_cast %add3A_269 : i32 to index
          %get3A_320 = arith.constant 64 : index
          %get3A_321 = tpu.vector_load %arg10[%get3A_319, %get3A_320] {strides = array<i32>} : memref<128x144xf32, #tpu.memory_space<vmem>>, vector<16xf32>,
          %mul3A_322 = arith.mulf %get3A_321, %gather3A_318 : vector<16xf32>
          %swap3A_323 = arith.index_cast %add3A_269 : i32 to index
          %swap3A_324 = arith.constant 64 : index
          %swap3A_325 = tpu.vector_load %arg10[%swap3A_323, %swap3A_324] {strides = array<i32>} : memref<128x144xf32, #tpu.memory_space<vmem>>, vector<16xf32>,
          tpu.vector_store %arg10[%swap3A_323, %swap3A_324], %mul3A_322 {strides = array<i32>} : memref<128x144xf32, #tpu.memory_space<vmem>>, vector<16xf32>,
          %get3A_326 = arith.index_cast %add3A_269 : i32 to index
          %get3A_327 = arith.constant 80 : index
          %get3A_328 = tpu.vector_load %arg10[%get3A_326, %get3A_327] {strides = array<i32>} : memref<128x144xf32, #tpu.memory_space<vmem>>, vector<16xf32>,
          %mul3A_329 = arith.mulf %get3A_328, %gather3A_318 : vector<16xf32>
          %swap3A_330 = arith.index_cast %add3A_269 : i32 to index
          %swap3A_331 = arith.constant 80 : index
          %swap3A_332 = tpu.vector_load %arg10[%swap3A_330, %swap3A_331] {strides = array<i32>} : memref<128x144xf32, #tpu.memory_space<vmem>>, vector<16xf32>,
          tpu.vector_store %arg10[%swap3A_330, %swap3A_331], %mul3A_329 {strides = array<i32>} : memref<128x144xf32, #tpu.memory_space<vmem>>, vector<16xf32>,
          %broadcast_in_dim3A_333 = arith.constant 3 : i32
          %broadcast_in_dim3A_334 = vector.broadcast %broadcast_in_dim3A_333 : i32 to vector<16xi32>
          %broadcast_in_dim3A_335 = vector.shape_cast %broadcast_in_dim3A_334 : vector<16xi32> to vector<16x1xi32>
          %gather3A_336 = vector.shape_cast %broadcast_in_dim3A_335 : vector<16x1xi32> to vector<16xi32>
          %gather3A_337 = tpu.dynamic_gather %gather3A_272[%gather3A_336] in [0] : vector<16xf32>, vector<16xi32> -> vector<16xf32>
          %get3A_338 = arith.index_cast %add3A_269 : i32 to index
          %get3A_339 = arith.constant 96 : index
          %get3A_340 = tpu.vector_load %arg10[%get3A_338, %get3A_339] {strides = array<i32>} : memref<128x144xf32, #tpu.memory_space<vmem>>, vector<16xf32>,
          %mul3A_341 = arith.mulf %get3A_340, %gather3A_337 : vector<16xf32>
          %swap3A_342 = arith.index_cast %add3A_269 : i32 to index
          %swap3A_343 = arith.constant 96 : index
          %swap3A_344 = tpu.vector_load %arg10[%swap3A_342, %swap3A_343] {strides = array<i32>} : memref<128x144xf32, #tpu.memory_space<vmem>>, vector<16xf32>,
          tpu.vector_store %arg10[%swap3A_342, %swap3A_343], %mul3A_341 {strides = array<i32>} : memref<128x144xf32, #tpu.memory_space<vmem>>, vector<16xf32>,
          %get3A_345 = arith.index_cast %add3A_269 : i32 to index
          %get3A_346 = arith.constant 112 : index
          %get3A_347 = tpu.vector_load %arg10[%get3A_345, %get3A_346] {strides = array<i32>} : memref<128x144xf32, #tpu.memory_space<vmem>>, vector<16xf32>,
          %mul3A_348 = arith.mulf %get3A_347, %gather3A_337 : vector<16xf32>
          %swap3A_349 = arith.index_cast %add3A_269 : i32 to index
          %swap3A_350 = arith.constant 112 : index
          %swap3A_351 = tpu.vector_load %arg10[%swap3A_349, %swap3A_350] {strides = array<i32>} : memref<128x144xf32, #tpu.memory_space<vmem>>, vector<16xf32>,
          tpu.vector_store %arg10[%swap3A_349, %swap3A_350], %mul3A_348 {strides = array<i32>} : memref<128x144xf32, #tpu.memory_space<vmem>>, vector<16xf32>,
          %add3A_352 = arith.constant 2 : i32
          %add3A_353 = arith.addi %add3A_111, %add3A_352 : i32
          %broadcast_in_dim3A_354 = arith.constant 2 : i32
          %broadcast_in_dim3A_355 = vector.broadcast %broadcast_in_dim3A_354 : i32 to vector<16xi32>
          %gather3A_356 = tpu.vector_load_idx %arg15[%min3A_16, %broadcast_in_dim3A_355] : memref<4x16xf32, #tpu.memory_space<vmem>>[vector<16xi32>, vector<16xi32>], vector<16xf32>,
          %swap3A_357 = arith.index_cast %add3A_353 : i32 to index
          %swap3A_358 = arith.constant 128 : index
          %swap3A_359 = tpu.vector_load %arg10[%swap3A_357, %swap3A_358] {strides = array<i32>} : memref<128x144xf32, #tpu.memory_space<vmem>>, vector<16xf32>,
          tpu.vector_store %arg10[%swap3A_357, %swap3A_358], %gather3A_356 {strides = array<i32>} : memref<128x144xf32, #tpu.memory_space<vmem>>, vector<16xf32>,
          %broadcast_in_dim3A_360 = arith.constant 0 : i32
          %broadcast_in_dim3A_361 = vector.broadcast %broadcast_in_dim3A_360 : i32 to vector<16xi32>
          %broadcast_in_dim3A_362 = vector.shape_cast %broadcast_in_dim3A_361 : vector<16xi32> to vector<16x1xi32>
          %gather3A_363 = vector.shape_cast %broadcast_in_dim3A_362 : vector<16x1xi32> to vector<16xi32>
          %gather3A_364 = tpu.dynamic_gather %gather3A_356[%gather3A_363] in [0] : vector<16xf32>, vector<16xi32> -> vector<16xf32>
          %get3A_365 = arith.index_cast %add3A_353 : i32 to index
          %get3A_366 = arith.constant 0 : index
          %get3A_367 = tpu.vector_load %arg10[%get3A_365, %get3A_366] {strides = array<i32>} : memref<128x144xf32, #tpu.memory_space<vmem>>, vector<16xf32>,
          %mul3A_368 = arith.mulf %get3A_367, %gather3A_364 : vector<16xf32>
          %swap3A_369 = arith.index_cast %add3A_353 : i32 to index
          %swap3A_370 = arith.constant 0 : index
          %swap3A_371 = tpu.vector_load %arg10[%swap3A_369, %swap3A_370] {strides = array<i32>} : memref<128x144xf32, #tpu.memory_space<vmem>>, vector<16xf32>,
          tpu.vector_store %arg10[%swap3A_369, %swap3A_370], %mul3A_368 {strides = array<i32>} : memref<128x144xf32, #tpu.memory_space<vmem>>, vector<16xf32>,
          %get3A_372 = arith.index_cast %add3A_353 : i32 to index
          %get3A_373 = arith.constant 16 : index
          %get3A_374 = tpu.vector_load %arg10[%get3A_372, %get3A_373] {strides = array<i32>} : memref<128x144xf32, #tpu.memory_space<vmem>>, vector<16xf32>,
          %mul3A_375 = arith.mulf %get3A_374, %gather3A_364 : vector<16xf32>
          %swap3A_376 = arith.index_cast %add3A_353 : i32 to index
          %swap3A_377 = arith.constant 16 : index
          %swap3A_378 = tpu.vector_load %arg10[%swap3A_376, %swap3A_377] {strides = array<i32>} : memref<128x144xf32, #tpu.memory_space<vmem>>, vector<16xf32>,
          tpu.vector_store %arg10[%swap3A_376, %swap3A_377], %mul3A_375 {strides = array<i32>} : memref<128x144xf32, #tpu.memory_space<vmem>>, vector<16xf32>,
          %broadcast_in_dim3A_379 = arith.constant 1 : i32
          %broadcast_in_dim3A_380 = vector.broadcast %broadcast_in_dim3A_379 : i32 to vector<16xi32>
          %broadcast_in_dim3A_381 = vector.shape_cast %broadcast_in_dim3A_380 : vector<16xi32> to vector<16x1xi32>
          %gather3A_382 = vector.shape_cast %broadcast_in_dim3A_381 : vector<16x1xi32> to vector<16xi32>
          %gather3A_383 = tpu.dynamic_gather %gather3A_356[%gather3A_382] in [0] : vector<16xf32>, vector<16xi32> -> vector<16xf32>
          %get3A_384 = arith.index_cast %add3A_353 : i32 to index
          %get3A_385 = arith.constant 32 : index
          %get3A_386 = tpu.vector_load %arg10[%get3A_384, %get3A_385] {strides = array<i32>} : memref<128x144xf32, #tpu.memory_space<vmem>>, vector<16xf32>,
          %mul3A_387 = arith.mulf %get3A_386, %gather3A_383 : vector<16xf32>
          %swap3A_388 = arith.index_cast %add3A_353 : i32 to index
          %swap3A_389 = arith.constant 32 : index
          %swap3A_390 = tpu.vector_load %arg10[%swap3A_388, %swap3A_389] {strides = array<i32>} : memref<128x144xf32, #tpu.memory_space<vmem>>, vector<16xf32>,
          tpu.vector_store %arg10[%swap3A_388, %swap3A_389], %mul3A_387 {strides = array<i32>} : memref<128x144xf32, #tpu.memory_space<vmem>>, vector<16xf32>,
          %get3A_391 = arith.index_cast %add3A_353 : i32 to index
          %get3A_392 = arith.constant 48 : index
          %get3A_393 = tpu.vector_load %arg10[%get3A_391, %get3A_392] {strides = array<i32>} : memref<128x144xf32, #tpu.memory_space<vmem>>, vector<16xf32>,
          %mul3A_394 = arith.mulf %get3A_393, %gather3A_383 : vector<16xf32>
          %swap3A_395 = arith.index_cast %add3A_353 : i32 to index
          %swap3A_396 = arith.constant 48 : index
          %swap3A_397 = tpu.vector_load %arg10[%swap3A_395, %swap3A_396] {strides = array<i32>} : memref<128x144xf32, #tpu.memory_space<vmem>>, vector<16xf32>,
          tpu.vector_store %arg10[%swap3A_395, %swap3A_396], %mul3A_394 {strides = array<i32>} : memref<128x144xf32, #tpu.memory_space<vmem>>, vector<16xf32>,
          %broadcast_in_dim3A_398 = arith.constant 2 : i32
          %broadcast_in_dim3A_399 = vector.broadcast %broadcast_in_dim3A_398 : i32 to vector<16xi32>
          %broadcast_in_dim3A_400 = vector.shape_cast %broadcast_in_dim3A_399 : vector<16xi32> to vector<16x1xi32>
          %gather3A_401 = vector.shape_cast %broadcast_in_dim3A_400 : vector<16x1xi32> to vector<16xi32>
          %gather3A_402 = tpu.dynamic_gather %gather3A_356[%gather3A_401] in [0] : vector<16xf32>, vector<16xi32> -> vector<16xf32>
          %get3A_403 = arith.index_cast %add3A_353 : i32 to index
          %get3A_404 = arith.constant 64 : index
          %get3A_405 = tpu.vector_load %arg10[%get3A_403, %get3A_404] {strides = array<i32>} : memref<128x144xf32, #tpu.memory_space<vmem>>, vector<16xf32>,
          %mul3A_406 = arith.mulf %get3A_405, %gather3A_402 : vector<16xf32>
          %swap3A_407 = arith.index_cast %add3A_353 : i32 to index
          %swap3A_408 = arith.constant 64 : index
          %swap3A_409 = tpu.vector_load %arg10[%swap3A_407, %swap3A_408] {strides = array<i32>} : memref<128x144xf32, #tpu.memory_space<vmem>>, vector<16xf32>,
          tpu.vector_store %arg10[%swap3A_407, %swap3A_408], %mul3A_406 {strides = array<i32>} : memref<128x144xf32, #tpu.memory_space<vmem>>, vector<16xf32>,
          %get3A_410 = arith.index_cast %add3A_353 : i32 to index
          %get3A_411 = arith.constant 80 : index
          %get3A_412 = tpu.vector_load %arg10[%get3A_410, %get3A_411] {strides = array<i32>} : memref<128x144xf32, #tpu.memory_space<vmem>>, vector<16xf32>,
          %mul3A_413 = arith.mulf %get3A_412, %gather3A_402 : vector<16xf32>
          %swap3A_414 = arith.index_cast %add3A_353 : i32 to index
          %swap3A_415 = arith.constant 80 : index
          %swap3A_416 = tpu.vector_load %arg10[%swap3A_414, %swap3A_415] {strides = array<i32>} : memref<128x144xf32, #tpu.memory_space<vmem>>, vector<16xf32>,
          tpu.vector_store %arg10[%swap3A_414, %swap3A_415], %mul3A_413 {strides = array<i32>} : memref<128x144xf32, #tpu.memory_space<vmem>>, vector<16xf32>,
          %broadcast_in_dim3A_417 = arith.constant 3 : i32
          %broadcast_in_dim3A_418 = vector.broadcast %broadcast_in_dim3A_417 : i32 to vector<16xi32>
          %broadcast_in_dim3A_419 = vector.shape_cast %broadcast_in_dim3A_418 : vector<16xi32> to vector<16x1xi32>
          %gather3A_420 = vector.shape_cast %broadcast_in_dim3A_419 : vector<16x1xi32> to vector<16xi32>
          %gather3A_421 = tpu.dynamic_gather %gather3A_356[%gather3A_420] in [0] : vector<16xf32>, vector<16xi32> -> vector<16xf32>
          %get3A_422 = arith.index_cast %add3A_353 : i32 to index
          %get3A_423 = arith.constant 96 : index
          %get3A_424 = tpu.vector_load %arg10[%get3A_422, %get3A_423] {strides = array<i32>} : memref<128x144xf32, #tpu.memory_space<vmem>>, vector<16xf32>,
          %mul3A_425 = arith.mulf %get3A_424, %gather3A_421 : vector<16xf32>
          %swap3A_426 = arith.index_cast %add3A_353 : i32 to index
          %swap3A_427 = arith.constant 96 : index
          %swap3A_428 = tpu.vector_load %arg10[%swap3A_426, %swap3A_427] {strides = array<i32>} : memref<128x144xf32, #tpu.memory_space<vmem>>, vector<16xf32>,
          tpu.vector_store %arg10[%swap3A_426, %swap3A_427], %mul3A_425 {strides = array<i32>} : memref<128x144xf32, #tpu.memory_space<vmem>>, vector<16xf32>,
          %get3A_429 = arith.index_cast %add3A_353 : i32 to index
          %get3A_430 = arith.constant 112 : index
          %get3A_431 = tpu.vector_load %arg10[%get3A_429, %get3A_430] {strides = array<i32>} : memref<128x144xf32, #tpu.memory_space<vmem>>, vector<16xf32>,
          %mul3A_432 = arith.mulf %get3A_431, %gather3A_421 : vector<16xf32>
          %swap3A_433 = arith.index_cast %add3A_353 : i32 to index
          %swap3A_434 = arith.constant 112 : index
          %swap3A_435 = tpu.vector_load %arg10[%swap3A_433, %swap3A_434] {strides = array<i32>} : memref<128x144xf32, #tpu.memory_space<vmem>>, vector<16xf32>,
          tpu.vector_store %arg10[%swap3A_433, %swap3A_434], %mul3A_432 {strides = array<i32>} : memref<128x144xf32, #tpu.memory_space<vmem>>, vector<16xf32>,
          %add3A_436 = arith.constant 3 : i32
          %add3A_437 = arith.addi %add3A_111, %add3A_436 : i32
          %broadcast_in_dim3A_438 = arith.constant 3 : i32
          %broadcast_in_dim3A_439 = vector.broadcast %broadcast_in_dim3A_438 : i32 to vector<16xi32>
          %gather3A_440 = tpu.vector_load_idx %arg15[%min3A_16, %broadcast_in_dim3A_439] : memref<4x16xf32, #tpu.memory_space<vmem>>[vector<16xi32>, vector<16xi32>], vector<16xf32>,
          %swap3A_441 = arith.index_cast %add3A_437 : i32 to index
          %swap3A_442 = arith.constant 128 : index
          %swap3A_443 = tpu.vector_load %arg10[%swap3A_441, %swap3A_442] {strides = array<i32>} : memref<128x144xf32, #tpu.memory_space<vmem>>, vector<16xf32>,
          tpu.vector_store %arg10[%swap3A_441, %swap3A_442], %gather3A_440 {strides = array<i32>} : memref<128x144xf32, #tpu.memory_space<vmem>>, vector<16xf32>,
          %broadcast_in_dim3A_444 = arith.constant 0 : i32
          %broadcast_in_dim3A_445 = vector.broadcast %broadcast_in_dim3A_444 : i32 to vector<16xi32>
          %broadcast_in_dim3A_446 = vector.shape_cast %broadcast_in_dim3A_445 : vector<16xi32> to vector<16x1xi32>
          %gather3A_447 = vector.shape_cast %broadcast_in_dim3A_446 : vector<16x1xi32> to vector<16xi32>
          %gather3A_448 = tpu.dynamic_gather %gather3A_440[%gather3A_447] in [0] : vector<16xf32>, vector<16xi32> -> vector<16xf32>
          %get3A_449 = arith.index_cast %add3A_437 : i32 to index
          %get3A_450 = arith.constant 0 : index
          %get3A_451 = tpu.vector_load %arg10[%get3A_449, %get3A_450] {strides = array<i32>} : memref<128x144xf32, #tpu.memory_space<vmem>>, vector<16xf32>,
          %mul3A_452 = arith.mulf %get3A_451, %gather3A_448 : vector<16xf32>
          %swap3A_453 = arith.index_cast %add3A_437 : i32 to index
          %swap3A_454 = arith.constant 0 : index
          %swap3A_455 = tpu.vector_load %arg10[%swap3A_453, %swap3A_454] {strides = array<i32>} : memref<128x144xf32, #tpu.memory_space<vmem>>, vector<16xf32>,
          tpu.vector_store %arg10[%swap3A_453, %swap3A_454], %mul3A_452 {strides = array<i32>} : memref<128x144xf32, #tpu.memory_space<vmem>>, vector<16xf32>,
          %get3A_456 = arith.index_cast %add3A_437 : i32 to index
          %get3A_457 = arith.constant 16 : index
          %get3A_458 = tpu.vector_load %arg10[%get3A_456, %get3A_457] {strides = array<i32>} : memref<128x144xf32, #tpu.memory_space<vmem>>, vector<16xf32>,
          %mul3A_459 = arith.mulf %get3A_458, %gather3A_448 : vector<16xf32>
          %swap3A_460 = arith.index_cast %add3A_437 : i32 to index
          %swap3A_461 = arith.constant 16 : index
          %swap3A_462 = tpu.vector_load %arg10[%swap3A_460, %swap3A_461] {strides = array<i32>} : memref<128x144xf32, #tpu.memory_space<vmem>>, vector<16xf32>,
          tpu.vector_store %arg10[%swap3A_460, %swap3A_461], %mul3A_459 {strides = array<i32>} : memref<128x144xf32, #tpu.memory_space<vmem>>, vector<16xf32>,
          %broadcast_in_dim3A_463 = arith.constant 1 : i32
          %broadcast_in_dim3A_464 = vector.broadcast %broadcast_in_dim3A_463 : i32 to vector<16xi32>
          %broadcast_in_dim3A_465 = vector.shape_cast %broadcast_in_dim3A_464 : vector<16xi32> to vector<16x1xi32>
          %gather3A_466 = vector.shape_cast %broadcast_in_dim3A_465 : vector<16x1xi32> to vector<16xi32>
          %gather3A_467 = tpu.dynamic_gather %gather3A_440[%gather3A_466] in [0] : vector<16xf32>, vector<16xi32> -> vector<16xf32>
          %get3A_468 = arith.index_cast %add3A_437 : i32 to index
          %get3A_469 = arith.constant 32 : index
          %get3A_470 = tpu.vector_load %arg10[%get3A_468, %get3A_469] {strides = array<i32>} : memref<128x144xf32, #tpu.memory_space<vmem>>, vector<16xf32>,
          %mul3A_471 = arith.mulf %get3A_470, %gather3A_467 : vector<16xf32>
          %swap3A_472 = arith.index_cast %add3A_437 : i32 to index
          %swap3A_473 = arith.constant 32 : index
          %swap3A_474 = tpu.vector_load %arg10[%swap3A_472, %swap3A_473] {strides = array<i32>} : memref<128x144xf32, #tpu.memory_space<vmem>>, vector<16xf32>,
          tpu.vector_store %arg10[%swap3A_472, %swap3A_473], %mul3A_471 {strides = array<i32>} : memref<128x144xf32, #tpu.memory_space<vmem>>, vector<16xf32>,
          %get3A_475 = arith.index_cast %add3A_437 : i32 to index
          %get3A_476 = arith.constant 48 : index
          %get3A_477 = tpu.vector_load %arg10[%get3A_475, %get3A_476] {strides = array<i32>} : memref<128x144xf32, #tpu.memory_space<vmem>>, vector<16xf32>,
          %mul3A_478 = arith.mulf %get3A_477, %gather3A_467 : vector<16xf32>
          %swap3A_479 = arith.index_cast %add3A_437 : i32 to index
          %swap3A_480 = arith.constant 48 : index
          %swap3A_481 = tpu.vector_load %arg10[%swap3A_479, %swap3A_480] {strides = array<i32>} : memref<128x144xf32, #tpu.memory_space<vmem>>, vector<16xf32>,
          tpu.vector_store %arg10[%swap3A_479, %swap3A_480], %mul3A_478 {strides = array<i32>} : memref<128x144xf32, #tpu.memory_space<vmem>>, vector<16xf32>,
          %broadcast_in_dim3A_482 = arith.constant 2 : i32
          %broadcast_in_dim3A_483 = vector.broadcast %broadcast_in_dim3A_482 : i32 to vector<16xi32>
          %broadcast_in_dim3A_484 = vector.shape_cast %broadcast_in_dim3A_483 : vector<16xi32> to vector<16x1xi32>
          %gather3A_485 = vector.shape_cast %broadcast_in_dim3A_484 : vector<16x1xi32> to vector<16xi32>
          %gather3A_486 = tpu.dynamic_gather %gather3A_440[%gather3A_485] in [0] : vector<16xf32>, vector<16xi32> -> vector<16xf32>
          %get3A_487 = arith.index_cast %add3A_437 : i32 to index
          %get3A_488 = arith.constant 64 : index
          %get3A_489 = tpu.vector_load %arg10[%get3A_487, %get3A_488] {strides = array<i32>} : memref<128x144xf32, #tpu.memory_space<vmem>>, vector<16xf32>,
          %mul3A_490 = arith.mulf %get3A_489, %gather3A_486 : vector<16xf32>
          %swap3A_491 = arith.index_cast %add3A_437 : i32 to index
          %swap3A_492 = arith.constant 64 : index
          %swap3A_493 = tpu.vector_load %arg10[%swap3A_491, %swap3A_492] {strides = array<i32>} : memref<128x144xf32, #tpu.memory_space<vmem>>, vector<16xf32>,
          tpu.vector_store %arg10[%swap3A_491, %swap3A_492], %mul3A_490 {strides = array<i32>} : memref<128x144xf32, #tpu.memory_space<vmem>>, vector<16xf32>,
          %get3A_494 = arith.index_cast %add3A_437 : i32 to index
          %get3A_495 = arith.constant 80 : index
          %get3A_496 = tpu.vector_load %arg10[%get3A_494, %get3A_495] {strides = array<i32>} : memref<128x144xf32, #tpu.memory_space<vmem>>, vector<16xf32>,
          %mul3A_497 = arith.mulf %get3A_496, %gather3A_486 : vector<16xf32>
          %swap3A_498 = arith.index_cast %add3A_437 : i32 to index
          %swap3A_499 = arith.constant 80 : index
          %swap3A_500 = tpu.vector_load %arg10[%swap3A_498, %swap3A_499] {strides = array<i32>} : memref<128x144xf32, #tpu.memory_space<vmem>>, vector<16xf32>,
          tpu.vector_store %arg10[%swap3A_498, %swap3A_499], %mul3A_497 {strides = array<i32>} : memref<128x144xf32, #tpu.memory_space<vmem>>, vector<16xf32>,
          %broadcast_in_dim3A_501 = arith.constant 3 : i32
          %broadcast_in_dim3A_502 = vector.broadcast %broadcast_in_dim3A_501 : i32 to vector<16xi32>
          %broadcast_in_dim3A_503 = vector.shape_cast %broadcast_in_dim3A_502 : vector<16xi32> to vector<16x1xi32>
          %gather3A_504 = vector.shape_cast %broadcast_in_dim3A_503 : vector<16x1xi32> to vector<16xi32>
          %gather3A_505 = tpu.dynamic_gather %gather3A_440[%gather3A_504] in [0] : vector<16xf32>, vector<16xi32> -> vector<16xf32>
          %get3A_506 = arith.index_cast %add3A_437 : i32 to index
          %get3A_507 = arith.constant 96 : index
          %get3A_508 = tpu.vector_load %arg10[%get3A_506, %get3A_507] {strides = array<i32>} : memref<128x144xf32, #tpu.memory_space<vmem>>, vector<16xf32>,
          %mul3A_509 = arith.mulf %get3A_508, %gather3A_505 : vector<16xf32>
          %swap3A_510 = arith.index_cast %add3A_437 : i32 to index
          %swap3A_511 = arith.constant 96 : index
          %swap3A_512 = tpu.vector_load %arg10[%swap3A_510, %swap3A_511] {strides = array<i32>} : memref<128x144xf32, #tpu.memory_space<vmem>>, vector<16xf32>,
          tpu.vector_store %arg10[%swap3A_510, %swap3A_511], %mul3A_509 {strides = array<i32>} : memref<128x144xf32, #tpu.memory_space<vmem>>, vector<16xf32>,
          %get3A_513 = arith.index_cast %add3A_437 : i32 to index
          %get3A_514 = arith.constant 112 : index
          %get3A_515 = tpu.vector_load %arg10[%get3A_513, %get3A_514] {strides = array<i32>} : memref<128x144xf32, #tpu.memory_space<vmem>>, vector<16xf32>,
          %mul3A_516 = arith.mulf %get3A_515, %gather3A_505 : vector<16xf32>
          %swap3A_517 = arith.index_cast %add3A_437 : i32 to index
          %swap3A_518 = arith.constant 112 : index
          %swap3A_519 = tpu.vector_load %arg10[%swap3A_517, %swap3A_518] {strides = array<i32>} : memref<128x144xf32, #tpu.memory_space<vmem>>, vector<16xf32>,
          tpu.vector_store %arg10[%swap3A_517, %swap3A_518], %mul3A_516 {strides = array<i32>} : memref<128x144xf32, #tpu.memory_space<vmem>>, vector<16xf32>,
          %add3A_520 = arith.constant 4 : i32
          %add3A_521 = arith.addi %add3A_111, %add3A_520 : i32
          %broadcast_in_dim3A_522 = arith.constant 4 : i32
          %broadcast_in_dim3A_523 = vector.broadcast %broadcast_in_dim3A_522 : i32 to vector<16xi32>
          %gather3A_524 = tpu.vector_load_idx %arg15[%min3A_16, %broadcast_in_dim3A_523] : memref<4x16xf32, #tpu.memory_space<vmem>>[vector<16xi32>, vector<16xi32>], vector<16xf32>,
          %swap3A_525 = arith.index_cast %add3A_521 : i32 to index
          %swap3A_526 = arith.constant 128 : index
          %swap3A_527 = tpu.vector_load %arg10[%swap3A_525, %swap3A_526] {strides = array<i32>} : memref<128x144xf32, #tpu.memory_space<vmem>>, vector<16xf32>,
          tpu.vector_store %arg10[%swap3A_525, %swap3A_526], %gather3A_524 {strides = array<i32>} : memref<128x144xf32, #tpu.memory_space<vmem>>, vector<16xf32>,
          %broadcast_in_dim3A_528 = arith.constant 0 : i32
          %broadcast_in_dim3A_529 = vector.broadcast %broadcast_in_dim3A_528 : i32 to vector<16xi32>
          %broadcast_in_dim3A_530 = vector.shape_cast %broadcast_in_dim3A_529 : vector<16xi32> to vector<16x1xi32>
          %gather3A_531 = vector.shape_cast %broadcast_in_dim3A_530 : vector<16x1xi32> to vector<16xi32>
          %gather3A_532 = tpu.dynamic_gather %gather3A_524[%gather3A_531] in [0] : vector<16xf32>, vector<16xi32> -> vector<16xf32>
          %get3A_533 = arith.index_cast %add3A_521 : i32 to index
          %get3A_534 = arith.constant 0 : index
          %get3A_535 = tpu.vector_load %arg10[%get3A_533, %get3A_534] {strides = array<i32>} : memref<128x144xf32, #tpu.memory_space<vmem>>, vector<16xf32>,
          %mul3A_536 = arith.mulf %get3A_535, %gather3A_532 : vector<16xf32>
          %swap3A_537 = arith.index_cast %add3A_521 : i32 to index
          %swap3A_538 = arith.constant 0 : index
          %swap3A_539 = tpu.vector_load %arg10[%swap3A_537, %swap3A_538] {strides = array<i32>} : memref<128x144xf32, #tpu.memory_space<vmem>>, vector<16xf32>,
          tpu.vector_store %arg10[%swap3A_537, %swap3A_538], %mul3A_536 {strides = array<i32>} : memref<128x144xf32, #tpu.memory_space<vmem>>, vector<16xf32>,
          %get3A_540 = arith.index_cast %add3A_521 : i32 to index
          %get3A_541 = arith.constant 16 : index
          %get3A_542 = tpu.vector_load %arg10[%get3A_540, %get3A_541] {strides = array<i32>} : memref<128x144xf32, #tpu.memory_space<vmem>>, vector<16xf32>,
          %mul3A_543 = arith.mulf %get3A_542, %gather3A_532 : vector<16xf32>
          %swap3A_544 = arith.index_cast %add3A_521 : i32 to index
          %swap3A_545 = arith.constant 16 : index
          %swap3A_546 = tpu.vector_load %arg10[%swap3A_544, %swap3A_545] {strides = array<i32>} : memref<128x144xf32, #tpu.memory_space<vmem>>, vector<16xf32>,
          tpu.vector_store %arg10[%swap3A_544, %swap3A_545], %mul3A_543 {strides = array<i32>} : memref<128x144xf32, #tpu.memory_space<vmem>>, vector<16xf32>,
          %broadcast_in_dim3A_547 = arith.constant 1 : i32
          %broadcast_in_dim3A_548 = vector.broadcast %broadcast_in_dim3A_547 : i32 to vector<16xi32>
          %broadcast_in_dim3A_549 = vector.shape_cast %broadcast_in_dim3A_548 : vector<16xi32> to vector<16x1xi32>
          %gather3A_550 = vector.shape_cast %broadcast_in_dim3A_549 : vector<16x1xi32> to vector<16xi32>
          %gather3A_551 = tpu.dynamic_gather %gather3A_524[%gather3A_550] in [0] : vector<16xf32>, vector<16xi32> -> vector<16xf32>
          %get3A_552 = arith.index_cast %add3A_521 : i32 to index
          %get3A_553 = arith.constant 32 : index
          %get3A_554 = tpu.vector_load %arg10[%get3A_552, %get3A_553] {strides = array<i32>} : memref<128x144xf32, #tpu.memory_space<vmem>>, vector<16xf32>,
          %mul3A_555 = arith.mulf %get3A_554, %gather3A_551 : vector<16xf32>
          %swap3A_556 = arith.index_cast %add3A_521 : i32 to index
          %swap3A_557 = arith.constant 32 : index
          %swap3A_558 = tpu.vector_load %arg10[%swap3A_556, %swap3A_557] {strides = array<i32>} : memref<128x144xf32, #tpu.memory_space<vmem>>, vector<16xf32>,
          tpu.vector_store %arg10[%swap3A_556, %swap3A_557], %mul3A_555 {strides = array<i32>} : memref<128x144xf32, #tpu.memory_space<vmem>>, vector<16xf32>,
          %get3A_559 = arith.index_cast %add3A_521 : i32 to index
          %get3A_560 = arith.constant 48 : index
          %get3A_561 = tpu.vector_load %arg10[%get3A_559, %get3A_560] {strides = array<i32>} : memref<128x144xf32, #tpu.memory_space<vmem>>, vector<16xf32>,
          %mul3A_562 = arith.mulf %get3A_561, %gather3A_551 : vector<16xf32>
          %swap3A_563 = arith.index_cast %add3A_521 : i32 to index
          %swap3A_564 = arith.constant 48 : index
          %swap3A_565 = tpu.vector_load %arg10[%swap3A_563, %swap3A_564] {strides = array<i32>} : memref<128x144xf32, #tpu.memory_space<vmem>>, vector<16xf32>,
          tpu.vector_store %arg10[%swap3A_563, %swap3A_564], %mul3A_562 {strides = array<i32>} : memref<128x144xf32, #tpu.memory_space<vmem>>, vector<16xf32>,
          %broadcast_in_dim3A_566 = arith.constant 2 : i32
          %broadcast_in_dim3A_567 = vector.broadcast %broadcast_in_dim3A_566 : i32 to vector<16xi32>
          %broadcast_in_dim3A_568 = vector.shape_cast %broadcast_in_dim3A_567 : vector<16xi32> to vector<16x1xi32>
          %gather3A_569 = vector.shape_cast %broadcast_in_dim3A_568 : vector<16x1xi32> to vector<16xi32>
          %gather3A_570 = tpu.dynamic_gather %gather3A_524[%gather3A_569] in [0] : vector<16xf32>, vector<16xi32> -> vector<16xf32>
          %get3A_571 = arith.index_cast %add3A_521 : i32 to index
          %get3A_572 = arith.constant 64 : index
          %get3A_573 = tpu.vector_load %arg10[%get3A_571, %get3A_572] {strides = array<i32>} : memref<128x144xf32, #tpu.memory_space<vmem>>, vector<16xf32>,
          %mul3A_574 = arith.mulf %get3A_573, %gather3A_570 : vector<16xf32>
          %swap3A_575 = arith.index_cast %add3A_521 : i32 to index
          %swap3A_576 = arith.constant 64 : index
          %swap3A_577 = tpu.vector_load %arg10[%swap3A_575, %swap3A_576] {strides = array<i32>} : memref<128x144xf32, #tpu.memory_space<vmem>>, vector<16xf32>,
          tpu.vector_store %arg10[%swap3A_575, %swap3A_576], %mul3A_574 {strides = array<i32>} : memref<128x144xf32, #tpu.memory_space<vmem>>, vector<16xf32>,
          %get3A_578 = arith.index_cast %add3A_521 : i32 to index
          %get3A_579 = arith.constant 80 : index
          %get3A_580 = tpu.vector_load %arg10[%get3A_578, %get3A_579] {strides = array<i32>} : memref<128x144xf32, #tpu.memory_space<vmem>>, vector<16xf32>,
          %mul3A_581 = arith.mulf %get3A_580, %gather3A_570 : vector<16xf32>
          %swap3A_582 = arith.index_cast %add3A_521 : i32 to index
          %swap3A_583 = arith.constant 80 : index
          %swap3A_584 = tpu.vector_load %arg10[%swap3A_582, %swap3A_583] {strides = array<i32>} : memref<128x144xf32, #tpu.memory_space<vmem>>, vector<16xf32>,
          tpu.vector_store %arg10[%swap3A_582, %swap3A_583], %mul3A_581 {strides = array<i32>} : memref<128x144xf32, #tpu.memory_space<vmem>>, vector<16xf32>,
          %broadcast_in_dim3A_585 = arith.constant 3 : i32
          %broadcast_in_dim3A_586 = vector.broadcast %broadcast_in_dim3A_585 : i32 to vector<16xi32>
          %broadcast_in_dim3A_587 = vector.shape_cast %broadcast_in_dim3A_586 : vector<16xi32> to vector<16x1xi32>
          %gather3A_588 = vector.shape_cast %broadcast_in_dim3A_587 : vector<16x1xi32> to vector<16xi32>
          %gather3A_589 = tpu.dynamic_gather %gather3A_524[%gather3A_588] in [0] : vector<16xf32>, vector<16xi32> -> vector<16xf32>
          %get3A_590 = arith.index_cast %add3A_521 : i32 to index
          %get3A_591 = arith.constant 96 : index
          %get3A_592 = tpu.vector_load %arg10[%get3A_590, %get3A_591] {strides = array<i32>} : memref<128x144xf32, #tpu.memory_space<vmem>>, vector<16xf32>,
          %mul3A_593 = arith.mulf %get3A_592, %gather3A_589 : vector<16xf32>
          %swap3A_594 = arith.index_cast %add3A_521 : i32 to index
          %swap3A_595 = arith.constant 96 : index
          %swap3A_596 = tpu.vector_load %arg10[%swap3A_594, %swap3A_595] {strides = array<i32>} : memref<128x144xf32, #tpu.memory_space<vmem>>, vector<16xf32>,
          tpu.vector_store %arg10[%swap3A_594, %swap3A_595], %mul3A_593 {strides = array<i32>} : memref<128x144xf32, #tpu.memory_space<vmem>>, vector<16xf32>,
          %get3A_597 = arith.index_cast %add3A_521 : i32 to index
          %get3A_598 = arith.constant 112 : index
          %get3A_599 = tpu.vector_load %arg10[%get3A_597, %get3A_598] {strides = array<i32>} : memref<128x144xf32, #tpu.memory_space<vmem>>, vector<16xf32>,
          %mul3A_600 = arith.mulf %get3A_599, %gather3A_589 : vector<16xf32>
          %swap3A_601 = arith.index_cast %add3A_521 : i32 to index
          %swap3A_602 = arith.constant 112 : index
          %swap3A_603 = tpu.vector_load %arg10[%swap3A_601, %swap3A_602] {strides = array<i32>} : memref<128x144xf32, #tpu.memory_space<vmem>>, vector<16xf32>,
          tpu.vector_store %arg10[%swap3A_601, %swap3A_602], %mul3A_600 {strides = array<i32>} : memref<128x144xf32, #tpu.memory_space<vmem>>, vector<16xf32>,
          %add3A_604 = arith.constant 5 : i32
          %add3A_605 = arith.addi %add3A_111, %add3A_604 : i32
          %broadcast_in_dim3A_606 = arith.constant 5 : i32
          %broadcast_in_dim3A_607 = vector.broadcast %broadcast_in_dim3A_606 : i32 to vector<16xi32>
          %gather3A_608 = tpu.vector_load_idx %arg15[%min3A_16, %broadcast_in_dim3A_607] : memref<4x16xf32, #tpu.memory_space<vmem>>[vector<16xi32>, vector<16xi32>], vector<16xf32>,
          %swap3A_609 = arith.index_cast %add3A_605 : i32 to index
          %swap3A_610 = arith.constant 128 : index
          %swap3A_611 = tpu.vector_load %arg10[%swap3A_609, %swap3A_610] {strides = array<i32>} : memref<128x144xf32, #tpu.memory_space<vmem>>, vector<16xf32>,
          tpu.vector_store %arg10[%swap3A_609, %swap3A_610], %gather3A_608 {strides = array<i32>} : memref<128x144xf32, #tpu.memory_space<vmem>>, vector<16xf32>,
          %broadcast_in_dim3A_612 = arith.constant 0 : i32
          %broadcast_in_dim3A_613 = vector.broadcast %broadcast_in_dim3A_612 : i32 to vector<16xi32>
          %broadcast_in_dim3A_614 = vector.shape_cast %broadcast_in_dim3A_613 : vector<16xi32> to vector<16x1xi32>
          %gather3A_615 = vector.shape_cast %broadcast_in_dim3A_614 : vector<16x1xi32> to vector<16xi32>
          %gather3A_616 = tpu.dynamic_gather %gather3A_608[%gather3A_615] in [0] : vector<16xf32>, vector<16xi32> -> vector<16xf32>
          %get3A_617 = arith.index_cast %add3A_605 : i32 to index
          %get3A_618 = arith.constant 0 : index
          %get3A_619 = tpu.vector_load %arg10[%get3A_617, %get3A_618] {strides = array<i32>} : memref<128x144xf32, #tpu.memory_space<vmem>>, vector<16xf32>,
          %mul3A_620 = arith.mulf %get3A_619, %gather3A_616 : vector<16xf32>
          %swap3A_621 = arith.index_cast %add3A_605 : i32 to index
          %swap3A_622 = arith.constant 0 : index
          %swap3A_623 = tpu.vector_load %arg10[%swap3A_621, %swap3A_622] {strides = array<i32>} : memref<128x144xf32, #tpu.memory_space<vmem>>, vector<16xf32>,
          tpu.vector_store %arg10[%swap3A_621, %swap3A_622], %mul3A_620 {strides = array<i32>} : memref<128x144xf32, #tpu.memory_space<vmem>>, vector<16xf32>,
          %get3A_624 = arith.index_cast %add3A_605 : i32 to index
          %get3A_625 = arith.constant 16 : index
          %get3A_626 = tpu.vector_load %arg10[%get3A_624, %get3A_625] {strides = array<i32>} : memref<128x144xf32, #tpu.memory_space<vmem>>, vector<16xf32>,
          %mul3A_627 = arith.mulf %get3A_626, %gather3A_616 : vector<16xf32>
          %swap3A_628 = arith.index_cast %add3A_605 : i32 to index
          %swap3A_629 = arith.constant 16 : index
          %swap3A_630 = tpu.vector_load %arg10[%swap3A_628, %swap3A_629] {strides = array<i32>} : memref<128x144xf32, #tpu.memory_space<vmem>>, vector<16xf32>,
          tpu.vector_store %arg10[%swap3A_628, %swap3A_629], %mul3A_627 {strides = array<i32>} : memref<128x144xf32, #tpu.memory_space<vmem>>, vector<16xf32>,
          %broadcast_in_dim3A_631 = arith.constant 1 : i32
          %broadcast_in_dim3A_632 = vector.broadcast %broadcast_in_dim3A_631 : i32 to vector<16xi32>
          %broadcast_in_dim3A_633 = vector.shape_cast %broadcast_in_dim3A_632 : vector<16xi32> to vector<16x1xi32>
          %gather3A_634 = vector.shape_cast %broadcast_in_dim3A_633 : vector<16x1xi32> to vector<16xi32>
          %gather3A_635 = tpu.dynamic_gather %gather3A_608[%gather3A_634] in [0] : vector<16xf32>, vector<16xi32> -> vector<16xf32>
          %get3A_636 = arith.index_cast %add3A_605 : i32 to index
          %get3A_637 = arith.constant 32 : index
          %get3A_638 = tpu.vector_load %arg10[%get3A_636, %get3A_637] {strides = array<i32>} : memref<128x144xf32, #tpu.memory_space<vmem>>, vector<16xf32>,
          %mul3A_639 = arith.mulf %get3A_638, %gather3A_635 : vector<16xf32>
          %swap3A_640 = arith.index_cast %add3A_605 : i32 to index
          %swap3A_641 = arith.constant 32 : index
          %swap3A_642 = tpu.vector_load %arg10[%swap3A_640, %swap3A_641] {strides = array<i32>} : memref<128x144xf32, #tpu.memory_space<vmem>>, vector<16xf32>,
          tpu.vector_store %arg10[%swap3A_640, %swap3A_641], %mul3A_639 {strides = array<i32>} : memref<128x144xf32, #tpu.memory_space<vmem>>, vector<16xf32>,
          %get3A_643 = arith.index_cast %add3A_605 : i32 to index
          %get3A_644 = arith.constant 48 : index
          %get3A_645 = tpu.vector_load %arg10[%get3A_643, %get3A_644] {strides = array<i32>} : memref<128x144xf32, #tpu.memory_space<vmem>>, vector<16xf32>,
          %mul3A_646 = arith.mulf %get3A_645, %gather3A_635 : vector<16xf32>
          %swap3A_647 = arith.index_cast %add3A_605 : i32 to index
          %swap3A_648 = arith.constant 48 : index
          %swap3A_649 = tpu.vector_load %arg10[%swap3A_647, %swap3A_648] {strides = array<i32>} : memref<128x144xf32, #tpu.memory_space<vmem>>, vector<16xf32>,
          tpu.vector_store %arg10[%swap3A_647, %swap3A_648], %mul3A_646 {strides = array<i32>} : memref<128x144xf32, #tpu.memory_space<vmem>>, vector<16xf32>,
          %broadcast_in_dim3A_650 = arith.constant 2 : i32
          %broadcast_in_dim3A_651 = vector.broadcast %broadcast_in_dim3A_650 : i32 to vector<16xi32>
          %broadcast_in_dim3A_652 = vector.shape_cast %broadcast_in_dim3A_651 : vector<16xi32> to vector<16x1xi32>
          %gather3A_653 = vector.shape_cast %broadcast_in_dim3A_652 : vector<16x1xi32> to vector<16xi32>
          %gather3A_654 = tpu.dynamic_gather %gather3A_608[%gather3A_653] in [0] : vector<16xf32>, vector<16xi32> -> vector<16xf32>
          %get3A_655 = arith.index_cast %add3A_605 : i32 to index
          %get3A_656 = arith.constant 64 : index
          %get3A_657 = tpu.vector_load %arg10[%get3A_655, %get3A_656] {strides = array<i32>} : memref<128x144xf32, #tpu.memory_space<vmem>>, vector<16xf32>,
          %mul3A_658 = arith.mulf %get3A_657, %gather3A_654 : vector<16xf32>
          %swap3A_659 = arith.index_cast %add3A_605 : i32 to index
          %swap3A_660 = arith.constant 64 : index
          %swap3A_661 = tpu.vector_load %arg10[%swap3A_659, %swap3A_660] {strides = array<i32>} : memref<128x144xf32, #tpu.memory_space<vmem>>, vector<16xf32>,
          tpu.vector_store %arg10[%swap3A_659, %swap3A_660], %mul3A_658 {strides = array<i32>} : memref<128x144xf32, #tpu.memory_space<vmem>>, vector<16xf32>,
          %get3A_662 = arith.index_cast %add3A_605 : i32 to index
          %get3A_663 = arith.constant 80 : index
          %get3A_664 = tpu.vector_load %arg10[%get3A_662, %get3A_663] {strides = array<i32>} : memref<128x144xf32, #tpu.memory_space<vmem>>, vector<16xf32>,
          %mul3A_665 = arith.mulf %get3A_664, %gather3A_654 : vector<16xf32>
          %swap3A_666 = arith.index_cast %add3A_605 : i32 to index
          %swap3A_667 = arith.constant 80 : index
          %swap3A_668 = tpu.vector_load %arg10[%swap3A_666, %swap3A_667] {strides = array<i32>} : memref<128x144xf32, #tpu.memory_space<vmem>>, vector<16xf32>,
          tpu.vector_store %arg10[%swap3A_666, %swap3A_667], %mul3A_665 {strides = array<i32>} : memref<128x144xf32, #tpu.memory_space<vmem>>, vector<16xf32>,
          %broadcast_in_dim3A_669 = arith.constant 3 : i32
          %broadcast_in_dim3A_670 = vector.broadcast %broadcast_in_dim3A_669 : i32 to vector<16xi32>
          %broadcast_in_dim3A_671 = vector.shape_cast %broadcast_in_dim3A_670 : vector<16xi32> to vector<16x1xi32>
          %gather3A_672 = vector.shape_cast %broadcast_in_dim3A_671 : vector<16x1xi32> to vector<16xi32>
          %gather3A_673 = tpu.dynamic_gather %gather3A_608[%gather3A_672] in [0] : vector<16xf32>, vector<16xi32> -> vector<16xf32>
          %get3A_674 = arith.index_cast %add3A_605 : i32 to index
          %get3A_675 = arith.constant 96 : index
          %get3A_676 = tpu.vector_load %arg10[%get3A_674, %get3A_675] {strides = array<i32>} : memref<128x144xf32, #tpu.memory_space<vmem>>, vector<16xf32>,
          %mul3A_677 = arith.mulf %get3A_676, %gather3A_673 : vector<16xf32>
          %swap3A_678 = arith.index_cast %add3A_605 : i32 to index
          %swap3A_679 = arith.constant 96 : index
          %swap3A_680 = tpu.vector_load %arg10[%swap3A_678, %swap3A_679] {strides = array<i32>} : memref<128x144xf32, #tpu.memory_space<vmem>>, vector<16xf32>,
          tpu.vector_store %arg10[%swap3A_678, %swap3A_679], %mul3A_677 {strides = array<i32>} : memref<128x144xf32, #tpu.memory_space<vmem>>, vector<16xf32>,
          %get3A_681 = arith.index_cast %add3A_605 : i32 to index
          %get3A_682 = arith.constant 112 : index
          %get3A_683 = tpu.vector_load %arg10[%get3A_681, %get3A_682] {strides = array<i32>} : memref<128x144xf32, #tpu.memory_space<vmem>>, vector<16xf32>,
          %mul3A_684 = arith.mulf %get3A_683, %gather3A_673 : vector<16xf32>
          %swap3A_685 = arith.index_cast %add3A_605 : i32 to index
          %swap3A_686 = arith.constant 112 : index
          %swap3A_687 = tpu.vector_load %arg10[%swap3A_685, %swap3A_686] {strides = array<i32>} : memref<128x144xf32, #tpu.memory_space<vmem>>, vector<16xf32>,
          tpu.vector_store %arg10[%swap3A_685, %swap3A_686], %mul3A_684 {strides = array<i32>} : memref<128x144xf32, #tpu.memory_space<vmem>>, vector<16xf32>,
          %add3A_688 = arith.constant 6 : i32
          %add3A_689 = arith.addi %add3A_111, %add3A_688 : i32
          %broadcast_in_dim3A_690 = arith.constant 6 : i32
          %broadcast_in_dim3A_691 = vector.broadcast %broadcast_in_dim3A_690 : i32 to vector<16xi32>
          %gather3A_692 = tpu.vector_load_idx %arg15[%min3A_16, %broadcast_in_dim3A_691] : memref<4x16xf32, #tpu.memory_space<vmem>>[vector<16xi32>, vector<16xi32>], vector<16xf32>,
          %swap3A_693 = arith.index_cast %add3A_689 : i32 to index
          %swap3A_694 = arith.constant 128 : index
          %swap3A_695 = tpu.vector_load %arg10[%swap3A_693, %swap3A_694] {strides = array<i32>} : memref<128x144xf32, #tpu.memory_space<vmem>>, vector<16xf32>,
          tpu.vector_store %arg10[%swap3A_693, %swap3A_694], %gather3A_692 {strides = array<i32>} : memref<128x144xf32, #tpu.memory_space<vmem>>, vector<16xf32>,
          %broadcast_in_dim3A_696 = arith.constant 0 : i32
          %broadcast_in_dim3A_697 = vector.broadcast %broadcast_in_dim3A_696 : i32 to vector<16xi32>
          %broadcast_in_dim3A_698 = vector.shape_cast %broadcast_in_dim3A_697 : vector<16xi32> to vector<16x1xi32>
          %gather3A_699 = vector.shape_cast %broadcast_in_dim3A_698 : vector<16x1xi32> to vector<16xi32>
          %gather3A_700 = tpu.dynamic_gather %gather3A_692[%gather3A_699] in [0] : vector<16xf32>, vector<16xi32> -> vector<16xf32>
          %get3A_701 = arith.index_cast %add3A_689 : i32 to index
          %get3A_702 = arith.constant 0 : index
          %get3A_703 = tpu.vector_load %arg10[%get3A_701, %get3A_702] {strides = array<i32>} : memref<128x144xf32, #tpu.memory_space<vmem>>, vector<16xf32>,
          %mul3A_704 = arith.mulf %get3A_703, %gather3A_700 : vector<16xf32>
          %swap3A_705 = arith.index_cast %add3A_689 : i32 to index
          %swap3A_706 = arith.constant 0 : index
          %swap3A_707 = tpu.vector_load %arg10[%swap3A_705, %swap3A_706] {strides = array<i32>} : memref<128x144xf32, #tpu.memory_space<vmem>>, vector<16xf32>,
          tpu.vector_store %arg10[%swap3A_705, %swap3A_706], %mul3A_704 {strides = array<i32>} : memref<128x144xf32, #tpu.memory_space<vmem>>, vector<16xf32>,
          %get3A_708 = arith.index_cast %add3A_689 : i32 to index
          %get3A_709 = arith.constant 16 : index
          %get3A_710 = tpu.vector_load %arg10[%get3A_708, %get3A_709] {strides = array<i32>} : memref<128x144xf32, #tpu.memory_space<vmem>>, vector<16xf32>,
          %mul3A_711 = arith.mulf %get3A_710, %gather3A_700 : vector<16xf32>
          %swap3A_712 = arith.index_cast %add3A_689 : i32 to index
          %swap3A_713 = arith.constant 16 : index
          %swap3A_714 = tpu.vector_load %arg10[%swap3A_712, %swap3A_713] {strides = array<i32>} : memref<128x144xf32, #tpu.memory_space<vmem>>, vector<16xf32>,
          tpu.vector_store %arg10[%swap3A_712, %swap3A_713], %mul3A_711 {strides = array<i32>} : memref<128x144xf32, #tpu.memory_space<vmem>>, vector<16xf32>,
          %broadcast_in_dim3A_715 = arith.constant 1 : i32
          %broadcast_in_dim3A_716 = vector.broadcast %broadcast_in_dim3A_715 : i32 to vector<16xi32>
          %broadcast_in_dim3A_717 = vector.shape_cast %broadcast_in_dim3A_716 : vector<16xi32> to vector<16x1xi32>
          %gather3A_718 = vector.shape_cast %broadcast_in_dim3A_717 : vector<16x1xi32> to vector<16xi32>
          %gather3A_719 = tpu.dynamic_gather %gather3A_692[%gather3A_718] in [0] : vector<16xf32>, vector<16xi32> -> vector<16xf32>
          %get3A_720 = arith.index_cast %add3A_689 : i32 to index
          %get3A_721 = arith.constant 32 : index
          %get3A_722 = tpu.vector_load %arg10[%get3A_720, %get3A_721] {strides = array<i32>} : memref<128x144xf32, #tpu.memory_space<vmem>>, vector<16xf32>,
          %mul3A_723 = arith.mulf %get3A_722, %gather3A_719 : vector<16xf32>
          %swap3A_724 = arith.index_cast %add3A_689 : i32 to index
          %swap3A_725 = arith.constant 32 : index
          %swap3A_726 = tpu.vector_load %arg10[%swap3A_724, %swap3A_725] {strides = array<i32>} : memref<128x144xf32, #tpu.memory_space<vmem>>, vector<16xf32>,
          tpu.vector_store %arg10[%swap3A_724, %swap3A_725], %mul3A_723 {strides = array<i32>} : memref<128x144xf32, #tpu.memory_space<vmem>>, vector<16xf32>,
          %get3A_727 = arith.index_cast %add3A_689 : i32 to index
          %get3A_728 = arith.constant 48 : index
          %get3A_729 = tpu.vector_load %arg10[%get3A_727, %get3A_728] {strides = array<i32>} : memref<128x144xf32, #tpu.memory_space<vmem>>, vector<16xf32>,
          %mul3A_730 = arith.mulf %get3A_729, %gather3A_719 : vector<16xf32>
          %swap3A_731 = arith.index_cast %add3A_689 : i32 to index
          %swap3A_732 = arith.constant 48 : index
          %swap3A_733 = tpu.vector_load %arg10[%swap3A_731, %swap3A_732] {strides = array<i32>} : memref<128x144xf32, #tpu.memory_space<vmem>>, vector<16xf32>,
          tpu.vector_store %arg10[%swap3A_731, %swap3A_732], %mul3A_730 {strides = array<i32>} : memref<128x144xf32, #tpu.memory_space<vmem>>, vector<16xf32>,
          %broadcast_in_dim3A_734 = arith.constant 2 : i32
          %broadcast_in_dim3A_735 = vector.broadcast %broadcast_in_dim3A_734 : i32 to vector<16xi32>
          %broadcast_in_dim3A_736 = vector.shape_cast %broadcast_in_dim3A_735 : vector<16xi32> to vector<16x1xi32>
          %gather3A_737 = vector.shape_cast %broadcast_in_dim3A_736 : vector<16x1xi32> to vector<16xi32>
          %gather3A_738 = tpu.dynamic_gather %gather3A_692[%gather3A_737] in [0] : vector<16xf32>, vector<16xi32> -> vector<16xf32>
          %get3A_739 = arith.index_cast %add3A_689 : i32 to index
          %get3A_740 = arith.constant 64 : index
          %get3A_741 = tpu.vector_load %arg10[%get3A_739, %get3A_740] {strides = array<i32>} : memref<128x144xf32, #tpu.memory_space<vmem>>, vector<16xf32>,
          %mul3A_742 = arith.mulf %get3A_741, %gather3A_738 : vector<16xf32>
          %swap3A_743 = arith.index_cast %add3A_689 : i32 to index
          %swap3A_744 = arith.constant 64 : index
          %swap3A_745 = tpu.vector_load %arg10[%swap3A_743, %swap3A_744] {strides = array<i32>} : memref<128x144xf32, #tpu.memory_space<vmem>>, vector<16xf32>,
          tpu.vector_store %arg10[%swap3A_743, %swap3A_744], %mul3A_742 {strides = array<i32>} : memref<128x144xf32, #tpu.memory_space<vmem>>, vector<16xf32>,
          %get3A_746 = arith.index_cast %add3A_689 : i32 to index
          %get3A_747 = arith.constant 80 : index
          %get3A_748 = tpu.vector_load %arg10[%get3A_746, %get3A_747] {strides = array<i32>} : memref<128x144xf32, #tpu.memory_space<vmem>>, vector<16xf32>,
          %mul3A_749 = arith.mulf %get3A_748, %gather3A_738 : vector<16xf32>
          %swap3A_750 = arith.index_cast %add3A_689 : i32 to index
          %swap3A_751 = arith.constant 80 : index
          %swap3A_752 = tpu.vector_load %arg10[%swap3A_750, %swap3A_751] {strides = array<i32>} : memref<128x144xf32, #tpu.memory_space<vmem>>, vector<16xf32>,
          tpu.vector_store %arg10[%swap3A_750, %swap3A_751], %mul3A_749 {strides = array<i32>} : memref<128x144xf32, #tpu.memory_space<vmem>>, vector<16xf32>,
          %broadcast_in_dim3A_753 = arith.constant 3 : i32
          %broadcast_in_dim3A_754 = vector.broadcast %broadcast_in_dim3A_753 : i32 to vector<16xi32>
          %broadcast_in_dim3A_755 = vector.shape_cast %broadcast_in_dim3A_754 : vector<16xi32> to vector<16x1xi32>
          %gather3A_756 = vector.shape_cast %broadcast_in_dim3A_755 : vector<16x1xi32> to vector<16xi32>
          %gather3A_757 = tpu.dynamic_gather %gather3A_692[%gather3A_756] in [0] : vector<16xf32>, vector<16xi32> -> vector<16xf32>
          %get3A_758 = arith.index_cast %add3A_689 : i32 to index
          %get3A_759 = arith.constant 96 : index
          %get3A_760 = tpu.vector_load %arg10[%get3A_758, %get3A_759] {strides = array<i32>} : memref<128x144xf32, #tpu.memory_space<vmem>>, vector<16xf32>,
          %mul3A_761 = arith.mulf %get3A_760, %gather3A_757 : vector<16xf32>
          %swap3A_762 = arith.index_cast %add3A_689 : i32 to index
          %swap3A_763 = arith.constant 96 : index
          %swap3A_764 = tpu.vector_load %arg10[%swap3A_762, %swap3A_763] {strides = array<i32>} : memref<128x144xf32, #tpu.memory_space<vmem>>, vector<16xf32>,
          tpu.vector_store %arg10[%swap3A_762, %swap3A_763], %mul3A_761 {strides = array<i32>} : memref<128x144xf32, #tpu.memory_space<vmem>>, vector<16xf32>,
          %get3A_765 = arith.index_cast %add3A_689 : i32 to index
          %get3A_766 = arith.constant 112 : index
          %get3A_767 = tpu.vector_load %arg10[%get3A_765, %get3A_766] {strides = array<i32>} : memref<128x144xf32, #tpu.memory_space<vmem>>, vector<16xf32>,
          %mul3A_768 = arith.mulf %get3A_767, %gather3A_757 : vector<16xf32>
          %swap3A_769 = arith.index_cast %add3A_689 : i32 to index
          %swap3A_770 = arith.constant 112 : index
          %swap3A_771 = tpu.vector_load %arg10[%swap3A_769, %swap3A_770] {strides = array<i32>} : memref<128x144xf32, #tpu.memory_space<vmem>>, vector<16xf32>,
          tpu.vector_store %arg10[%swap3A_769, %swap3A_770], %mul3A_768 {strides = array<i32>} : memref<128x144xf32, #tpu.memory_space<vmem>>, vector<16xf32>,
          %add3A_772 = arith.constant 7 : i32
          %add3A_773 = arith.addi %add3A_111, %add3A_772 : i32
          %broadcast_in_dim3A_774 = arith.constant 7 : i32
          %broadcast_in_dim3A_775 = vector.broadcast %broadcast_in_dim3A_774 : i32 to vector<16xi32>
          %gather3A_776 = tpu.vector_load_idx %arg15[%min3A_16, %broadcast_in_dim3A_775] : memref<4x16xf32, #tpu.memory_space<vmem>>[vector<16xi32>, vector<16xi32>], vector<16xf32>,
          %swap3A_777 = arith.index_cast %add3A_773 : i32 to index
          %swap3A_778 = arith.constant 128 : index
          %swap3A_779 = tpu.vector_load %arg10[%swap3A_777, %swap3A_778] {strides = array<i32>} : memref<128x144xf32, #tpu.memory_space<vmem>>, vector<16xf32>,
          tpu.vector_store %arg10[%swap3A_777, %swap3A_778], %gather3A_776 {strides = array<i32>} : memref<128x144xf32, #tpu.memory_space<vmem>>, vector<16xf32>,
          %broadcast_in_dim3A_780 = arith.constant 0 : i32
          %broadcast_in_dim3A_781 = vector.broadcast %broadcast_in_dim3A_780 : i32 to vector<16xi32>
          %broadcast_in_dim3A_782 = vector.shape_cast %broadcast_in_dim3A_781 : vector<16xi32> to vector<16x1xi32>
          %gather3A_783 = vector.shape_cast %broadcast_in_dim3A_782 : vector<16x1xi32> to vector<16xi32>
          %gather3A_784 = tpu.dynamic_gather %gather3A_776[%gather3A_783] in [0] : vector<16xf32>, vector<16xi32> -> vector<16xf32>
          %get3A_785 = arith.index_cast %add3A_773 : i32 to index
          %get3A_786 = arith.constant 0 : index
          %get3A_787 = tpu.vector_load %arg10[%get3A_785, %get3A_786] {strides = array<i32>} : memref<128x144xf32, #tpu.memory_space<vmem>>, vector<16xf32>,
          %mul3A_788 = arith.mulf %get3A_787, %gather3A_784 : vector<16xf32>
          %swap3A_789 = arith.index_cast %add3A_773 : i32 to index
          %swap3A_790 = arith.constant 0 : index
          %swap3A_791 = tpu.vector_load %arg10[%swap3A_789, %swap3A_790] {strides = array<i32>} : memref<128x144xf32, #tpu.memory_space<vmem>>, vector<16xf32>,
          tpu.vector_store %arg10[%swap3A_789, %swap3A_790], %mul3A_788 {strides = array<i32>} : memref<128x144xf32, #tpu.memory_space<vmem>>, vector<16xf32>,
          %get3A_792 = arith.index_cast %add3A_773 : i32 to index
          %get3A_793 = arith.constant 16 : index
          %get3A_794 = tpu.vector_load %arg10[%get3A_792, %get3A_793] {strides = array<i32>} : memref<128x144xf32, #tpu.memory_space<vmem>>, vector<16xf32>,
          %mul3A_795 = arith.mulf %get3A_794, %gather3A_784 : vector<16xf32>
          %swap3A_796 = arith.index_cast %add3A_773 : i32 to index
          %swap3A_797 = arith.constant 16 : index
          %swap3A_798 = tpu.vector_load %arg10[%swap3A_796, %swap3A_797] {strides = array<i32>} : memref<128x144xf32, #tpu.memory_space<vmem>>, vector<16xf32>,
          tpu.vector_store %arg10[%swap3A_796, %swap3A_797], %mul3A_795 {strides = array<i32>} : memref<128x144xf32, #tpu.memory_space<vmem>>, vector<16xf32>,
          %broadcast_in_dim3A_799 = arith.constant 1 : i32
          %broadcast_in_dim3A_800 = vector.broadcast %broadcast_in_dim3A_799 : i32 to vector<16xi32>
          %broadcast_in_dim3A_801 = vector.shape_cast %broadcast_in_dim3A_800 : vector<16xi32> to vector<16x1xi32>
          %gather3A_802 = vector.shape_cast %broadcast_in_dim3A_801 : vector<16x1xi32> to vector<16xi32>
          %gather3A_803 = tpu.dynamic_gather %gather3A_776[%gather3A_802] in [0] : vector<16xf32>, vector<16xi32> -> vector<16xf32>
          %get3A_804 = arith.index_cast %add3A_773 : i32 to index
          %get3A_805 = arith.constant 32 : index
          %get3A_806 = tpu.vector_load %arg10[%get3A_804, %get3A_805] {strides = array<i32>} : memref<128x144xf32, #tpu.memory_space<vmem>>, vector<16xf32>,
          %mul3A_807 = arith.mulf %get3A_806, %gather3A_803 : vector<16xf32>
          %swap3A_808 = arith.index_cast %add3A_773 : i32 to index
          %swap3A_809 = arith.constant 32 : index
          %swap3A_810 = tpu.vector_load %arg10[%swap3A_808, %swap3A_809] {strides = array<i32>} : memref<128x144xf32, #tpu.memory_space<vmem>>, vector<16xf32>,
          tpu.vector_store %arg10[%swap3A_808, %swap3A_809], %mul3A_807 {strides = array<i32>} : memref<128x144xf32, #tpu.memory_space<vmem>>, vector<16xf32>,
          %get3A_811 = arith.index_cast %add3A_773 : i32 to index
          %get3A_812 = arith.constant 48 : index
          %get3A_813 = tpu.vector_load %arg10[%get3A_811, %get3A_812] {strides = array<i32>} : memref<128x144xf32, #tpu.memory_space<vmem>>, vector<16xf32>,
          %mul3A_814 = arith.mulf %get3A_813, %gather3A_803 : vector<16xf32>
          %swap3A_815 = arith.index_cast %add3A_773 : i32 to index
          %swap3A_816 = arith.constant 48 : index
          %swap3A_817 = tpu.vector_load %arg10[%swap3A_815, %swap3A_816] {strides = array<i32>} : memref<128x144xf32, #tpu.memory_space<vmem>>, vector<16xf32>,
          tpu.vector_store %arg10[%swap3A_815, %swap3A_816], %mul3A_814 {strides = array<i32>} : memref<128x144xf32, #tpu.memory_space<vmem>>, vector<16xf32>,
          %broadcast_in_dim3A_818 = arith.constant 2 : i32
          %broadcast_in_dim3A_819 = vector.broadcast %broadcast_in_dim3A_818 : i32 to vector<16xi32>
          %broadcast_in_dim3A_820 = vector.shape_cast %broadcast_in_dim3A_819 : vector<16xi32> to vector<16x1xi32>
          %gather3A_821 = vector.shape_cast %broadcast_in_dim3A_820 : vector<16x1xi32> to vector<16xi32>
          %gather3A_822 = tpu.dynamic_gather %gather3A_776[%gather3A_821] in [0] : vector<16xf32>, vector<16xi32> -> vector<16xf32>
          %get3A_823 = arith.index_cast %add3A_773 : i32 to index
          %get3A_824 = arith.constant 64 : index
          %get3A_825 = tpu.vector_load %arg10[%get3A_823, %get3A_824] {strides = array<i32>} : memref<128x144xf32, #tpu.memory_space<vmem>>, vector<16xf32>,
          %mul3A_826 = arith.mulf %get3A_825, %gather3A_822 : vector<16xf32>
          %swap3A_827 = arith.index_cast %add3A_773 : i32 to index
          %swap3A_828 = arith.constant 64 : index
          %swap3A_829 = tpu.vector_load %arg10[%swap3A_827, %swap3A_828] {strides = array<i32>} : memref<128x144xf32, #tpu.memory_space<vmem>>, vector<16xf32>,
          tpu.vector_store %arg10[%swap3A_827, %swap3A_828], %mul3A_826 {strides = array<i32>} : memref<128x144xf32, #tpu.memory_space<vmem>>, vector<16xf32>,
          %get3A_830 = arith.index_cast %add3A_773 : i32 to index
          %get3A_831 = arith.constant 80 : index
          %get3A_832 = tpu.vector_load %arg10[%get3A_830, %get3A_831] {strides = array<i32>} : memref<128x144xf32, #tpu.memory_space<vmem>>, vector<16xf32>,
          %mul3A_833 = arith.mulf %get3A_832, %gather3A_822 : vector<16xf32>
          %swap3A_834 = arith.index_cast %add3A_773 : i32 to index
          %swap3A_835 = arith.constant 80 : index
          %swap3A_836 = tpu.vector_load %arg10[%swap3A_834, %swap3A_835] {strides = array<i32>} : memref<128x144xf32, #tpu.memory_space<vmem>>, vector<16xf32>,
          tpu.vector_store %arg10[%swap3A_834, %swap3A_835], %mul3A_833 {strides = array<i32>} : memref<128x144xf32, #tpu.memory_space<vmem>>, vector<16xf32>,
          %broadcast_in_dim3A_837 = arith.constant 3 : i32
          %broadcast_in_dim3A_838 = vector.broadcast %broadcast_in_dim3A_837 : i32 to vector<16xi32>
          %broadcast_in_dim3A_839 = vector.shape_cast %broadcast_in_dim3A_838 : vector<16xi32> to vector<16x1xi32>
          %gather3A_840 = vector.shape_cast %broadcast_in_dim3A_839 : vector<16x1xi32> to vector<16xi32>
          %gather3A_841 = tpu.dynamic_gather %gather3A_776[%gather3A_840] in [0] : vector<16xf32>, vector<16xi32> -> vector<16xf32>
          %get3A_842 = arith.index_cast %add3A_773 : i32 to index
          %get3A_843 = arith.constant 96 : index
          %get3A_844 = tpu.vector_load %arg10[%get3A_842, %get3A_843] {strides = array<i32>} : memref<128x144xf32, #tpu.memory_space<vmem>>, vector<16xf32>,
          %mul3A_845 = arith.mulf %get3A_844, %gather3A_841 : vector<16xf32>
          %swap3A_846 = arith.index_cast %add3A_773 : i32 to index
          %swap3A_847 = arith.constant 96 : index
          %swap3A_848 = tpu.vector_load %arg10[%swap3A_846, %swap3A_847] {strides = array<i32>} : memref<128x144xf32, #tpu.memory_space<vmem>>, vector<16xf32>,
          tpu.vector_store %arg10[%swap3A_846, %swap3A_847], %mul3A_845 {strides = array<i32>} : memref<128x144xf32, #tpu.memory_space<vmem>>, vector<16xf32>,
          %get3A_849 = arith.index_cast %add3A_773 : i32 to index
          %get3A_850 = arith.constant 112 : index
          %get3A_851 = tpu.vector_load %arg10[%get3A_849, %get3A_850] {strides = array<i32>} : memref<128x144xf32, #tpu.memory_space<vmem>>, vector<16xf32>,
          %mul3A_852 = arith.mulf %get3A_851, %gather3A_841 : vector<16xf32>
          %swap3A_853 = arith.index_cast %add3A_773 : i32 to index
          %swap3A_854 = arith.constant 112 : index
          %swap3A_855 = tpu.vector_load %arg10[%swap3A_853, %swap3A_854] {strides = array<i32>} : memref<128x144xf32, #tpu.memory_space<vmem>>, vector<16xf32>,
          tpu.vector_store %arg10[%swap3A_853, %swap3A_854], %mul3A_852 {strides = array<i32>} : memref<128x144xf32, #tpu.memory_space<vmem>>, vector<16xf32>,
          %add3A_856 = arith.constant 8 : i32
          %add3A_857 = arith.addi %add3A_111, %add3A_856 : i32
          %broadcast_in_dim3A_858 = arith.constant 8 : i32
          %broadcast_in_dim3A_859 = vector.broadcast %broadcast_in_dim3A_858 : i32 to vector<16xi32>
          %gather3A_860 = tpu.vector_load_idx %arg15[%min3A_16, %broadcast_in_dim3A_859] : memref<4x16xf32, #tpu.memory_space<vmem>>[vector<16xi32>, vector<16xi32>], vector<16xf32>,
          %swap3A_861 = arith.index_cast %add3A_857 : i32 to index
          %swap3A_862 = arith.constant 128 : index
          %swap3A_863 = tpu.vector_load %arg10[%swap3A_861, %swap3A_862] {strides = array<i32>} : memref<128x144xf32, #tpu.memory_space<vmem>>, vector<16xf32>,
          tpu.vector_store %arg10[%swap3A_861, %swap3A_862], %gather3A_860 {strides = array<i32>} : memref<128x144xf32, #tpu.memory_space<vmem>>, vector<16xf32>,
          %broadcast_in_dim3A_864 = arith.constant 0 : i32
          %broadcast_in_dim3A_865 = vector.broadcast %broadcast_in_dim3A_864 : i32 to vector<16xi32>
          %broadcast_in_dim3A_866 = vector.shape_cast %broadcast_in_dim3A_865 : vector<16xi32> to vector<16x1xi32>
          %gather3A_867 = vector.shape_cast %broadcast_in_dim3A_866 : vector<16x1xi32> to vector<16xi32>
          %gather3A_868 = tpu.dynamic_gather %gather3A_860[%gather3A_867] in [0] : vector<16xf32>, vector<16xi32> -> vector<16xf32>
          %get3A_869 = arith.index_cast %add3A_857 : i32 to index
          %get3A_870 = arith.constant 0 : index
          %get3A_871 = tpu.vector_load %arg10[%get3A_869, %get3A_870] {strides = array<i32>} : memref<128x144xf32, #tpu.memory_space<vmem>>, vector<16xf32>,
          %mul3A_872 = arith.mulf %get3A_871, %gather3A_868 : vector<16xf32>
          %swap3A_873 = arith.index_cast %add3A_857 : i32 to index
          %swap3A_874 = arith.constant 0 : index
          %swap3A_875 = tpu.vector_load %arg10[%swap3A_873, %swap3A_874] {strides = array<i32>} : memref<128x144xf32, #tpu.memory_space<vmem>>, vector<16xf32>,
          tpu.vector_store %arg10[%swap3A_873, %swap3A_874], %mul3A_872 {strides = array<i32>} : memref<128x144xf32, #tpu.memory_space<vmem>>, vector<16xf32>,
          %get3A_876 = arith.index_cast %add3A_857 : i32 to index
          %get3A_877 = arith.constant 16 : index
          %get3A_878 = tpu.vector_load %arg10[%get3A_876, %get3A_877] {strides = array<i32>} : memref<128x144xf32, #tpu.memory_space<vmem>>, vector<16xf32>,
          %mul3A_879 = arith.mulf %get3A_878, %gather3A_868 : vector<16xf32>
          %swap3A_880 = arith.index_cast %add3A_857 : i32 to index
          %swap3A_881 = arith.constant 16 : index
          %swap3A_882 = tpu.vector_load %arg10[%swap3A_880, %swap3A_881] {strides = array<i32>} : memref<128x144xf32, #tpu.memory_space<vmem>>, vector<16xf32>,
          tpu.vector_store %arg10[%swap3A_880, %swap3A_881], %mul3A_879 {strides = array<i32>} : memref<128x144xf32, #tpu.memory_space<vmem>>, vector<16xf32>,
          %broadcast_in_dim3A_883 = arith.constant 1 : i32
          %broadcast_in_dim3A_884 = vector.broadcast %broadcast_in_dim3A_883 : i32 to vector<16xi32>
          %broadcast_in_dim3A_885 = vector.shape_cast %broadcast_in_dim3A_884 : vector<16xi32> to vector<16x1xi32>
          %gather3A_886 = vector.shape_cast %broadcast_in_dim3A_885 : vector<16x1xi32> to vector<16xi32>
          %gather3A_887 = tpu.dynamic_gather %gather3A_860[%gather3A_886] in [0] : vector<16xf32>, vector<16xi32> -> vector<16xf32>
          %get3A_888 = arith.index_cast %add3A_857 : i32 to index
          %get3A_889 = arith.constant 32 : index
          %get3A_890 = tpu.vector_load %arg10[%get3A_888, %get3A_889] {strides = array<i32>} : memref<128x144xf32, #tpu.memory_space<vmem>>, vector<16xf32>,
          %mul3A_891 = arith.mulf %get3A_890, %gather3A_887 : vector<16xf32>
          %swap3A_892 = arith.index_cast %add3A_857 : i32 to index
          %swap3A_893 = arith.constant 32 : index
          %swap3A_894 = tpu.vector_load %arg10[%swap3A_892, %swap3A_893] {strides = array<i32>} : memref<128x144xf32, #tpu.memory_space<vmem>>, vector<16xf32>,
          tpu.vector_store %arg10[%swap3A_892, %swap3A_893], %mul3A_891 {strides = array<i32>} : memref<128x144xf32, #tpu.memory_space<vmem>>, vector<16xf32>,
          %get3A_895 = arith.index_cast %add3A_857 : i32 to index
          %get3A_896 = arith.constant 48 : index
          %get3A_897 = tpu.vector_load %arg10[%get3A_895, %get3A_896] {strides = array<i32>} : memref<128x144xf32, #tpu.memory_space<vmem>>, vector<16xf32>,
          %mul3A_898 = arith.mulf %get3A_897, %gather3A_887 : vector<16xf32>
          %swap3A_899 = arith.index_cast %add3A_857 : i32 to index
          %swap3A_900 = arith.constant 48 : index
          %swap3A_901 = tpu.vector_load %arg10[%swap3A_899, %swap3A_900] {strides = array<i32>} : memref<128x144xf32, #tpu.memory_space<vmem>>, vector<16xf32>,
          tpu.vector_store %arg10[%swap3A_899, %swap3A_900], %mul3A_898 {strides = array<i32>} : memref<128x144xf32, #tpu.memory_space<vmem>>, vector<16xf32>,
          %broadcast_in_dim3A_902 = arith.constant 2 : i32
          %broadcast_in_dim3A_903 = vector.broadcast %broadcast_in_dim3A_902 : i32 to vector<16xi32>
          %broadcast_in_dim3A_904 = vector.shape_cast %broadcast_in_dim3A_903 : vector<16xi32> to vector<16x1xi32>
          %gather3A_905 = vector.shape_cast %broadcast_in_dim3A_904 : vector<16x1xi32> to vector<16xi32>
          %gather3A_906 = tpu.dynamic_gather %gather3A_860[%gather3A_905] in [0] : vector<16xf32>, vector<16xi32> -> vector<16xf32>
          %get3A_907 = arith.index_cast %add3A_857 : i32 to index
          %get3A_908 = arith.constant 64 : index
          %get3A_909 = tpu.vector_load %arg10[%get3A_907, %get3A_908] {strides = array<i32>} : memref<128x144xf32, #tpu.memory_space<vmem>>, vector<16xf32>,
          %mul3A_910 = arith.mulf %get3A_909, %gather3A_906 : vector<16xf32>
          %swap3A_911 = arith.index_cast %add3A_857 : i32 to index
          %swap3A_912 = arith.constant 64 : index
          %swap3A_913 = tpu.vector_load %arg10[%swap3A_911, %swap3A_912] {strides = array<i32>} : memref<128x144xf32, #tpu.memory_space<vmem>>, vector<16xf32>,
          tpu.vector_store %arg10[%swap3A_911, %swap3A_912], %mul3A_910 {strides = array<i32>} : memref<128x144xf32, #tpu.memory_space<vmem>>, vector<16xf32>,
          %get3A_914 = arith.index_cast %add3A_857 : i32 to index
          %get3A_915 = arith.constant 80 : index
          %get3A_916 = tpu.vector_load %arg10[%get3A_914, %get3A_915] {strides = array<i32>} : memref<128x144xf32, #tpu.memory_space<vmem>>, vector<16xf32>,
          %mul3A_917 = arith.mulf %get3A_916, %gather3A_906 : vector<16xf32>
          %swap3A_918 = arith.index_cast %add3A_857 : i32 to index
          %swap3A_919 = arith.constant 80 : index
          %swap3A_920 = tpu.vector_load %arg10[%swap3A_918, %swap3A_919] {strides = array<i32>} : memref<128x144xf32, #tpu.memory_space<vmem>>, vector<16xf32>,
          tpu.vector_store %arg10[%swap3A_918, %swap3A_919], %mul3A_917 {strides = array<i32>} : memref<128x144xf32, #tpu.memory_space<vmem>>, vector<16xf32>,
          %broadcast_in_dim3A_921 = arith.constant 3 : i32
          %broadcast_in_dim3A_922 = vector.broadcast %broadcast_in_dim3A_921 : i32 to vector<16xi32>
          %broadcast_in_dim3A_923 = vector.shape_cast %broadcast_in_dim3A_922 : vector<16xi32> to vector<16x1xi32>
          %gather3A_924 = vector.shape_cast %broadcast_in_dim3A_923 : vector<16x1xi32> to vector<16xi32>
          %gather3A_925 = tpu.dynamic_gather %gather3A_860[%gather3A_924] in [0] : vector<16xf32>, vector<16xi32> -> vector<16xf32>
          %get3A_926 = arith.index_cast %add3A_857 : i32 to index
          %get3A_927 = arith.constant 96 : index
          %get3A_928 = tpu.vector_load %arg10[%get3A_926, %get3A_927] {strides = array<i32>} : memref<128x144xf32, #tpu.memory_space<vmem>>, vector<16xf32>,
          %mul3A_929 = arith.mulf %get3A_928, %gather3A_925 : vector<16xf32>
          %swap3A_930 = arith.index_cast %add3A_857 : i32 to index
          %swap3A_931 = arith.constant 96 : index
          %swap3A_932 = tpu.vector_load %arg10[%swap3A_930, %swap3A_931] {strides = array<i32>} : memref<128x144xf32, #tpu.memory_space<vmem>>, vector<16xf32>,
          tpu.vector_store %arg10[%swap3A_930, %swap3A_931], %mul3A_929 {strides = array<i32>} : memref<128x144xf32, #tpu.memory_space<vmem>>, vector<16xf32>,
          %get3A_933 = arith.index_cast %add3A_857 : i32 to index
          %get3A_934 = arith.constant 112 : index
          %get3A_935 = tpu.vector_load %arg10[%get3A_933, %get3A_934] {strides = array<i32>} : memref<128x144xf32, #tpu.memory_space<vmem>>, vector<16xf32>,
          %mul3A_936 = arith.mulf %get3A_935, %gather3A_925 : vector<16xf32>
          %swap3A_937 = arith.index_cast %add3A_857 : i32 to index
          %swap3A_938 = arith.constant 112 : index
          %swap3A_939 = tpu.vector_load %arg10[%swap3A_937, %swap3A_938] {strides = array<i32>} : memref<128x144xf32, #tpu.memory_space<vmem>>, vector<16xf32>,
          tpu.vector_store %arg10[%swap3A_937, %swap3A_938], %mul3A_936 {strides = array<i32>} : memref<128x144xf32, #tpu.memory_space<vmem>>, vector<16xf32>,
          %add3A_940 = arith.constant 9 : i32
          %add3A_941 = arith.addi %add3A_111, %add3A_940 : i32
          %broadcast_in_dim3A_942 = arith.constant 9 : i32
          %broadcast_in_dim3A_943 = vector.broadcast %broadcast_in_dim3A_942 : i32 to vector<16xi32>
          %gather3A_944 = tpu.vector_load_idx %arg15[%min3A_16, %broadcast_in_dim3A_943] : memref<4x16xf32, #tpu.memory_space<vmem>>[vector<16xi32>, vector<16xi32>], vector<16xf32>,
          %swap3A_945 = arith.index_cast %add3A_941 : i32 to index
          %swap3A_946 = arith.constant 128 : index
          %swap3A_947 = tpu.vector_load %arg10[%swap3A_945, %swap3A_946] {strides = array<i32>} : memref<128x144xf32, #tpu.memory_space<vmem>>, vector<16xf32>,
          tpu.vector_store %arg10[%swap3A_945, %swap3A_946], %gather3A_944 {strides = array<i32>} : memref<128x144xf32, #tpu.memory_space<vmem>>, vector<16xf32>,
          %broadcast_in_dim3A_948 = arith.constant 0 : i32
          %broadcast_in_dim3A_949 = vector.broadcast %broadcast_in_dim3A_948 : i32 to vector<16xi32>
          %broadcast_in_dim3A_950 = vector.shape_cast %broadcast_in_dim3A_949 : vector<16xi32> to vector<16x1xi32>
          %gather3A_951 = vector.shape_cast %broadcast_in_dim3A_950 : vector<16x1xi32> to vector<16xi32>
          %gather3A_952 = tpu.dynamic_gather %gather3A_944[%gather3A_951] in [0] : vector<16xf32>, vector<16xi32> -> vector<16xf32>
          %get3A_953 = arith.index_cast %add3A_941 : i32 to index
          %get3A_954 = arith.constant 0 : index
          %get3A_955 = tpu.vector_load %arg10[%get3A_953, %get3A_954] {strides = array<i32>} : memref<128x144xf32, #tpu.memory_space<vmem>>, vector<16xf32>,
          %mul3A_956 = arith.mulf %get3A_955, %gather3A_952 : vector<16xf32>
          %swap3A_957 = arith.index_cast %add3A_941 : i32 to index
          %swap3A_958 = arith.constant 0 : index
          %swap3A_959 = tpu.vector_load %arg10[%swap3A_957, %swap3A_958] {strides = array<i32>} : memref<128x144xf32, #tpu.memory_space<vmem>>, vector<16xf32>,
          tpu.vector_store %arg10[%swap3A_957, %swap3A_958], %mul3A_956 {strides = array<i32>} : memref<128x144xf32, #tpu.memory_space<vmem>>, vector<16xf32>,
          %get3A_960 = arith.index_cast %add3A_941 : i32 to index
          %get3A_961 = arith.constant 16 : index
          %get3A_962 = tpu.vector_load %arg10[%get3A_960, %get3A_961] {strides = array<i32>} : memref<128x144xf32, #tpu.memory_space<vmem>>, vector<16xf32>,
          %mul3A_963 = arith.mulf %get3A_962, %gather3A_952 : vector<16xf32>
          %swap3A_964 = arith.index_cast %add3A_941 : i32 to index
          %swap3A_965 = arith.constant 16 : index
          %swap3A_966 = tpu.vector_load %arg10[%swap3A_964, %swap3A_965] {strides = array<i32>} : memref<128x144xf32, #tpu.memory_space<vmem>>, vector<16xf32>,
          tpu.vector_store %arg10[%swap3A_964, %swap3A_965], %mul3A_963 {strides = array<i32>} : memref<128x144xf32, #tpu.memory_space<vmem>>, vector<16xf32>,
          %broadcast_in_dim3A_967 = arith.constant 1 : i32
          %broadcast_in_dim3A_968 = vector.broadcast %broadcast_in_dim3A_967 : i32 to vector<16xi32>
          %broadcast_in_dim3A_969 = vector.shape_cast %broadcast_in_dim3A_968 : vector<16xi32> to vector<16x1xi32>
          %gather3A_970 = vector.shape_cast %broadcast_in_dim3A_969 : vector<16x1xi32> to vector<16xi32>
          %gather3A_971 = tpu.dynamic_gather %gather3A_944[%gather3A_970] in [0] : vector<16xf32>, vector<16xi32> -> vector<16xf32>
          %get3A_972 = arith.index_cast %add3A_941 : i32 to index
          %get3A_973 = arith.constant 32 : index
          %get3A_974 = tpu.vector_load %arg10[%get3A_972, %get3A_973] {strides = array<i32>} : memref<128x144xf32, #tpu.memory_space<vmem>>, vector<16xf32>,
          %mul3A_975 = arith.mulf %get3A_974, %gather3A_971 : vector<16xf32>
          %swap3A_976 = arith.index_cast %add3A_941 : i32 to index
          %swap3A_977 = arith.constant 32 : index
          %swap3A_978 = tpu.vector_load %arg10[%swap3A_976, %swap3A_977] {strides = array<i32>} : memref<128x144xf32, #tpu.memory_space<vmem>>, vector<16xf32>,
          tpu.vector_store %arg10[%swap3A_976, %swap3A_977], %mul3A_975 {strides = array<i32>} : memref<128x144xf32, #tpu.memory_space<vmem>>, vector<16xf32>,
          %get3A_979 = arith.index_cast %add3A_941 : i32 to index
          %get3A_980 = arith.constant 48 : index
          %get3A_981 = tpu.vector_load %arg10[%get3A_979, %get3A_980] {strides = array<i32>} : memref<128x144xf32, #tpu.memory_space<vmem>>, vector<16xf32>,
          %mul3A_982 = arith.mulf %get3A_981, %gather3A_971 : vector<16xf32>
          %swap3A_983 = arith.index_cast %add3A_941 : i32 to index
          %swap3A_984 = arith.constant 48 : index
          %swap3A_985 = tpu.vector_load %arg10[%swap3A_983, %swap3A_984] {strides = array<i32>} : memref<128x144xf32, #tpu.memory_space<vmem>>, vector<16xf32>,
          tpu.vector_store %arg10[%swap3A_983, %swap3A_984], %mul3A_982 {strides = array<i32>} : memref<128x144xf32, #tpu.memory_space<vmem>>, vector<16xf32>,
          %broadcast_in_dim3A_986 = arith.constant 2 : i32
          %broadcast_in_dim3A_987 = vector.broadcast %broadcast_in_dim3A_986 : i32 to vector<16xi32>
          %broadcast_in_dim3A_988 = vector.shape_cast %broadcast_in_dim3A_987 : vector<16xi32> to vector<16x1xi32>
          %gather3A_989 = vector.shape_cast %broadcast_in_dim3A_988 : vector<16x1xi32> to vector<16xi32>
          %gather3A_990 = tpu.dynamic_gather %gather3A_944[%gather3A_989] in [0] : vector<16xf32>, vector<16xi32> -> vector<16xf32>
          %get3A_991 = arith.index_cast %add3A_941 : i32 to index
          %get3A_992 = arith.constant 64 : index
          %get3A_993 = tpu.vector_load %arg10[%get3A_991, %get3A_992] {strides = array<i32>} : memref<128x144xf32, #tpu.memory_space<vmem>>, vector<16xf32>,
          %mul3A_994 = arith.mulf %get3A_993, %gather3A_990 : vector<16xf32>
          %swap3A_995 = arith.index_cast %add3A_941 : i32 to index
          %swap3A_996 = arith.constant 64 : index
          %swap3A_997 = tpu.vector_load %arg10[%swap3A_995, %swap3A_996] {strides = array<i32>} : memref<128x144xf32, #tpu.memory_space<vmem>>, vector<16xf32>,
          tpu.vector_store %arg10[%swap3A_995, %swap3A_996], %mul3A_994 {strides = array<i32>} : memref<128x144xf32, #tpu.memory_space<vmem>>, vector<16xf32>,
          %get3A_998 = arith.index_cast %add3A_941 : i32 to index
          %get3A_999 = arith.constant 80 : index
          %get3A_1000 = tpu.vector_load %arg10[%get3A_998, %get3A_999] {strides = array<i32>} : memref<128x144xf32, #tpu.memory_space<vmem>>, vector<16xf32>,
          %mul3A_1001 = arith.mulf %get3A_1000, %gather3A_990 : vector<16xf32>
          %swap3A_1002 = arith.index_cast %add3A_941 : i32 to index
          %swap3A_1003 = arith.constant 80 : index
          %swap3A_1004 = tpu.vector_load %arg10[%swap3A_1002, %swap3A_1003] {strides = array<i32>} : memref<128x144xf32, #tpu.memory_space<vmem>>, vector<16xf32>,
          tpu.vector_store %arg10[%swap3A_1002, %swap3A_1003], %mul3A_1001 {strides = array<i32>} : memref<128x144xf32, #tpu.memory_space<vmem>>, vector<16xf32>,
          %broadcast_in_dim3A_1005 = arith.constant 3 : i32
          %broadcast_in_dim3A_1006 = vector.broadcast %broadcast_in_dim3A_1005 : i32 to vector<16xi32>
          %broadcast_in_dim3A_1007 = vector.shape_cast %broadcast_in_dim3A_1006 : vector<16xi32> to vector<16x1xi32>
          %gather3A_1008 = vector.shape_cast %broadcast_in_dim3A_1007 : vector<16x1xi32> to vector<16xi32>
          %gather3A_1009 = tpu.dynamic_gather %gather3A_944[%gather3A_1008] in [0] : vector<16xf32>, vector<16xi32> -> vector<16xf32>
          %get3A_1010 = arith.index_cast %add3A_941 : i32 to index
          %get3A_1011 = arith.constant 96 : index
          %get3A_1012 = tpu.vector_load %arg10[%get3A_1010, %get3A_1011] {strides = array<i32>} : memref<128x144xf32, #tpu.memory_space<vmem>>, vector<16xf32>,
          %mul3A_1013 = arith.mulf %get3A_1012, %gather3A_1009 : vector<16xf32>
          %swap3A_1014 = arith.index_cast %add3A_941 : i32 to index
          %swap3A_1015 = arith.constant 96 : index
          %swap3A_1016 = tpu.vector_load %arg10[%swap3A_1014, %swap3A_1015] {strides = array<i32>} : memref<128x144xf32, #tpu.memory_space<vmem>>, vector<16xf32>,
          tpu.vector_store %arg10[%swap3A_1014, %swap3A_1015], %mul3A_1013 {strides = array<i32>} : memref<128x144xf32, #tpu.memory_space<vmem>>, vector<16xf32>,
          %get3A_1017 = arith.index_cast %add3A_941 : i32 to index
          %get3A_1018 = arith.constant 112 : index
          %get3A_1019 = tpu.vector_load %arg10[%get3A_1017, %get3A_1018] {strides = array<i32>} : memref<128x144xf32, #tpu.memory_space<vmem>>, vector<16xf32>,
          %mul3A_1020 = arith.mulf %get3A_1019, %gather3A_1009 : vector<16xf32>
          %swap3A_1021 = arith.index_cast %add3A_941 : i32 to index
          %swap3A_1022 = arith.constant 112 : index
          %swap3A_1023 = tpu.vector_load %arg10[%swap3A_1021, %swap3A_1022] {strides = array<i32>} : memref<128x144xf32, #tpu.memory_space<vmem>>, vector<16xf32>,
          tpu.vector_store %arg10[%swap3A_1021, %swap3A_1022], %mul3A_1020 {strides = array<i32>} : memref<128x144xf32, #tpu.memory_space<vmem>>, vector<16xf32>,
          %add3A_1024 = arith.constant 10 : i32
          %add3A_1025 = arith.addi %add3A_111, %add3A_1024 : i32
          %broadcast_in_dim3A_1026 = arith.constant 10 : i32
          %broadcast_in_dim3A_1027 = vector.broadcast %broadcast_in_dim3A_1026 : i32 to vector<16xi32>
          %gather3A_1028 = tpu.vector_load_idx %arg15[%min3A_16, %broadcast_in_dim3A_1027] : memref<4x16xf32, #tpu.memory_space<vmem>>[vector<16xi32>, vector<16xi32>], vector<16xf32>,
          %swap3A_1029 = arith.index_cast %add3A_1025 : i32 to index
          %swap3A_1030 = arith.constant 128 : index
          %swap3A_1031 = tpu.vector_load %arg10[%swap3A_1029, %swap3A_1030] {strides = array<i32>} : memref<128x144xf32, #tpu.memory_space<vmem>>, vector<16xf32>,
          tpu.vector_store %arg10[%swap3A_1029, %swap3A_1030], %gather3A_1028 {strides = array<i32>} : memref<128x144xf32, #tpu.memory_space<vmem>>, vector<16xf32>,
          %broadcast_in_dim3A_1032 = arith.constant 0 : i32
          %broadcast_in_dim3A_1033 = vector.broadcast %broadcast_in_dim3A_1032 : i32 to vector<16xi32>
          %broadcast_in_dim3A_1034 = vector.shape_cast %broadcast_in_dim3A_1033 : vector<16xi32> to vector<16x1xi32>
          %gather3A_1035 = vector.shape_cast %broadcast_in_dim3A_1034 : vector<16x1xi32> to vector<16xi32>
          %gather3A_1036 = tpu.dynamic_gather %gather3A_1028[%gather3A_1035] in [0] : vector<16xf32>, vector<16xi32> -> vector<16xf32>
          %get3A_1037 = arith.index_cast %add3A_1025 : i32 to index
          %get3A_1038 = arith.constant 0 : index
          %get3A_1039 = tpu.vector_load %arg10[%get3A_1037, %get3A_1038] {strides = array<i32>} : memref<128x144xf32, #tpu.memory_space<vmem>>, vector<16xf32>,
          %mul3A_1040 = arith.mulf %get3A_1039, %gather3A_1036 : vector<16xf32>
          %swap3A_1041 = arith.index_cast %add3A_1025 : i32 to index
          %swap3A_1042 = arith.constant 0 : index
          %swap3A_1043 = tpu.vector_load %arg10[%swap3A_1041, %swap3A_1042] {strides = array<i32>} : memref<128x144xf32, #tpu.memory_space<vmem>>, vector<16xf32>,
          tpu.vector_store %arg10[%swap3A_1041, %swap3A_1042], %mul3A_1040 {strides = array<i32>} : memref<128x144xf32, #tpu.memory_space<vmem>>, vector<16xf32>,
          %get3A_1044 = arith.index_cast %add3A_1025 : i32 to index
          %get3A_1045 = arith.constant 16 : index
          %get3A_1046 = tpu.vector_load %arg10[%get3A_1044, %get3A_1045] {strides = array<i32>} : memref<128x144xf32, #tpu.memory_space<vmem>>, vector<16xf32>,
          %mul3A_1047 = arith.mulf %get3A_1046, %gather3A_1036 : vector<16xf32>
          %swap3A_1048 = arith.index_cast %add3A_1025 : i32 to index
          %swap3A_1049 = arith.constant 16 : index
          %swap3A_1050 = tpu.vector_load %arg10[%swap3A_1048, %swap3A_1049] {strides = array<i32>} : memref<128x144xf32, #tpu.memory_space<vmem>>, vector<16xf32>,
          tpu.vector_store %arg10[%swap3A_1048, %swap3A_1049], %mul3A_1047 {strides = array<i32>} : memref<128x144xf32, #tpu.memory_space<vmem>>, vector<16xf32>,
          %broadcast_in_dim3A_1051 = arith.constant 1 : i32
          %broadcast_in_dim3A_1052 = vector.broadcast %broadcast_in_dim3A_1051 : i32 to vector<16xi32>
          %broadcast_in_dim3A_1053 = vector.shape_cast %broadcast_in_dim3A_1052 : vector<16xi32> to vector<16x1xi32>
          %gather3A_1054 = vector.shape_cast %broadcast_in_dim3A_1053 : vector<16x1xi32> to vector<16xi32>
          %gather3A_1055 = tpu.dynamic_gather %gather3A_1028[%gather3A_1054] in [0] : vector<16xf32>, vector<16xi32> -> vector<16xf32>
          %get3A_1056 = arith.index_cast %add3A_1025 : i32 to index
          %get3A_1057 = arith.constant 32 : index
          %get3A_1058 = tpu.vector_load %arg10[%get3A_1056, %get3A_1057] {strides = array<i32>} : memref<128x144xf32, #tpu.memory_space<vmem>>, vector<16xf32>,
          %mul3A_1059 = arith.mulf %get3A_1058, %gather3A_1055 : vector<16xf32>
          %swap3A_1060 = arith.index_cast %add3A_1025 : i32 to index
          %swap3A_1061 = arith.constant 32 : index
          %swap3A_1062 = tpu.vector_load %arg10[%swap3A_1060, %swap3A_1061] {strides = array<i32>} : memref<128x144xf32, #tpu.memory_space<vmem>>, vector<16xf32>,
          tpu.vector_store %arg10[%swap3A_1060, %swap3A_1061], %mul3A_1059 {strides = array<i32>} : memref<128x144xf32, #tpu.memory_space<vmem>>, vector<16xf32>,
          %get3A_1063 = arith.index_cast %add3A_1025 : i32 to index
          %get3A_1064 = arith.constant 48 : index
          %get3A_1065 = tpu.vector_load %arg10[%get3A_1063, %get3A_1064] {strides = array<i32>} : memref<128x144xf32, #tpu.memory_space<vmem>>, vector<16xf32>,
          %mul3A_1066 = arith.mulf %get3A_1065, %gather3A_1055 : vector<16xf32>
          %swap3A_1067 = arith.index_cast %add3A_1025 : i32 to index
          %swap3A_1068 = arith.constant 48 : index
          %swap3A_1069 = tpu.vector_load %arg10[%swap3A_1067, %swap3A_1068] {strides = array<i32>} : memref<128x144xf32, #tpu.memory_space<vmem>>, vector<16xf32>,
          tpu.vector_store %arg10[%swap3A_1067, %swap3A_1068], %mul3A_1066 {strides = array<i32>} : memref<128x144xf32, #tpu.memory_space<vmem>>, vector<16xf32>,
          %broadcast_in_dim3A_1070 = arith.constant 2 : i32
          %broadcast_in_dim3A_1071 = vector.broadcast %broadcast_in_dim3A_1070 : i32 to vector<16xi32>
          %broadcast_in_dim3A_1072 = vector.shape_cast %broadcast_in_dim3A_1071 : vector<16xi32> to vector<16x1xi32>
          %gather3A_1073 = vector.shape_cast %broadcast_in_dim3A_1072 : vector<16x1xi32> to vector<16xi32>
          %gather3A_1074 = tpu.dynamic_gather %gather3A_1028[%gather3A_1073] in [0] : vector<16xf32>, vector<16xi32> -> vector<16xf32>
          %get3A_1075 = arith.index_cast %add3A_1025 : i32 to index
          %get3A_1076 = arith.constant 64 : index
          %get3A_1077 = tpu.vector_load %arg10[%get3A_1075, %get3A_1076] {strides = array<i32>} : memref<128x144xf32, #tpu.memory_space<vmem>>, vector<16xf32>,
          %mul3A_1078 = arith.mulf %get3A_1077, %gather3A_1074 : vector<16xf32>
          %swap3A_1079 = arith.index_cast %add3A_1025 : i32 to index
          %swap3A_1080 = arith.constant 64 : index
          %swap3A_1081 = tpu.vector_load %arg10[%swap3A_1079, %swap3A_1080] {strides = array<i32>} : memref<128x144xf32, #tpu.memory_space<vmem>>, vector<16xf32>,
          tpu.vector_store %arg10[%swap3A_1079, %swap3A_1080], %mul3A_1078 {strides = array<i32>} : memref<128x144xf32, #tpu.memory_space<vmem>>, vector<16xf32>,
          %get3A_1082 = arith.index_cast %add3A_1025 : i32 to index
          %get3A_1083 = arith.constant 80 : index
          %get3A_1084 = tpu.vector_load %arg10[%get3A_1082, %get3A_1083] {strides = array<i32>} : memref<128x144xf32, #tpu.memory_space<vmem>>, vector<16xf32>,
          %mul3A_1085 = arith.mulf %get3A_1084, %gather3A_1074 : vector<16xf32>
          %swap3A_1086 = arith.index_cast %add3A_1025 : i32 to index
          %swap3A_1087 = arith.constant 80 : index
          %swap3A_1088 = tpu.vector_load %arg10[%swap3A_1086, %swap3A_1087] {strides = array<i32>} : memref<128x144xf32, #tpu.memory_space<vmem>>, vector<16xf32>,
          tpu.vector_store %arg10[%swap3A_1086, %swap3A_1087], %mul3A_1085 {strides = array<i32>} : memref<128x144xf32, #tpu.memory_space<vmem>>, vector<16xf32>,
          %broadcast_in_dim3A_1089 = arith.constant 3 : i32
          %broadcast_in_dim3A_1090 = vector.broadcast %broadcast_in_dim3A_1089 : i32 to vector<16xi32>
          %broadcast_in_dim3A_1091 = vector.shape_cast %broadcast_in_dim3A_1090 : vector<16xi32> to vector<16x1xi32>
          %gather3A_1092 = vector.shape_cast %broadcast_in_dim3A_1091 : vector<16x1xi32> to vector<16xi32>
          %gather3A_1093 = tpu.dynamic_gather %gather3A_1028[%gather3A_1092] in [0] : vector<16xf32>, vector<16xi32> -> vector<16xf32>
          %get3A_1094 = arith.index_cast %add3A_1025 : i32 to index
          %get3A_1095 = arith.constant 96 : index
          %get3A_1096 = tpu.vector_load %arg10[%get3A_1094, %get3A_1095] {strides = array<i32>} : memref<128x144xf32, #tpu.memory_space<vmem>>, vector<16xf32>,
          %mul3A_1097 = arith.mulf %get3A_1096, %gather3A_1093 : vector<16xf32>
          %swap3A_1098 = arith.index_cast %add3A_1025 : i32 to index
          %swap3A_1099 = arith.constant 96 : index
          %swap3A_1100 = tpu.vector_load %arg10[%swap3A_1098, %swap3A_1099] {strides = array<i32>} : memref<128x144xf32, #tpu.memory_space<vmem>>, vector<16xf32>,
          tpu.vector_store %arg10[%swap3A_1098, %swap3A_1099], %mul3A_1097 {strides = array<i32>} : memref<128x144xf32, #tpu.memory_space<vmem>>, vector<16xf32>,
          %get3A_1101 = arith.index_cast %add3A_1025 : i32 to index
          %get3A_1102 = arith.constant 112 : index
          %get3A_1103 = tpu.vector_load %arg10[%get3A_1101, %get3A_1102] {strides = array<i32>} : memref<128x144xf32, #tpu.memory_space<vmem>>, vector<16xf32>,
          %mul3A_1104 = arith.mulf %get3A_1103, %gather3A_1093 : vector<16xf32>
          %swap3A_1105 = arith.index_cast %add3A_1025 : i32 to index
          %swap3A_1106 = arith.constant 112 : index
          %swap3A_1107 = tpu.vector_load %arg10[%swap3A_1105, %swap3A_1106] {strides = array<i32>} : memref<128x144xf32, #tpu.memory_space<vmem>>, vector<16xf32>,
          tpu.vector_store %arg10[%swap3A_1105, %swap3A_1106], %mul3A_1104 {strides = array<i32>} : memref<128x144xf32, #tpu.memory_space<vmem>>, vector<16xf32>,
          %add3A_1108 = arith.constant 11 : i32
          %add3A_1109 = arith.addi %add3A_111, %add3A_1108 : i32
          %broadcast_in_dim3A_1110 = arith.constant 11 : i32
          %broadcast_in_dim3A_1111 = vector.broadcast %broadcast_in_dim3A_1110 : i32 to vector<16xi32>
          %gather3A_1112 = tpu.vector_load_idx %arg15[%min3A_16, %broadcast_in_dim3A_1111] : memref<4x16xf32, #tpu.memory_space<vmem>>[vector<16xi32>, vector<16xi32>], vector<16xf32>,
          %swap3A_1113 = arith.index_cast %add3A_1109 : i32 to index
          %swap3A_1114 = arith.constant 128 : index
          %swap3A_1115 = tpu.vector_load %arg10[%swap3A_1113, %swap3A_1114] {strides = array<i32>} : memref<128x144xf32, #tpu.memory_space<vmem>>, vector<16xf32>,
          tpu.vector_store %arg10[%swap3A_1113, %swap3A_1114], %gather3A_1112 {strides = array<i32>} : memref<128x144xf32, #tpu.memory_space<vmem>>, vector<16xf32>,
          %broadcast_in_dim3A_1116 = arith.constant 0 : i32
          %broadcast_in_dim3A_1117 = vector.broadcast %broadcast_in_dim3A_1116 : i32 to vector<16xi32>
          %broadcast_in_dim3A_1118 = vector.shape_cast %broadcast_in_dim3A_1117 : vector<16xi32> to vector<16x1xi32>
          %gather3A_1119 = vector.shape_cast %broadcast_in_dim3A_1118 : vector<16x1xi32> to vector<16xi32>
          %gather3A_1120 = tpu.dynamic_gather %gather3A_1112[%gather3A_1119] in [0] : vector<16xf32>, vector<16xi32> -> vector<16xf32>
          %get3A_1121 = arith.index_cast %add3A_1109 : i32 to index
          %get3A_1122 = arith.constant 0 : index
          %get3A_1123 = tpu.vector_load %arg10[%get3A_1121, %get3A_1122] {strides = array<i32>} : memref<128x144xf32, #tpu.memory_space<vmem>>, vector<16xf32>,
          %mul3A_1124 = arith.mulf %get3A_1123, %gather3A_1120 : vector<16xf32>
          %swap3A_1125 = arith.index_cast %add3A_1109 : i32 to index
          %swap3A_1126 = arith.constant 0 : index
          %swap3A_1127 = tpu.vector_load %arg10[%swap3A_1125, %swap3A_1126] {strides = array<i32>} : memref<128x144xf32, #tpu.memory_space<vmem>>, vector<16xf32>,
          tpu.vector_store %arg10[%swap3A_1125, %swap3A_1126], %mul3A_1124 {strides = array<i32>} : memref<128x144xf32, #tpu.memory_space<vmem>>, vector<16xf32>,
          %get3A_1128 = arith.index_cast %add3A_1109 : i32 to index
          %get3A_1129 = arith.constant 16 : index
          %get3A_1130 = tpu.vector_load %arg10[%get3A_1128, %get3A_1129] {strides = array<i32>} : memref<128x144xf32, #tpu.memory_space<vmem>>, vector<16xf32>,
          %mul3A_1131 = arith.mulf %get3A_1130, %gather3A_1120 : vector<16xf32>
          %swap3A_1132 = arith.index_cast %add3A_1109 : i32 to index
          %swap3A_1133 = arith.constant 16 : index
          %swap3A_1134 = tpu.vector_load %arg10[%swap3A_1132, %swap3A_1133] {strides = array<i32>} : memref<128x144xf32, #tpu.memory_space<vmem>>, vector<16xf32>,
          tpu.vector_store %arg10[%swap3A_1132, %swap3A_1133], %mul3A_1131 {strides = array<i32>} : memref<128x144xf32, #tpu.memory_space<vmem>>, vector<16xf32>,
          %broadcast_in_dim3A_1135 = arith.constant 1 : i32
          %broadcast_in_dim3A_1136 = vector.broadcast %broadcast_in_dim3A_1135 : i32 to vector<16xi32>
          %broadcast_in_dim3A_1137 = vector.shape_cast %broadcast_in_dim3A_1136 : vector<16xi32> to vector<16x1xi32>
          %gather3A_1138 = vector.shape_cast %broadcast_in_dim3A_1137 : vector<16x1xi32> to vector<16xi32>
          %gather3A_1139 = tpu.dynamic_gather %gather3A_1112[%gather3A_1138] in [0] : vector<16xf32>, vector<16xi32> -> vector<16xf32>
          %get3A_1140 = arith.index_cast %add3A_1109 : i32 to index
          %get3A_1141 = arith.constant 32 : index
          %get3A_1142 = tpu.vector_load %arg10[%get3A_1140, %get3A_1141] {strides = array<i32>} : memref<128x144xf32, #tpu.memory_space<vmem>>, vector<16xf32>,
          %mul3A_1143 = arith.mulf %get3A_1142, %gather3A_1139 : vector<16xf32>
          %swap3A_1144 = arith.index_cast %add3A_1109 : i32 to index
          %swap3A_1145 = arith.constant 32 : index
          %swap3A_1146 = tpu.vector_load %arg10[%swap3A_1144, %swap3A_1145] {strides = array<i32>} : memref<128x144xf32, #tpu.memory_space<vmem>>, vector<16xf32>,
          tpu.vector_store %arg10[%swap3A_1144, %swap3A_1145], %mul3A_1143 {strides = array<i32>} : memref<128x144xf32, #tpu.memory_space<vmem>>, vector<16xf32>,
          %get3A_1147 = arith.index_cast %add3A_1109 : i32 to index
          %get3A_1148 = arith.constant 48 : index
          %get3A_1149 = tpu.vector_load %arg10[%get3A_1147, %get3A_1148] {strides = array<i32>} : memref<128x144xf32, #tpu.memory_space<vmem>>, vector<16xf32>,
          %mul3A_1150 = arith.mulf %get3A_1149, %gather3A_1139 : vector<16xf32>
          %swap3A_1151 = arith.index_cast %add3A_1109 : i32 to index
          %swap3A_1152 = arith.constant 48 : index
          %swap3A_1153 = tpu.vector_load %arg10[%swap3A_1151, %swap3A_1152] {strides = array<i32>} : memref<128x144xf32, #tpu.memory_space<vmem>>, vector<16xf32>,
          tpu.vector_store %arg10[%swap3A_1151, %swap3A_1152], %mul3A_1150 {strides = array<i32>} : memref<128x144xf32, #tpu.memory_space<vmem>>, vector<16xf32>,
          %broadcast_in_dim3A_1154 = arith.constant 2 : i32
          %broadcast_in_dim3A_1155 = vector.broadcast %broadcast_in_dim3A_1154 : i32 to vector<16xi32>
          %broadcast_in_dim3A_1156 = vector.shape_cast %broadcast_in_dim3A_1155 : vector<16xi32> to vector<16x1xi32>
          %gather3A_1157 = vector.shape_cast %broadcast_in_dim3A_1156 : vector<16x1xi32> to vector<16xi32>
          %gather3A_1158 = tpu.dynamic_gather %gather3A_1112[%gather3A_1157] in [0] : vector<16xf32>, vector<16xi32> -> vector<16xf32>
          %get3A_1159 = arith.index_cast %add3A_1109 : i32 to index
          %get3A_1160 = arith.constant 64 : index
          %get3A_1161 = tpu.vector_load %arg10[%get3A_1159, %get3A_1160] {strides = array<i32>} : memref<128x144xf32, #tpu.memory_space<vmem>>, vector<16xf32>,
          %mul3A_1162 = arith.mulf %get3A_1161, %gather3A_1158 : vector<16xf32>
          %swap3A_1163 = arith.index_cast %add3A_1109 : i32 to index
          %swap3A_1164 = arith.constant 64 : index
          %swap3A_1165 = tpu.vector_load %arg10[%swap3A_1163, %swap3A_1164] {strides = array<i32>} : memref<128x144xf32, #tpu.memory_space<vmem>>, vector<16xf32>,
          tpu.vector_store %arg10[%swap3A_1163, %swap3A_1164], %mul3A_1162 {strides = array<i32>} : memref<128x144xf32, #tpu.memory_space<vmem>>, vector<16xf32>,
          %get3A_1166 = arith.index_cast %add3A_1109 : i32 to index
          %get3A_1167 = arith.constant 80 : index
          %get3A_1168 = tpu.vector_load %arg10[%get3A_1166, %get3A_1167] {strides = array<i32>} : memref<128x144xf32, #tpu.memory_space<vmem>>, vector<16xf32>,
          %mul3A_1169 = arith.mulf %get3A_1168, %gather3A_1158 : vector<16xf32>
          %swap3A_1170 = arith.index_cast %add3A_1109 : i32 to index
          %swap3A_1171 = arith.constant 80 : index
          %swap3A_1172 = tpu.vector_load %arg10[%swap3A_1170, %swap3A_1171] {strides = array<i32>} : memref<128x144xf32, #tpu.memory_space<vmem>>, vector<16xf32>,
          tpu.vector_store %arg10[%swap3A_1170, %swap3A_1171], %mul3A_1169 {strides = array<i32>} : memref<128x144xf32, #tpu.memory_space<vmem>>, vector<16xf32>,
          %broadcast_in_dim3A_1173 = arith.constant 3 : i32
          %broadcast_in_dim3A_1174 = vector.broadcast %broadcast_in_dim3A_1173 : i32 to vector<16xi32>
          %broadcast_in_dim3A_1175 = vector.shape_cast %broadcast_in_dim3A_1174 : vector<16xi32> to vector<16x1xi32>
          %gather3A_1176 = vector.shape_cast %broadcast_in_dim3A_1175 : vector<16x1xi32> to vector<16xi32>
          %gather3A_1177 = tpu.dynamic_gather %gather3A_1112[%gather3A_1176] in [0] : vector<16xf32>, vector<16xi32> -> vector<16xf32>
          %get3A_1178 = arith.index_cast %add3A_1109 : i32 to index
          %get3A_1179 = arith.constant 96 : index
          %get3A_1180 = tpu.vector_load %arg10[%get3A_1178, %get3A_1179] {strides = array<i32>} : memref<128x144xf32, #tpu.memory_space<vmem>>, vector<16xf32>,
          %mul3A_1181 = arith.mulf %get3A_1180, %gather3A_1177 : vector<16xf32>
          %swap3A_1182 = arith.index_cast %add3A_1109 : i32 to index
          %swap3A_1183 = arith.constant 96 : index
          %swap3A_1184 = tpu.vector_load %arg10[%swap3A_1182, %swap3A_1183] {strides = array<i32>} : memref<128x144xf32, #tpu.memory_space<vmem>>, vector<16xf32>,
          tpu.vector_store %arg10[%swap3A_1182, %swap3A_1183], %mul3A_1181 {strides = array<i32>} : memref<128x144xf32, #tpu.memory_space<vmem>>, vector<16xf32>,
          %get3A_1185 = arith.index_cast %add3A_1109 : i32 to index
          %get3A_1186 = arith.constant 112 : index
          %get3A_1187 = tpu.vector_load %arg10[%get3A_1185, %get3A_1186] {strides = array<i32>} : memref<128x144xf32, #tpu.memory_space<vmem>>, vector<16xf32>,
          %mul3A_1188 = arith.mulf %get3A_1187, %gather3A_1177 : vector<16xf32>
          %swap3A_1189 = arith.index_cast %add3A_1109 : i32 to index
          %swap3A_1190 = arith.constant 112 : index
          %swap3A_1191 = tpu.vector_load %arg10[%swap3A_1189, %swap3A_1190] {strides = array<i32>} : memref<128x144xf32, #tpu.memory_space<vmem>>, vector<16xf32>,
          tpu.vector_store %arg10[%swap3A_1189, %swap3A_1190], %mul3A_1188 {strides = array<i32>} : memref<128x144xf32, #tpu.memory_space<vmem>>, vector<16xf32>,
          %add3A_1192 = arith.constant 12 : i32
          %add3A_1193 = arith.addi %add3A_111, %add3A_1192 : i32
          %broadcast_in_dim3A_1194 = arith.constant 12 : i32
          %broadcast_in_dim3A_1195 = vector.broadcast %broadcast_in_dim3A_1194 : i32 to vector<16xi32>
          %gather3A_1196 = tpu.vector_load_idx %arg15[%min3A_16, %broadcast_in_dim3A_1195] : memref<4x16xf32, #tpu.memory_space<vmem>>[vector<16xi32>, vector<16xi32>], vector<16xf32>,
          %swap3A_1197 = arith.index_cast %add3A_1193 : i32 to index
          %swap3A_1198 = arith.constant 128 : index
          %swap3A_1199 = tpu.vector_load %arg10[%swap3A_1197, %swap3A_1198] {strides = array<i32>} : memref<128x144xf32, #tpu.memory_space<vmem>>, vector<16xf32>,
          tpu.vector_store %arg10[%swap3A_1197, %swap3A_1198], %gather3A_1196 {strides = array<i32>} : memref<128x144xf32, #tpu.memory_space<vmem>>, vector<16xf32>,
          %broadcast_in_dim3A_1200 = arith.constant 0 : i32
          %broadcast_in_dim3A_1201 = vector.broadcast %broadcast_in_dim3A_1200 : i32 to vector<16xi32>
          %broadcast_in_dim3A_1202 = vector.shape_cast %broadcast_in_dim3A_1201 : vector<16xi32> to vector<16x1xi32>
          %gather3A_1203 = vector.shape_cast %broadcast_in_dim3A_1202 : vector<16x1xi32> to vector<16xi32>
          %gather3A_1204 = tpu.dynamic_gather %gather3A_1196[%gather3A_1203] in [0] : vector<16xf32>, vector<16xi32> -> vector<16xf32>
          %get3A_1205 = arith.index_cast %add3A_1193 : i32 to index
          %get3A_1206 = arith.constant 0 : index
          %get3A_1207 = tpu.vector_load %arg10[%get3A_1205, %get3A_1206] {strides = array<i32>} : memref<128x144xf32, #tpu.memory_space<vmem>>, vector<16xf32>,
          %mul3A_1208 = arith.mulf %get3A_1207, %gather3A_1204 : vector<16xf32>
          %swap3A_1209 = arith.index_cast %add3A_1193 : i32 to index
          %swap3A_1210 = arith.constant 0 : index
          %swap3A_1211 = tpu.vector_load %arg10[%swap3A_1209, %swap3A_1210] {strides = array<i32>} : memref<128x144xf32, #tpu.memory_space<vmem>>, vector<16xf32>,
          tpu.vector_store %arg10[%swap3A_1209, %swap3A_1210], %mul3A_1208 {strides = array<i32>} : memref<128x144xf32, #tpu.memory_space<vmem>>, vector<16xf32>,
          %get3A_1212 = arith.index_cast %add3A_1193 : i32 to index
          %get3A_1213 = arith.constant 16 : index
          %get3A_1214 = tpu.vector_load %arg10[%get3A_1212, %get3A_1213] {strides = array<i32>} : memref<128x144xf32, #tpu.memory_space<vmem>>, vector<16xf32>,
          %mul3A_1215 = arith.mulf %get3A_1214, %gather3A_1204 : vector<16xf32>
          %swap3A_1216 = arith.index_cast %add3A_1193 : i32 to index
          %swap3A_1217 = arith.constant 16 : index
          %swap3A_1218 = tpu.vector_load %arg10[%swap3A_1216, %swap3A_1217] {strides = array<i32>} : memref<128x144xf32, #tpu.memory_space<vmem>>, vector<16xf32>,
          tpu.vector_store %arg10[%swap3A_1216, %swap3A_1217], %mul3A_1215 {strides = array<i32>} : memref<128x144xf32, #tpu.memory_space<vmem>>, vector<16xf32>,
          %broadcast_in_dim3A_1219 = arith.constant 1 : i32
          %broadcast_in_dim3A_1220 = vector.broadcast %broadcast_in_dim3A_1219 : i32 to vector<16xi32>
          %broadcast_in_dim3A_1221 = vector.shape_cast %broadcast_in_dim3A_1220 : vector<16xi32> to vector<16x1xi32>
          %gather3A_1222 = vector.shape_cast %broadcast_in_dim3A_1221 : vector<16x1xi32> to vector<16xi32>
          %gather3A_1223 = tpu.dynamic_gather %gather3A_1196[%gather3A_1222] in [0] : vector<16xf32>, vector<16xi32> -> vector<16xf32>
          %get3A_1224 = arith.index_cast %add3A_1193 : i32 to index
          %get3A_1225 = arith.constant 32 : index
          %get3A_1226 = tpu.vector_load %arg10[%get3A_1224, %get3A_1225] {strides = array<i32>} : memref<128x144xf32, #tpu.memory_space<vmem>>, vector<16xf32>,
          %mul3A_1227 = arith.mulf %get3A_1226, %gather3A_1223 : vector<16xf32>
          %swap3A_1228 = arith.index_cast %add3A_1193 : i32 to index
          %swap3A_1229 = arith.constant 32 : index
          %swap3A_1230 = tpu.vector_load %arg10[%swap3A_1228, %swap3A_1229] {strides = array<i32>} : memref<128x144xf32, #tpu.memory_space<vmem>>, vector<16xf32>,
          tpu.vector_store %arg10[%swap3A_1228, %swap3A_1229], %mul3A_1227 {strides = array<i32>} : memref<128x144xf32, #tpu.memory_space<vmem>>, vector<16xf32>,
          %get3A_1231 = arith.index_cast %add3A_1193 : i32 to index
          %get3A_1232 = arith.constant 48 : index
          %get3A_1233 = tpu.vector_load %arg10[%get3A_1231, %get3A_1232] {strides = array<i32>} : memref<128x144xf32, #tpu.memory_space<vmem>>, vector<16xf32>,
          %mul3A_1234 = arith.mulf %get3A_1233, %gather3A_1223 : vector<16xf32>
          %swap3A_1235 = arith.index_cast %add3A_1193 : i32 to index
          %swap3A_1236 = arith.constant 48 : index
          %swap3A_1237 = tpu.vector_load %arg10[%swap3A_1235, %swap3A_1236] {strides = array<i32>} : memref<128x144xf32, #tpu.memory_space<vmem>>, vector<16xf32>,
          tpu.vector_store %arg10[%swap3A_1235, %swap3A_1236], %mul3A_1234 {strides = array<i32>} : memref<128x144xf32, #tpu.memory_space<vmem>>, vector<16xf32>,
          %broadcast_in_dim3A_1238 = arith.constant 2 : i32
          %broadcast_in_dim3A_1239 = vector.broadcast %broadcast_in_dim3A_1238 : i32 to vector<16xi32>
          %broadcast_in_dim3A_1240 = vector.shape_cast %broadcast_in_dim3A_1239 : vector<16xi32> to vector<16x1xi32>
          %gather3A_1241 = vector.shape_cast %broadcast_in_dim3A_1240 : vector<16x1xi32> to vector<16xi32>
          %gather3A_1242 = tpu.dynamic_gather %gather3A_1196[%gather3A_1241] in [0] : vector<16xf32>, vector<16xi32> -> vector<16xf32>
          %get3A_1243 = arith.index_cast %add3A_1193 : i32 to index
          %get3A_1244 = arith.constant 64 : index
          %get3A_1245 = tpu.vector_load %arg10[%get3A_1243, %get3A_1244] {strides = array<i32>} : memref<128x144xf32, #tpu.memory_space<vmem>>, vector<16xf32>,
          %mul3A_1246 = arith.mulf %get3A_1245, %gather3A_1242 : vector<16xf32>
          %swap3A_1247 = arith.index_cast %add3A_1193 : i32 to index
          %swap3A_1248 = arith.constant 64 : index
          %swap3A_1249 = tpu.vector_load %arg10[%swap3A_1247, %swap3A_1248] {strides = array<i32>} : memref<128x144xf32, #tpu.memory_space<vmem>>, vector<16xf32>,
          tpu.vector_store %arg10[%swap3A_1247, %swap3A_1248], %mul3A_1246 {strides = array<i32>} : memref<128x144xf32, #tpu.memory_space<vmem>>, vector<16xf32>,
          %get3A_1250 = arith.index_cast %add3A_1193 : i32 to index
          %get3A_1251 = arith.constant 80 : index
          %get3A_1252 = tpu.vector_load %arg10[%get3A_1250, %get3A_1251] {strides = array<i32>} : memref<128x144xf32, #tpu.memory_space<vmem>>, vector<16xf32>,
          %mul3A_1253 = arith.mulf %get3A_1252, %gather3A_1242 : vector<16xf32>
          %swap3A_1254 = arith.index_cast %add3A_1193 : i32 to index
          %swap3A_1255 = arith.constant 80 : index
          %swap3A_1256 = tpu.vector_load %arg10[%swap3A_1254, %swap3A_1255] {strides = array<i32>} : memref<128x144xf32, #tpu.memory_space<vmem>>, vector<16xf32>,
          tpu.vector_store %arg10[%swap3A_1254, %swap3A_1255], %mul3A_1253 {strides = array<i32>} : memref<128x144xf32, #tpu.memory_space<vmem>>, vector<16xf32>,
          %broadcast_in_dim3A_1257 = arith.constant 3 : i32
          %broadcast_in_dim3A_1258 = vector.broadcast %broadcast_in_dim3A_1257 : i32 to vector<16xi32>
          %broadcast_in_dim3A_1259 = vector.shape_cast %broadcast_in_dim3A_1258 : vector<16xi32> to vector<16x1xi32>
          %gather3A_1260 = vector.shape_cast %broadcast_in_dim3A_1259 : vector<16x1xi32> to vector<16xi32>
          %gather3A_1261 = tpu.dynamic_gather %gather3A_1196[%gather3A_1260] in [0] : vector<16xf32>, vector<16xi32> -> vector<16xf32>
          %get3A_1262 = arith.index_cast %add3A_1193 : i32 to index
          %get3A_1263 = arith.constant 96 : index
          %get3A_1264 = tpu.vector_load %arg10[%get3A_1262, %get3A_1263] {strides = array<i32>} : memref<128x144xf32, #tpu.memory_space<vmem>>, vector<16xf32>,
          %mul3A_1265 = arith.mulf %get3A_1264, %gather3A_1261 : vector<16xf32>
          %swap3A_1266 = arith.index_cast %add3A_1193 : i32 to index
          %swap3A_1267 = arith.constant 96 : index
          %swap3A_1268 = tpu.vector_load %arg10[%swap3A_1266, %swap3A_1267] {strides = array<i32>} : memref<128x144xf32, #tpu.memory_space<vmem>>, vector<16xf32>,
          tpu.vector_store %arg10[%swap3A_1266, %swap3A_1267], %mul3A_1265 {strides = array<i32>} : memref<128x144xf32, #tpu.memory_space<vmem>>, vector<16xf32>,
          %get3A_1269 = arith.index_cast %add3A_1193 : i32 to index
          %get3A_1270 = arith.constant 112 : index
          %get3A_1271 = tpu.vector_load %arg10[%get3A_1269, %get3A_1270] {strides = array<i32>} : memref<128x144xf32, #tpu.memory_space<vmem>>, vector<16xf32>,
          %mul3A_1272 = arith.mulf %get3A_1271, %gather3A_1261 : vector<16xf32>
          %swap3A_1273 = arith.index_cast %add3A_1193 : i32 to index
          %swap3A_1274 = arith.constant 112 : index
          %swap3A_1275 = tpu.vector_load %arg10[%swap3A_1273, %swap3A_1274] {strides = array<i32>} : memref<128x144xf32, #tpu.memory_space<vmem>>, vector<16xf32>,
          tpu.vector_store %arg10[%swap3A_1273, %swap3A_1274], %mul3A_1272 {strides = array<i32>} : memref<128x144xf32, #tpu.memory_space<vmem>>, vector<16xf32>,
          %add3A_1276 = arith.constant 13 : i32
          %add3A_1277 = arith.addi %add3A_111, %add3A_1276 : i32
          %broadcast_in_dim3A_1278 = arith.constant 13 : i32
          %broadcast_in_dim3A_1279 = vector.broadcast %broadcast_in_dim3A_1278 : i32 to vector<16xi32>
          %gather3A_1280 = tpu.vector_load_idx %arg15[%min3A_16, %broadcast_in_dim3A_1279] : memref<4x16xf32, #tpu.memory_space<vmem>>[vector<16xi32>, vector<16xi32>], vector<16xf32>,
          %swap3A_1281 = arith.index_cast %add3A_1277 : i32 to index
          %swap3A_1282 = arith.constant 128 : index
          %swap3A_1283 = tpu.vector_load %arg10[%swap3A_1281, %swap3A_1282] {strides = array<i32>} : memref<128x144xf32, #tpu.memory_space<vmem>>, vector<16xf32>,
          tpu.vector_store %arg10[%swap3A_1281, %swap3A_1282], %gather3A_1280 {strides = array<i32>} : memref<128x144xf32, #tpu.memory_space<vmem>>, vector<16xf32>,
          %broadcast_in_dim3A_1284 = arith.constant 0 : i32
          %broadcast_in_dim3A_1285 = vector.broadcast %broadcast_in_dim3A_1284 : i32 to vector<16xi32>
          %broadcast_in_dim3A_1286 = vector.shape_cast %broadcast_in_dim3A_1285 : vector<16xi32> to vector<16x1xi32>
          %gather3A_1287 = vector.shape_cast %broadcast_in_dim3A_1286 : vector<16x1xi32> to vector<16xi32>
          %gather3A_1288 = tpu.dynamic_gather %gather3A_1280[%gather3A_1287] in [0] : vector<16xf32>, vector<16xi32> -> vector<16xf32>
          %get3A_1289 = arith.index_cast %add3A_1277 : i32 to index
          %get3A_1290 = arith.constant 0 : index
          %get3A_1291 = tpu.vector_load %arg10[%get3A_1289, %get3A_1290] {strides = array<i32>} : memref<128x144xf32, #tpu.memory_space<vmem>>, vector<16xf32>,
          %mul3A_1292 = arith.mulf %get3A_1291, %gather3A_1288 : vector<16xf32>
          %swap3A_1293 = arith.index_cast %add3A_1277 : i32 to index
          %swap3A_1294 = arith.constant 0 : index
          %swap3A_1295 = tpu.vector_load %arg10[%swap3A_1293, %swap3A_1294] {strides = array<i32>} : memref<128x144xf32, #tpu.memory_space<vmem>>, vector<16xf32>,
          tpu.vector_store %arg10[%swap3A_1293, %swap3A_1294], %mul3A_1292 {strides = array<i32>} : memref<128x144xf32, #tpu.memory_space<vmem>>, vector<16xf32>,
          %get3A_1296 = arith.index_cast %add3A_1277 : i32 to index
          %get3A_1297 = arith.constant 16 : index
          %get3A_1298 = tpu.vector_load %arg10[%get3A_1296, %get3A_1297] {strides = array<i32>} : memref<128x144xf32, #tpu.memory_space<vmem>>, vector<16xf32>,
          %mul3A_1299 = arith.mulf %get3A_1298, %gather3A_1288 : vector<16xf32>
          %swap3A_1300 = arith.index_cast %add3A_1277 : i32 to index
          %swap3A_1301 = arith.constant 16 : index
          %swap3A_1302 = tpu.vector_load %arg10[%swap3A_1300, %swap3A_1301] {strides = array<i32>} : memref<128x144xf32, #tpu.memory_space<vmem>>, vector<16xf32>,
          tpu.vector_store %arg10[%swap3A_1300, %swap3A_1301], %mul3A_1299 {strides = array<i32>} : memref<128x144xf32, #tpu.memory_space<vmem>>, vector<16xf32>,
          %broadcast_in_dim3A_1303 = arith.constant 1 : i32
          %broadcast_in_dim3A_1304 = vector.broadcast %broadcast_in_dim3A_1303 : i32 to vector<16xi32>
          %broadcast_in_dim3A_1305 = vector.shape_cast %broadcast_in_dim3A_1304 : vector<16xi32> to vector<16x1xi32>
          %gather3A_1306 = vector.shape_cast %broadcast_in_dim3A_1305 : vector<16x1xi32> to vector<16xi32>
          %gather3A_1307 = tpu.dynamic_gather %gather3A_1280[%gather3A_1306] in [0] : vector<16xf32>, vector<16xi32> -> vector<16xf32>
          %get3A_1308 = arith.index_cast %add3A_1277 : i32 to index
          %get3A_1309 = arith.constant 32 : index
          %get3A_1310 = tpu.vector_load %arg10[%get3A_1308, %get3A_1309] {strides = array<i32>} : memref<128x144xf32, #tpu.memory_space<vmem>>, vector<16xf32>,
          %mul3A_1311 = arith.mulf %get3A_1310, %gather3A_1307 : vector<16xf32>
          %swap3A_1312 = arith.index_cast %add3A_1277 : i32 to index
          %swap3A_1313 = arith.constant 32 : index
          %swap3A_1314 = tpu.vector_load %arg10[%swap3A_1312, %swap3A_1313] {strides = array<i32>} : memref<128x144xf32, #tpu.memory_space<vmem>>, vector<16xf32>,
          tpu.vector_store %arg10[%swap3A_1312, %swap3A_1313], %mul3A_1311 {strides = array<i32>} : memref<128x144xf32, #tpu.memory_space<vmem>>, vector<16xf32>,
          %get3A_1315 = arith.index_cast %add3A_1277 : i32 to index
          %get3A_1316 = arith.constant 48 : index
          %get3A_1317 = tpu.vector_load %arg10[%get3A_1315, %get3A_1316] {strides = array<i32>} : memref<128x144xf32, #tpu.memory_space<vmem>>, vector<16xf32>,
          %mul3A_1318 = arith.mulf %get3A_1317, %gather3A_1307 : vector<16xf32>
          %swap3A_1319 = arith.index_cast %add3A_1277 : i32 to index
          %swap3A_1320 = arith.constant 48 : index
          %swap3A_1321 = tpu.vector_load %arg10[%swap3A_1319, %swap3A_1320] {strides = array<i32>} : memref<128x144xf32, #tpu.memory_space<vmem>>, vector<16xf32>,
          tpu.vector_store %arg10[%swap3A_1319, %swap3A_1320], %mul3A_1318 {strides = array<i32>} : memref<128x144xf32, #tpu.memory_space<vmem>>, vector<16xf32>,
          %broadcast_in_dim3A_1322 = arith.constant 2 : i32
          %broadcast_in_dim3A_1323 = vector.broadcast %broadcast_in_dim3A_1322 : i32 to vector<16xi32>
          %broadcast_in_dim3A_1324 = vector.shape_cast %broadcast_in_dim3A_1323 : vector<16xi32> to vector<16x1xi32>
          %gather3A_1325 = vector.shape_cast %broadcast_in_dim3A_1324 : vector<16x1xi32> to vector<16xi32>
          %gather3A_1326 = tpu.dynamic_gather %gather3A_1280[%gather3A_1325] in [0] : vector<16xf32>, vector<16xi32> -> vector<16xf32>
          %get3A_1327 = arith.index_cast %add3A_1277 : i32 to index
          %get3A_1328 = arith.constant 64 : index
          %get3A_1329 = tpu.vector_load %arg10[%get3A_1327, %get3A_1328] {strides = array<i32>} : memref<128x144xf32, #tpu.memory_space<vmem>>, vector<16xf32>,
          %mul3A_1330 = arith.mulf %get3A_1329, %gather3A_1326 : vector<16xf32>
          %swap3A_1331 = arith.index_cast %add3A_1277 : i32 to index
          %swap3A_1332 = arith.constant 64 : index
          %swap3A_1333 = tpu.vector_load %arg10[%swap3A_1331, %swap3A_1332] {strides = array<i32>} : memref<128x144xf32, #tpu.memory_space<vmem>>, vector<16xf32>,
          tpu.vector_store %arg10[%swap3A_1331, %swap3A_1332], %mul3A_1330 {strides = array<i32>} : memref<128x144xf32, #tpu.memory_space<vmem>>, vector<16xf32>,
          %get3A_1334 = arith.index_cast %add3A_1277 : i32 to index
          %get3A_1335 = arith.constant 80 : index
          %get3A_1336 = tpu.vector_load %arg10[%get3A_1334, %get3A_1335] {strides = array<i32>} : memref<128x144xf32, #tpu.memory_space<vmem>>, vector<16xf32>,
          %mul3A_1337 = arith.mulf %get3A_1336, %gather3A_1326 : vector<16xf32>
          %swap3A_1338 = arith.index_cast %add3A_1277 : i32 to index
          %swap3A_1339 = arith.constant 80 : index
          %swap3A_1340 = tpu.vector_load %arg10[%swap3A_1338, %swap3A_1339] {strides = array<i32>} : memref<128x144xf32, #tpu.memory_space<vmem>>, vector<16xf32>,
          tpu.vector_store %arg10[%swap3A_1338, %swap3A_1339], %mul3A_1337 {strides = array<i32>} : memref<128x144xf32, #tpu.memory_space<vmem>>, vector<16xf32>,
          %broadcast_in_dim3A_1341 = arith.constant 3 : i32
          %broadcast_in_dim3A_1342 = vector.broadcast %broadcast_in_dim3A_1341 : i32 to vector<16xi32>
          %broadcast_in_dim3A_1343 = vector.shape_cast %broadcast_in_dim3A_1342 : vector<16xi32> to vector<16x1xi32>
          %gather3A_1344 = vector.shape_cast %broadcast_in_dim3A_1343 : vector<16x1xi32> to vector<16xi32>
          %gather3A_1345 = tpu.dynamic_gather %gather3A_1280[%gather3A_1344] in [0] : vector<16xf32>, vector<16xi32> -> vector<16xf32>
          %get3A_1346 = arith.index_cast %add3A_1277 : i32 to index
          %get3A_1347 = arith.constant 96 : index
          %get3A_1348 = tpu.vector_load %arg10[%get3A_1346, %get3A_1347] {strides = array<i32>} : memref<128x144xf32, #tpu.memory_space<vmem>>, vector<16xf32>,
          %mul3A_1349 = arith.mulf %get3A_1348, %gather3A_1345 : vector<16xf32>
          %swap3A_1350 = arith.index_cast %add3A_1277 : i32 to index
          %swap3A_1351 = arith.constant 96 : index
          %swap3A_1352 = tpu.vector_load %arg10[%swap3A_1350, %swap3A_1351] {strides = array<i32>} : memref<128x144xf32, #tpu.memory_space<vmem>>, vector<16xf32>,
          tpu.vector_store %arg10[%swap3A_1350, %swap3A_1351], %mul3A_1349 {strides = array<i32>} : memref<128x144xf32, #tpu.memory_space<vmem>>, vector<16xf32>,
          %get3A_1353 = arith.index_cast %add3A_1277 : i32 to index
          %get3A_1354 = arith.constant 112 : index
          %get3A_1355 = tpu.vector_load %arg10[%get3A_1353, %get3A_1354] {strides = array<i32>} : memref<128x144xf32, #tpu.memory_space<vmem>>, vector<16xf32>,
          %mul3A_1356 = arith.mulf %get3A_1355, %gather3A_1345 : vector<16xf32>
          %swap3A_1357 = arith.index_cast %add3A_1277 : i32 to index
          %swap3A_1358 = arith.constant 112 : index
          %swap3A_1359 = tpu.vector_load %arg10[%swap3A_1357, %swap3A_1358] {strides = array<i32>} : memref<128x144xf32, #tpu.memory_space<vmem>>, vector<16xf32>,
          tpu.vector_store %arg10[%swap3A_1357, %swap3A_1358], %mul3A_1356 {strides = array<i32>} : memref<128x144xf32, #tpu.memory_space<vmem>>, vector<16xf32>,
          %add3A_1360 = arith.constant 14 : i32
          %add3A_1361 = arith.addi %add3A_111, %add3A_1360 : i32
          %broadcast_in_dim3A_1362 = arith.constant 14 : i32
          %broadcast_in_dim3A_1363 = vector.broadcast %broadcast_in_dim3A_1362 : i32 to vector<16xi32>
          %gather3A_1364 = tpu.vector_load_idx %arg15[%min3A_16, %broadcast_in_dim3A_1363] : memref<4x16xf32, #tpu.memory_space<vmem>>[vector<16xi32>, vector<16xi32>], vector<16xf32>,
          %swap3A_1365 = arith.index_cast %add3A_1361 : i32 to index
          %swap3A_1366 = arith.constant 128 : index
          %swap3A_1367 = tpu.vector_load %arg10[%swap3A_1365, %swap3A_1366] {strides = array<i32>} : memref<128x144xf32, #tpu.memory_space<vmem>>, vector<16xf32>,
          tpu.vector_store %arg10[%swap3A_1365, %swap3A_1366], %gather3A_1364 {strides = array<i32>} : memref<128x144xf32, #tpu.memory_space<vmem>>, vector<16xf32>,
          %broadcast_in_dim3A_1368 = arith.constant 0 : i32
          %broadcast_in_dim3A_1369 = vector.broadcast %broadcast_in_dim3A_1368 : i32 to vector<16xi32>
          %broadcast_in_dim3A_1370 = vector.shape_cast %broadcast_in_dim3A_1369 : vector<16xi32> to vector<16x1xi32>
          %gather3A_1371 = vector.shape_cast %broadcast_in_dim3A_1370 : vector<16x1xi32> to vector<16xi32>
          %gather3A_1372 = tpu.dynamic_gather %gather3A_1364[%gather3A_1371] in [0] : vector<16xf32>, vector<16xi32> -> vector<16xf32>
          %get3A_1373 = arith.index_cast %add3A_1361 : i32 to index
          %get3A_1374 = arith.constant 0 : index
          %get3A_1375 = tpu.vector_load %arg10[%get3A_1373, %get3A_1374] {strides = array<i32>} : memref<128x144xf32, #tpu.memory_space<vmem>>, vector<16xf32>,
          %mul3A_1376 = arith.mulf %get3A_1375, %gather3A_1372 : vector<16xf32>
          %swap3A_1377 = arith.index_cast %add3A_1361 : i32 to index
          %swap3A_1378 = arith.constant 0 : index
          %swap3A_1379 = tpu.vector_load %arg10[%swap3A_1377, %swap3A_1378] {strides = array<i32>} : memref<128x144xf32, #tpu.memory_space<vmem>>, vector<16xf32>,
          tpu.vector_store %arg10[%swap3A_1377, %swap3A_1378], %mul3A_1376 {strides = array<i32>} : memref<128x144xf32, #tpu.memory_space<vmem>>, vector<16xf32>,
          %get3A_1380 = arith.index_cast %add3A_1361 : i32 to index
          %get3A_1381 = arith.constant 16 : index
          %get3A_1382 = tpu.vector_load %arg10[%get3A_1380, %get3A_1381] {strides = array<i32>} : memref<128x144xf32, #tpu.memory_space<vmem>>, vector<16xf32>,
          %mul3A_1383 = arith.mulf %get3A_1382, %gather3A_1372 : vector<16xf32>
          %swap3A_1384 = arith.index_cast %add3A_1361 : i32 to index
          %swap3A_1385 = arith.constant 16 : index
          %swap3A_1386 = tpu.vector_load %arg10[%swap3A_1384, %swap3A_1385] {strides = array<i32>} : memref<128x144xf32, #tpu.memory_space<vmem>>, vector<16xf32>,
          tpu.vector_store %arg10[%swap3A_1384, %swap3A_1385], %mul3A_1383 {strides = array<i32>} : memref<128x144xf32, #tpu.memory_space<vmem>>, vector<16xf32>,
          %broadcast_in_dim3A_1387 = arith.constant 1 : i32
          %broadcast_in_dim3A_1388 = vector.broadcast %broadcast_in_dim3A_1387 : i32 to vector<16xi32>
          %broadcast_in_dim3A_1389 = vector.shape_cast %broadcast_in_dim3A_1388 : vector<16xi32> to vector<16x1xi32>
          %gather3A_1390 = vector.shape_cast %broadcast_in_dim3A_1389 : vector<16x1xi32> to vector<16xi32>
          %gather3A_1391 = tpu.dynamic_gather %gather3A_1364[%gather3A_1390] in [0] : vector<16xf32>, vector<16xi32> -> vector<16xf32>
          %get3A_1392 = arith.index_cast %add3A_1361 : i32 to index
          %get3A_1393 = arith.constant 32 : index
          %get3A_1394 = tpu.vector_load %arg10[%get3A_1392, %get3A_1393] {strides = array<i32>} : memref<128x144xf32, #tpu.memory_space<vmem>>, vector<16xf32>,
          %mul3A_1395 = arith.mulf %get3A_1394, %gather3A_1391 : vector<16xf32>
          %swap3A_1396 = arith.index_cast %add3A_1361 : i32 to index
          %swap3A_1397 = arith.constant 32 : index
          %swap3A_1398 = tpu.vector_load %arg10[%swap3A_1396, %swap3A_1397] {strides = array<i32>} : memref<128x144xf32, #tpu.memory_space<vmem>>, vector<16xf32>,
          tpu.vector_store %arg10[%swap3A_1396, %swap3A_1397], %mul3A_1395 {strides = array<i32>} : memref<128x144xf32, #tpu.memory_space<vmem>>, vector<16xf32>,
          %get3A_1399 = arith.index_cast %add3A_1361 : i32 to index
          %get3A_1400 = arith.constant 48 : index
          %get3A_1401 = tpu.vector_load %arg10[%get3A_1399, %get3A_1400] {strides = array<i32>} : memref<128x144xf32, #tpu.memory_space<vmem>>, vector<16xf32>,
          %mul3A_1402 = arith.mulf %get3A_1401, %gather3A_1391 : vector<16xf32>
          %swap3A_1403 = arith.index_cast %add3A_1361 : i32 to index
          %swap3A_1404 = arith.constant 48 : index
          %swap3A_1405 = tpu.vector_load %arg10[%swap3A_1403, %swap3A_1404] {strides = array<i32>} : memref<128x144xf32, #tpu.memory_space<vmem>>, vector<16xf32>,
          tpu.vector_store %arg10[%swap3A_1403, %swap3A_1404], %mul3A_1402 {strides = array<i32>} : memref<128x144xf32, #tpu.memory_space<vmem>>, vector<16xf32>,
          %broadcast_in_dim3A_1406 = arith.constant 2 : i32
          %broadcast_in_dim3A_1407 = vector.broadcast %broadcast_in_dim3A_1406 : i32 to vector<16xi32>
          %broadcast_in_dim3A_1408 = vector.shape_cast %broadcast_in_dim3A_1407 : vector<16xi32> to vector<16x1xi32>
          %gather3A_1409 = vector.shape_cast %broadcast_in_dim3A_1408 : vector<16x1xi32> to vector<16xi32>
          %gather3A_1410 = tpu.dynamic_gather %gather3A_1364[%gather3A_1409] in [0] : vector<16xf32>, vector<16xi32> -> vector<16xf32>
          %get3A_1411 = arith.index_cast %add3A_1361 : i32 to index
          %get3A_1412 = arith.constant 64 : index
          %get3A_1413 = tpu.vector_load %arg10[%get3A_1411, %get3A_1412] {strides = array<i32>} : memref<128x144xf32, #tpu.memory_space<vmem>>, vector<16xf32>,
          %mul3A_1414 = arith.mulf %get3A_1413, %gather3A_1410 : vector<16xf32>
          %swap3A_1415 = arith.index_cast %add3A_1361 : i32 to index
          %swap3A_1416 = arith.constant 64 : index
          %swap3A_1417 = tpu.vector_load %arg10[%swap3A_1415, %swap3A_1416] {strides = array<i32>} : memref<128x144xf32, #tpu.memory_space<vmem>>, vector<16xf32>,
          tpu.vector_store %arg10[%swap3A_1415, %swap3A_1416], %mul3A_1414 {strides = array<i32>} : memref<128x144xf32, #tpu.memory_space<vmem>>, vector<16xf32>,
          %get3A_1418 = arith.index_cast %add3A_1361 : i32 to index
          %get3A_1419 = arith.constant 80 : index
          %get3A_1420 = tpu.vector_load %arg10[%get3A_1418, %get3A_1419] {strides = array<i32>} : memref<128x144xf32, #tpu.memory_space<vmem>>, vector<16xf32>,
          %mul3A_1421 = arith.mulf %get3A_1420, %gather3A_1410 : vector<16xf32>
          %swap3A_1422 = arith.index_cast %add3A_1361 : i32 to index
          %swap3A_1423 = arith.constant 80 : index
          %swap3A_1424 = tpu.vector_load %arg10[%swap3A_1422, %swap3A_1423] {strides = array<i32>} : memref<128x144xf32, #tpu.memory_space<vmem>>, vector<16xf32>,
          tpu.vector_store %arg10[%swap3A_1422, %swap3A_1423], %mul3A_1421 {strides = array<i32>} : memref<128x144xf32, #tpu.memory_space<vmem>>, vector<16xf32>,
          %broadcast_in_dim3A_1425 = arith.constant 3 : i32
          %broadcast_in_dim3A_1426 = vector.broadcast %broadcast_in_dim3A_1425 : i32 to vector<16xi32>
          %broadcast_in_dim3A_1427 = vector.shape_cast %broadcast_in_dim3A_1426 : vector<16xi32> to vector<16x1xi32>
          %gather3A_1428 = vector.shape_cast %broadcast_in_dim3A_1427 : vector<16x1xi32> to vector<16xi32>
          %gather3A_1429 = tpu.dynamic_gather %gather3A_1364[%gather3A_1428] in [0] : vector<16xf32>, vector<16xi32> -> vector<16xf32>
          %get3A_1430 = arith.index_cast %add3A_1361 : i32 to index
          %get3A_1431 = arith.constant 96 : index
          %get3A_1432 = tpu.vector_load %arg10[%get3A_1430, %get3A_1431] {strides = array<i32>} : memref<128x144xf32, #tpu.memory_space<vmem>>, vector<16xf32>,
          %mul3A_1433 = arith.mulf %get3A_1432, %gather3A_1429 : vector<16xf32>
          %swap3A_1434 = arith.index_cast %add3A_1361 : i32 to index
          %swap3A_1435 = arith.constant 96 : index
          %swap3A_1436 = tpu.vector_load %arg10[%swap3A_1434, %swap3A_1435] {strides = array<i32>} : memref<128x144xf32, #tpu.memory_space<vmem>>, vector<16xf32>,
          tpu.vector_store %arg10[%swap3A_1434, %swap3A_1435], %mul3A_1433 {strides = array<i32>} : memref<128x144xf32, #tpu.memory_space<vmem>>, vector<16xf32>,
          %get3A_1437 = arith.index_cast %add3A_1361 : i32 to index
          %get3A_1438 = arith.constant 112 : index
          %get3A_1439 = tpu.vector_load %arg10[%get3A_1437, %get3A_1438] {strides = array<i32>} : memref<128x144xf32, #tpu.memory_space<vmem>>, vector<16xf32>,
          %mul3A_1440 = arith.mulf %get3A_1439, %gather3A_1429 : vector<16xf32>
          %swap3A_1441 = arith.index_cast %add3A_1361 : i32 to index
          %swap3A_1442 = arith.constant 112 : index
          %swap3A_1443 = tpu.vector_load %arg10[%swap3A_1441, %swap3A_1442] {strides = array<i32>} : memref<128x144xf32, #tpu.memory_space<vmem>>, vector<16xf32>,
          tpu.vector_store %arg10[%swap3A_1441, %swap3A_1442], %mul3A_1440 {strides = array<i32>} : memref<128x144xf32, #tpu.memory_space<vmem>>, vector<16xf32>,
          %add3A_1444 = arith.constant 15 : i32
          %add3A_1445 = arith.addi %add3A_111, %add3A_1444 : i32
          %broadcast_in_dim3A_1446 = arith.constant 15 : i32
          %broadcast_in_dim3A_1447 = vector.broadcast %broadcast_in_dim3A_1446 : i32 to vector<16xi32>
          %gather3A_1448 = tpu.vector_load_idx %arg15[%min3A_16, %broadcast_in_dim3A_1447] : memref<4x16xf32, #tpu.memory_space<vmem>>[vector<16xi32>, vector<16xi32>], vector<16xf32>,
          %swap3A_1449 = arith.index_cast %add3A_1445 : i32 to index
          %swap3A_1450 = arith.constant 128 : index
          %swap3A_1451 = tpu.vector_load %arg10[%swap3A_1449, %swap3A_1450] {strides = array<i32>} : memref<128x144xf32, #tpu.memory_space<vmem>>, vector<16xf32>,
          tpu.vector_store %arg10[%swap3A_1449, %swap3A_1450], %gather3A_1448 {strides = array<i32>} : memref<128x144xf32, #tpu.memory_space<vmem>>, vector<16xf32>,
          %broadcast_in_dim3A_1452 = arith.constant 0 : i32
          %broadcast_in_dim3A_1453 = vector.broadcast %broadcast_in_dim3A_1452 : i32 to vector<16xi32>
          %broadcast_in_dim3A_1454 = vector.shape_cast %broadcast_in_dim3A_1453 : vector<16xi32> to vector<16x1xi32>
          %gather3A_1455 = vector.shape_cast %broadcast_in_dim3A_1454 : vector<16x1xi32> to vector<16xi32>
          %gather3A_1456 = tpu.dynamic_gather %gather3A_1448[%gather3A_1455] in [0] : vector<16xf32>, vector<16xi32> -> vector<16xf32>
          %get3A_1457 = arith.index_cast %add3A_1445 : i32 to index
          %get3A_1458 = arith.constant 0 : index
          %get3A_1459 = tpu.vector_load %arg10[%get3A_1457, %get3A_1458] {strides = array<i32>} : memref<128x144xf32, #tpu.memory_space<vmem>>, vector<16xf32>,
          %mul3A_1460 = arith.mulf %get3A_1459, %gather3A_1456 : vector<16xf32>
          %swap3A_1461 = arith.index_cast %add3A_1445 : i32 to index
          %swap3A_1462 = arith.constant 0 : index
          %swap3A_1463 = tpu.vector_load %arg10[%swap3A_1461, %swap3A_1462] {strides = array<i32>} : memref<128x144xf32, #tpu.memory_space<vmem>>, vector<16xf32>,
          tpu.vector_store %arg10[%swap3A_1461, %swap3A_1462], %mul3A_1460 {strides = array<i32>} : memref<128x144xf32, #tpu.memory_space<vmem>>, vector<16xf32>,
          %get3A_1464 = arith.index_cast %add3A_1445 : i32 to index
          %get3A_1465 = arith.constant 16 : index
          %get3A_1466 = tpu.vector_load %arg10[%get3A_1464, %get3A_1465] {strides = array<i32>} : memref<128x144xf32, #tpu.memory_space<vmem>>, vector<16xf32>,
          %mul3A_1467 = arith.mulf %get3A_1466, %gather3A_1456 : vector<16xf32>
          %swap3A_1468 = arith.index_cast %add3A_1445 : i32 to index
          %swap3A_1469 = arith.constant 16 : index
          %swap3A_1470 = tpu.vector_load %arg10[%swap3A_1468, %swap3A_1469] {strides = array<i32>} : memref<128x144xf32, #tpu.memory_space<vmem>>, vector<16xf32>,
          tpu.vector_store %arg10[%swap3A_1468, %swap3A_1469], %mul3A_1467 {strides = array<i32>} : memref<128x144xf32, #tpu.memory_space<vmem>>, vector<16xf32>,
          %broadcast_in_dim3A_1471 = arith.constant 1 : i32
          %broadcast_in_dim3A_1472 = vector.broadcast %broadcast_in_dim3A_1471 : i32 to vector<16xi32>
          %broadcast_in_dim3A_1473 = vector.shape_cast %broadcast_in_dim3A_1472 : vector<16xi32> to vector<16x1xi32>
          %gather3A_1474 = vector.shape_cast %broadcast_in_dim3A_1473 : vector<16x1xi32> to vector<16xi32>
          %gather3A_1475 = tpu.dynamic_gather %gather3A_1448[%gather3A_1474] in [0] : vector<16xf32>, vector<16xi32> -> vector<16xf32>
          %get3A_1476 = arith.index_cast %add3A_1445 : i32 to index
          %get3A_1477 = arith.constant 32 : index
          %get3A_1478 = tpu.vector_load %arg10[%get3A_1476, %get3A_1477] {strides = array<i32>} : memref<128x144xf32, #tpu.memory_space<vmem>>, vector<16xf32>,
          %mul3A_1479 = arith.mulf %get3A_1478, %gather3A_1475 : vector<16xf32>
          %swap3A_1480 = arith.index_cast %add3A_1445 : i32 to index
          %swap3A_1481 = arith.constant 32 : index
          %swap3A_1482 = tpu.vector_load %arg10[%swap3A_1480, %swap3A_1481] {strides = array<i32>} : memref<128x144xf32, #tpu.memory_space<vmem>>, vector<16xf32>,
          tpu.vector_store %arg10[%swap3A_1480, %swap3A_1481], %mul3A_1479 {strides = array<i32>} : memref<128x144xf32, #tpu.memory_space<vmem>>, vector<16xf32>,
          %get3A_1483 = arith.index_cast %add3A_1445 : i32 to index
          %get3A_1484 = arith.constant 48 : index
          %get3A_1485 = tpu.vector_load %arg10[%get3A_1483, %get3A_1484] {strides = array<i32>} : memref<128x144xf32, #tpu.memory_space<vmem>>, vector<16xf32>,
          %mul3A_1486 = arith.mulf %get3A_1485, %gather3A_1475 : vector<16xf32>
          %swap3A_1487 = arith.index_cast %add3A_1445 : i32 to index
          %swap3A_1488 = arith.constant 48 : index
          %swap3A_1489 = tpu.vector_load %arg10[%swap3A_1487, %swap3A_1488] {strides = array<i32>} : memref<128x144xf32, #tpu.memory_space<vmem>>, vector<16xf32>,
          tpu.vector_store %arg10[%swap3A_1487, %swap3A_1488], %mul3A_1486 {strides = array<i32>} : memref<128x144xf32, #tpu.memory_space<vmem>>, vector<16xf32>,
          %broadcast_in_dim3A_1490 = arith.constant 2 : i32
          %broadcast_in_dim3A_1491 = vector.broadcast %broadcast_in_dim3A_1490 : i32 to vector<16xi32>
          %broadcast_in_dim3A_1492 = vector.shape_cast %broadcast_in_dim3A_1491 : vector<16xi32> to vector<16x1xi32>
          %gather3A_1493 = vector.shape_cast %broadcast_in_dim3A_1492 : vector<16x1xi32> to vector<16xi32>
          %gather3A_1494 = tpu.dynamic_gather %gather3A_1448[%gather3A_1493] in [0] : vector<16xf32>, vector<16xi32> -> vector<16xf32>
          %get3A_1495 = arith.index_cast %add3A_1445 : i32 to index
          %get3A_1496 = arith.constant 64 : index
          %get3A_1497 = tpu.vector_load %arg10[%get3A_1495, %get3A_1496] {strides = array<i32>} : memref<128x144xf32, #tpu.memory_space<vmem>>, vector<16xf32>,
          %mul3A_1498 = arith.mulf %get3A_1497, %gather3A_1494 : vector<16xf32>
          %swap3A_1499 = arith.index_cast %add3A_1445 : i32 to index
          %swap3A_1500 = arith.constant 64 : index
          %swap3A_1501 = tpu.vector_load %arg10[%swap3A_1499, %swap3A_1500] {strides = array<i32>} : memref<128x144xf32, #tpu.memory_space<vmem>>, vector<16xf32>,
          tpu.vector_store %arg10[%swap3A_1499, %swap3A_1500], %mul3A_1498 {strides = array<i32>} : memref<128x144xf32, #tpu.memory_space<vmem>>, vector<16xf32>,
          %get3A_1502 = arith.index_cast %add3A_1445 : i32 to index
          %get3A_1503 = arith.constant 80 : index
          %get3A_1504 = tpu.vector_load %arg10[%get3A_1502, %get3A_1503] {strides = array<i32>} : memref<128x144xf32, #tpu.memory_space<vmem>>, vector<16xf32>,
          %mul3A_1505 = arith.mulf %get3A_1504, %gather3A_1494 : vector<16xf32>
          %swap3A_1506 = arith.index_cast %add3A_1445 : i32 to index
          %swap3A_1507 = arith.constant 80 : index
          %swap3A_1508 = tpu.vector_load %arg10[%swap3A_1506, %swap3A_1507] {strides = array<i32>} : memref<128x144xf32, #tpu.memory_space<vmem>>, vector<16xf32>,
          tpu.vector_store %arg10[%swap3A_1506, %swap3A_1507], %mul3A_1505 {strides = array<i32>} : memref<128x144xf32, #tpu.memory_space<vmem>>, vector<16xf32>,
          %broadcast_in_dim3A_1509 = arith.constant 3 : i32
          %broadcast_in_dim3A_1510 = vector.broadcast %broadcast_in_dim3A_1509 : i32 to vector<16xi32>
          %broadcast_in_dim3A_1511 = vector.shape_cast %broadcast_in_dim3A_1510 : vector<16xi32> to vector<16x1xi32>
          %gather3A_1512 = vector.shape_cast %broadcast_in_dim3A_1511 : vector<16x1xi32> to vector<16xi32>
          %gather3A_1513 = tpu.dynamic_gather %gather3A_1448[%gather3A_1512] in [0] : vector<16xf32>, vector<16xi32> -> vector<16xf32>
          %get3A_1514 = arith.index_cast %add3A_1445 : i32 to index
          %get3A_1515 = arith.constant 96 : index
          %get3A_1516 = tpu.vector_load %arg10[%get3A_1514, %get3A_1515] {strides = array<i32>} : memref<128x144xf32, #tpu.memory_space<vmem>>, vector<16xf32>,
          %mul3A_1517 = arith.mulf %get3A_1516, %gather3A_1513 : vector<16xf32>
          %swap3A_1518 = arith.index_cast %add3A_1445 : i32 to index
          %swap3A_1519 = arith.constant 96 : index
          %swap3A_1520 = tpu.vector_load %arg10[%swap3A_1518, %swap3A_1519] {strides = array<i32>} : memref<128x144xf32, #tpu.memory_space<vmem>>, vector<16xf32>,
          tpu.vector_store %arg10[%swap3A_1518, %swap3A_1519], %mul3A_1517 {strides = array<i32>} : memref<128x144xf32, #tpu.memory_space<vmem>>, vector<16xf32>,
          %get3A_1521 = arith.index_cast %add3A_1445 : i32 to index
          %get3A_1522 = arith.constant 112 : index
          %get3A_1523 = tpu.vector_load %arg10[%get3A_1521, %get3A_1522] {strides = array<i32>} : memref<128x144xf32, #tpu.memory_space<vmem>>, vector<16xf32>,
          %mul3A_1524 = arith.mulf %get3A_1523, %gather3A_1513 : vector<16xf32>
          %swap3A_1525 = arith.index_cast %add3A_1445 : i32 to index
          %swap3A_1526 = arith.constant 112 : index
          %swap3A_1527 = tpu.vector_load %arg10[%swap3A_1525, %swap3A_1526] {strides = array<i32>} : memref<128x144xf32, #tpu.memory_space<vmem>>, vector<16xf32>,
          tpu.vector_store %arg10[%swap3A_1525, %swap3A_1526], %mul3A_1524 {strides = array<i32>} : memref<128x144xf32, #tpu.memory_space<vmem>>, vector<16xf32>,
        }
        %scan3A_106 = arith.constant 8 : i32
        "tpu.region"() ({
          %run_scoped3A = tpu.sem_alloc : memref<!tpu.dma_semaphore, #tpu.memory_space<semaphore_mem>>
          %dma_start3A = arith.constant 0 : i32
          %dma_start3A_107 = arith.constant 0 : i32
          %dma_start3A_108 = tpu.memref_slice %arg6[%dma_start3A, %dma_start3A_107] : memref<10000x144xf32, #tpu.memory_space<vmem_shared>> -> memref<10000x144xf32, #tpu.memory_space<vmem_shared>>
          tpu.enqueue_indirect_dma source(%arg10 : memref<128x144xf32, #tpu.memory_space<vmem>>) target(%dma_start3A_108 : memref<10000x144xf32, #tpu.memory_space<vmem_shared>>) offsets(%arg12 : memref<128xi32, #tpu.memory_space<vmem>>) semaphore(%run_scoped3A : memref<!tpu.dma_semaphore, #tpu.memory_space<semaphore_mem>>) {add = true}
          %dma_wait3A = arith.constant 0 : i32
          %dma_wait3A_109 = arith.constant 0 : i32
          %dma_wait3A_110 = tpu.memref_slice %arg6[%dma_wait3A, %dma_wait3A_109] : memref<10000x144xf32, #tpu.memory_space<vmem_shared>> -> memref<10000x144xf32, #tpu.memory_space<vmem_shared>>
          tpu.wait_indirect_dma semaphore(%run_scoped3A : memref<!tpu.dma_semaphore, #tpu.memory_space<semaphore_mem>>) src(%arg10 : memref<128x144xf32, #tpu.memory_space<vmem>>) dst(%dma_wait3A_110 : memref<10000x144xf32, #tpu.memory_space<vmem_shared>>)
          tpu.yield
        }) : () -> ()
      } else {
      }
    }
    %scan3A_28 = arith.constant 40 : i32
    %barrier3A_29 = arith.constant 0 : index
    tpu.barrier barrier_id(%barrier3A_29)
    %scan3A_30 = arith.constant 0 : i32
    %scan3A_31 = arith.constant 4 : i32
    %scan3A_32 = arith.addi %scan3A_30, %scan3A_31 : i32
    %scan3A_33 = arith.constant 1 : i32
    scf.for %scan3A_39 = %scan3A_30 to %scan3A_32 step %scan3A_33  : i32 {
      %mul3A_40 = arith.constant 1 : i32
      %mul3A_41 = arith.muli %scan3A_39, %mul3A_40 : i32
      %add3A_42 = arith.constant 0 : i32
      %add3A_43 = arith.addi %add3A_42, %mul3A_41 : i32
      %mul3A_44 = arith.constant 128 : i32
      %mul3A_45 = arith.muli %add3A_43, %mul3A_44 : i32
      %add3A_46 = arith.addi %mul3A_7, %mul3A_45 : i32
      %mul3A_47 = arith.constant 128 : i32
      %mul3A_48 = arith.muli %add3A_43, %mul3A_47 : i32
      %add3A_49 = arith.addi %mul3A_7, %mul3A_48 : i32
      "tpu.region"() ({
        %run_scoped3A = tpu.sem_alloc : memref<!tpu.dma_semaphore, #tpu.memory_space<semaphore_mem>>
        %dma_start3A = arith.constant 0 : i32
        %dma_start3A_50 = tpu.memref_slice %arg5[%arg0, %add3A_49, %dma_start3A] : memref<2x10000x144xf32, #tpu.memory_space<hbm>> -> memref<1x128x144xf32, #tpu.memory_space<hbm>>
        %dma_start3A_51 = tpu.memref_squeeze %dma_start3A_50 : memref<1x128x144xf32, #tpu.memory_space<hbm>> -> memref<128x144xf32, #tpu.memory_space<hbm>>
        %dma_start3A_52 = arith.constant 0 : i32
        %dma_start3A_53 = tpu.memref_slice %arg6[%add3A_46, %dma_start3A_52] : memref<10000x144xf32, #tpu.memory_space<vmem_shared>> -> memref<128x144xf32, #tpu.memory_space<vmem_shared>>
        tpu.enqueue_dma source(%dma_start3A_53 : memref<128x144xf32, #tpu.memory_space<vmem_shared>>) target(%dma_start3A_51 : memref<128x144xf32, #tpu.memory_space<hbm>>) target_semaphore(%run_scoped3A : memref<!tpu.dma_semaphore, #tpu.memory_space<semaphore_mem>>)
        %dma_wait3A = arith.constant 0 : i32
        %dma_wait3A_54 = tpu.memref_slice %arg5[%arg0, %add3A_49, %dma_wait3A] : memref<2x10000x144xf32, #tpu.memory_space<hbm>> -> memref<1x128x144xf32, #tpu.memory_space<hbm>>
        %dma_wait3A_55 = tpu.memref_squeeze %dma_wait3A_54 : memref<1x128x144xf32, #tpu.memory_space<hbm>> -> memref<128x144xf32, #tpu.memory_space<hbm>>
        %dma_wait3A_56 = arith.constant 0 : i32
        %dma_wait3A_57 = tpu.memref_slice %arg6[%add3A_46, %dma_wait3A_56] : memref<10000x144xf32, #tpu.memory_space<vmem_shared>> -> memref<128x144xf32, #tpu.memory_space<vmem_shared>>
        tpu.wait_dma2 semaphore(%run_scoped3A : memref<!tpu.dma_semaphore, #tpu.memory_space<semaphore_mem>>) src(%dma_wait3A_57 : memref<128x144xf32, #tpu.memory_space<vmem_shared>>) dst(%dma_wait3A_55 : memref<128x144xf32, #tpu.memory_space<hbm>>)
        tpu.yield
      }) : () -> ()
    }
    %scan3A_34 = arith.constant 4 : i32
    %add3A_35 = arith.constant 512 : i32
    %add3A_36 = arith.addi %mul3A_7, %add3A_35 : i32
    %add3A_37 = arith.constant 512 : i32
    %add3A_38 = arith.addi %mul3A_7, %add3A_37 : i32
    "tpu.region"() ({
      %run_scoped3A = tpu.sem_alloc : memref<!tpu.dma_semaphore, #tpu.memory_space<semaphore_mem>>
      %dma_start3A = arith.constant 0 : i32
      %dma_start3A_39 = tpu.memref_slice %arg5[%arg0, %add3A_38, %dma_start3A] : memref<2x10000x144xf32, #tpu.memory_space<hbm>> -> memref<1x113x144xf32, #tpu.memory_space<hbm>>
      %dma_start3A_40 = tpu.memref_squeeze %dma_start3A_39 : memref<1x113x144xf32, #tpu.memory_space<hbm>> -> memref<113x144xf32, #tpu.memory_space<hbm>>
      %dma_start3A_41 = arith.constant 0 : i32
      %dma_start3A_42 = tpu.memref_slice %arg6[%add3A_36, %dma_start3A_41] : memref<10000x144xf32, #tpu.memory_space<vmem_shared>> -> memref<113x144xf32, #tpu.memory_space<vmem_shared>>
      tpu.enqueue_dma source(%dma_start3A_42 : memref<113x144xf32, #tpu.memory_space<vmem_shared>>) target(%dma_start3A_40 : memref<113x144xf32, #tpu.memory_space<hbm>>) target_semaphore(%run_scoped3A : memref<!tpu.dma_semaphore, #tpu.memory_space<semaphore_mem>>)
      %dma_wait3A = arith.constant 0 : i32
      %dma_wait3A_43 = tpu.memref_slice %arg5[%arg0, %add3A_38, %dma_wait3A] : memref<2x10000x144xf32, #tpu.memory_space<hbm>> -> memref<1x113x144xf32, #tpu.memory_space<hbm>>
      %dma_wait3A_44 = tpu.memref_squeeze %dma_wait3A_43 : memref<1x113x144xf32, #tpu.memory_space<hbm>> -> memref<113x144xf32, #tpu.memory_space<hbm>>
      %dma_wait3A_45 = arith.constant 0 : i32
      %dma_wait3A_46 = tpu.memref_slice %arg6[%add3A_36, %dma_wait3A_45] : memref<10000x144xf32, #tpu.memory_space<vmem_shared>> -> memref<113x144xf32, #tpu.memory_space<vmem_shared>>
      tpu.wait_dma2 semaphore(%run_scoped3A : memref<!tpu.dma_semaphore, #tpu.memory_space<semaphore_mem>>) src(%dma_wait3A_46 : memref<113x144xf32, #tpu.memory_space<vmem_shared>>) dst(%dma_wait3A_44 : memref<113x144xf32, #tpu.memory_space<hbm>>)
      tpu.yield
    }) : () -> ()
    return
  }
}

module attributes {stable_mosaic.version = 14 : i64} {
  func.func @_prep_body(%arg0: memref<10000x128xf32, #tpu.memory_space<vmem>>, %arg1: memref<128x128xf32, #tpu.memory_space<vmem>>, %arg2: memref<128x4xf32, #tpu.memory_space<vmem>>, %arg3: memref<128x4xf32, #tpu.memory_space<vmem>>, %arg4: memref<10000x144xf32, #tpu.memory_space<vmem>>, %arg5: memref<10000x8xf32, #tpu.memory_space<vmem>>) attributes {dimension_semantics = [], scalar_prefetch = 0 : i64, scratch_operands = 0 : i64, tpu.core_type = #tpu.core_type<tc>} {
    %get3A = arith.constant 0 : index
    %get3A_0 = arith.constant 0 : index
    %get3A_1 = vector.load %arg0[%get3A, %get3A_0] : memref<10000x128xf32, #tpu.memory_space<vmem>>, vector<10000x128xf32>
    %get3A_2 = arith.constant 0 : index
    %get3A_3 = arith.constant 0 : index
    %get3A_4 = vector.load %arg1[%get3A_2, %get3A_3] : memref<128x128xf32, #tpu.memory_space<vmem>>, vector<128x128xf32>
    %dot_general3A = arith.constant dense<0.000000e+00> : vector<10000x128xf32>
    %dot_general3A_5 = tpu.matmul %get3A_1, %get3A_4, %dot_general3A {dimension_numbers = #tpu.dot_dimension_numbers<[1], [0], [0], [1], [0, 0, 1, 1], [], []>, precision = #tpu.contract_precision<fp32>, transpose_lhs_hint = false} : vector<10000x128xf32>, vector<128x128xf32>, vector<10000x128xf32> -> vector<10000x128xf32>
    %get3A_6 = arith.constant 0 : index
    %get3A_7 = arith.constant 0 : index
    %get3A_8 = vector.load %arg3[%get3A_6, %get3A_7] : memref<128x4xf32, #tpu.memory_space<vmem>>, vector<128x4xf32>
    %dot_general3A_9 = arith.constant dense<0.000000e+00> : vector<10000x4xf32>
    %dot_general3A_10 = tpu.matmul %dot_general3A_5, %get3A_8, %dot_general3A_9 {dimension_numbers = #tpu.dot_dimension_numbers<[1], [0], [0], [1], [0, 0, 1, 1], [], []>, precision = #tpu.contract_precision<fp32>, transpose_lhs_hint = false} : vector<10000x128xf32>, vector<128x4xf32>, vector<10000x4xf32> -> vector<10000x4xf32>
    %broadcast_in_dim3A = arith.constant 0.000000e+00 : f32
    %broadcast_in_dim3A_11 = vector.broadcast %broadcast_in_dim3A : f32 to vector<10000x12xf32>
    %concatenate3A = tpu.concatenate %dot_general3A_5, %dot_general3A_10, %broadcast_in_dim3A_11 in 1 : vector<10000x128xf32>, vector<10000x4xf32>, vector<10000x12xf32> -> vector<10000x144xf32>
    %swap3A = arith.constant 0 : index
    %swap3A_12 = arith.constant 0 : index
    %swap3A_13 = vector.load %arg4[%swap3A, %swap3A_12] : memref<10000x144xf32, #tpu.memory_space<vmem>>, vector<10000x144xf32>
    tpu.vector_store %arg4[%swap3A, %swap3A_12], %concatenate3A {strides = array<i32>} : memref<10000x144xf32, #tpu.memory_space<vmem>>, vector<10000x144xf32>,
    %get3A_14 = arith.constant 0 : index
    %get3A_15 = arith.constant 0 : index
    %get3A_16 = vector.load %arg2[%get3A_14, %get3A_15] : memref<128x4xf32, #tpu.memory_space<vmem>>, vector<128x4xf32>
    %dot_general3A_17 = arith.constant dense<0.000000e+00> : vector<10000x4xf32>
    %dot_general3A_18 = tpu.matmul %dot_general3A_5, %get3A_16, %dot_general3A_17 {dimension_numbers = #tpu.dot_dimension_numbers<[1], [0], [0], [1], [0, 0, 1, 1], [], []>, precision = #tpu.contract_precision<fp32>, transpose_lhs_hint = false} : vector<10000x128xf32>, vector<128x4xf32>, vector<10000x4xf32> -> vector<10000x4xf32>
    %broadcast_in_dim3A_19 = arith.constant 0.000000e+00 : f32
    %broadcast_in_dim3A_20 = vector.broadcast %broadcast_in_dim3A_19 : f32 to vector<10000x4xf32>
    %concatenate3A_21 = tpu.concatenate %dot_general3A_18, %broadcast_in_dim3A_20 in 1 : vector<10000x4xf32>, vector<10000x4xf32> -> vector<10000x8xf32>
    %swap3A_22 = arith.constant 0 : index
    %swap3A_23 = arith.constant 0 : index
    %swap3A_24 = vector.load %arg5[%swap3A_22, %swap3A_23] : memref<10000x8xf32, #tpu.memory_space<vmem>>, vector<10000x8xf32>
    tpu.vector_store %arg5[%swap3A_22, %swap3A_23], %concatenate3A_21 {strides = array<i32>} : memref<10000x8xf32, #tpu.memory_space<vmem>>, vector<10000x8xf32>,
    return
  }
}

module attributes {stable_mosaic.version = 14 : i64} {
  func.func @_fin_body(%arg0: memref<2x10000x144xf32, #tpu.memory_space<vmem>>, %arg1: memref<10000x128xf32, #tpu.memory_space<vmem>>) attributes {dimension_semantics = [], scalar_prefetch = 0 : i64, scratch_operands = 0 : i64, tpu.core_type = #tpu.core_type<tc>} {
    %get3A = arith.constant 0 : index
    %get3A_0 = arith.constant 0 : index
    %get3A_1 = arith.constant 0 : index
    %get3A_2 = vector.load %arg0[%get3A, %get3A_0, %get3A_1] : memref<2x10000x144xf32, #tpu.memory_space<vmem>>, vector<1x10000x144xf32>
    %get3A_3 = vector.shape_cast %get3A_2 : vector<1x10000x144xf32> to vector<10000x144xf32>
    %get3A_4 = arith.constant 1 : index
    %get3A_5 = arith.constant 0 : index
    %get3A_6 = arith.constant 0 : index
    %get3A_7 = vector.load %arg0[%get3A_4, %get3A_5, %get3A_6] : memref<2x10000x144xf32, #tpu.memory_space<vmem>>, vector<1x10000x144xf32>
    %get3A_8 = vector.shape_cast %get3A_7 : vector<1x10000x144xf32> to vector<10000x144xf32>
    %add3A = arith.addf %get3A_3, %get3A_8 : vector<10000x144xf32>
    %slice3A = vector.extract_strided_slice %add3A {offsets = [0, 0], sizes = [10000, 128], strides = [1, 1]} : vector<10000x144xf32> to vector<10000x128xf32>
    %slice3A_9 = vector.extract_strided_slice %add3A {offsets = [0, 128], sizes = [10000, 4], strides = [1, 1]} : vector<10000x144xf32> to vector<10000x4xf32>
    %slice3A_10 = vector.extract_strided_slice %slice3A_9 {offsets = [0, 0], sizes = [10000, 1], strides = [1, 1]} : vector<10000x4xf32> to vector<10000x1xf32>
    %broadcast_in_dim3A = vector.shape_cast %slice3A_10 : vector<10000x1xf32> to vector<10000x1xf32>
    %broadcast_in_dim3A_11 = vector.broadcast %broadcast_in_dim3A : vector<10000x1xf32> to vector<10000x32xf32>
    %slice3A_12 = vector.extract_strided_slice %slice3A_9 {offsets = [0, 1], sizes = [10000, 1], strides = [1, 1]} : vector<10000x4xf32> to vector<10000x1xf32>
    %broadcast_in_dim3A_13 = vector.shape_cast %slice3A_12 : vector<10000x1xf32> to vector<10000x1xf32>
    %broadcast_in_dim3A_14 = vector.broadcast %broadcast_in_dim3A_13 : vector<10000x1xf32> to vector<10000x32xf32>
    %slice3A_15 = vector.extract_strided_slice %slice3A_9 {offsets = [0, 2], sizes = [10000, 1], strides = [1, 1]} : vector<10000x4xf32> to vector<10000x1xf32>
    %broadcast_in_dim3A_16 = vector.shape_cast %slice3A_15 : vector<10000x1xf32> to vector<10000x1xf32>
    %broadcast_in_dim3A_17 = vector.broadcast %broadcast_in_dim3A_16 : vector<10000x1xf32> to vector<10000x32xf32>
    %slice3A_18 = vector.extract_strided_slice %slice3A_9 {offsets = [0, 3], sizes = [10000, 1], strides = [1, 1]} : vector<10000x4xf32> to vector<10000x1xf32>
    %broadcast_in_dim3A_19 = vector.shape_cast %slice3A_18 : vector<10000x1xf32> to vector<10000x1xf32>
    %broadcast_in_dim3A_20 = vector.broadcast %broadcast_in_dim3A_19 : vector<10000x1xf32> to vector<10000x32xf32>
    %concatenate3A = tpu.concatenate %broadcast_in_dim3A_11, %broadcast_in_dim3A_14, %broadcast_in_dim3A_17, %broadcast_in_dim3A_20 in 1 : vector<10000x32xf32>, vector<10000x32xf32>, vector<10000x32xf32>, vector<10000x32xf32> -> vector<10000x128xf32>
    %gt3A = arith.constant 0.000000e+00 : f32
    %gt3A_21 = vector.broadcast %gt3A : f32 to vector<10000x128xf32>
    %gt3A_22 = arith.cmpf ogt, %concatenate3A, %gt3A_21 : vector<10000x128xf32>
    %div3A = arith.divf %slice3A, %concatenate3A : vector<10000x128xf32>
    %jit3A = arith.constant 0.000000e+00 : f32
    %broadcast_in_dim3A_23 = vector.broadcast %jit3A : f32 to vector<10000x128xf32>
    %select_n3A = arith.select %gt3A_22, %div3A, %broadcast_in_dim3A_23 : vector<10000x128xi1>, vector<10000x128xf32>
    %gt3A_24 = arith.constant 0.000000e+00 : f32
    %gt3A_25 = vector.broadcast %gt3A_24 : f32 to vector<10000x128xf32>
    %gt3A_26 = arith.cmpf ogt, %select_n3A, %gt3A_25 : vector<10000x128xf32>
    %min3A = arith.constant 0.000000e+00 : f32
    %min3A_27 = vector.broadcast %min3A : f32 to vector<10000x128xf32>
    %min3A_28 = arith.minimumf %select_n3A, %min3A_27 : vector<10000x128xf32>
    %exp3A = math.exp %min3A_28 : vector<10000x128xf32>
    %sub3A = arith.constant 1.000000e+00 : f32
    %sub3A_29 = vector.broadcast %sub3A : f32 to vector<10000x128xf32>
    %sub3A_30 = arith.subf %exp3A, %sub3A_29 : vector<10000x128xf32>
    %select_n3A_31 = arith.select %gt3A_26, %select_n3A, %sub3A_30 : vector<10000x128xi1>, vector<10000x128xf32>
    %gt3A_32 = arith.constant 0.000000e+00 : f32
    %gt3A_33 = vector.broadcast %gt3A_32 : f32 to vector<10000x128xf32>
    %gt3A_34 = arith.cmpf ogt, %select_n3A_31, %gt3A_33 : vector<10000x128xf32>
    %min3A_35 = arith.constant 0.000000e+00 : f32
    %min3A_36 = vector.broadcast %min3A_35 : f32 to vector<10000x128xf32>
    %min3A_37 = arith.minimumf %select_n3A_31, %min3A_36 : vector<10000x128xf32>
    %exp3A_38 = math.exp %min3A_37 : vector<10000x128xf32>
    %sub3A_39 = arith.constant 1.000000e+00 : f32
    %sub3A_40 = vector.broadcast %sub3A_39 : f32 to vector<10000x128xf32>
    %sub3A_41 = arith.subf %exp3A_38, %sub3A_40 : vector<10000x128xf32>
    %select_n3A_42 = arith.select %gt3A_34, %select_n3A_31, %sub3A_41 : vector<10000x128xi1>, vector<10000x128xf32>
    %swap3A = arith.constant 0 : index
    %swap3A_43 = arith.constant 0 : index
    %swap3A_44 = vector.load %arg1[%swap3A, %swap3A_43] : memref<10000x128xf32, #tpu.memory_space<vmem>>, vector<10000x128xf32>
    tpu.vector_store %arg1[%swap3A, %swap3A_43], %select_n3A_42 {strides = array<i32>} : memref<10000x128xf32, #tpu.memory_space<vmem>>, vector<10000x128xf32>,
    return
  }
}

</mosaic_0001>

<sc_bundles>
// kernel: kernel.5.cloned.1.call-start
scs
__scs_entry_jumppad:
0x0: {  	(pc) =	sbr.rel $0x88, $3  }
0x1: {  	(tag) =	ssettag $0x0;
	lr =	simm.s32 $0x1  }
0x2: {  	[smem:$0x3F9D] =	sst lr;
	_ =	strace $0xD0000000  }
0x3: {  	_ = 	snop  }
0x4: {  	_ = 	snop  }
0x5: {  	_ = 	snop  }
0x6: {  	_ = 	snop  }
0x7: {  	_ = 	snop  }
__scs_overlays_trampoline_lowered:
0x8: {  	[smem:$0x3FAC] =	sst s0  }
0x9: {  	[smem:$0x3FAD] =	sst s1  }
0xa: {  	[smem:$0x3FAE] =	sst s2  }
0xb: {  	[smem:$0x3FAF] =	sst s3  }
0xc: {  	[smem:$0x3FB0] =	sst s4  }
0xd: {  	[smem:$0x3FB1] =	sst s5  }
0xe: {  	[smem:$0x3FB2] =	sst s6  }
0xf: {  	[smem:$0x3FB3] =	sst s7  }
0x10: {  	[smem:$0x3FB4] =	sst s8  }
0x11: {  	[smem:$0x3FB5] =	sst s9;
	s0 =	simm.s32 @!p0 $0x0  }
0x12: {  	s1 =	sld [smem:$0x3F9B];
	s0 =	simm.s32 @p0 $0x1  }
0x13: {  	[smem:$0x3FB6] =	sst s0;
	s0 =	simm.s32 @!p1 $0x0  }
0x14: {  	s2 =	sld [smem:$0x3F9A];
	s0 =	simm.s32 @p1 $0x1  }
0x15: {  	[smem:$0x3FB7] =	sst s0;
	s0 =	simm.s32 @!p2 $0x0  }
0x16: {  	s3 =	sld [smem:$0x3FDB];
	s0 =	simm.s32 @p2 $0x1  }
0x17: {  	s4 =	simm.s32 $0x1BF5;
	[smem:$0x3FB9] =	sst s0  }
0x18: {  	s0 =	sld [smem:$0x3F9C];
	_ =	swait.ge [sflag:s4], $0x0  }
0x19: {  	s7 =	sld [smem:$0x3F9D]  }
0x1a: {  	s8 =	sadd.s32 $0xFFFFE003, lr  }
0x1b: {  	s9 =	sadd.s32 $0xFFFFFEF7, lr;
	s5 =	simm.s32 $0xFFFFFFFF;
	p2 =	slt.u32 s8, $0xFFFFF086  }
0x1c: {  	p1 =	slt.u32 s9, $0xF7A;
	s5 =	simm.s32 @!p2 $0x0  }
0x1d: {  	s5 =	simm.s32 @p1 $0x1;
	p0 =	seq.s32 s7, s2  }
0x1e: {  	s7 =	smul.u32 @!p0 $0xF7A, s2;
	p2 =	seq.s32 @!p0 s5, $0x0  }
0x1f: {  	s9 =	smul.u32 $0xF7A, s1;
	s8 =	simm.s32 @!p0 $0x1BF5;
	p2 =	por !p2, p0  }
0x20: {  	[sflag:s8] =	ssyncset.s32 @!p0 $0xFFFFF086;
	s6 =	sadd.s32 @!p0 s3, s7;
	s7 =	simm.s32 @!p0 $0x108  }
0x21: {  	s3 =	sadd.s32 s3, s9;
	s6 =	sadd.s32 @!p0 $0x88, s6;
	s7 =	simm.s32 @p2 $0x1082  }
0x22: {  	[simem:s7], [sflag:s8] =	dma.local @!p0 [hbm:s6], $0xF7A  }
0x23: {  	s9 =	sor.u32 $0xD0000000, s2;
	s6 =	simm.s32 $0x108;
	_ =	swait.ge @!p0 [sflag:s8], $0x0  }
0x24: {  	s3 =	sadd.s32 $0x88, s3;
	s6 =	simm.s32 @!p1 $0x1082;
	[sflag:s4] =	ssyncset.s32 $0xFFFFF086  }
0x25: {  	[simem:s6], [sflag:s4] =	dma.local [hbm:s3], $0xF7A  }
0x26: {  	[smem:$0x3F9D] =	sst s1;
	(tag) =	ssettag s2;
	_ =	strace s9  }
0x27: {  	s1 =	sld [smem:$0x3FAD]  }
0x28: {  	s2 =	sld [smem:$0x3FAE]  }
0x29: {  	s4 =	sld [smem:$0x3FB0]  }
0x2a: {  	p0 =	seq.s32 s5, $0x0;
	s5 =	sld [smem:$0x3FB1]  }
0x2b: {  	s6 =	sld [smem:$0x3FB2]  }
0x2c: {  	s7 =	sld [smem:$0x3FB3]  }
0x2d: {  	s3 =	simm.s32 $0x108;
	s8 =	sld [smem:$0x3FB4]  }
0x2e: {  	s3 =	simm.s32 @!p0 $0x1082;
	s9 =	sld [smem:$0x3FB5]  }
0x2f: {  	lr =	sadd.s32 s0, s3;
	s0 =	sld [smem:$0x3FAC]  }
0x30: {  	s3 =	sld [smem:$0x3FAF]  }
0x31: {  	[smem:$0x3FB8] =	sst s10  }
0x32: {  	s10 =	sld [smem:$0x3FB6];
	_ =	sdelay $0x3  }
0x33: {  	p0 =	seq.s32 s10, $0x1;
	s10 =	sld [smem:$0x3FB8];
	_ =	sdelay $0x3  }
0x34: {  	[smem:$0x3FB8] =	sst s10  }
0x35: {  	s10 =	sld [smem:$0x3FB7];
	_ =	sdelay $0x3  }
0x36: {  	p1 =	seq.s32 s10, $0x1;
	s10 =	sld [smem:$0x3FB8];
	_ =	sdelay $0x3  }
0x37: {  	[smem:$0x3FB8] =	sst s10  }
0x38: {  	s10 =	sld [smem:$0x3FB9]  }
0x39: {  	_ = 	snop;
	(pc) =	sbr.ind lr, $3  }
0x3a: {  	_ = 	snop  }
0x3b: {  	_ = 	snop  }
0x3c: {  	p2 =	seq.s32 s10, $0x1;
	s10 =	sld [smem:$0x3FB8]  }
0x3d: {  	_ =	shalt  }
0x3e: {  	_ =	shalt  }
0x3f: {  	_ =	shalt  }
0x40: {  	_ =	shalt  }
0x41: {  	_ =	shalt  }
0x42: {  	_ =	shalt  }
0x43: {  	_ =	shalt  }
0x44: {  	_ =	shalt  }
0x45: {  	_ =	shalt  }
0x46: {  	_ =	shalt  }
0x47: {  	_ =	shalt  }
0x48: {  	_ =	shalt  }
0x49: {  	_ =	shalt  }
0x4a: {  	_ =	shalt  }
0x4b: {  	_ =	shalt  }
0x4c: {  	_ =	shalt  }
0x4d: {  	_ =	shalt  }
0x4e: {  	_ =	shalt  }
0x4f: {  	_ =	shalt  }
0x50: {  	_ =	shalt  }
0x51: {  	_ =	shalt  }
0x52: {  	_ =	shalt  }
0x53: {  	_ =	shalt  }
0x54: {  	_ =	shalt  }
0x55: {  	_ =	shalt  }
0x56: {  	_ =	shalt  }
0x57: {  	_ =	shalt  }
0x58: {  	_ =	shalt  }
0x59: {  	_ =	shalt  }
0x5a: {  	_ =	shalt  }
0x5b: {  	_ =	shalt  }
0x5c: {  	_ =	shalt  }
0x5d: {  	_ =	shalt  }
0x5e: {  	_ =	shalt  }
0x5f: {  	_ =	shalt  }
0x60: {  	_ =	shalt  }
0x61: {  	_ =	shalt  }
0x62: {  	_ =	shalt  }
0x63: {  	_ =	shalt  }
0x64: {  	_ =	shalt  }
0x65: {  	_ =	shalt  }
0x66: {  	_ =	shalt  }
0x67: {  	_ =	shalt  }
0x68: {  	_ =	shalt  }
0x69: {  	_ =	shalt  }
0x6a: {  	_ =	shalt  }
0x6b: {  	_ =	shalt  }
0x6c: {  	_ =	shalt  }
0x6d: {  	_ =	shalt  }
0x6e: {  	_ =	shalt  }
0x6f: {  	_ =	shalt  }
0x70: {  	_ =	shalt  }
0x71: {  	_ =	shalt  }
0x72: {  	_ =	shalt  }
0x73: {  	_ =	shalt  }
0x74: {  	_ =	shalt  }
0x75: {  	_ =	shalt  }
0x76: {  	_ =	shalt  }
0x77: {  	_ =	shalt  }
0x78: {  	_ =	shalt  }
0x79: {  	_ =	shalt  }
0x7a: {  	_ =	shalt  }
0x7b: {  	_ =	shalt  }
0x7c: {  	_ =	shalt  }
0x7d: {  	_ =	shalt  }
0x7e: {  	_ =	shalt  }
0x7f: {  	_ =	shalt  }
0x80: {  	_ =	shalt  }
0x81: {  	_ =	shalt  }
0x82: {  	_ =	shalt  }
0x83: {  	_ =	shalt  }
0x84: {  	_ =	shalt  }
0x85: {  	_ =	shalt  }
0x86: {  	_ =	shalt  }
0x87: {  	_ =	shalt  }
.Lfunc_end0:
.L_simem_size_0:
called_computation_lowered:
.L_overlay_start_0:
0x88: {  	s2 =	sld [smem:$0x3FD9]  }
0x89: {  	s3 =	sld [smem:$0x3FFE];
	_ =	sdelay $0x1  }
0x8a: {  	s1 =	srdreg.scid  }
0x8b: {  	s0 =	sand.u32 $0x1, s1  }
0x8c: {  	s17 =	sshll.u32 s0, $0xA;
	s2 =	sadd.s32 s3, s2  }
0x8d: {  	s2 =	sadd.s32 s2, s17  }
0x8e: {  	[smem:$0x3FC4] =	sst s2  }
0x8f: {  	_ = 	snop  }
0x90: {  	s2 =	sld [smem:$0x3FD0];
	(tm) =	ssettm $0x1  }
0x91: {  	s18 =	sld [smem:$0x3FFB];
	_ =	sdelay $0x3  }
0x92: {  	_ =	strace s18  }
0x93: {  	s3 =	sld [smem:$0x3FFC];
	_ =	sdelay $0x3  }
0x94: {  	_ =	strace s3  }
0x95: {  	s3 =	sld [smem:$0x3FFD];
	_ =	sdelay $0x3  }
0x96: {  	_ =	strace s3  }
0x97: {  	_ =	strace $0x8FFFFFFF  }
0x98: {  	s19 =	sld [smem:$0x3FDB];
	_ =	sdelay $0x1  }
0x99: {  	s4 =	simm.s32 $_scs_section_size  }
0x9a: {  	s5 =	simm.s32 $_size__tile_overlayer_lowered;
	s6 =	simm.s32 $_tile_overlayer_lowered  }
0x9b: {  	s22 =	simm.s32 $0x1BFF;
	s21 =	sshll.u32 s6, $0x1;
	s3 =	sadd.s32 s4, s19  }
0x9c: {  	s7 =	simm.s32 $0x0;
	s20 =	sshll.u32 s5, $0x1;
	s5 =	sadd.s32 s21, s3  }
0x9d: {  	[timem:s7], [sflag:s22] =	dma.local [hbm:s5], s20  }
0x9e: {  	_ =	swait.ge [sflag:s22], s20  }
0x9f: {  	s4 =	ssub.s32 $0x0, s20;
	[sflag:s22] =	ssyncset.done $0x0  }
0xa0: {  	[sflag:s22] =	ssyncadd.s32 s4;
	_ =	sdelay $0x1  }
0xa1: {  	s23 =	simm.s32 $0x1B8B  }
0xa2: {  	_ =	swait.ge [sflag:s23], $0x1  }
0xa3: {  	[sflag:s23] =	ssyncset.done $0x0  }
0xa4: {  	s25 =	simm.s32 $0x1B8E;
	s24 =	sld [smem:$0x3FFE];
	[sflag:s23] =	ssyncadd.s32 $0xFFFFFFFF  }
0xa5: {  	s26 =	simm.s32 $execute0_lowered;
	[smem:$0x3FD2] =	sst s25  }
0xa6: {  	s5 =	sshll.u32 s26, $0x1;
	_ =	strace $0x80000046;
	[dreg:$0x1] =	wrdreg $0xFFFFFFFF  }
0xa7: {  	s28 =	simm.s32 $_size_execute0_lowered;
	s3 =	sadd.s32 s3, s5;
	[dreg:$0x0] =	wrdreg $0x0  }
0xa8: {  	s5 =	sshll.u32 s28, $0x1;
	[dreg:$0x2] =	wrdreg s3  }
0xa9: {  	[dreg:$0x3] =	wrdreg s5  }
0xaa: {  	[dreg:$0x4] =	wrdreg $0xC0  }
0xab: {  	_ =	task [dreg:s7], $0x5FFFF  }
0xac: {  	[dreg:$0x1] =	wrdreg $0xFFFFFFFF  }
0xad: {  	[dreg:$0x0] =	wrdreg $0x60  }
0xae: {  	[dreg:$0x2] =	wrdreg s24  }
0xaf: {  	[dreg:$0x3] =	wrdreg s2  }
0xb0: {  	[dreg:$0x4] =	wrdreg $0x0  }
0xb1: {  	[dreg:$0x5] =	wrdreg $0x9  }
0xb2: {  	_ =	task.clear_ibuf [dreg:s7], $0x6FFFF;
	_ =	strace $0x90000046  }
0xb3: {  	s29 =	simm.s32 $0x9;
	_ =	strace $0x80000048  }
0xb4: {  	_ =	swait.ge [sflag:s29], $0x1  }
0xb5: {  	[sflag:s29] =	ssyncadd.s32 $0xFFFFFFFF  }
0xb6: {  	_ =	strace $0x90000048  }
0xb7: {  	_ =	sfence  }
0xb8: {  	s30 =	sld [smem:$0x0];
	_ =	sdelay $0x2  }
0xb9: {  	s31 =	sshll.u32 s1, $0xD;
	s1 =	sshrl.u32 s1, $0x2  }
0xba: {  	s3 =	sand.u32 $0x4000, s31;
	s1 =	sadd.s32 s1, s30  }
0xbb: {  	s0 =	sor.u32 s3, s0;
	s1 =	sshll.u32 s1, $0x11  }
0xbc: {  	s0 =	sor.u32 s1, s0  }
0xbd: {  	s0 =	sadd.s32 $0x8F2B, s0  }
0xbe: {  	[sflag:s0] =	ssyncadd.remote.s32 $0x1  }
0xbf: {  	_ =	sfence.sel $0xFFFF  }
0xc0: {  	[dreg:$0x0] =	wrdreg $0xFFFFFFFF;
	(pc) =	sbr.abs _section_cstart, $3  }
0xc1: {  	[dreg:$0x1] =	wrdreg $0xFFFFFFFF  }
0xc2: {  	_ =	task.clear_ibuf [dreg:s7], $0x2FFFF;
	_ =	strace $0x9FFFFFFF  }
0xc3: {  	(tm) =	ssettm $0x7FFFFFFF  }
tec
execute0_lowered:
.L_overlay_start_1:
0x0: {  	(tag) =	ssettag $0x1  }
0x1: {  	s4 =	rddreg [dreg:$0x0]  }
0x2: {  	s1 =	rddreg [dreg:$0x1]  }
0x3: {  	s2 =	rddreg [dreg:$0x2];
	s3 =	simm.s32 $0x0;
	s0 =	srdreg.scid  }
0x4: {  	s16 =	stileid.u32;
	s29 =	simm.s32 $0x16790;
	s30 =	simm.s32 $0x5  }
0x5: {  	s31 =	simm.s32 $0x1F790;
	[smem:$0x7FF] =	sst s3;
	s8 =	sand.u32 $0x1, s0  }
0x6: {  	s5 =	sadd.s32 $0x200, s4;
	s6 =	sadd.s32 $0x2C200, s4;
	s0 =	smul.u32 $0x15F90, s16  }
0x7: {  	s10 =	sadd.s32 $0x2EA00, s4;
	s11 =	sshll.u32 s16, $0x1;
	s12 =	smul.u32 $0x271, s16  }
0x8: {  	s20 =	smul.u32 $0x57E40, s16;
	s4 =	simm.s32 $0x80;
	_ =	strace $0x80000047  }
0x9: {  	s7 =	ssub.s32 $0x2, s8;
	s23 =	sor.u32 s8, s11;
	s15 =	smul.u32 $0x15F900, s8  }
0xa: {  	s11 =	ssub.s32 $0x9C4, s11;
	s9 =	sshrl.u32 s7, $0x1;
	s13 =	sadd.s32 $0x12000, s0  }
0xb: {  	s14 =	sshll.u32 s23, $0x4;
	s12 =	sadd.s32 $0x80, s12;
	s21 =	sadd.s32 $0x9000, s0  }
0xc: {  	s22 =	sor.u32 $0x40, s23;
	s23 =	sor.u32 $0x20, s23;
	s9 =	ssub.s32 s7, s9  }
0xd: {  	s7 =	sadd.s32 $0x9C40, s1;
	s8 =	sadd.s32 s13, s2;
	s17 =	sadd.s32 s1, s14  }
0xe: {  	v2 =	vimm.s32 $0x30201000;
	s13 =	sadd.s32 s15, s13;
	s19 =	smul.u32 $0x90, s12;
	s25 =	sadd.s32 s15, s21  }
0xf: {  	v0 =	vimm.f32 $0.0e+00;
	v1 =	vlaneseq.u32;
	v3 =	vimm.s32 $0x1;
	s12 =	smul.u32 $0x240, s12;
	[dreg:$0x4] =	wrdreg s17;
	s14 =	sadd.s32 s14, s7  }
0x10: {  	vm0 =	vcmask $0xF00;
	v6 =	vimm.s32 $0x31211101;
	v8 =	vimm.s32 $0x33231303;
	s17 =	sadd.s32 s15, s0;
	s13 =	sshrl.u32 s13, $0x3;
	s9 =	smax.u32 s9, $0x1  }
0x11: {  	v12 =	vimm.s32 $0x35251505;
	v13 =	vimm.s32 $0x37271707;
	v14 =	vimm.s32 $0x38281808;
	[dreg:$0x5] =	wrdreg s14;
	s14 =	sshrl.u32 s17, $0x3;
	s13 =	sadd.s32 s10, s13  }
0x12: {  	v15 =	vimm.s32 $0x39291909;
	v16 =	vimm.s32 $0x3A2A1A0A;
	v17 =	vimm.s32 $0x3B2B1B0B;
	[dreg:$0x8] =	wrdreg s9;
	s24 =	sadd.s32 s15, s19;
	s17 =	sshrl.u32 s25, $0x3  }
0x13: {  	v4 =	vimm.s32 $0x2;
	v18 =	vimm.s32 $0x3C2C1C0C;
	v19 =	vimm.s32 $0x3D2D1D0D;
	s9 =	sadd.s32 $0x36000, s20;
	s12 =	sshrl.u32 s12, $0x2;
	s19 =	sadd.s32 s19, s2  }
0x14: {  	v20 =	vimm.s32 $0x3E2E1E0E;
	v21 =	vimm.s32 $0x3F2F1F0F;
	v5 =	vunpack.c.0.s8.s32 v2;
	[dreg:$0x6] =	wrdreg s13;
	s18 =	sadd.s32 s10, s14;
	s16 =	sshrl.u32 s24, $0x3  }
0x15: {  	v2 =	vimm.s32 $0x3;
	v7 =	vunpack.c.0.s8.s32 v6;
	v6 =	vimm.s32 $0x32221202;
	s26 =	sadd.s32 s10, s17;
	s17 =	sadd.s32 $0x24000, s20;
	s9 =	sshrl.u32 s9, $0x2  }
0x16: {  	v10 =	vunpack.c.0.s8.s32 v8;
	v8 =	vimm.s32 $0x34241404;
	v13 =	vunpack.c.0.s8.s32 v13;
	s12 =	sadd.s32 s12, s2;
	s25 =	sshrl.u32 s19, $0x3;
	[dreg:$0x7] =	wrdreg s18  }
0x17: {  	v14 =	vunpack.c.0.s8.s32 v14;
	v15 =	vunpack.c.0.s8.s32 v15;
	v16 =	vunpack.c.0.s8.s32 v16;
	s13 =	simm.s32 $0x16390;
	s14 =	simm.s32 $0x1AF90;
	[dreg:$0xa] =	wrdreg s26  }
0x18: {  	v17 =	vunpack.c.0.s8.s32 v17;
	v18 =	vunpack.c.0.s8.s32 v18;
	v19 =	vunpack.c.0.s8.s32 v19;
	s18 =	sadd.s32 $0xD800, s0;
	s16 =	sadd.s32 s10, s16;
	[dreg:$0xd] =	wrdreg s12  }
0x19: {  	v20 =	vunpack.c.0.s8.s32 v20;
	v21 =	vunpack.c.0.s8.s32 v21;
	v9 =	vunpack.c.0.s8.s32 v6;
	s9 =	sadd.s32 s9, s2;
	s0 =	sadd.s32 s0, s2;
	s12 =	simm.s32 $0x6  }
0x1a: {  	v6 =	vimm.s32 $0x0;
	v11 =	vunpack.c.0.s8.s32 v8;
	v5 =	vnsel vm0, $0x30, v5;
	s15 =	sadd.s32 s15, s18;
	[dreg:$0x9] =	wrdreg s16;
	s16 =	sshrl.u32 s20, $0x2  }
0x1b: {  	v7 =	vnsel vm0, $0x31, v7;
	v13 =	vnsel vm0, $0x37, v13;
	v14 =	vnsel vm0, $0x38, v14;
	[dreg:$0xf] =	wrdreg s9;
	s20 =	sadd.s32 s21, s2;
	s15 =	sshrl.u32 s15, $0x3  }
.Ltmp0:
0x1c: {  	v15 =	vnsel vm0, $0x39, v15;
	v8 =	vnsel vm0, $0x32, v9;
	v9 =	vnsel vm0, $0x33, v10;
	s21 =	sadd.s32 s18, s2;
	s10 =	sadd.s32 s10, s15;
	(pc) =	sbr.rel .LBB2_1-.Ltmp0, $4  }
0x1d: {  	v10 =	vnsel vm0, $0x34, v11;
	v11 =	vunpack.c.0.s8.s32 v12;
	v12 =	vimm.s32 $0x36261606;
	s24 =	sshrl.u32 s0, $0x3;
	[dreg:$0xb] =	wrdreg s10;
	s10 =	sadd.s32 s16, s2  }
0x1e: {  	v16 =	vnsel vm0, $0x3A, v16;
	v17 =	vnsel vm0, $0x3B, v17;
	v12 =	vunpack.c.0.s8.s32 v12;
	s9 =	simm.s32 $0x15F90;
	[dreg:$0xc] =	wrdreg s10;
	s10 =	sshrl.u32 s17, $0x2  }
0x1f: {  	v18 =	vnsel vm0, $0x3C, v18;
	v19 =	vnsel vm0, $0x3D, v19;
	v20 =	vnsel vm0, $0x3E, v20;
	s26 =	sshrl.u32 s20, $0x3;
	s28 =	sshrl.u32 s21, $0x3;
	s10 =	sadd.s32 s10, s2  }
0x20: {  	v21 =	vnsel vm0, $0x3F, v21;
	v11 =	vnsel vm0, $0x35, v11;
	v12 =	vnsel vm0, $0x36, v12;
	s15 =	simm.s32 $0x1F810;
	[dreg:$0xe] =	wrdreg s10;
	s10 =	simm.s32 $0x1F990  }
.LBB2_11:
0x21: {  	s0 =	stileid.u32  }
0x22: {  	[bflag:$0x0] =	sbarrier.arrive $0xFFFF;
	s0 =	sshll.u32 s0, $0x6  }
0x23: {  	s16 =	rddreg [dreg:$0x7];
	s0 =	sor.u32 $0x1C05, s0  }
0x24: {  	[hbm:s16], [sflag:s0] =	dma.local [spmem:s24], $0x900  }
0x25: {  	_ =	swait.ge [sflag:s30], $0x900  }
0x26: {  	[sflag:s30] =	ssyncset.done $0x0  }
0x27: {  	s17 =	rddreg [dreg:$0x9];
	[sflag:s30] =	ssyncadd.s32 $0xFFFFF700  }
0x28: {  	[hbm:s17], [sflag:s0] =	dma.local [spmem:s25], $0x900  }
0x29: {  	_ =	swait.ge [sflag:s30], $0x900  }
0x2a: {  	[sflag:s30] =	ssyncset.done $0x0  }
0x2b: {  	s18 =	rddreg [dreg:$0xa];
	[sflag:s30] =	ssyncadd.s32 $0xFFFFF700  }
0x2c: {  	[hbm:s18], [sflag:s0] =	dma.local [spmem:s26], $0x900  }
0x2d: {  	_ =	swait.ge [sflag:s30], $0x900  }
0x2e: {  	[sflag:s30] =	ssyncset.done $0x0  }
0x2f: {  	s19 =	rddreg [dreg:$0xb];
	[sflag:s30] =	ssyncadd.s32 $0xFFFFF700  }
0x30: {  	[hbm:s19], [sflag:s0] =	dma.local [spmem:s28], $0x900  }
0x31: {  	_ =	swait.ge [sflag:s30], $0x900  }
0x32: {  	[sflag:s30] =	ssyncset.done $0x0  }
0x33: {  	s20 =	sshrl.u32 s8, $0x3;
	s17 =	rddreg [dreg:$0x6];
	[sflag:s30] =	ssyncadd.s32 $0xFFFFF700  }
0x34: {  	[hbm:s17], [sflag:s0] =	dma.local [spmem:s20], $0x7F2  }
0x35: {  	_ =	swait.ge [sflag:s30], $0x7F2  }
0x36: {  	s3 =	sadd.s32 $0x1, s3;
	s21 =	rddreg [dreg:$0x8]  }
0x37: {  	p0 =	sne.s32 s3, s21  }
.Ltmp1:
0x38: {  	_ = 	snop;
	(pc) =	sbr.rel @!p0 .LBB2_12-.Ltmp1, $3  }
0x39: {  	_ =	sdelay $0x1  }
0x3a: {  	[sflag:s30] =	ssyncset.done $0x0  }
0x3b: {  	[sflag:s30] =	ssyncadd.s32 $0xFFFFF80E  }
.LBB2_1:
0x3c: {  	s16 =	simm.s32 $0x80;
	s17 =	simm.s32 $0x440  }
.LBB2_2:
0x3d: {  	p0 =	sne.s32 s17, $0x11FC0;
	[tilespmem:s16+$0x16790] =	vst v0  }
0x3e: {  	[tilespmem:s16+$0x16710] =	vst v0  }
0x3f: {  	[tilespmem:s16+$0x16720] =	vst v0  }
0x40: {  	[tilespmem:s16+$0x16730] =	vst v0  }
.Ltmp2:
0x41: {  	[tilespmem:s16+$0x16740] =	vst v0;
	(pc) =	sbr.rel @p0 .LBB2_2-.Ltmp2, $4  }
0x42: {  	[tilespmem:s16+$0x16750] =	vst v0  }
0x43: {  	[tilespmem:s16+$0x16760] =	vst v0  }
0x44: {  	[tilespmem:s16+$0x16770] =	vst v0  }
0x45: {  	[tilespmem:s16+$0x16780] =	vst v0;
	s16 =	sshra.s32 s17, $0x2;
	s17 =	sadd.s32 $0x240, s17  }
0x46: {  	[tilespmem:s16+$0x16790] =	vst v0  }
0x47: {  	[tilespmem:s16+$0x16710] =	vst v0  }
0x48: {  	[tilespmem:s16+$0x16720] =	vst v0  }
0x49: {  	[tilespmem:s16+$0x16730] =	vst v0  }
0x4a: {  	[tilespmem:s16+$0x16740] =	vst v0  }
0x4b: {  	[tilespmem:s16+$0x16750] =	vst v0  }
0x4c: {  	[tilespmem:s16+$0x16760] =	vst v0  }
0x4d: {  	[tilespmem:s16+$0x16770] =	vst v0  }
0x4e: {  	[tilespmem:s16+$0x16780] =	vst v0;
	s0 =	rddreg [dreg:$0xc]  }
0x4f: {  	[spmem:s0] =	stream.linear.scatter [tilespmem:s29], [sflag:$0x5], $0x4800, $0x38;
	[tilespmem:$0x1F9D0] =	vst v63  }
0x50: {  	_ =	swait.ge [sflag:s30], $0x4800  }
0x51: {  	[sflag:s30] =	ssyncset.done $0x0  }
0x52: {  	s17 =	rddreg [dreg:$0xd];
	[sflag:s30] =	ssyncadd.s32 $0xFFFFB800  }
0x53: {  	[spmem:s17] =	stream.linear.scatter [tilespmem:s29], [sflag:$0x5], $0x4800, $0x38;
	[tilespmem:$0x1F9D0] =	vst v63  }
0x54: {  	_ =	swait.ge [sflag:s30], $0x4800  }
0x55: {  	[sflag:s30] =	ssyncset.done $0x0  }
0x56: {  	s18 =	rddreg [dreg:$0xe];
	[sflag:s30] =	ssyncadd.s32 $0xFFFFB800  }
0x57: {  	[spmem:s18] =	stream.linear.scatter [tilespmem:s29], [sflag:$0x5], $0x4800, $0x38;
	[tilespmem:$0x1F9D0] =	vst v63  }
0x58: {  	_ =	swait.ge [sflag:s30], $0x4800  }
0x59: {  	[sflag:s30] =	ssyncset.done $0x0  }
0x5a: {  	s19 =	rddreg [dreg:$0xf];
	[sflag:s30] =	ssyncadd.s32 $0xFFFFB800  }
0x5b: {  	[spmem:s19] =	stream.linear.scatter [tilespmem:s29], [sflag:$0x5], $0x4800, $0x38;
	[tilespmem:$0x1F9D0] =	vst v63  }
0x5c: {  	_ =	swait.ge [sflag:s30], $0x4800  }
0x5d: {  	[sflag:s30] =	ssyncset.done $0x0  }
0x5e: {  	[sflag:s30] =	ssyncadd.s32 $0xFFFFB800  }
0x5f: {  	[spmem:s8] =	stream.linear.scatter [tilespmem:s29], [sflag:$0x5], $0x3F90, $0x38;
	[tilespmem:$0x1F9D0] =	vst v63  }
0x60: {  	_ =	swait.ge [sflag:s30], $0x3F90  }
0x61: {  	[sflag:s30] =	ssyncset.done $0x0  }
0x62: {  	[sflag:s30] =	ssyncadd.s32 $0xFFFFC070  }
0x63: {  	[bflag:$0x0] =	sbarrier.arrive $0xFFFF  }
0x64: {  	s16 =	simm.s32 $0x0;
	s20 =	rddreg [dreg:$0x4]  }
0x65: {  	[tilespmem:s31], [sflag:$0x5] =	stream.linear.gather [hbm4b:s20+s16], $0x80, $0x38;
	[tilespmem:$0x1F9D0] =	vst v63  }
0x66: {  	_ =	swait.ge [sflag:s30], $0x80  }
0x67: {  	[sflag:s30] =	ssyncset.done $0x0  }
0x68: {  	s17 =	simm.s32 $0x1F890;
	s21 =	rddreg [dreg:$0x5];
	[sflag:s30] =	ssyncadd.s32 $0xFFFFFF80  }
0x69: {  	[tilespmem:s17], [sflag:$0x5] =	stream.linear.gather [hbm4b:s21+s16], $0x80, $0x38;
	[tilespmem:$0x1F9D0] =	vst v63  }
0x6a: {  	_ =	swait.ge [sflag:s30], $0x80  }
.Ltmp3:
0x6b: {  	[sflag:s30] =	ssyncset.done $0x0;
	(pc) =	sbr.rel .LBB2_4-.Ltmp3, $4  }
0x6c: {  	[sflag:s30] =	ssyncadd.s32 $0xFFFFFF80  }
0x6d: {  	[tilespmem:s29], [sflag:$0x1] =	stream.indirect.gather [hbm4b:s5+s4], $0x90, s17, s4, $0xb8;
	[tilespmem:$0x1F9D0] =	vst v63  }
0x6e: {  	_ = 	snop  }
0x6f: {  	[tilespmem:s9], [sflag:$0x3] =	stream.indirect.gather [hbm4b:s6+s4], $0x8, s31, s4, $0xb8;
	[tilespmem:$0x1F9D0] =	vst v63  }
.LBB2_10:
0x70: {  	s16 =	sadd.s32 $0x1, s16  }
0x71: {  	p0 =	sne.s32 s16, $0x28  }
.Ltmp4:
0x72: {  	_ = 	snop;
	(pc) =	sbr.rel @!p0 .LBB2_11-.Ltmp4, $1  }
0x73: {  	_ =	sdelay $0x3  }
.LBB2_4:
0x74: {  	s17 =	sshll.u32 s16, $0x6  }
0x75: {  	p1 =	sge.u32 s17, s11  }
0x76: {  	s18 =	simm.s32 @!p1 $0x1  }
0x77: {  	_ =	swait.ge @!p1 [sflag:s18], $0x4800  }
0x78: {  	[sflag:s18] =	ssyncset.done @!p1 $0x0  }
0x79: {  	[sflag:s18] =	ssyncadd.s32 @!p1 $0xFFFFB800;
	s18 =	simm.s32 @!p1 $0x3  }
0x7a: {  	s19 =	sor.u32 s23, s17;
	_ =	swait.ge @!p1 [sflag:s18], $0x400  }
0x7b: {  	p0 =	sgt.u32 s19, $0x9C3;
	[sflag:s18] =	ssyncset.done @!p1 $0x0  }
0x7c: {  	[sflag:s18] =	ssyncadd.s32 @!p1 $0xFFFFFC00;
	s18 =	sshll.u32 @!p0 s19, $0x4  }
0x7d: {  	s20 =	simm.s32 @!p0 $0x0;
	s21 =	simm.s32 @!p0 $0x1F810;
	s19 =	sadd.s32 @!p0 s1, s18  }
0x7e: {  	[tilespmem:s21], [sflag:$0x6] =	stream.linear.gather @!p0 [hbm4b:s19+s20], $0x80, $0x38;
	[tilespmem:$0x1F9D0] =	vst v63  }
0x7f: {  	s19 =	simm.s32 @!p0 $0x6  }
0x80: {  	_ =	swait.ge @!p0 [sflag:s19], $0x80  }
0x81: {  	[sflag:s19] =	ssyncset.done @!p0 $0x0  }
0x82: {  	s0 =	simm.s32 @!p0 $0x1F910;
	s18 =	sadd.s32 @!p0 s18, s7;
	[sflag:s19] =	ssyncadd.s32 @!p0 $0xFFFFFF80  }
0x83: {  	[tilespmem:s0], [sflag:$0x6] =	stream.linear.gather @!p0 [hbm4b:s18+s20], $0x80, $0x38;
	[tilespmem:$0x1F9D0] =	vst v63  }
0x84: {  	_ =	swait.ge @!p0 [sflag:s19], $0x80  }
0x85: {  	s18 =	simm.s32 @!p0 $0x80;
	[sflag:s19] =	ssyncset.done @!p0 $0x0  }
.Ltmp5:
0x86: {  	[sflag:s19] =	ssyncadd.s32 @!p0 $0xFFFFFF80;
	s19 =	simm.s32 @!p0 $0x1AF90;
	(pc) =	sbr.rel @p1 .LBB2_7-.Ltmp5, $4  }
0x87: {  	[tilespmem:s19], [sflag:$0x2] =	stream.indirect.gather @!p0 [hbm4b:s5+s18], $0x90, s0, s18, $0xb8;
	[tilespmem:$0x1F9D0] =	vst v63  }
0x88: {  	s0 =	simm.s32 @!p0 $0x16390  }
0x89: {  	[tilespmem:s0], [sflag:$0x4] =	stream.indirect.gather @!p0 [hbm4b:s6+s18], $0x8, s21, s18, $0xb8;
	[tilespmem:$0x1F9D0] =	vst v63  }
0x8a: {  	s18 =	simm.s32 $0x0  }
.LBB2_5:
0x8b: {  	s0 =	sshll.u32 s18, $0x4  }
0x8c: {  	v22 =	vor.u32 s0, v1  }
0x8d: {  	v23 =	vmul.u32 $0x90, v22  }
0x8e: {  	v22 =	vshll.u32 v22, $0x3  }
0x8f: {  	v24 =	vadd.s32 $0x80, v23;
	_ =	sdelay $0x3  }
0x90: {  	v25 =	vld.idx.msk [tilespmem:v22+s9+$0x0], $0xffff  }
0x91: {  	v24 =	vld.idx.msk [tilespmem:v24+s29+$0x0], $0xffff;
	_ =	sdelay $0x4  }
0x92: {  	v24 =	vadd.f32 v24, v25;
	_ =	sdelay $0x1  }
0x93: {  	v25 =	vmul.f32 $2.000000030e-01, v24;
	_ =	sdelay $0x1  }
0x94: {  	v24 =	vmax.f32 v24, v25  }
0x95: {  	v24 =	vsub.f32 $0.0e+00, v24;
	_ =	sdelay $0x1  }
0x96: {  	v24 =	vmul.f32 $1.442695020e+00, v24;
	_ =	sdelay $0x1  }
0x97: {  	(erf) = vpow2.f32 v24;
	_ =	sdelay $0x5  }
0x98: {  	v31 =	vor.u32 $0x1, v22  }
0x99: {  	v32 =	vadd.s32 $0x81, v23;
	_ =	sdelay $0x1  }
0x9a: {  	v26 =	vpop (erf)  }
0x9b: {  	[tilespmem:$0x1F990] =	vst v26  }
0x9c: {  	v24 =	vld.idx.msk [tilespmem:v31+s9+$0x0], $0xffff  }
0x9d: {  	v25 =	vld.idx.msk [tilespmem:v32+s29+$0x0], $0xffff;
	_ =	sdelay $0x4  }
0x9e: {  	v24 =	vadd.f32 v25, v24;
	_ =	sdelay $0x1  }
0x9f: {  	v25 =	vmul.f32 $2.000000030e-01, v24;
	_ =	sdelay $0x1  }
0xa0: {  	v24 =	vmax.f32 v24, v25  }
0xa1: {  	v24 =	vsub.f32 $0.0e+00, v24;
	_ =	sdelay $0x1  }
0xa2: {  	v24 =	vmul.f32 $1.442695020e+00, v24;
	_ =	sdelay $0x1  }
0xa3: {  	(erf) = vpow2.f32 v24;
	_ =	sdelay $0x5  }
0xa4: {  	v33 =	vor.u32 $0x2, v22  }
0xa5: {  	v34 =	vadd.s32 $0x82, v23;
	_ =	sdelay $0x1  }
0xa6: {  	v35 =	vpop (erf)  }
0xa7: {  	[tilespmem:$0x1F9A0] =	vst v35  }
0xa8: {  	v24 =	vld.idx.msk [tilespmem:v33+s9+$0x0], $0xffff  }
0xa9: {  	v25 =	vld.idx.msk [tilespmem:v34+s29+$0x0], $0xffff;
	_ =	sdelay $0x4  }
0xaa: {  	v24 =	vadd.f32 v25, v24;
	_ =	sdelay $0x1  }
0xab: {  	v25 =	vmul.f32 $2.000000030e-01, v24;
	_ =	sdelay $0x1  }
0xac: {  	v24 =	vmax.f32 v24, v25  }
0xad: {  	v24 =	vsub.f32 $0.0e+00, v24;
	_ =	sdelay $0x1  }
0xae: {  	v24 =	vmul.f32 $1.442695020e+00, v24;
	_ =	sdelay $0x1  }
0xaf: {  	(erf) = vpow2.f32 v24;
	_ =	sdelay $0x5  }
0xb0: {  	v22 =	vor.u32 $0x3, v22  }
0xb1: {  	v23 =	vadd.s32 $0x83, v23;
	_ =	sdelay $0x1  }
0xb2: {  	v24 =	vpop (erf)  }
0xb3: {  	[tilespmem:$0x1F9B0] =	vst v24  }
0xb4: {  	v22 =	vld.idx.msk [tilespmem:v22+s9+$0x0], $0xffff  }
0xb5: {  	v23 =	vld.idx.msk [tilespmem:v23+s29+$0x0], $0xffff;
	_ =	sdelay $0x4  }
0xb6: {  	v22 =	vadd.f32 v23, v22;
	_ =	sdelay $0x1  }
0xb7: {  	v23 =	vmul.f32 $2.000000030e-01, v22;
	_ =	sdelay $0x1  }
0xb8: {  	v22 =	vmax.f32 v22, v23  }
0xb9: {  	v22 =	vsub.f32 $0.0e+00, v22;
	_ =	sdelay $0x1  }
0xba: {  	v22 =	vmul.f32 $1.442695020e+00, v22;
	_ =	sdelay $0x1  }
0xbb: {  	(erf) = vpow2.f32 v22;
	_ =	sdelay $0x8  }
0xbc: {  	v22 =	vpop (erf)  }
0xbd: {  	s21 =	smul.u32 $0x2400, s18;
	[tilespmem:$0x1F9C0] =	vst v22  }
0xbe: {  	v22 =	vld.idx.msk [tilespmem:v5+s10+$0x0], $0xffff  }
0xbf: {  	s19 =	sshra.s32 s21, $0x2  }
0xc0: {  	v23 =	vld [tilespmem:s19+$0x16790];
	_ =	sdelay $0x1  }
0xc1: {  	v24 =	vld [tilespmem:s19+$0x167A0]  }
0xc2: {  	v26 =	vld [tilespmem:s19+$0x167B0];
	v36 =	vperm.xlane v22, v6  }
0xc3: {  	v27 =	vld [tilespmem:s19+$0x167C0]  }
0xc4: {  	v28 =	vld [tilespmem:s19+$0x167D0];
	v23 =	vmul.f32 v23, v36  }
0xc5: {  	v29 =	vld [tilespmem:s19+$0x167E0];
	v37 =	vperm.xlane v22, v3  }
0xc6: {  	v24 =	vmul.f32 v24, v36;
	[tilespmem:s19+$0x16790] =	vst v23;
	v23 =	vld [tilespmem:s19+$0x167F0]  }
0xc7: {  	v30 =	vld [tilespmem:s19+$0x16800];
	v39 =	vperm.xlane v22, v4;
	[tilespmem:s19+$0x16810] =	vst v22;
	v38 =	vmul.f32 v26, v37  }
0xc8: {  	v25 =	vmul.f32 v27, v37;
	[tilespmem:s19+$0x167A0] =	vst v24  }
0xc9: {  	v22 =	vperm.xlane v22, v2;
	v40 =	vmul.f32 v28, v39;
	[tilespmem:s19+$0x167B0] =	vst v38  }
0xca: {  	v41 =	vmul.f32 v29, v39;
	[tilespmem:s19+$0x167C0] =	vst v25  }
0xcb: {  	[tilespmem:s19+$0x167D0] =	vst v40;
	v23 =	vmul.f32 v23, v22  }
0xcc: {  	[tilespmem:s19+$0x167E0] =	vst v41;
	v22 =	vmul.f32 v30, v22  }
0xcd: {  	[tilespmem:s19+$0x167F0] =	vst v23  }
0xce: {  	[tilespmem:s19+$0x16800] =	vst v22  }
0xcf: {  	v22 =	vld.idx.msk [tilespmem:v7+s10+$0x0], $0xffff;
	_ =	sdelay $0x1  }
0xd0: {  	v23 =	vld [tilespmem:s19+$0x16820];
	_ =	sdelay $0x1  }
0xd1: {  	v42 =	vld [tilespmem:s19+$0x16830]  }
0xd2: {  	v44 =	vld [tilespmem:s19+$0x16840];
	v43 =	vperm.xlane v22, v6  }
0xd3: {  	v45 =	vld [tilespmem:s19+$0x16850]  }
0xd4: {  	v46 =	vld [tilespmem:s19+$0x16860];
	v23 =	vmul.f32 v23, v43  }
0xd5: {  	v48 =	vld [tilespmem:s19+$0x16870];
	v47 =	vperm.xlane v22, v3  }
0xd6: {  	v24 =	vmul.f32 v42, v43;
	[tilespmem:s19+$0x16820] =	vst v23;
	v23 =	vld [tilespmem:s19+$0x16880]  }
0xd7: {  	v51 =	vld [tilespmem:s19+$0x16890];
	v50 =	vperm.xlane v22, v4;
	[tilespmem:s19+$0x168A0] =	vst v22;
	v49 =	vmul.f32 v44, v47  }
0xd8: {  	v25 =	vmul.f32 v45, v47;
	[tilespmem:s19+$0x16830] =	vst v24  }
0xd9: {  	v22 =	vperm.xlane v22, v2;
	v52 =	vmul.f32 v46, v50;
	[tilespmem:s19+$0x16840] =	vst v49  }
0xda: {  	v53 =	vmul.f32 v48, v50;
	[tilespmem:s19+$0x16850] =	vst v25  }
0xdb: {  	[tilespmem:s19+$0x16860] =	vst v52;
	v23 =	vmul.f32 v23, v22  }
0xdc: {  	[tilespmem:s19+$0x16870] =	vst v53;
	v22 =	vmul.f32 v51, v22  }
0xdd: {  	[tilespmem:s19+$0x16880] =	vst v23  }
0xde: {  	[tilespmem:s19+$0x16890] =	vst v22  }
0xdf: {  	v22 =	vld.idx.msk [tilespmem:v8+s10+$0x0], $0xffff;
	_ =	sdelay $0x1  }
0xe0: {  	v23 =	vld [tilespmem:s19+$0x168B0];
	_ =	sdelay $0x1  }
0xe1: {  	v54 =	vld [tilespmem:s19+$0x168C0]  }
0xe2: {  	v56 =	vld [tilespmem:s19+$0x168D0];
	v55 =	vperm.xlane v22, v6  }
0xe3: {  	v57 =	vld [tilespmem:s19+$0x168E0]  }
0xe4: {  	v58 =	vld [tilespmem:s19+$0x168F0];
	v23 =	vmul.f32 v23, v55  }
0xe5: {  	v60 =	vld [tilespmem:s19+$0x16900];
	v59 =	vperm.xlane v22, v3  }
0xe6: {  	v24 =	vmul.f32 v54, v55;
	[tilespmem:s19+$0x168B0] =	vst v23;
	v23 =	vld [tilespmem:s19+$0x16910]  }
0xe7: {  	v63 =	vld [tilespmem:s19+$0x16920];
	v62 =	vperm.xlane v22, v4;
	[tilespmem:s19+$0x16930] =	vst v22;
	v61 =	vmul.f32 v56, v59  }
0xe8: {  	v25 =	vmul.f32 v57, v59;
	[tilespmem:s19+$0x168C0] =	vst v24  }
0xe9: {  	v22 =	vperm.xlane v22, v2;
	v31 =	vmul.f32 v58, v62;
	[tilespmem:s19+$0x168D0] =	vst v61  }
0xea: {  	v32 =	vmul.f32 v60, v62;
	[tilespmem:s19+$0x168E0] =	vst v25  }
0xeb: {  	[tilespmem:s19+$0x168F0] =	vst v31;
	v23 =	vmul.f32 v23, v22  }
0xec: {  	[tilespmem:s19+$0x16900] =	vst v32;
	v22 =	vmul.f32 v63, v22  }
0xed: {  	[tilespmem:s19+$0x16910] =	vst v23  }
0xee: {  	[tilespmem:s19+$0x16920] =	vst v22  }
0xef: {  	v22 =	vld.idx.msk [tilespmem:v9+s10+$0x0], $0xffff;
	_ =	sdelay $0x1  }
0xf0: {  	v23 =	vld [tilespmem:s19+$0x16940];
	_ =	sdelay $0x1  }
0xf1: {  	v33 =	vld [tilespmem:s19+$0x16950]  }
0xf2: {  	v35 =	vld [tilespmem:s19+$0x16960];
	v34 =	vperm.xlane v22, v6  }
0xf3: {  	v36 =	vld [tilespmem:s19+$0x16970]  }
0xf4: {  	v37 =	vld [tilespmem:s19+$0x16980];
	v23 =	vmul.f32 v23, v34  }
0xf5: {  	v39 =	vld [tilespmem:s19+$0x16990];
	v38 =	vperm.xlane v22, v3  }
0xf6: {  	v24 =	vmul.f32 v33, v34;
	[tilespmem:s19+$0x16940] =	vst v23;
	v23 =	vld [tilespmem:s19+$0x169A0]  }
0xf7: {  	v42 =	vld [tilespmem:s19+$0x169B0];
	v41 =	vperm.xlane v22, v4;
	[tilespmem:s19+$0x169C0] =	vst v22;
	v40 =	vmul.f32 v35, v38  }
0xf8: {  	v25 =	vmul.f32 v36, v38;
	[tilespmem:s19+$0x16950] =	vst v24  }
0xf9: {  	v22 =	vperm.xlane v22, v2;
	v43 =	vmul.f32 v37, v41;
	[tilespmem:s19+$0x16960] =	vst v40  }
0xfa: {  	v44 =	vmul.f32 v39, v41;
	[tilespmem:s19+$0x16970] =	vst v25  }
0xfb: {  	[tilespmem:s19+$0x16980] =	vst v43;
	v23 =	vmul.f32 v23, v22  }
0xfc: {  	[tilespmem:s19+$0x16990] =	vst v44;
	v22 =	vmul.f32 v42, v22  }
0xfd: {  	[tilespmem:s19+$0x169A0] =	vst v23  }
0xfe: {  	[tilespmem:s19+$0x169B0] =	vst v22  }
0xff: {  	v22 =	vld.idx.msk [tilespmem:v10+s10+$0x0], $0xffff;
	_ =	sdelay $0x1  }
0x100: {  	v23 =	vld [tilespmem:s19+$0x169D0];
	_ =	sdelay $0x1  }
0x101: {  	v45 =	vld [tilespmem:s19+$0x169E0]  }
0x102: {  	v47 =	vld [tilespmem:s19+$0x169F0];
	v46 =	vperm.xlane v22, v6  }
0x103: {  	v48 =	vld [tilespmem:s19+$0x16A00]  }
0x104: {  	v49 =	vld [tilespmem:s19+$0x16A10];
	v23 =	vmul.f32 v23, v46  }
0x105: {  	v51 =	vld [tilespmem:s19+$0x16A20];
	v50 =	vperm.xlane v22, v3  }
0x106: {  	v24 =	vmul.f32 v45, v46;
	[tilespmem:s19+$0x169D0] =	vst v23;
	v23 =	vld [tilespmem:s19+$0x16A30]  }
0x107: {  	v54 =	vld [tilespmem:s19+$0x16A40];
	v53 =	vperm.xlane v22, v4;
	[tilespmem:s19+$0x16A50] =	vst v22;
	v52 =	vmul.f32 v47, v50  }
0x108: {  	v25 =	vmul.f32 v48, v50;
	[tilespmem:s19+$0x169E0] =	vst v24  }
0x109: {  	v22 =	vperm.xlane v22, v2;
	v55 =	vmul.f32 v49, v53;
	[tilespmem:s19+$0x169F0] =	vst v52  }
0x10a: {  	v56 =	vmul.f32 v51, v53;
	[tilespmem:s19+$0x16A00] =	vst v25  }
0x10b: {  	[tilespmem:s19+$0x16A10] =	vst v55;
	v23 =	vmul.f32 v23, v22  }
0x10c: {  	[tilespmem:s19+$0x16A20] =	vst v56;
	v22 =	vmul.f32 v54, v22  }
0x10d: {  	[tilespmem:s19+$0x16A30] =	vst v23  }
0x10e: {  	[tilespmem:s19+$0x16A40] =	vst v22  }
0x10f: {  	v22 =	vld.idx.msk [tilespmem:v11+s10+$0x0], $0xffff;
	_ =	sdelay $0x1  }
0x110: {  	v23 =	vld [tilespmem:s19+$0x16A60];
	_ =	sdelay $0x1  }
0x111: {  	v57 =	vld [tilespmem:s19+$0x16A70]  }
0x112: {  	v59 =	vld [tilespmem:s19+$0x16A80];
	v58 =	vperm.xlane v22, v6  }
0x113: {  	v60 =	vld [tilespmem:s19+$0x16A90]  }
0x114: {  	v61 =	vld [tilespmem:s19+$0x16AA0];
	v23 =	vmul.f32 v23, v58  }
0x115: {  	v63 =	vld [tilespmem:s19+$0x16AB0];
	v62 =	vperm.xlane v22, v3  }
0x116: {  	v24 =	vmul.f32 v57, v58;
	[tilespmem:s19+$0x16A60] =	vst v23;
	v23 =	vld [tilespmem:s19+$0x16AC0]  }
0x117: {  	v35 =	vld [tilespmem:s19+$0x16AD0];
	v34 =	vperm.xlane v22, v4;
	[tilespmem:s19+$0x16AE0] =	vst v22;
	v33 =	vmul.f32 v59, v62  }
0x118: {  	v25 =	vmul.f32 v60, v62;
	[tilespmem:s19+$0x16A70] =	vst v24  }
0x119: {  	v22 =	vperm.xlane v22, v2;
	v36 =	vmul.f32 v61, v34;
	[tilespmem:s19+$0x16A80] =	vst v33  }
0x11a: {  	v37 =	vmul.f32 v63, v34;
	[tilespmem:s19+$0x16A90] =	vst v25  }
0x11b: {  	[tilespmem:s19+$0x16AA0] =	vst v36;
	v23 =	vmul.f32 v23, v22  }
0x11c: {  	[tilespmem:s19+$0x16AB0] =	vst v37;
	v22 =	vmul.f32 v35, v22  }
0x11d: {  	[tilespmem:s19+$0x16AC0] =	vst v23  }
0x11e: {  	[tilespmem:s19+$0x16AD0] =	vst v22  }
0x11f: {  	v22 =	vld.idx.msk [tilespmem:v12+s10+$0x0], $0xffff;
	_ =	sdelay $0x1  }
0x120: {  	v23 =	vld [tilespmem:s19+$0x16AF0];
	_ =	sdelay $0x1  }
0x121: {  	v38 =	vld [tilespmem:s19+$0x16B00]  }
0x122: {  	v40 =	vld [tilespmem:s19+$0x16B10];
	v39 =	vperm.xlane v22, v6  }
0x123: {  	v41 =	vld [tilespmem:s19+$0x16B20]  }
0x124: {  	v42 =	vld [tilespmem:s19+$0x16B30];
	v23 =	vmul.f32 v23, v39  }
0x125: {  	v44 =	vld [tilespmem:s19+$0x16B40];
	v43 =	vperm.xlane v22, v3  }
0x126: {  	v24 =	vmul.f32 v38, v39;
	[tilespmem:s19+$0x16AF0] =	vst v23;
	v23 =	vld [tilespmem:s19+$0x16B50]  }
0x127: {  	v47 =	vld [tilespmem:s19+$0x16B60];
	v46 =	vperm.xlane v22, v4;
	[tilespmem:s19+$0x16B70] =	vst v22;
	v45 =	vmul.f32 v40, v43  }
0x128: {  	v25 =	vmul.f32 v41, v43;
	[tilespmem:s19+$0x16B00] =	vst v24  }
0x129: {  	v22 =	vperm.xlane v22, v2;
	v48 =	vmul.f32 v42, v46;
	[tilespmem:s19+$0x16B10] =	vst v45  }
0x12a: {  	v49 =	vmul.f32 v44, v46;
	[tilespmem:s19+$0x16B20] =	vst v25  }
0x12b: {  	[tilespmem:s19+$0x16B30] =	vst v48;
	v23 =	vmul.f32 v23, v22  }
0x12c: {  	[tilespmem:s19+$0x16B40] =	vst v49;
	v22 =	vmul.f32 v47, v22  }
0x12d: {  	[tilespmem:s19+$0x16B50] =	vst v23  }
0x12e: {  	[tilespmem:s19+$0x16B60] =	vst v22  }
0x12f: {  	v22 =	vld.idx.msk [tilespmem:v13+s10+$0x0], $0xffff;
	_ =	sdelay $0x1  }
0x130: {  	v23 =	vld [tilespmem:s19+$0x16B80];
	_ =	sdelay $0x1  }
0x131: {  	v50 =	vld [tilespmem:s19+$0x16B90]  }
0x132: {  	v52 =	vld [tilespmem:s19+$0x16BA0];
	v51 =	vperm.xlane v22, v6  }
0x133: {  	v53 =	vld [tilespmem:s19+$0x16BB0]  }
0x134: {  	v54 =	vld [tilespmem:s19+$0x16BC0];
	v23 =	vmul.f32 v23, v51  }
0x135: {  	v56 =	vld [tilespmem:s19+$0x16BD0];
	v55 =	vperm.xlane v22, v3  }
0x136: {  	v24 =	vmul.f32 v50, v51;
	[tilespmem:s19+$0x16B80] =	vst v23;
	v23 =	vld [tilespmem:s19+$0x16BE0]  }
0x137: {  	v59 =	vld [tilespmem:s19+$0x16BF0];
	v58 =	vperm.xlane v22, v4;
	[tilespmem:s19+$0x16C00] =	vst v22;
	v57 =	vmul.f32 v52, v55  }
0x138: {  	v25 =	vmul.f32 v53, v55;
	[tilespmem:s19+$0x16B90] =	vst v24  }
0x139: {  	v22 =	vperm.xlane v22, v2;
	v60 =	vmul.f32 v54, v58;
	[tilespmem:s19+$0x16BA0] =	vst v57  }
0x13a: {  	v61 =	vmul.f32 v56, v58;
	[tilespmem:s19+$0x16BB0] =	vst v25  }
0x13b: {  	[tilespmem:s19+$0x16BC0] =	vst v60;
	v23 =	vmul.f32 v23, v22  }
0x13c: {  	[tilespmem:s19+$0x16BD0] =	vst v61;
	v22 =	vmul.f32 v59, v22  }
0x13d: {  	[tilespmem:s19+$0x16BE0] =	vst v23  }
0x13e: {  	[tilespmem:s19+$0x16BF0] =	vst v22  }
0x13f: {  	v22 =	vld.idx.msk [tilespmem:v14+s10+$0x0], $0xffff;
	_ =	sdelay $0x1  }
0x140: {  	v23 =	vld [tilespmem:s19+$0x16C10];
	_ =	sdelay $0x1  }
0x141: {  	v62 =	vld [tilespmem:s19+$0x16C20]  }
0x142: {  	v32 =	vld [tilespmem:s19+$0x16C30];
	v63 =	vperm.xlane v22, v6  }
0x143: {  	v33 =	vld [tilespmem:s19+$0x16C40]  }
0x144: {  	v34 =	vld [tilespmem:s19+$0x16C50];
	v23 =	vmul.f32 v23, v63  }
0x145: {  	v36 =	vld [tilespmem:s19+$0x16C60];
	v35 =	vperm.xlane v22, v3  }
0x146: {  	v24 =	vmul.f32 v62, v63;
	[tilespmem:s19+$0x16C10] =	vst v23;
	v23 =	vld [tilespmem:s19+$0x16C70]  }
0x147: {  	v39 =	vld [tilespmem:s19+$0x16C80];
	v38 =	vperm.xlane v22, v4;
	[tilespmem:s19+$0x16C90] =	vst v22;
	v37 =	vmul.f32 v32, v35  }
0x148: {  	v25 =	vmul.f32 v33, v35;
	[tilespmem:s19+$0x16C20] =	vst v24  }
0x149: {  	v22 =	vperm.xlane v22, v2;
	v40 =	vmul.f32 v34, v38;
	[tilespmem:s19+$0x16C30] =	vst v37  }
0x14a: {  	v41 =	vmul.f32 v36, v38;
	[tilespmem:s19+$0x16C40] =	vst v25  }
0x14b: {  	[tilespmem:s19+$0x16C50] =	vst v40;
	v23 =	vmul.f32 v23, v22  }
0x14c: {  	[tilespmem:s19+$0x16C60] =	vst v41;
	v22 =	vmul.f32 v39, v22  }
0x14d: {  	[tilespmem:s19+$0x16C70] =	vst v23  }
0x14e: {  	[tilespmem:s19+$0x16C80] =	vst v22  }
0x14f: {  	v22 =	vld.idx.msk [tilespmem:v15+s10+$0x0], $0xffff;
	_ =	sdelay $0x1  }
0x150: {  	v23 =	vld [tilespmem:s19+$0x16CA0];
	_ =	sdelay $0x1  }
0x151: {  	v42 =	vld [tilespmem:s19+$0x16CB0]  }
0x152: {  	v44 =	vld [tilespmem:s19+$0x16CC0];
	v43 =	vperm.xlane v22, v6  }
0x153: {  	v45 =	vld [tilespmem:s19+$0x16CD0]  }
0x154: {  	v46 =	vld [tilespmem:s19+$0x16CE0];
	v23 =	vmul.f32 v23, v43  }
0x155: {  	v48 =	vld [tilespmem:s19+$0x16CF0];
	v47 =	vperm.xlane v22, v3  }
0x156: {  	v24 =	vmul.f32 v42, v43;
	[tilespmem:s19+$0x16CA0] =	vst v23;
	v23 =	vld [tilespmem:s19+$0x16D00]  }
0x157: {  	v51 =	vld [tilespmem:s19+$0x16D10];
	v50 =	vperm.xlane v22, v4;
	[tilespmem:s19+$0x16D20] =	vst v22;
	v49 =	vmul.f32 v44, v47  }
0x158: {  	v25 =	vmul.f32 v45, v47;
	[tilespmem:s19+$0x16CB0] =	vst v24  }
0x159: {  	v22 =	vperm.xlane v22, v2;
	v52 =	vmul.f32 v46, v50;
	[tilespmem:s19+$0x16CC0] =	vst v49  }
0x15a: {  	v53 =	vmul.f32 v48, v50;
	[tilespmem:s19+$0x16CD0] =	vst v25  }
0x15b: {  	[tilespmem:s19+$0x16CE0] =	vst v52;
	v23 =	vmul.f32 v23, v22  }
0x15c: {  	[tilespmem:s19+$0x16CF0] =	vst v53;
	v22 =	vmul.f32 v51, v22  }
0x15d: {  	[tilespmem:s19+$0x16D00] =	vst v23  }
0x15e: {  	[tilespmem:s19+$0x16D10] =	vst v22  }
0x15f: {  	v22 =	vld.idx.msk [tilespmem:v16+s10+$0x0], $0xffff;
	_ =	sdelay $0x1  }
0x160: {  	v23 =	vld [tilespmem:s19+$0x16D30];
	_ =	sdelay $0x1  }
0x161: {  	v54 =	vld [tilespmem:s19+$0x16D40]  }
0x162: {  	v56 =	vld [tilespmem:s19+$0x16D50];
	v55 =	vperm.xlane v22, v6  }
0x163: {  	v57 =	vld [tilespmem:s19+$0x16D60]  }
0x164: {  	v58 =	vld [tilespmem:s19+$0x16D70];
	v23 =	vmul.f32 v23, v55  }
0x165: {  	v60 =	vld [tilespmem:s19+$0x16D80];
	v59 =	vperm.xlane v22, v3  }
0x166: {  	v24 =	vmul.f32 v54, v55;
	[tilespmem:s19+$0x16D30] =	vst v23;
	v23 =	vld [tilespmem:s19+$0x16D90]  }
0x167: {  	v63 =	vld [tilespmem:s19+$0x16DA0];
	v62 =	vperm.xlane v22, v4;
	[tilespmem:s19+$0x16DB0] =	vst v22;
	v61 =	vmul.f32 v56, v59  }
0x168: {  	v25 =	vmul.f32 v57, v59;
	[tilespmem:s19+$0x16D40] =	vst v24  }
0x169: {  	v22 =	vperm.xlane v22, v2;
	v33 =	vmul.f32 v58, v62;
	[tilespmem:s19+$0x16D50] =	vst v61  }
0x16a: {  	v34 =	vmul.f32 v60, v62;
	[tilespmem:s19+$0x16D60] =	vst v25  }
0x16b: {  	[tilespmem:s19+$0x16D70] =	vst v33;
	v23 =	vmul.f32 v23, v22  }
0x16c: {  	[tilespmem:s19+$0x16D80] =	vst v34;
	v22 =	vmul.f32 v63, v22  }
0x16d: {  	[tilespmem:s19+$0x16D90] =	vst v23  }
0x16e: {  	[tilespmem:s19+$0x16DA0] =	vst v22  }
0x16f: {  	v22 =	vld.idx.msk [tilespmem:v17+s10+$0x0], $0xffff;
	_ =	sdelay $0x1  }
0x170: {  	v23 =	vld [tilespmem:s19+$0x16DC0];
	_ =	sdelay $0x1  }
0x171: {  	v35 =	vld [tilespmem:s19+$0x16DD0]  }
0x172: {  	v37 =	vld [tilespmem:s19+$0x16DE0];
	v36 =	vperm.xlane v22, v6  }
0x173: {  	v38 =	vld [tilespmem:s19+$0x16DF0]  }
0x174: {  	v39 =	vld [tilespmem:s19+$0x16E00];
	v23 =	vmul.f32 v23, v36  }
0x175: {  	v41 =	vld [tilespmem:s19+$0x16E10];
	v40 =	vperm.xlane v22, v3  }
0x176: {  	v24 =	vmul.f32 v35, v36;
	[tilespmem:s19+$0x16DC0] =	vst v23;
	v23 =	vld [tilespmem:s19+$0x16E20]  }
0x177: {  	v44 =	vld [tilespmem:s19+$0x16E30];
	v43 =	vperm.xlane v22, v4;
	[tilespmem:s19+$0x16E40] =	vst v22;
	v42 =	vmul.f32 v37, v40  }
0x178: {  	v25 =	vmul.f32 v38, v40;
	[tilespmem:s19+$0x16DD0] =	vst v24  }
0x179: {  	v22 =	vperm.xlane v22, v2;
	v45 =	vmul.f32 v39, v43;
	[tilespmem:s19+$0x16DE0] =	vst v42  }
0x17a: {  	v46 =	vmul.f32 v41, v43;
	[tilespmem:s19+$0x16DF0] =	vst v25  }
0x17b: {  	[tilespmem:s19+$0x16E00] =	vst v45;
	v23 =	vmul.f32 v23, v22  }
0x17c: {  	[tilespmem:s19+$0x16E10] =	vst v46;
	v22 =	vmul.f32 v44, v22  }
0x17d: {  	[tilespmem:s19+$0x16E20] =	vst v23  }
0x17e: {  	[tilespmem:s19+$0x16E30] =	vst v22  }
0x17f: {  	v22 =	vld.idx.msk [tilespmem:v18+s10+$0x0], $0xffff;
	_ =	sdelay $0x1  }
0x180: {  	v23 =	vld [tilespmem:s19+$0x16E50];
	_ =	sdelay $0x1  }
0x181: {  	v47 =	vld [tilespmem:s19+$0x16E60]  }
0x182: {  	v49 =	vld [tilespmem:s19+$0x16E70];
	v48 =	vperm.xlane v22, v6  }
0x183: {  	v50 =	vld [tilespmem:s19+$0x16E80]  }
0x184: {  	v51 =	vld [tilespmem:s19+$0x16E90];
	v23 =	vmul.f32 v23, v48  }
0x185: {  	v53 =	vld [tilespmem:s19+$0x16EA0];
	v52 =	vperm.xlane v22, v3  }
0x186: {  	v24 =	vmul.f32 v47, v48;
	[tilespmem:s19+$0x16E50] =	vst v23;
	v23 =	vld [tilespmem:s19+$0x16EB0]  }
0x187: {  	v56 =	vld [tilespmem:s19+$0x16EC0];
	v55 =	vperm.xlane v22, v4;
	[tilespmem:s19+$0x16ED0] =	vst v22;
	v54 =	vmul.f32 v49, v52  }
0x188: {  	v25 =	vmul.f32 v50, v52;
	[tilespmem:s19+$0x16E60] =	vst v24  }
0x189: {  	v22 =	vperm.xlane v22, v2;
	v57 =	vmul.f32 v51, v55;
	[tilespmem:s19+$0x16E70] =	vst v54  }
0x18a: {  	v58 =	vmul.f32 v53, v55;
	[tilespmem:s19+$0x16E80] =	vst v25  }
0x18b: {  	[tilespmem:s19+$0x16E90] =	vst v57;
	v23 =	vmul.f32 v23, v22  }
0x18c: {  	[tilespmem:s19+$0x16EA0] =	vst v58;
	v22 =	vmul.f32 v56, v22  }
0x18d: {  	[tilespmem:s19+$0x16EB0] =	vst v23  }
0x18e: {  	[tilespmem:s19+$0x16EC0] =	vst v22  }
0x18f: {  	v22 =	vld.idx.msk [tilespmem:v19+s10+$0x0], $0xffff;
	_ =	sdelay $0x1  }
0x190: {  	v23 =	vld [tilespmem:s19+$0x16EE0];
	_ =	sdelay $0x1  }
0x191: {  	v59 =	vld [tilespmem:s19+$0x16EF0]  }
0x192: {  	v61 =	vld [tilespmem:s19+$0x16F00];
	v60 =	vperm.xlane v22, v6  }
0x193: {  	v62 =	vld [tilespmem:s19+$0x16F10]  }
0x194: {  	v63 =	vld [tilespmem:s19+$0x16F20];
	v23 =	vmul.f32 v23, v60  }
0x195: {  	v34 =	vld [tilespmem:s19+$0x16F30];
	v33 =	vperm.xlane v22, v3  }
0x196: {  	v24 =	vmul.f32 v59, v60;
	[tilespmem:s19+$0x16EE0] =	vst v23;
	v23 =	vld [tilespmem:s19+$0x16F40]  }
0x197: {  	v37 =	vld [tilespmem:s19+$0x16F50];
	v36 =	vperm.xlane v22, v4;
	[tilespmem:s19+$0x16F60] =	vst v22;
	v35 =	vmul.f32 v61, v33  }
0x198: {  	v25 =	vmul.f32 v62, v33;
	[tilespmem:s19+$0x16EF0] =	vst v24  }
0x199: {  	v22 =	vperm.xlane v22, v2;
	v38 =	vmul.f32 v63, v36;
	[tilespmem:s19+$0x16F00] =	vst v35  }
0x19a: {  	v39 =	vmul.f32 v34, v36;
	[tilespmem:s19+$0x16F10] =	vst v25  }
0x19b: {  	[tilespmem:s19+$0x16F20] =	vst v38;
	v23 =	vmul.f32 v23, v22  }
0x19c: {  	[tilespmem:s19+$0x16F30] =	vst v39;
	v22 =	vmul.f32 v37, v22  }
0x19d: {  	[tilespmem:s19+$0x16F40] =	vst v23  }
0x19e: {  	[tilespmem:s19+$0x16F50] =	vst v22  }
0x19f: {  	v22 =	vld.idx.msk [tilespmem:v20+s10+$0x0], $0xffff;
	_ =	sdelay $0x1  }
0x1a0: {  	v23 =	vld [tilespmem:s19+$0x16F70];
	_ =	sdelay $0x1  }
0x1a1: {  	v40 =	vld [tilespmem:s19+$0x16F80]  }
0x1a2: {  	v42 =	vld [tilespmem:s19+$0x16F90];
	v41 =	vperm.xlane v22, v6  }
0x1a3: {  	v43 =	vld [tilespmem:s19+$0x16FA0]  }
0x1a4: {  	v44 =	vld [tilespmem:s19+$0x16FB0];
	v23 =	vmul.f32 v23, v41  }
0x1a5: {  	v46 =	vld [tilespmem:s19+$0x16FC0];
	v45 =	vperm.xlane v22, v3  }
0x1a6: {  	v24 =	vmul.f32 v40, v41;
	[tilespmem:s19+$0x16F70] =	vst v23;
	v23 =	vld [tilespmem:s19+$0x16FD0]  }
0x1a7: {  	v49 =	vld [tilespmem:s19+$0x16FE0];
	v48 =	vperm.xlane v22, v4;
	[tilespmem:s19+$0x16FF0] =	vst v22;
	v47 =	vmul.f32 v42, v45  }
0x1a8: {  	v25 =	vmul.f32 v43, v45;
	[tilespmem:s19+$0x16F80] =	vst v24  }
0x1a9: {  	v22 =	vperm.xlane v22, v2;
	v50 =	vmul.f32 v44, v48;
	[tilespmem:s19+$0x16F90] =	vst v47  }
0x1aa: {  	v51 =	vmul.f32 v46, v48;
	[tilespmem:s19+$0x16FA0] =	vst v25  }
0x1ab: {  	[tilespmem:s19+$0x16FB0] =	vst v50;
	v23 =	vmul.f32 v23, v22  }
0x1ac: {  	[tilespmem:s19+$0x16FC0] =	vst v51;
	v22 =	vmul.f32 v49, v22  }
0x1ad: {  	[tilespmem:s19+$0x16FD0] =	vst v23  }
0x1ae: {  	[tilespmem:s19+$0x16FE0] =	vst v22  }
0x1af: {  	v22 =	vld.idx.msk [tilespmem:v21+s10+$0x0], $0xffff;
	_ =	sdelay $0x1  }
0x1b0: {  	v23 =	vld [tilespmem:s19+$0x17000]  }
0x1b1: {  	v52 =	vld [tilespmem:s19+$0x17010]  }
0x1b2: {  	v57 =	vld [tilespmem:s19+$0x17040]  }
0x1b3: {  	v53 =	vld [tilespmem:s19+$0x17020];
	v54 =	vperm.xlane v22, v6  }
0x1b4: {  	v59 =	vld [tilespmem:s19+$0x17060]  }
0x1b5: {  	v55 =	vld [tilespmem:s19+$0x17030];
	v60 =	vperm.xlane v22, v4;
	v23 =	vmul.f32 v23, v54  }
0x1b6: {  	v61 =	vld [tilespmem:s19+$0x17070];
	v56 =	vperm.xlane v22, v3;
	[tilespmem:s19+$0x17080] =	vst v22;
	v24 =	vmul.f32 v52, v54  }
0x1b7: {  	v58 =	vld [tilespmem:s19+$0x17050];
	v22 =	vperm.xlane v22, v2;
	v62 =	vmul.f32 v57, v60;
	[tilespmem:s19+$0x17000] =	vst v23  }
0x1b8: {  	v23 =	vmul.f32 v53, v56;
	[tilespmem:s19+$0x17010] =	vst v24  }
0x1b9: {  	p1 =	sne.s32 s18, $0x7;
	v63 =	vmul.f32 v59, v22;
	[tilespmem:s19+$0x17040] =	vst v62  }
.Ltmp6:
0x1ba: {  	[tilespmem:s19+$0x17020] =	vst v23;
	v23 =	vmul.f32 v55, v56;
	(pc) =	sbr.rel @p1 .LBB2_5-.Ltmp6, $4  }
0x1bb: {  	v22 =	vmul.f32 v61, v22;
	[tilespmem:s19+$0x17060] =	vst v63  }
0x1bc: {  	[tilespmem:s19+$0x17030] =	vst v23;
	v23 =	vmul.f32 v58, v60  }
0x1bd: {  	[tilespmem:s19+$0x17070] =	vst v22  }
0x1be: {  	s18 =	sadd.s32 $0x1, s18;
	[tilespmem:s19+$0x17050] =	vst v23  }
0x1bf: {  	[spmem:s2] =	stream.indirect.scatter.add.f32 [tilespmem:s29], [sflag:$0x6], $0x90, s31, s4, $0xb8;
	[tilespmem:$0x1F9D0] =	vst v63  }
0x1c0: {  	_ =	swait.ge [sflag:s12], $0x4800  }
0x1c1: {  	[sflag:s12] =	ssyncset.done $0x0  }
0x1c2: {  	[sflag:s12] =	ssyncadd.s32 $0xFFFFB800  }
.LBB2_7:
0x1c3: {  	s0 =	simm.s32 @!p0 $0x2  }
0x1c4: {  	_ =	swait.ge @!p0 [sflag:s0], $0x4800  }
0x1c5: {  	[sflag:s0] =	ssyncset.done @!p0 $0x0  }
0x1c6: {  	[sflag:s0] =	ssyncadd.s32 @!p0 $0xFFFFB800;
	s0 =	simm.s32 @!p0 $0x4  }
0x1c7: {  	s17 =	sadd.s32 s22, s17;
	_ =	swait.ge @!p0 [sflag:s0], $0x400  }
0x1c8: {  	p1 =	sgt.u32 s17, $0x9C3;
	[sflag:s0] =	ssyncset.done @!p0 $0x0  }
0x1c9: {  	[sflag:s0] =	ssyncadd.s32 @!p0 $0xFFFFFC00;
	s0 =	sshll.u32 @!p1 s17, $0x4  }
0x1ca: {  	s18 =	simm.s32 @!p1 $0x0;
	s19 =	simm.s32 @!p1 $0x1F790;
	s17 =	sadd.s32 @!p1 s1, s0  }
0x1cb: {  	[tilespmem:s19], [sflag:$0x6] =	stream.linear.gather @!p1 [hbm4b:s17+s18], $0x80, $0x38;
	[tilespmem:$0x1F9D0] =	vst v63  }
0x1cc: {  	s17 =	simm.s32 @!p1 $0x6  }
0x1cd: {  	_ =	swait.ge @!p1 [sflag:s17], $0x80  }
0x1ce: {  	[sflag:s17] =	ssyncset.done @!p1 $0x0  }
0x1cf: {  	s20 =	simm.s32 @!p1 $0x1F890;
	s0 =	sadd.s32 @!p1 s0, s7;
	[sflag:s17] =	ssyncadd.s32 @!p1 $0xFFFFFF80  }
0x1d0: {  	[tilespmem:s20], [sflag:$0x6] =	stream.linear.gather @!p1 [hbm4b:s0+s18], $0x80, $0x38;
	[tilespmem:$0x1F9D0] =	vst v63  }
0x1d1: {  	_ =	swait.ge @!p1 [sflag:s17], $0x80  }
0x1d2: {  	s0 =	simm.s32 @!p1 $0x80;
	[sflag:s17] =	ssyncset.done @!p1 $0x0  }
.Ltmp7:
0x1d3: {  	[sflag:s17] =	ssyncadd.s32 @!p1 $0xFFFFFF80;
	s17 =	simm.s32 @!p1 $0x16790;
	(pc) =	sbr.rel @p0 .LBB2_10-.Ltmp7, $4  }
0x1d4: {  	[tilespmem:s17], [sflag:$0x1] =	stream.indirect.gather @!p1 [hbm4b:s5+s0], $0x90, s20, s0, $0xb8;
	[tilespmem:$0x1F9D0] =	vst v63  }
0x1d5: {  	s17 =	simm.s32 @!p1 $0x15F90  }
0x1d6: {  	[tilespmem:s17], [sflag:$0x3] =	stream.indirect.gather @!p1 [hbm4b:s6+s0], $0x8, s19, s0, $0xb8;
	[tilespmem:$0x1F9D0] =	vst v63  }
0x1d7: {  	s17 =	simm.s32 $0x0  }
.LBB2_8:
0x1d8: {  	s0 =	sshll.u32 s17, $0x4  }
0x1d9: {  	v22 =	vor.u32 s0, v1  }
0x1da: {  	v23 =	vmul.u32 $0x90, v22  }
0x1db: {  	v22 =	vshll.u32 v22, $0x3  }
0x1dc: {  	v24 =	vadd.s32 $0x80, v23;
	_ =	sdelay $0x3  }
0x1dd: {  	v25 =	vld.idx.msk [tilespmem:v22+s13+$0x0], $0xffff  }
0x1de: {  	v24 =	vld.idx.msk [tilespmem:v24+s14+$0x0], $0xffff;
	_ =	sdelay $0x4  }
0x1df: {  	v24 =	vadd.f32 v24, v25;
	_ =	sdelay $0x1  }
0x1e0: {  	v25 =	vmul.f32 $2.000000030e-01, v24;
	_ =	sdelay $0x1  }
0x1e1: {  	v24 =	vmax.f32 v24, v25  }
0x1e2: {  	v24 =	vsub.f32 $0.0e+00, v24;
	_ =	sdelay $0x1  }
0x1e3: {  	v24 =	vmul.f32 $1.442695020e+00, v24;
	_ =	sdelay $0x1  }
0x1e4: {  	(erf) = vpow2.f32 v24;
	_ =	sdelay $0x5  }
0x1e5: {  	v31 =	vor.u32 $0x1, v22  }
0x1e6: {  	v32 =	vadd.s32 $0x81, v23;
	_ =	sdelay $0x1  }
0x1e7: {  	v26 =	vpop (erf)  }
0x1e8: {  	[tilespmem:$0x1F990] =	vst v26  }
0x1e9: {  	v24 =	vld.idx.msk [tilespmem:v31+s13+$0x0], $0xffff  }
0x1ea: {  	v25 =	vld.idx.msk [tilespmem:v32+s14+$0x0], $0xffff;
	_ =	sdelay $0x4  }
0x1eb: {  	v24 =	vadd.f32 v25, v24;
	_ =	sdelay $0x1  }
0x1ec: {  	v25 =	vmul.f32 $2.000000030e-01, v24;
	_ =	sdelay $0x1  }
0x1ed: {  	v24 =	vmax.f32 v24, v25  }
0x1ee: {  	v24 =	vsub.f32 $0.0e+00, v24;
	_ =	sdelay $0x1  }
0x1ef: {  	v24 =	vmul.f32 $1.442695020e+00, v24;
	_ =	sdelay $0x1  }
0x1f0: {  	(erf) = vpow2.f32 v24;
	_ =	sdelay $0x5  }
0x1f1: {  	v33 =	vor.u32 $0x2, v22  }
0x1f2: {  	v34 =	vadd.s32 $0x82, v23;
	_ =	sdelay $0x1  }
0x1f3: {  	v35 =	vpop (erf)  }
0x1f4: {  	[tilespmem:$0x1F9A0] =	vst v35  }
0x1f5: {  	v24 =	vld.idx.msk [tilespmem:v33+s13+$0x0], $0xffff  }
0x1f6: {  	v25 =	vld.idx.msk [tilespmem:v34+s14+$0x0], $0xffff;
	_ =	sdelay $0x4  }
0x1f7: {  	v24 =	vadd.f32 v25, v24;
	_ =	sdelay $0x1  }
0x1f8: {  	v25 =	vmul.f32 $2.000000030e-01, v24;
	_ =	sdelay $0x1  }
0x1f9: {  	v24 =	vmax.f32 v24, v25  }
0x1fa: {  	v24 =	vsub.f32 $0.0e+00, v24;
	_ =	sdelay $0x1  }
0x1fb: {  	v24 =	vmul.f32 $1.442695020e+00, v24;
	_ =	sdelay $0x1  }
0x1fc: {  	(erf) = vpow2.f32 v24;
	_ =	sdelay $0x5  }
0x1fd: {  	v22 =	vor.u32 $0x3, v22  }
0x1fe: {  	v23 =	vadd.s32 $0x83, v23;
	_ =	sdelay $0x1  }
0x1ff: {  	v24 =	vpop (erf)  }
0x200: {  	[tilespmem:$0x1F9B0] =	vst v24  }
0x201: {  	v22 =	vld.idx.msk [tilespmem:v22+s13+$0x0], $0xffff  }
0x202: {  	v23 =	vld.idx.msk [tilespmem:v23+s14+$0x0], $0xffff;
	_ =	sdelay $0x4  }
0x203: {  	v22 =	vadd.f32 v23, v22;
	_ =	sdelay $0x1  }
0x204: {  	v23 =	vmul.f32 $2.000000030e-01, v22;
	_ =	sdelay $0x1  }
0x205: {  	v22 =	vmax.f32 v22, v23  }
0x206: {  	v22 =	vsub.f32 $0.0e+00, v22;
	_ =	sdelay $0x1  }
0x207: {  	v22 =	vmul.f32 $1.442695020e+00, v22;
	_ =	sdelay $0x1  }
0x208: {  	(erf) = vpow2.f32 v22;
	_ =	sdelay $0x8  }
0x209: {  	v22 =	vpop (erf)  }
0x20a: {  	s21 =	smul.u32 $0x2400, s17;
	[tilespmem:$0x1F9C0] =	vst v22  }
0x20b: {  	v22 =	vld.idx.msk [tilespmem:v5+s10+$0x0], $0xffff  }
0x20c: {  	s18 =	sshra.s32 s21, $0x2  }
0x20d: {  	v23 =	vld [tilespmem:s18+$0x1AF90];
	_ =	sdelay $0x1  }
0x20e: {  	v24 =	vld [tilespmem:s18+$0x1AFA0]  }
0x20f: {  	v26 =	vld [tilespmem:s18+$0x1AFB0];
	v36 =	vperm.xlane v22, v6  }
0x210: {  	v27 =	vld [tilespmem:s18+$0x1AFC0]  }
0x211: {  	v28 =	vld [tilespmem:s18+$0x1AFD0];
	v23 =	vmul.f32 v23, v36  }
0x212: {  	v29 =	vld [tilespmem:s18+$0x1AFE0];
	v37 =	vperm.xlane v22, v3  }
0x213: {  	v24 =	vmul.f32 v24, v36;
	[tilespmem:s18+$0x1AF90] =	vst v23;
	v23 =	vld [tilespmem:s18+$0x1AFF0]  }
0x214: {  	v30 =	vld [tilespmem:s18+$0x1B000];
	v39 =	vperm.xlane v22, v4;
	[tilespmem:s18+$0x1B010] =	vst v22;
	v38 =	vmul.f32 v26, v37  }
0x215: {  	v25 =	vmul.f32 v27, v37;
	[tilespmem:s18+$0x1AFA0] =	vst v24  }
0x216: {  	v22 =	vperm.xlane v22, v2;
	v40 =	vmul.f32 v28, v39;
	[tilespmem:s18+$0x1AFB0] =	vst v38  }
0x217: {  	v41 =	vmul.f32 v29, v39;
	[tilespmem:s18+$0x1AFC0] =	vst v25  }
0x218: {  	[tilespmem:s18+$0x1AFD0] =	vst v40;
	v23 =	vmul.f32 v23, v22  }
0x219: {  	[tilespmem:s18+$0x1AFE0] =	vst v41;
	v22 =	vmul.f32 v30, v22  }
0x21a: {  	[tilespmem:s18+$0x1AFF0] =	vst v23  }
0x21b: {  	[tilespmem:s18+$0x1B000] =	vst v22  }
0x21c: {  	v22 =	vld.idx.msk [tilespmem:v7+s10+$0x0], $0xffff;
	_ =	sdelay $0x1  }
0x21d: {  	v23 =	vld [tilespmem:s18+$0x1B020];
	_ =	sdelay $0x1  }
0x21e: {  	v42 =	vld [tilespmem:s18+$0x1B030]  }
0x21f: {  	v44 =	vld [tilespmem:s18+$0x1B040];
	v43 =	vperm.xlane v22, v6  }
0x220: {  	v45 =	vld [tilespmem:s18+$0x1B050]  }
0x221: {  	v46 =	vld [tilespmem:s18+$0x1B060];
	v23 =	vmul.f32 v23, v43  }
0x222: {  	v48 =	vld [tilespmem:s18+$0x1B070];
	v47 =	vperm.xlane v22, v3  }
0x223: {  	v24 =	vmul.f32 v42, v43;
	[tilespmem:s18+$0x1B020] =	vst v23;
	v23 =	vld [tilespmem:s18+$0x1B080]  }
0x224: {  	v51 =	vld [tilespmem:s18+$0x1B090];
	v50 =	vperm.xlane v22, v4;
	[tilespmem:s18+$0x1B0A0] =	vst v22;
	v49 =	vmul.f32 v44, v47  }
0x225: {  	v25 =	vmul.f32 v45, v47;
	[tilespmem:s18+$0x1B030] =	vst v24  }
0x226: {  	v22 =	vperm.xlane v22, v2;
	v52 =	vmul.f32 v46, v50;
	[tilespmem:s18+$0x1B040] =	vst v49  }
0x227: {  	v53 =	vmul.f32 v48, v50;
	[tilespmem:s18+$0x1B050] =	vst v25  }
0x228: {  	[tilespmem:s18+$0x1B060] =	vst v52;
	v23 =	vmul.f32 v23, v22  }
0x229: {  	[tilespmem:s18+$0x1B070] =	vst v53;
	v22 =	vmul.f32 v51, v22  }
0x22a: {  	[tilespmem:s18+$0x1B080] =	vst v23  }
0x22b: {  	[tilespmem:s18+$0x1B090] =	vst v22  }
0x22c: {  	v22 =	vld.idx.msk [tilespmem:v8+s10+$0x0], $0xffff;
	_ =	sdelay $0x1  }
0x22d: {  	v23 =	vld [tilespmem:s18+$0x1B0B0];
	_ =	sdelay $0x1  }
0x22e: {  	v54 =	vld [tilespmem:s18+$0x1B0C0]  }
0x22f: {  	v56 =	vld [tilespmem:s18+$0x1B0D0];
	v55 =	vperm.xlane v22, v6  }
0x230: {  	v57 =	vld [tilespmem:s18+$0x1B0E0]  }
0x231: {  	v58 =	vld [tilespmem:s18+$0x1B0F0];
	v23 =	vmul.f32 v23, v55  }
0x232: {  	v60 =	vld [tilespmem:s18+$0x1B100];
	v59 =	vperm.xlane v22, v3  }
0x233: {  	v24 =	vmul.f32 v54, v55;
	[tilespmem:s18+$0x1B0B0] =	vst v23;
	v23 =	vld [tilespmem:s18+$0x1B110]  }
0x234: {  	v63 =	vld [tilespmem:s18+$0x1B120];
	v62 =	vperm.xlane v22, v4;
	[tilespmem:s18+$0x1B130] =	vst v22;
	v61 =	vmul.f32 v56, v59  }
0x235: {  	v25 =	vmul.f32 v57, v59;
	[tilespmem:s18+$0x1B0C0] =	vst v24  }
0x236: {  	v22 =	vperm.xlane v22, v2;
	v31 =	vmul.f32 v58, v62;
	[tilespmem:s18+$0x1B0D0] =	vst v61  }
0x237: {  	v32 =	vmul.f32 v60, v62;
	[tilespmem:s18+$0x1B0E0] =	vst v25  }
0x238: {  	[tilespmem:s18+$0x1B0F0] =	vst v31;
	v23 =	vmul.f32 v23, v22  }
0x239: {  	[tilespmem:s18+$0x1B100] =	vst v32;
	v22 =	vmul.f32 v63, v22  }
0x23a: {  	[tilespmem:s18+$0x1B110] =	vst v23  }
0x23b: {  	[tilespmem:s18+$0x1B120] =	vst v22  }
0x23c: {  	v22 =	vld.idx.msk [tilespmem:v9+s10+$0x0], $0xffff;
	_ =	sdelay $0x1  }
0x23d: {  	v23 =	vld [tilespmem:s18+$0x1B140];
	_ =	sdelay $0x1  }
0x23e: {  	v33 =	vld [tilespmem:s18+$0x1B150]  }
0x23f: {  	v35 =	vld [tilespmem:s18+$0x1B160];
	v34 =	vperm.xlane v22, v6  }
0x240: {  	v36 =	vld [tilespmem:s18+$0x1B170]  }
0x241: {  	v37 =	vld [tilespmem:s18+$0x1B180];
	v23 =	vmul.f32 v23, v34  }
0x242: {  	v39 =	vld [tilespmem:s18+$0x1B190];
	v38 =	vperm.xlane v22, v3  }
0x243: {  	v24 =	vmul.f32 v33, v34;
	[tilespmem:s18+$0x1B140] =	vst v23;
	v23 =	vld [tilespmem:s18+$0x1B1A0]  }
0x244: {  	v42 =	vld [tilespmem:s18+$0x1B1B0];
	v41 =	vperm.xlane v22, v4;
	[tilespmem:s18+$0x1B1C0] =	vst v22;
	v40 =	vmul.f32 v35, v38  }
0x245: {  	v25 =	vmul.f32 v36, v38;
	[tilespmem:s18+$0x1B150] =	vst v24  }
0x246: {  	v22 =	vperm.xlane v22, v2;
	v43 =	vmul.f32 v37, v41;
	[tilespmem:s18+$0x1B160] =	vst v40  }
0x247: {  	v44 =	vmul.f32 v39, v41;
	[tilespmem:s18+$0x1B170] =	vst v25  }
0x248: {  	[tilespmem:s18+$0x1B180] =	vst v43;
	v23 =	vmul.f32 v23, v22  }
0x249: {  	[tilespmem:s18+$0x1B190] =	vst v44;
	v22 =	vmul.f32 v42, v22  }
0x24a: {  	[tilespmem:s18+$0x1B1A0] =	vst v23  }
0x24b: {  	[tilespmem:s18+$0x1B1B0] =	vst v22  }
0x24c: {  	v22 =	vld.idx.msk [tilespmem:v10+s10+$0x0], $0xffff;
	_ =	sdelay $0x1  }
0x24d: {  	v23 =	vld [tilespmem:s18+$0x1B1D0];
	_ =	sdelay $0x1  }
0x24e: {  	v45 =	vld [tilespmem:s18+$0x1B1E0]  }
0x24f: {  	v47 =	vld [tilespmem:s18+$0x1B1F0];
	v46 =	vperm.xlane v22, v6  }
0x250: {  	v48 =	vld [tilespmem:s18+$0x1B200]  }
0x251: {  	v49 =	vld [tilespmem:s18+$0x1B210];
	v23 =	vmul.f32 v23, v46  }
0x252: {  	v51 =	vld [tilespmem:s18+$0x1B220];
	v50 =	vperm.xlane v22, v3  }
0x253: {  	v24 =	vmul.f32 v45, v46;
	[tilespmem:s18+$0x1B1D0] =	vst v23;
	v23 =	vld [tilespmem:s18+$0x1B230]  }
0x254: {  	v54 =	vld [tilespmem:s18+$0x1B240];
	v53 =	vperm.xlane v22, v4;
	[tilespmem:s18+$0x1B250] =	vst v22;
	v52 =	vmul.f32 v47, v50  }
0x255: {  	v25 =	vmul.f32 v48, v50;
	[tilespmem:s18+$0x1B1E0] =	vst v24  }
0x256: {  	v22 =	vperm.xlane v22, v2;
	v55 =	vmul.f32 v49, v53;
	[tilespmem:s18+$0x1B1F0] =	vst v52  }
0x257: {  	v56 =	vmul.f32 v51, v53;
	[tilespmem:s18+$0x1B200] =	vst v25  }
0x258: {  	[tilespmem:s18+$0x1B210] =	vst v55;
	v23 =	vmul.f32 v23, v22  }
0x259: {  	[tilespmem:s18+$0x1B220] =	vst v56;
	v22 =	vmul.f32 v54, v22  }
0x25a: {  	[tilespmem:s18+$0x1B230] =	vst v23  }
0x25b: {  	[tilespmem:s18+$0x1B240] =	vst v22  }
0x25c: {  	v22 =	vld.idx.msk [tilespmem:v11+s10+$0x0], $0xffff;
	_ =	sdelay $0x1  }
0x25d: {  	v23 =	vld [tilespmem:s18+$0x1B260];
	_ =	sdelay $0x1  }
0x25e: {  	v57 =	vld [tilespmem:s18+$0x1B270]  }
0x25f: {  	v59 =	vld [tilespmem:s18+$0x1B280];
	v58 =	vperm.xlane v22, v6  }
0x260: {  	v60 =	vld [tilespmem:s18+$0x1B290]  }
0x261: {  	v61 =	vld [tilespmem:s18+$0x1B2A0];
	v23 =	vmul.f32 v23, v58  }
0x262: {  	v63 =	vld [tilespmem:s18+$0x1B2B0];
	v62 =	vperm.xlane v22, v3  }
0x263: {  	v24 =	vmul.f32 v57, v58;
	[tilespmem:s18+$0x1B260] =	vst v23;
	v23 =	vld [tilespmem:s18+$0x1B2C0]  }
0x264: {  	v35 =	vld [tilespmem:s18+$0x1B2D0];
	v34 =	vperm.xlane v22, v4;
	[tilespmem:s18+$0x1B2E0] =	vst v22;
	v33 =	vmul.f32 v59, v62  }
0x265: {  	v25 =	vmul.f32 v60, v62;
	[tilespmem:s18+$0x1B270] =	vst v24  }
0x266: {  	v22 =	vperm.xlane v22, v2;
	v36 =	vmul.f32 v61, v34;
	[tilespmem:s18+$0x1B280] =	vst v33  }
0x267: {  	v37 =	vmul.f32 v63, v34;
	[tilespmem:s18+$0x1B290] =	vst v25  }
0x268: {  	[tilespmem:s18+$0x1B2A0] =	vst v36;
	v23 =	vmul.f32 v23, v22  }
0x269: {  	[tilespmem:s18+$0x1B2B0] =	vst v37;
	v22 =	vmul.f32 v35, v22  }
0x26a: {  	[tilespmem:s18+$0x1B2C0] =	vst v23  }
0x26b: {  	[tilespmem:s18+$0x1B2D0] =	vst v22  }
0x26c: {  	v22 =	vld.idx.msk [tilespmem:v12+s10+$0x0], $0xffff;
	_ =	sdelay $0x1  }
0x26d: {  	v23 =	vld [tilespmem:s18+$0x1B2F0];
	_ =	sdelay $0x1  }
0x26e: {  	v38 =	vld [tilespmem:s18+$0x1B300]  }
0x26f: {  	v40 =	vld [tilespmem:s18+$0x1B310];
	v39 =	vperm.xlane v22, v6  }
0x270: {  	v41 =	vld [tilespmem:s18+$0x1B320]  }
0x271: {  	v42 =	vld [tilespmem:s18+$0x1B330];
	v23 =	vmul.f32 v23, v39  }
0x272: {  	v44 =	vld [tilespmem:s18+$0x1B340];
	v43 =	vperm.xlane v22, v3  }
0x273: {  	v24 =	vmul.f32 v38, v39;
	[tilespmem:s18+$0x1B2F0] =	vst v23;
	v23 =	vld [tilespmem:s18+$0x1B350]  }
0x274: {  	v47 =	vld [tilespmem:s18+$0x1B360];
	v46 =	vperm.xlane v22, v4;
	[tilespmem:s18+$0x1B370] =	vst v22;
	v45 =	vmul.f32 v40, v43  }
0x275: {  	v25 =	vmul.f32 v41, v43;
	[tilespmem:s18+$0x1B300] =	vst v24  }
0x276: {  	v22 =	vperm.xlane v22, v2;
	v48 =	vmul.f32 v42, v46;
	[tilespmem:s18+$0x1B310] =	vst v45  }
0x277: {  	v49 =	vmul.f32 v44, v46;
	[tilespmem:s18+$0x1B320] =	vst v25  }
0x278: {  	[tilespmem:s18+$0x1B330] =	vst v48;
	v23 =	vmul.f32 v23, v22  }
0x279: {  	[tilespmem:s18+$0x1B340] =	vst v49;
	v22 =	vmul.f32 v47, v22  }
0x27a: {  	[tilespmem:s18+$0x1B350] =	vst v23  }
0x27b: {  	[tilespmem:s18+$0x1B360] =	vst v22  }
0x27c: {  	v22 =	vld.idx.msk [tilespmem:v13+s10+$0x0], $0xffff;
	_ =	sdelay $0x1  }
0x27d: {  	v23 =	vld [tilespmem:s18+$0x1B380];
	_ =	sdelay $0x1  }
0x27e: {  	v50 =	vld [tilespmem:s18+$0x1B390]  }
0x27f: {  	v52 =	vld [tilespmem:s18+$0x1B3A0];
	v51 =	vperm.xlane v22, v6  }
0x280: {  	v53 =	vld [tilespmem:s18+$0x1B3B0]  }
0x281: {  	v54 =	vld [tilespmem:s18+$0x1B3C0];
	v23 =	vmul.f32 v23, v51  }
0x282: {  	v56 =	vld [tilespmem:s18+$0x1B3D0];
	v55 =	vperm.xlane v22, v3  }
0x283: {  	v24 =	vmul.f32 v50, v51;
	[tilespmem:s18+$0x1B380] =	vst v23;
	v23 =	vld [tilespmem:s18+$0x1B3E0]  }
0x284: {  	v59 =	vld [tilespmem:s18+$0x1B3F0];
	v58 =	vperm.xlane v22, v4;
	[tilespmem:s18+$0x1B400] =	vst v22;
	v57 =	vmul.f32 v52, v55  }
0x285: {  	v25 =	vmul.f32 v53, v55;
	[tilespmem:s18+$0x1B390] =	vst v24  }
0x286: {  	v22 =	vperm.xlane v22, v2;
	v60 =	vmul.f32 v54, v58;
	[tilespmem:s18+$0x1B3A0] =	vst v57  }
0x287: {  	v61 =	vmul.f32 v56, v58;
	[tilespmem:s18+$0x1B3B0] =	vst v25  }
0x288: {  	[tilespmem:s18+$0x1B3C0] =	vst v60;
	v23 =	vmul.f32 v23, v22  }
0x289: {  	[tilespmem:s18+$0x1B3D0] =	vst v61;
	v22 =	vmul.f32 v59, v22  }
0x28a: {  	[tilespmem:s18+$0x1B3E0] =	vst v23  }
0x28b: {  	[tilespmem:s18+$0x1B3F0] =	vst v22  }
0x28c: {  	v22 =	vld.idx.msk [tilespmem:v14+s10+$0x0], $0xffff;
	_ =	sdelay $0x1  }
0x28d: {  	v23 =	vld [tilespmem:s18+$0x1B410];
	_ =	sdelay $0x1  }
0x28e: {  	v62 =	vld [tilespmem:s18+$0x1B420]  }
0x28f: {  	v32 =	vld [tilespmem:s18+$0x1B430];
	v63 =	vperm.xlane v22, v6  }
0x290: {  	v33 =	vld [tilespmem:s18+$0x1B440]  }
0x291: {  	v34 =	vld [tilespmem:s18+$0x1B450];
	v23 =	vmul.f32 v23, v63  }
0x292: {  	v36 =	vld [tilespmem:s18+$0x1B460];
	v35 =	vperm.xlane v22, v3  }
0x293: {  	v24 =	vmul.f32 v62, v63;
	[tilespmem:s18+$0x1B410] =	vst v23;
	v23 =	vld [tilespmem:s18+$0x1B470]  }
0x294: {  	v39 =	vld [tilespmem:s18+$0x1B480];
	v38 =	vperm.xlane v22, v4;
	[tilespmem:s18+$0x1B490] =	vst v22;
	v37 =	vmul.f32 v32, v35  }
0x295: {  	v25 =	vmul.f32 v33, v35;
	[tilespmem:s18+$0x1B420] =	vst v24  }
0x296: {  	v22 =	vperm.xlane v22, v2;
	v40 =	vmul.f32 v34, v38;
	[tilespmem:s18+$0x1B430] =	vst v37  }
0x297: {  	v41 =	vmul.f32 v36, v38;
	[tilespmem:s18+$0x1B440] =	vst v25  }
0x298: {  	[tilespmem:s18+$0x1B450] =	vst v40;
	v23 =	vmul.f32 v23, v22  }
0x299: {  	[tilespmem:s18+$0x1B460] =	vst v41;
	v22 =	vmul.f32 v39, v22  }
0x29a: {  	[tilespmem:s18+$0x1B470] =	vst v23  }
0x29b: {  	[tilespmem:s18+$0x1B480] =	vst v22  }
0x29c: {  	v22 =	vld.idx.msk [tilespmem:v15+s10+$0x0], $0xffff;
	_ =	sdelay $0x1  }
0x29d: {  	v23 =	vld [tilespmem:s18+$0x1B4A0];
	_ =	sdelay $0x1  }
0x29e: {  	v42 =	vld [tilespmem:s18+$0x1B4B0]  }
0x29f: {  	v44 =	vld [tilespmem:s18+$0x1B4C0];
	v43 =	vperm.xlane v22, v6  }
0x2a0: {  	v45 =	vld [tilespmem:s18+$0x1B4D0]  }
0x2a1: {  	v46 =	vld [tilespmem:s18+$0x1B4E0];
	v23 =	vmul.f32 v23, v43  }
0x2a2: {  	v48 =	vld [tilespmem:s18+$0x1B4F0];
	v47 =	vperm.xlane v22, v3  }
0x2a3: {  	v24 =	vmul.f32 v42, v43;
	[tilespmem:s18+$0x1B4A0] =	vst v23;
	v23 =	vld [tilespmem:s18+$0x1B500]  }
0x2a4: {  	v51 =	vld [tilespmem:s18+$0x1B510];
	v50 =	vperm.xlane v22, v4;
	[tilespmem:s18+$0x1B520] =	vst v22;
	v49 =	vmul.f32 v44, v47  }
0x2a5: {  	v25 =	vmul.f32 v45, v47;
	[tilespmem:s18+$0x1B4B0] =	vst v24  }
0x2a6: {  	v22 =	vperm.xlane v22, v2;
	v52 =	vmul.f32 v46, v50;
	[tilespmem:s18+$0x1B4C0] =	vst v49  }
0x2a7: {  	v53 =	vmul.f32 v48, v50;
	[tilespmem:s18+$0x1B4D0] =	vst v25  }
0x2a8: {  	[tilespmem:s18+$0x1B4E0] =	vst v52;
	v23 =	vmul.f32 v23, v22  }
0x2a9: {  	[tilespmem:s18+$0x1B4F0] =	vst v53;
	v22 =	vmul.f32 v51, v22  }
0x2aa: {  	[tilespmem:s18+$0x1B500] =	vst v23  }
0x2ab: {  	[tilespmem:s18+$0x1B510] =	vst v22  }
0x2ac: {  	v22 =	vld.idx.msk [tilespmem:v16+s10+$0x0], $0xffff;
	_ =	sdelay $0x1  }
0x2ad: {  	v23 =	vld [tilespmem:s18+$0x1B530];
	_ =	sdelay $0x1  }
0x2ae: {  	v54 =	vld [tilespmem:s18+$0x1B540]  }
0x2af: {  	v56 =	vld [tilespmem:s18+$0x1B550];
	v55 =	vperm.xlane v22, v6  }
0x2b0: {  	v57 =	vld [tilespmem:s18+$0x1B560]  }
0x2b1: {  	v58 =	vld [tilespmem:s18+$0x1B570];
	v23 =	vmul.f32 v23, v55  }
0x2b2: {  	v60 =	vld [tilespmem:s18+$0x1B580];
	v59 =	vperm.xlane v22, v3  }
0x2b3: {  	v24 =	vmul.f32 v54, v55;
	[tilespmem:s18+$0x1B530] =	vst v23;
	v23 =	vld [tilespmem:s18+$0x1B590]  }
0x2b4: {  	v63 =	vld [tilespmem:s18+$0x1B5A0];
	v62 =	vperm.xlane v22, v4;
	[tilespmem:s18+$0x1B5B0] =	vst v22;
	v61 =	vmul.f32 v56, v59  }
0x2b5: {  	v25 =	vmul.f32 v57, v59;
	[tilespmem:s18+$0x1B540] =	vst v24  }
0x2b6: {  	v22 =	vperm.xlane v22, v2;
	v33 =	vmul.f32 v58, v62;
	[tilespmem:s18+$0x1B550] =	vst v61  }
0x2b7: {  	v34 =	vmul.f32 v60, v62;
	[tilespmem:s18+$0x1B560] =	vst v25  }
0x2b8: {  	[tilespmem:s18+$0x1B570] =	vst v33;
	v23 =	vmul.f32 v23, v22  }
0x2b9: {  	[tilespmem:s18+$0x1B580] =	vst v34;
	v22 =	vmul.f32 v63, v22  }
0x2ba: {  	[tilespmem:s18+$0x1B590] =	vst v23  }
0x2bb: {  	[tilespmem:s18+$0x1B5A0] =	vst v22  }
0x2bc: {  	v22 =	vld.idx.msk [tilespmem:v17+s10+$0x0], $0xffff;
	_ =	sdelay $0x1  }
0x2bd: {  	v23 =	vld [tilespmem:s18+$0x1B5C0];
	_ =	sdelay $0x1  }
0x2be: {  	v35 =	vld [tilespmem:s18+$0x1B5D0]  }
0x2bf: {  	v37 =	vld [tilespmem:s18+$0x1B5E0];
	v36 =	vperm.xlane v22, v6  }
0x2c0: {  	v38 =	vld [tilespmem:s18+$0x1B5F0]  }
0x2c1: {  	v39 =	vld [tilespmem:s18+$0x1B600];
	v23 =	vmul.f32 v23, v36  }
0x2c2: {  	v41 =	vld [tilespmem:s18+$0x1B610];
	v40 =	vperm.xlane v22, v3  }
0x2c3: {  	v24 =	vmul.f32 v35, v36;
	[tilespmem:s18+$0x1B5C0] =	vst v23;
	v23 =	vld [tilespmem:s18+$0x1B620]  }
0x2c4: {  	v44 =	vld [tilespmem:s18+$0x1B630];
	v43 =	vperm.xlane v22, v4;
	[tilespmem:s18+$0x1B640] =	vst v22;
	v42 =	vmul.f32 v37, v40  }
0x2c5: {  	v25 =	vmul.f32 v38, v40;
	[tilespmem:s18+$0x1B5D0] =	vst v24  }
0x2c6: {  	v22 =	vperm.xlane v22, v2;
	v45 =	vmul.f32 v39, v43;
	[tilespmem:s18+$0x1B5E0] =	vst v42  }
0x2c7: {  	v46 =	vmul.f32 v41, v43;
	[tilespmem:s18+$0x1B5F0] =	vst v25  }
0x2c8: {  	[tilespmem:s18+$0x1B600] =	vst v45;
	v23 =	vmul.f32 v23, v22  }
0x2c9: {  	[tilespmem:s18+$0x1B610] =	vst v46;
	v22 =	vmul.f32 v44, v22  }
0x2ca: {  	[tilespmem:s18+$0x1B620] =	vst v23  }
0x2cb: {  	[tilespmem:s18+$0x1B630] =	vst v22  }
0x2cc: {  	v22 =	vld.idx.msk [tilespmem:v18+s10+$0x0], $0xffff;
	_ =	sdelay $0x1  }
0x2cd: {  	v23 =	vld [tilespmem:s18+$0x1B650];
	_ =	sdelay $0x1  }
0x2ce: {  	v47 =	vld [tilespmem:s18+$0x1B660]  }
0x2cf: {  	v49 =	vld [tilespmem:s18+$0x1B670];
	v48 =	vperm.xlane v22, v6  }
0x2d0: {  	v50 =	vld [tilespmem:s18+$0x1B680]  }
0x2d1: {  	v51 =	vld [tilespmem:s18+$0x1B690];
	v23 =	vmul.f32 v23, v48  }
0x2d2: {  	v53 =	vld [tilespmem:s18+$0x1B6A0];
	v52 =	vperm.xlane v22, v3  }
0x2d3: {  	v24 =	vmul.f32 v47, v48;
	[tilespmem:s18+$0x1B650] =	vst v23;
	v23 =	vld [tilespmem:s18+$0x1B6B0]  }
0x2d4: {  	v56 =	vld [tilespmem:s18+$0x1B6C0];
	v55 =	vperm.xlane v22, v4;
	[tilespmem:s18+$0x1B6D0] =	vst v22;
	v54 =	vmul.f32 v49, v52  }
0x2d5: {  	v25 =	vmul.f32 v50, v52;
	[tilespmem:s18+$0x1B660] =	vst v24  }
0x2d6: {  	v22 =	vperm.xlane v22, v2;
	v57 =	vmul.f32 v51, v55;
	[tilespmem:s18+$0x1B670] =	vst v54  }
0x2d7: {  	v58 =	vmul.f32 v53, v55;
	[tilespmem:s18+$0x1B680] =	vst v25  }
0x2d8: {  	[tilespmem:s18+$0x1B690] =	vst v57;
	v23 =	vmul.f32 v23, v22  }
0x2d9: {  	[tilespmem:s18+$0x1B6A0] =	vst v58;
	v22 =	vmul.f32 v56, v22  }
0x2da: {  	[tilespmem:s18+$0x1B6B0] =	vst v23  }
0x2db: {  	[tilespmem:s18+$0x1B6C0] =	vst v22  }
0x2dc: {  	v22 =	vld.idx.msk [tilespmem:v19+s10+$0x0], $0xffff;
	_ =	sdelay $0x1  }
0x2dd: {  	v23 =	vld [tilespmem:s18+$0x1B6E0];
	_ =	sdelay $0x1  }
0x2de: {  	v59 =	vld [tilespmem:s18+$0x1B6F0]  }
0x2df: {  	v61 =	vld [tilespmem:s18+$0x1B700];
	v60 =	vperm.xlane v22, v6  }
0x2e0: {  	v62 =	vld [tilespmem:s18+$0x1B710]  }
0x2e1: {  	v63 =	vld [tilespmem:s18+$0x1B720];
	v23 =	vmul.f32 v23, v60  }
0x2e2: {  	v34 =	vld [tilespmem:s18+$0x1B730];
	v33 =	vperm.xlane v22, v3  }
0x2e3: {  	v24 =	vmul.f32 v59, v60;
	[tilespmem:s18+$0x1B6E0] =	vst v23;
	v23 =	vld [tilespmem:s18+$0x1B740]  }
0x2e4: {  	v37 =	vld [tilespmem:s18+$0x1B750];
	v36 =	vperm.xlane v22, v4;
	[tilespmem:s18+$0x1B760] =	vst v22;
	v35 =	vmul.f32 v61, v33  }
0x2e5: {  	v25 =	vmul.f32 v62, v33;
	[tilespmem:s18+$0x1B6F0] =	vst v24  }
0x2e6: {  	v22 =	vperm.xlane v22, v2;
	v38 =	vmul.f32 v63, v36;
	[tilespmem:s18+$0x1B700] =	vst v35  }
0x2e7: {  	v39 =	vmul.f32 v34, v36;
	[tilespmem:s18+$0x1B710] =	vst v25  }
0x2e8: {  	[tilespmem:s18+$0x1B720] =	vst v38;
	v23 =	vmul.f32 v23, v22  }
0x2e9: {  	[tilespmem:s18+$0x1B730] =	vst v39;
	v22 =	vmul.f32 v37, v22  }
0x2ea: {  	[tilespmem:s18+$0x1B740] =	vst v23  }
0x2eb: {  	[tilespmem:s18+$0x1B750] =	vst v22  }
0x2ec: {  	v22 =	vld.idx.msk [tilespmem:v20+s10+$0x0], $0xffff;
	_ =	sdelay $0x1  }
0x2ed: {  	v23 =	vld [tilespmem:s18+$0x1B770];
	_ =	sdelay $0x1  }
0x2ee: {  	v40 =	vld [tilespmem:s18+$0x1B780]  }
0x2ef: {  	v42 =	vld [tilespmem:s18+$0x1B790];
	v41 =	vperm.xlane v22, v6  }
0x2f0: {  	v43 =	vld [tilespmem:s18+$0x1B7A0]  }
0x2f1: {  	v44 =	vld [tilespmem:s18+$0x1B7B0];
	v23 =	vmul.f32 v23, v41  }
0x2f2: {  	v46 =	vld [tilespmem:s18+$0x1B7C0];
	v45 =	vperm.xlane v22, v3  }
0x2f3: {  	v24 =	vmul.f32 v40, v41;
	[tilespmem:s18+$0x1B770] =	vst v23;
	v23 =	vld [tilespmem:s18+$0x1B7D0]  }
0x2f4: {  	v49 =	vld [tilespmem:s18+$0x1B7E0];
	v48 =	vperm.xlane v22, v4;
	[tilespmem:s18+$0x1B7F0] =	vst v22;
	v47 =	vmul.f32 v42, v45  }
0x2f5: {  	v25 =	vmul.f32 v43, v45;
	[tilespmem:s18+$0x1B780] =	vst v24  }
0x2f6: {  	v22 =	vperm.xlane v22, v2;
	v50 =	vmul.f32 v44, v48;
	[tilespmem:s18+$0x1B790] =	vst v47  }
0x2f7: {  	v51 =	vmul.f32 v46, v48;
	[tilespmem:s18+$0x1B7A0] =	vst v25  }
0x2f8: {  	[tilespmem:s18+$0x1B7B0] =	vst v50;
	v23 =	vmul.f32 v23, v22  }
0x2f9: {  	[tilespmem:s18+$0x1B7C0] =	vst v51;
	v22 =	vmul.f32 v49, v22  }
0x2fa: {  	[tilespmem:s18+$0x1B7D0] =	vst v23  }
0x2fb: {  	[tilespmem:s18+$0x1B7E0] =	vst v22  }
0x2fc: {  	v22 =	vld.idx.msk [tilespmem:v21+s10+$0x0], $0xffff;
	_ =	sdelay $0x1  }
0x2fd: {  	v23 =	vld [tilespmem:s18+$0x1B800]  }
0x2fe: {  	v52 =	vld [tilespmem:s18+$0x1B810]  }
0x2ff: {  	v57 =	vld [tilespmem:s18+$0x1B840]  }
0x300: {  	v53 =	vld [tilespmem:s18+$0x1B820];
	v54 =	vperm.xlane v22, v6  }
0x301: {  	v59 =	vld [tilespmem:s18+$0x1B860]  }
0x302: {  	v55 =	vld [tilespmem:s18+$0x1B830];
	v60 =	vperm.xlane v22, v4;
	v23 =	vmul.f32 v23, v54  }
0x303: {  	v61 =	vld [tilespmem:s18+$0x1B870];
	v56 =	vperm.xlane v22, v3;
	[tilespmem:s18+$0x1B880] =	vst v22;
	v24 =	vmul.f32 v52, v54  }
0x304: {  	v58 =	vld [tilespmem:s18+$0x1B850];
	v22 =	vperm.xlane v22, v2;
	v62 =	vmul.f32 v57, v60;
	[tilespmem:s18+$0x1B800] =	vst v23  }
0x305: {  	v23 =	vmul.f32 v53, v56;
	[tilespmem:s18+$0x1B810] =	vst v24  }
0x306: {  	p0 =	sne.s32 s17, $0x7;
	v63 =	vmul.f32 v59, v22;
	[tilespmem:s18+$0x1B840] =	vst v62  }
.Ltmp8:
0x307: {  	[tilespmem:s18+$0x1B820] =	vst v23;
	v23 =	vmul.f32 v55, v56;
	(pc) =	sbr.rel @p0 .LBB2_8-.Ltmp8, $4  }
0x308: {  	v22 =	vmul.f32 v61, v22;
	[tilespmem:s18+$0x1B860] =	vst v63  }
0x309: {  	[tilespmem:s18+$0x1B830] =	vst v23;
	v23 =	vmul.f32 v58, v60  }
0x30a: {  	[tilespmem:s18+$0x1B870] =	vst v22  }
0x30b: {  	s17 =	sadd.s32 $0x1, s17;
	[tilespmem:s18+$0x1B850] =	vst v23  }
.Ltmp9:
0x30c: {  	(pc) =	sbr.rel .LBB2_10-.Ltmp9, $4  }
0x30d: {  	[spmem:s2] =	stream.indirect.scatter.add.f32 [tilespmem:s14], [sflag:$0x5], $0x90, s15, s4, $0xb8;
	[tilespmem:$0x1F9D0] =	vst v63  }
0x30e: {  	_ =	swait.ge [sflag:s30], $0x4800  }
0x30f: {  	[sflag:s30] =	ssyncset.done $0x0  }
0x310: {  	[sflag:s30] =	ssyncadd.s32 $0xFFFFB800  }
.LBB2_12:
0x311: {  	_ =	sfence.sel $0x180000  }
0x312: {  	[bflag:$0x0] =	sbarrier.arrive $0xFFFF  }
0x313: {  	_ =	strace $0x90000047  }
0x314: {  	s0 =	stileid.u32;
	[bflag:$0x2] =	sbarrier.arrive $0xFFFF  }
0x315: {  	p0 =	sne.s32 s0, $0x0;
	s0 =	rddreg [dreg:$0x3]  }
0x316: {  	s0 =	sadd.s32 @!p0 $0x100000, s0  }
0x317: {  	[sflag:s0] =	ssyncadd.tile.s32 @!p0 $0x1;
	_ =	shalt  }
.Lfunc_end2:
_tile_overlayer_lowered:
.L_overlay_start_2:
0x318: {  	(tag) =	ssettag $0x2  }
0x319: {  	s0 =	rddreg [dreg:$0x0];
	s2 =	stileid.u32  }
0x31a: {  	s1 =	rddreg [dreg:$0x1];
	p0 =	sne.s32 s2, $0x0  }
0x31b: {  	s3 =	rddreg [dreg:$0x2];
	[bflag:$0x3] =	sbarrier.arrive $0xFFFF;
	s2 =	simm.s32 @!p0 $0x1C05  }
0x31c: {  	[timem:s3], [sflag:s2] =	dma.local @!p0 [hbm:s0], s1  }
0x31d: {  	s0 =	simm.s32 @!p0 $0x5  }
0x31e: {  	_ =	swait.ge @!p0 [sflag:s0], s1  }
0x31f: {  	s1 =	ssub.s32 @!p0 $0x0, s1;
	[sflag:s0] =	ssyncset.done @!p0 $0x0  }
0x320: {  	[sflag:s0] =	ssyncadd.s32 @!p0 s1  }
0x321: {  	[bflag:$0x3] =	sbarrier.arrive $0xFFFF  }
0x322: {  	_ =	shalt  }

</sc_bundles>
